<compile_context>
chip_gen: v7x
topology: tpu7x:2x2x1
jax: 0.10.2.dev20260603
libtpu: 0.0.44.dev20260713+nightly
codegen_flags: <defaults>
</compile_context>

<pallas_src>
import functools

import jax
import jax.numpy as jnp
from jax import lax
from jax.experimental import pallas as pl
from jax.experimental.pallas import tpu as pltpu
from jax.experimental.pallas import tpu_sc as plsc

F = 32
NB = 16
NIT = 2
NRES = 3
CUTOFF = 6.0

NC = 2
NS = 16
NW = NC * NS
C = 128

_SC_MESH = dict(core_axis_name="c", subcore_axis_name="s",
                num_cores=NC, num_subcores=NS)
_SC_PARAMS = pltpu.CompilerParams(use_tc_tiling_on_sc=False)


def _vgather(x, idx):
    return lax.gather(
        x, idx[:, None],
        lax.GatherDimensionNumbers(offset_dims=(), collapsed_slice_dims=(0,),
                                   start_index_map=(0,)),
        (1,), mode=lax.GatherScatterMode.PROMISE_IN_BOUNDS)


def _geom_body(n_chunks, pos_hbm, srcr_hbm, dstr_hbm, rsq_hbm,
               src_v, dst_v, psa, pda, psb, pdb, rsa, rsb,
               sa1, sa2, sb1, sb2):
    cid = lax.axis_index("c")
    sid = lax.axis_index("s")
    wid = cid * NS + sid
    pltpu.sync_copy(srcr_hbm.at[wid], src_v)
    pltpu.sync_copy(dstr_hbm.at[wid], dst_v)
    lanes = lax.iota(jnp.int32, 16)
    ix = jnp.zeros((16,), jnp.int32)
    iy = jnp.full((16,), 1, jnp.int32)
    iz = jnp.full((16,), 2, jnp.int32)

    def fire(j, ps, pd, s1, s2):
        pltpu.async_copy(pos_hbm.at[src_v.at[j]], ps, s1)
        pltpu.async_copy(pos_hbm.at[dst_v.at[j]], pd, s2)

    def wait_pair(ps, pd, s1, s2):
        pltpu.make_async_copy(pos_hbm.at[pl.ds(0, C)], ps, s1).wait()
        pltpu.make_async_copy(pos_hbm.at[pl.ds(0, C)], pd, s2).wait()

    def compute(ps, pd, rs):
        @pl.loop(0, C // 16)
        def _grp(gq):
            acc = jnp.zeros((16,), jnp.float32)
            for sub in range(16):
                r = gq * 16 + sub
                dv = ps[r, :] - pd[r, :]
                d2 = dv * dv
                v = _vgather(d2, ix) + _vgather(d2, iy) + _vgather(d2, iz)
                acc = jnp.where(lanes == sub, v, acc)
            rs[pl.ds(gq * 16, 16)] = acc

    fire(0, psa, pda, sa1, sa2)
    fire(1, psb, pdb, sb1, sb2)

    @pl.loop(0, n_chunks // 2)
    def _pair(p):
        j0 = 2 * p
        wait_pair(psa, pda, sa1, sa2)
        compute(psa, pda, rsa)

        @pl.when(p < n_chunks // 2 - 1)
        def _pfa():
            fire(j0 + 2, psa, pda, sa1, sa2)

        pltpu.sync_copy(rsa, rsq_hbm.at[wid * n_chunks + j0])

        wait_pair(psb, pdb, sb1, sb2)
        compute(psb, pdb, rsb)

        @pl.when(p < n_chunks // 2 - 1)
        def _pfb():
            fire(j0 + 3, psb, pdb, sb1, sb2)

        pltpu.sync_copy(rsb, rsq_hbm.at[wid * n_chunks + j0 + 1])


def _make_geom(n_pad, n_chunks):
    return functools.partial(
        pl.kernel,
        out_type=jax.ShapeDtypeStruct((NW * n_chunks, C), jnp.float32),
        mesh=plsc.VectorSubcoreMesh(**_SC_MESH),
        compiler_params=_SC_PARAMS,
        scratch_types=[
            pltpu.VMEM((n_chunks, C), jnp.int32),
            pltpu.VMEM((n_chunks, C), jnp.int32),
            pltpu.VMEM((C, 16), jnp.float32),
            pltpu.VMEM((C, 16), jnp.float32),
            pltpu.VMEM((C, 16), jnp.float32),
            pltpu.VMEM((C, 16), jnp.float32),
            pltpu.VMEM((C,), jnp.float32),
            pltpu.VMEM((C,), jnp.float32),
            pltpu.SemaphoreType.DMA,
            pltpu.SemaphoreType.DMA,
            pltpu.SemaphoreType.DMA,
            pltpu.SemaphoreType.DMA,
        ],
    )(functools.partial(_geom_body, n_chunks))


def _msg_body(n_real, n_chunks, rpt, zr, ob_n, ob_c,
              x_hbm, g_hbm, srcr_hbm, dstr_hbm, agg_hbm,
              acc, si_s, di_s, xv0, xv1, gv0, gv1, mv0, mv1,
              sx0, sx1, sg0, sg1, ss0, ss1):
    cid = lax.axis_index("c")
    sid = lax.axis_index("s")
    wid = cid * NS + sid
    zero16 = jnp.zeros((16,), jnp.float32)

    @pl.loop(0, C)
    def _zrow(r):
        mv0[r, pl.ds(0, 16)] = zero16
        mv0[r, pl.ds(16, 16)] = zero16

    @pl.loop(0, rpt // zr)
    def _zacc(k):
        pltpu.sync_copy(mv0.at[pl.ds(0, zr)],
                        acc.at[pl.ds(sid * rpt + k * zr, zr)])

    plsc.subcore_barrier()

    def mult(xv, gv, mv):
        @pl.loop(0, C)
        def _mul(r):
            mv[r, pl.ds(0, 16)] = xv[r, pl.ds(0, 16)] * gv[r, pl.ds(0, 16)]
            mv[r, pl.ds(16, 16)] = xv[r, pl.ds(16, 16)] * gv[r, pl.ds(16, 16)]

    def drain_scatter(sem, mv):
        pltpu.make_async_copy(x_hbm.at[pl.ds(0, C)], mv, sem).wait()

    @pl.loop(0, ob_n)
    def _ob(ob):
        base = wid * n_chunks + ob * ob_c

        @pl.when(ob > 0)
        def _drain_prev():
            drain_scatter(ss0, mv0)
            drain_scatter(ss1, mv1)

        pltpu.sync_copy(srcr_hbm.at[(wid * ob_n + ob)], si_s)
        pltpu.sync_copy(dstr_hbm.at[(wid * ob_n + ob)], di_s)

        def fire(j, xv, gv, sx, sg):
            pltpu.async_copy(x_hbm.at[si_s.at[j]], xv, sx)
            pltpu.async_copy(g_hbm.at[base + j], gv, sg)

        def wait_loads(xv, gv, sx, sg):
            pltpu.make_async_copy(x_hbm.at[pl.ds(0, C)], xv, sx).wait()
            pltpu.make_async_copy(g_hbm.at[0], gv, sg).wait()

        fire(0, xv0, gv0, sx0, sg0)
        fire(1, xv1, gv1, sx1, sg1)

        @pl.loop(0, ob_c // 2)
        def _pair(p):
            j0 = 2 * p
            wait_loads(xv0, gv0, sx0, sg0)
            mult(xv0, gv0, mv0)

            @pl.when(p < ob_c // 2 - 1)
            def _pf0():
                fire(j0 + 2, xv0, gv0, sx0, sg0)

            @pl.when(p > 0)
            def _dr0():
                drain_scatter(ss0, mv0)

            pltpu.async_copy(mv0, acc.at[di_s.at[j0]], ss0, add=True)

            wait_loads(xv1, gv1, sx1, sg1)
            mult(xv1, gv1, mv1)

            @pl.when(p < ob_c // 2 - 1)
            def _pf1():
                fire(j0 + 3, xv1, gv1, sx1, sg1)

            @pl.when(p > 0)
            def _dr1():
                drain_scatter(ss1, mv1)

            pltpu.async_copy(mv1, acc.at[di_s.at[j0 + 1]], ss1, add=True)

    drain_scatter(ss0, mv0)
    drain_scatter(ss1, mv1)
    plsc.subcore_barrier()
    pltpu.sync_copy(acc.at[pl.ds(sid * rpt, rpt)],
                    agg_hbm.at[pl.ds(cid * n_real + sid * rpt, rpt)])


def _make_msg(n_real, n_chunks):
    rpt = n_real // NS
    zr = 125
    ob_c = 14
    ob_n = n_chunks // ob_c
    return functools.partial(
        pl.kernel,
        out_type=jax.ShapeDtypeStruct((NC * n_real, F), jnp.float32),
        mesh=plsc.VectorSubcoreMesh(**_SC_MESH),
        compiler_params=_SC_PARAMS,
        scratch_types=[
            pltpu.VMEM_SHARED((n_real, F), jnp.float32),
            pltpu.VMEM((ob_c, C), jnp.int32),
            pltpu.VMEM((ob_c, C), jnp.int32),
            pltpu.VMEM((C, F), jnp.float32),
            pltpu.VMEM((C, F), jnp.float32),
            pltpu.VMEM((C, F), jnp.float32),
            pltpu.VMEM((C, F), jnp.float32),
            pltpu.VMEM((C, F), jnp.float32),
            pltpu.VMEM((C, F), jnp.float32),
            pltpu.SemaphoreType.DMA,
            pltpu.SemaphoreType.DMA,
            pltpu.SemaphoreType.DMA,
            pltpu.SemaphoreType.DMA,
            pltpu.SemaphoreType.DMA,
            pltpu.SemaphoreType.DMA,
        ],
    )(functools.partial(_msg_body, n_real, n_chunks, rpt, zr, ob_n, ob_c))


def _embed_body(n_real, rb, z_ref, emb_ref, out_ref):
    i = pl.program_id(0)
    z = z_ref[...]
    oh = (z == lax.broadcasted_iota(jnp.int32, (rb, 128), 1)).astype(jnp.float32)
    x0 = jnp.dot(oh, emb_ref[...], preferred_element_type=jnp.float32)
    rows = i * rb + lax.broadcasted_iota(jnp.int32, (rb, 1), 0)
    out_ref[...] = jnp.where(rows < n_real, x0, 0.0)


def _g_body(e_real, gr, rsq_ref, wrad_ref, g0_ref, g1_ref, rbf_scr):
    i = pl.program_id(0)
    rsq = rsq_ref[...]
    r = jnp.sqrt(rsq + 1e-12)
    u = 2.0 * jnp.exp(-r) - 1.0
    x2 = (r / CUTOFF) ** 2
    cut = jnp.where(x2 < 1.0,
                    jnp.exp(1.0 - 1.0 / jnp.maximum(1.0 - x2, 1e-9)), 0.0)
    eid = (i * gr * 128
           + lax.broadcasted_iota(jnp.int32, (gr, 128), 0) * 128
           + lax.broadcasted_iota(jnp.int32, (gr, 128), 1))
    cut = jnp.where(eid < e_real, cut, 0.0)
    t_prev = cut
    t_cur = u * cut
    rbf_scr[0] = t_prev
    rbf_scr[1] = t_cur
    for k in range(2, NB):
        t_prev, t_cur = t_cur, 2.0 * u * t_cur - t_prev
        rbf_scr[k] = t_cur
    rbf_t = rbf_scr[...].reshape(NB, gr * 128)
    w = wrad_ref[...]
    g = lax.dot_general(rbf_t, w, (((0,), (0,)), ((), ())),
                        preferred_element_type=jnp.float32)
    g0_ref[...] = g[:, :F].reshape(gr, 128, F)
    g1_ref[...] = g[:, F:].reshape(gr, 128, F)


def _upd_body(n_real, rb, x_ref, agg_ref, w_ref, out_ref):
    i = pl.program_id(0)
    x = x_ref[...]
    rows = i * rb + lax.broadcasted_iota(jnp.int32, (rb, 1), 0)
    a = jnp.where(rows < n_real, agg_ref[0] + agg_ref[1], 0.0)
    w = w_ref[...]
    wm, w1, w2 = w[:F], w[F:2 * F], w[2 * F:]
    y = x + jnp.dot(a, wm, preferred_element_type=jnp.float32)
    for _ in range(NRES):
        h = jax.nn.relu(jnp.dot(y, w1, preferred_element_type=jnp.float32))
        y = y + jnp.dot(h, w2, preferred_element_type=jnp.float32)
    out_ref[...] = y


def _readout_body(nseg, rb, x_ref, am_ref, seg_ref, wout_ref, bm_ref, out_ref):
    i = pl.program_id(0)
    e = jnp.dot(x_ref[...], wout_ref[...],
                preferred_element_type=jnp.float32) * am_ref[...]
    oh = (seg_ref[...] == lax.broadcasted_iota(jnp.int32, (rb, nseg), 1)
          ).astype(jnp.float32)
    part = lax.dot_general(e, oh, (((0,), (0,)), ((), ())),
                           preferred_element_type=jnp.float32)

    @pl.when(i == 0)
    def _init():
        out_ref[...] = jnp.zeros_like(out_ref)

    out_ref[...] += part

    @pl.when(i == pl.num_programs(0) - 1)
    def _mask():
        out_ref[...] *= bm_ref[...]


def kernel(atomic_numbers, positions, dst_idx, src_idx, batch_segments,
           batch_size, batch_mask, atom_mask, embed, W_rad, W_msg, Wr1, Wr2,
           W_out):
    n = positions.shape[0]
    e = dst_idx.shape[0]
    nseg = batch_mask.shape[0]
    zmax = embed.shape[0]

    rb = 1024
    n_pad = -(-n // rb) * rb
    n_chunks = -(-e // (NW * C))
    e_pad = NW * n_chunks * C

    pos16 = jnp.pad(positions, ((0, n_pad - n), (0, 13)))
    srcr = jnp.pad(src_idx, (0, e_pad - e)).reshape(NW, n_chunks, C)
    dstr = jnp.pad(dst_idx, (0, e_pad - e)).reshape(NW, n_chunks, C)
    z_col = jnp.pad(atomic_numbers, (0, n_pad - n)).reshape(n_pad, 1)
    emb_pad = jnp.pad(embed, ((0, 128 - zmax), (0, 0)))
    am_col = jnp.pad(atom_mask, (0, n_pad - n)).reshape(n_pad, 1)
    seg_col = jnp.pad(batch_segments, (0, n_pad - n)).reshape(n_pad, 1)
    wrad2 = jnp.concatenate([W_rad[0], W_rad[1]], axis=1)
    bm_row = batch_mask.reshape(1, nseg)

    rsq = _make_geom(n_pad, n_chunks)(pos16, srcr, dstr)

    gr = 32
    n_eblk = NW * n_chunks // gr
    g0, g1 = pl.pallas_call(
        functools.partial(_g_body, e, gr),
        grid=(n_eblk,),
        in_specs=[
            pl.BlockSpec((gr, C), lambda i: (i, 0)),
            pl.BlockSpec((NB, NIT * F), lambda i: (0, 0)),
        ],
        out_specs=[
            pl.BlockSpec((gr, C, F), lambda i: (i, 0, 0)),
            pl.BlockSpec((gr, C, F), lambda i: (i, 0, 0)),
        ],
        out_shape=[
            jax.ShapeDtypeStruct((NW * n_chunks, C, F), jnp.float32),
            jax.ShapeDtypeStruct((NW * n_chunks, C, F), jnp.float32),
        ],
        scratch_shapes=[pltpu.VMEM((NB, gr, C), jnp.float32)],
    )(rsq, wrad2)

    n_rblk = n_pad // rb
    x = pl.pallas_call(
        functools.partial(_embed_body, n, rb),
        grid=(n_rblk,),
        in_specs=[
            pl.BlockSpec((rb, 1), lambda i: (i, 0)),
            pl.BlockSpec((128, F), lambda i: (0, 0)),
        ],
        out_specs=pl.BlockSpec((rb, F), lambda i: (i, 0)),
        out_shape=jax.ShapeDtypeStruct((n_pad, F), jnp.float32),
    )(z_col, emb_pad)

    msg_call = _make_msg(n, n_chunks)
    ob_c = 14
    srcr3 = srcr.reshape(NW * (n_chunks // ob_c), ob_c, C)
    dstr3 = dstr.reshape(NW * (n_chunks // ob_c), ob_c, C)
    for i in range(NIT):
        g = (g0, g1)[i]
        agg = msg_call(x, g, srcr3, dstr3).reshape(NC, n, F)
        w_pack = jnp.concatenate([W_msg[i], Wr1[i], Wr2[i]], axis=0)
        x = pl.pallas_call(
            functools.partial(_upd_body, n, rb),
            grid=(n_rblk,),
            in_specs=[
                pl.BlockSpec((rb, F), lambda i: (i, 0)),
                pl.BlockSpec((NC, rb, F), lambda i: (0, i, 0)),
                pl.BlockSpec((3 * F, F), lambda i: (0, 0)),
            ],
            out_specs=pl.BlockSpec((rb, F), lambda i: (i, 0)),
            out_shape=jax.ShapeDtypeStruct((n_pad, F), jnp.float32),
        )(x, agg, w_pack)

    energy = pl.pallas_call(
        functools.partial(_readout_body, nseg, rb),
        grid=(n_rblk,),
        in_specs=[
            pl.BlockSpec((rb, F), lambda i: (i, 0)),
            pl.BlockSpec((rb, 1), lambda i: (i, 0)),
            pl.BlockSpec((rb, 1), lambda i: (i, 0)),
            pl.BlockSpec((F, 1), lambda i: (0, 0)),
            pl.BlockSpec((1, nseg), lambda i: (0, 0)),
        ],
        out_specs=pl.BlockSpec((1, nseg), lambda i: (0, 0)),
        out_shape=jax.ShapeDtypeStruct((1, nseg), jnp.float32),
    )(x, am_col, seg_col, W_out, bm_row)

    return energy[0]

# --- scband reference (transcript-rebuilt; emitter-appended) ---
"""Pipeline reference for scband-ef-42511586295882 (READ-ONLY COPY).

The authoritative reference and input builder live on the scoring server;
editing this copy changes nothing except your own understanding.
"""

import jax, jax.numpy as jnp
import numpy as np

N = 50000
E = 800000
F = 32
NB = 16
NIT = 2
NRES = 3
B = 800
CUTOFF = 6.0
ZMAX = 119

def setup_inputs(seed: int = 0):
    key = jax.random.key(seed)
    ks = jax.random.split(key, 12)
    atomic_numbers = jax.random.randint(ks[0], (N,), 0, ZMAX)
    positions = jax.random.normal(ks[1], (N, 3), dtype=jnp.float32)
    dst_idx = jax.random.randint(ks[2], (E,), 0, N)
    src_idx = jax.random.randint(ks[3], (E,), 0, N)
    batch_segments = jnp.sort(jax.random.randint(ks[4], (N,), 0, B))
    batch_mask = jnp.ones((B,), dtype=jnp.float32)
    atom_mask = jnp.ones((N,), dtype=jnp.float32)
    embed = jax.random.normal(ks[5], (ZMAX, F), dtype=jnp.float32) * 0.1
    W_rad = jax.random.normal(ks[6], (NIT, NB, F), dtype=jnp.float32) * 0.1
    W_msg = jax.random.normal(ks[7], (NIT, F, F), dtype=jnp.float32) * 0.1
    Wr1 = jax.random.normal(ks[8], (NIT, F, F), dtype=jnp.float32) * 0.1
    Wr2 = jax.random.normal(ks[9], (NIT, F, F), dtype=jnp.float32) * 0.1
    W_out = jax.random.normal(ks[10], (F, 1), dtype=jnp.float32) * 0.1
    return {"atomic_numbers": atomic_numbers, "positions": positions, "dst_idx": dst_idx, "src_idx": src_idx, "batch_segments": batch_segments, "batch_size": B, "batch_mask": batch_mask, "atom_mask": atom_mask, "embed": embed, "W_rad": W_rad, "W_msg": W_msg, "Wr1": Wr1, "Wr2": Wr2, "W_out": W_out}

def _radial_basis(r):
    # exponential-chebyshev radial basis with smooth cutoff (e3x-style)
    u = 2.0 * jnp.exp(-r) - 1.0
    T = [jnp.ones_like(u), u]
    for k in range(2, NB):
        T.append(2.0 * u * T[-1] - T[-2])
    rbf = jnp.stack(T[:NB], axis=-1)
    x2 = (r / CUTOFF) ** 2
    cut = jnp.where(x2 < 1.0, jnp.exp(1.0 - 1.0 / jnp.maximum(1.0 - x2, 1e-9)), 0.0)
    return rbf * cut[:, None]

def reference(atomic_numbers, positions, dst_idx, src_idx, batch_segments, batch_size, batch_mask, atom_mask, embed, W_rad, W_msg, Wr1, Wr2, W_out):
    # geometric features: gather src/dst positions, pairwise displacements
    disp = positions[src_idx] - positions[dst_idx]
    r = jnp.sqrt(jnp.sum(disp * disp, axis=-1) + 1e-12)
    rbf = _radial_basis(r)
    # atomic embedding lookup
    x = embed[atomic_numbers]
    # message passing iterations: edge gather -> radial gating -> scatter-add to dst
    for i in range(NIT):
        g = rbf @ W_rad[i]
        m = g * x[src_idx]
        agg = jax.ops.segment_sum(m, dst_idx, num_segments=N)
        x = x + agg @ W_msg[i]
        for _ in range(NRES):
            x = x + jax.nn.relu(x @ Wr1[i]) @ Wr2[i]
    # atomic energy readout and per-molecule segment reduction
    e_atom = (x @ W_out)[:, 0] * atom_mask
    num_segments = batch_mask.shape[0]
    energy = jax.ops.segment_sum(e_atom, batch_segments, num_segments=num_segments) * batch_mask
    energy = energy + jnp.zeros_like(energy) * batch_size
    return energy

if __name__ == "__main__":
    import jax
    _d = setup_inputs()
    print(jax.jit(kernel)(*tuple(_d.values())))

</pallas_src>

<mosaic_0001>
#map = affine_map<(d0, d1) -> (0, 0)>
#map1 = affine_map<(d0, d1) -> (0, 0, 0)>
module attributes {stable_mosaic.version = 14 : i64} {
  func.func @_geom_body(%arg0: i32, %arg1: i32, %arg2: memref<50176x16xf32, #tpu.memory_space<hbm>>, %arg3: memref<32x196x128xi32, #tpu.memory_space<hbm>>, %arg4: memref<32x196x128xi32, #tpu.memory_space<hbm>>, %arg5: memref<6272x128xf32, #tpu.memory_space<hbm>>, %arg6: memref<196x128xi32, #tpu.memory_space<vmem>>, %arg7: memref<196x128xi32, #tpu.memory_space<vmem>>, %arg8: memref<128x16xf32, #tpu.memory_space<vmem>>, %arg9: memref<128x16xf32, #tpu.memory_space<vmem>>, %arg10: memref<128x16xf32, #tpu.memory_space<vmem>>, %arg11: memref<128x16xf32, #tpu.memory_space<vmem>>, %arg12: memref<128xf32, #tpu.memory_space<vmem>>, %arg13: memref<128xf32, #tpu.memory_space<vmem>>, %arg14: memref<!tpu.dma_semaphore, #tpu.memory_space<semaphore_mem>>, %arg15: memref<!tpu.dma_semaphore, #tpu.memory_space<semaphore_mem>>, %arg16: memref<!tpu.dma_semaphore, #tpu.memory_space<semaphore_mem>>, %arg17: memref<!tpu.dma_semaphore, #tpu.memory_space<semaphore_mem>>) attributes {dimension_semantics = [#tpu.dimension_semantics<core_parallel>, #tpu.dimension_semantics<subcore_parallel>], iteration_bounds = array<i64: 2, 16>, scalar_prefetch = 0 : i64, scratch_operands = 12 : i64, tpu.core_type = #tpu.core_type<sc_vector_subcore>, window_params = [{transform_indices = #map}, {transform_indices = #map1}, {transform_indices = #map1}, {transform_indices = #map}]} {
    %mul3A = arith.constant 16 : i32
    %mul3A_0 = arith.muli %arg0, %mul3A : i32
    %add3A = arith.addi %mul3A_0, %arg1 : i32
    "tpu.region"() ({
      %run_scoped3A = tpu.sem_alloc : memref<!tpu.dma_semaphore, #tpu.memory_space<semaphore_mem>>
      %dma_start3A_37 = arith.constant 0 : i32
      %dma_start3A_38 = arith.constant 0 : i32
      %dma_start3A_39 = tpu.memref_slice %arg3[%add3A, %dma_start3A_37, %dma_start3A_38] : memref<32x196x128xi32, #tpu.memory_space<hbm>> -> memref<1x196x128xi32, #tpu.memory_space<hbm>>
      %dma_start3A_40 = tpu.memref_squeeze %dma_start3A_39 : memref<1x196x128xi32, #tpu.memory_space<hbm>> -> memref<196x128xi32, #tpu.memory_space<hbm>>
      %dma_start3A_41 = arith.constant 0 : i32
      %dma_start3A_42 = arith.constant 0 : i32
      %dma_start3A_43 = tpu.memref_slice %arg3[%add3A, %dma_start3A_41, %dma_start3A_42] : memref<32x196x128xi32, #tpu.memory_space<hbm>> -> memref<1x196x128xi32, #tpu.memory_space<hbm>>
      %dma_start3A_44 = tpu.memref_squeeze %dma_start3A_43 : memref<1x196x128xi32, #tpu.memory_space<hbm>> -> memref<196x128xi32, #tpu.memory_space<hbm>>
      tpu.enqueue_dma source(%dma_start3A_44 : memref<196x128xi32, #tpu.memory_space<hbm>>) target(%arg6 : memref<196x128xi32, #tpu.memory_space<vmem>>) target_semaphore(%run_scoped3A : memref<!tpu.dma_semaphore, #tpu.memory_space<semaphore_mem>>)
      %dma_wait3A = arith.constant 0 : i32
      %dma_wait3A_45 = arith.constant 0 : i32
      %dma_wait3A_46 = tpu.memref_slice %arg3[%add3A, %dma_wait3A, %dma_wait3A_45] : memref<32x196x128xi32, #tpu.memory_space<hbm>> -> memref<1x196x128xi32, #tpu.memory_space<hbm>>
      %dma_wait3A_47 = tpu.memref_squeeze %dma_wait3A_46 : memref<1x196x128xi32, #tpu.memory_space<hbm>> -> memref<196x128xi32, #tpu.memory_space<hbm>>
      %dma_wait3A_48 = arith.constant 0 : i32
      %dma_wait3A_49 = arith.constant 0 : i32
      %dma_wait3A_50 = tpu.memref_slice %arg3[%add3A, %dma_wait3A_48, %dma_wait3A_49] : memref<32x196x128xi32, #tpu.memory_space<hbm>> -> memref<1x196x128xi32, #tpu.memory_space<hbm>>
      %dma_wait3A_51 = tpu.memref_squeeze %dma_wait3A_50 : memref<1x196x128xi32, #tpu.memory_space<hbm>> -> memref<196x128xi32, #tpu.memory_space<hbm>>
      tpu.wait_dma2 semaphore(%run_scoped3A : memref<!tpu.dma_semaphore, #tpu.memory_space<semaphore_mem>>) src(%dma_wait3A_51 : memref<196x128xi32, #tpu.memory_space<hbm>>) dst(%arg6 : memref<196x128xi32, #tpu.memory_space<vmem>>)
      tpu.yield
    }) : () -> ()
    "tpu.region"() ({
      %run_scoped3A = tpu.sem_alloc : memref<!tpu.dma_semaphore, #tpu.memory_space<semaphore_mem>>
      %dma_start3A_37 = arith.constant 0 : i32
      %dma_start3A_38 = arith.constant 0 : i32
      %dma_start3A_39 = tpu.memref_slice %arg4[%add3A, %dma_start3A_37, %dma_start3A_38] : memref<32x196x128xi32, #tpu.memory_space<hbm>> -> memref<1x196x128xi32, #tpu.memory_space<hbm>>
      %dma_start3A_40 = tpu.memref_squeeze %dma_start3A_39 : memref<1x196x128xi32, #tpu.memory_space<hbm>> -> memref<196x128xi32, #tpu.memory_space<hbm>>
      %dma_start3A_41 = arith.constant 0 : i32
      %dma_start3A_42 = arith.constant 0 : i32
      %dma_start3A_43 = tpu.memref_slice %arg4[%add3A, %dma_start3A_41, %dma_start3A_42] : memref<32x196x128xi32, #tpu.memory_space<hbm>> -> memref<1x196x128xi32, #tpu.memory_space<hbm>>
      %dma_start3A_44 = tpu.memref_squeeze %dma_start3A_43 : memref<1x196x128xi32, #tpu.memory_space<hbm>> -> memref<196x128xi32, #tpu.memory_space<hbm>>
      tpu.enqueue_dma source(%dma_start3A_44 : memref<196x128xi32, #tpu.memory_space<hbm>>) target(%arg7 : memref<196x128xi32, #tpu.memory_space<vmem>>) target_semaphore(%run_scoped3A : memref<!tpu.dma_semaphore, #tpu.memory_space<semaphore_mem>>)
      %dma_wait3A = arith.constant 0 : i32
      %dma_wait3A_45 = arith.constant 0 : i32
      %dma_wait3A_46 = tpu.memref_slice %arg4[%add3A, %dma_wait3A, %dma_wait3A_45] : memref<32x196x128xi32, #tpu.memory_space<hbm>> -> memref<1x196x128xi32, #tpu.memory_space<hbm>>
      %dma_wait3A_47 = tpu.memref_squeeze %dma_wait3A_46 : memref<1x196x128xi32, #tpu.memory_space<hbm>> -> memref<196x128xi32, #tpu.memory_space<hbm>>
      %dma_wait3A_48 = arith.constant 0 : i32
      %dma_wait3A_49 = arith.constant 0 : i32
      %dma_wait3A_50 = tpu.memref_slice %arg4[%add3A, %dma_wait3A_48, %dma_wait3A_49] : memref<32x196x128xi32, #tpu.memory_space<hbm>> -> memref<1x196x128xi32, #tpu.memory_space<hbm>>
      %dma_wait3A_51 = tpu.memref_squeeze %dma_wait3A_50 : memref<1x196x128xi32, #tpu.memory_space<hbm>> -> memref<196x128xi32, #tpu.memory_space<hbm>>
      tpu.wait_dma2 semaphore(%run_scoped3A : memref<!tpu.dma_semaphore, #tpu.memory_space<semaphore_mem>>) src(%dma_wait3A_51 : memref<196x128xi32, #tpu.memory_space<hbm>>) dst(%arg7 : memref<196x128xi32, #tpu.memory_space<vmem>>)
      tpu.yield
    }) : () -> ()
    %iota3A = tpu.iota {dimensions = array<i32: 0>} : vector<16xi32>
    %broadcast_in_dim3A = arith.constant 0 : i32
    %broadcast_in_dim3A_1 = vector.broadcast %broadcast_in_dim3A : i32 to vector<16xi32>
    %broadcast_in_dim3A_2 = arith.constant 1 : i32
    %broadcast_in_dim3A_3 = vector.broadcast %broadcast_in_dim3A_2 : i32 to vector<16xi32>
    %broadcast_in_dim3A_4 = arith.constant 2 : i32
    %broadcast_in_dim3A_5 = vector.broadcast %broadcast_in_dim3A_4 : i32 to vector<16xi32>
    %dma_start3A = arith.constant 0 : i32
    %dma_start3A_6 = arith.constant 0 : i32
    %dma_start3A_7 = tpu.memref_slice %arg6[%dma_start3A, %dma_start3A_6] : memref<196x128xi32, #tpu.memory_space<vmem>> -> memref<1x128xi32, #tpu.memory_space<vmem>>
    %dma_start3A_8 = tpu.memref_squeeze %dma_start3A_7 : memref<1x128xi32, #tpu.memory_space<vmem>> -> memref<128xi32, #tpu.memory_space<vmem>>
    %dma_start3A_9 = arith.constant 0 : i32
    %dma_start3A_10 = arith.constant 0 : i32
    %dma_start3A_11 = tpu.memref_slice %arg2[%dma_start3A_9, %dma_start3A_10] : memref<50176x16xf32, #tpu.memory_space<hbm>> -> memref<50176x16xf32, #tpu.memory_space<hbm>>
    tpu.enqueue_indirect_dma source(%dma_start3A_11 : memref<50176x16xf32, #tpu.memory_space<hbm>>) target(%arg8 : memref<128x16xf32, #tpu.memory_space<vmem>>) offsets(%dma_start3A_8 : memref<128xi32, #tpu.memory_space<vmem>>) semaphore(%arg14 : memref<!tpu.dma_semaphore, #tpu.memory_space<semaphore_mem>>)
    %dma_start3A_12 = arith.constant 0 : i32
    %dma_start3A_13 = arith.constant 0 : i32
    %dma_start3A_14 = tpu.memref_slice %arg7[%dma_start3A_12, %dma_start3A_13] : memref<196x128xi32, #tpu.memory_space<vmem>> -> memref<1x128xi32, #tpu.memory_space<vmem>>
    %dma_start3A_15 = tpu.memref_squeeze %dma_start3A_14 : memref<1x128xi32, #tpu.memory_space<vmem>> -> memref<128xi32, #tpu.memory_space<vmem>>
    %dma_start3A_16 = arith.constant 0 : i32
    %dma_start3A_17 = arith.constant 0 : i32
    %dma_start3A_18 = tpu.memref_slice %arg2[%dma_start3A_16, %dma_start3A_17] : memref<50176x16xf32, #tpu.memory_space<hbm>> -> memref<50176x16xf32, #tpu.memory_space<hbm>>
    tpu.enqueue_indirect_dma source(%dma_start3A_18 : memref<50176x16xf32, #tpu.memory_space<hbm>>) target(%arg9 : memref<128x16xf32, #tpu.memory_space<vmem>>) offsets(%dma_start3A_15 : memref<128xi32, #tpu.memory_space<vmem>>) semaphore(%arg15 : memref<!tpu.dma_semaphore, #tpu.memory_space<semaphore_mem>>)
    %dma_start3A_19 = arith.constant 1 : i32
    %dma_start3A_20 = arith.constant 0 : i32
    %dma_start3A_21 = tpu.memref_slice %arg6[%dma_start3A_19, %dma_start3A_20] : memref<196x128xi32, #tpu.memory_space<vmem>> -> memref<1x128xi32, #tpu.memory_space<vmem>>
    %dma_start3A_22 = tpu.memref_squeeze %dma_start3A_21 : memref<1x128xi32, #tpu.memory_space<vmem>> -> memref<128xi32, #tpu.memory_space<vmem>>
    %dma_start3A_23 = arith.constant 0 : i32
    %dma_start3A_24 = arith.constant 0 : i32
    %dma_start3A_25 = tpu.memref_slice %arg2[%dma_start3A_23, %dma_start3A_24] : memref<50176x16xf32, #tpu.memory_space<hbm>> -> memref<50176x16xf32, #tpu.memory_space<hbm>>
    tpu.enqueue_indirect_dma source(%dma_start3A_25 : memref<50176x16xf32, #tpu.memory_space<hbm>>) target(%arg10 : memref<128x16xf32, #tpu.memory_space<vmem>>) offsets(%dma_start3A_22 : memref<128xi32, #tpu.memory_space<vmem>>) semaphore(%arg16 : memref<!tpu.dma_semaphore, #tpu.memory_space<semaphore_mem>>)
    %dma_start3A_26 = arith.constant 1 : i32
    %dma_start3A_27 = arith.constant 0 : i32
    %dma_start3A_28 = tpu.memref_slice %arg7[%dma_start3A_26, %dma_start3A_27] : memref<196x128xi32, #tpu.memory_space<vmem>> -> memref<1x128xi32, #tpu.memory_space<vmem>>
    %dma_start3A_29 = tpu.memref_squeeze %dma_start3A_28 : memref<1x128xi32, #tpu.memory_space<vmem>> -> memref<128xi32, #tpu.memory_space<vmem>>
    %dma_start3A_30 = arith.constant 0 : i32
    %dma_start3A_31 = arith.constant 0 : i32
    %dma_start3A_32 = tpu.memref_slice %arg2[%dma_start3A_30, %dma_start3A_31] : memref<50176x16xf32, #tpu.memory_space<hbm>> -> memref<50176x16xf32, #tpu.memory_space<hbm>>
    tpu.enqueue_indirect_dma source(%dma_start3A_32 : memref<50176x16xf32, #tpu.memory_space<hbm>>) target(%arg11 : memref<128x16xf32, #tpu.memory_space<vmem>>) offsets(%dma_start3A_29 : memref<128xi32, #tpu.memory_space<vmem>>) semaphore(%arg17 : memref<!tpu.dma_semaphore, #tpu.memory_space<semaphore_mem>>)
    %scan3A = arith.constant 0 : i32
    %scan3A_33 = arith.constant 98 : i32
    %scan3A_34 = arith.addi %scan3A, %scan3A_33 : i32
    %scan3A_35 = arith.constant 1 : i32
    scf.for %scan3A_37 = %scan3A to %scan3A_34 step %scan3A_35  : i32 {
      %mul3A_38 = arith.constant 1 : i32
      %mul3A_39 = arith.muli %scan3A_37, %mul3A_38 : i32
      %add3A_40 = arith.constant 0 : i32
      %add3A_41 = arith.addi %add3A_40, %mul3A_39 : i32
      %mul3A_42 = arith.constant 2 : i32
      %mul3A_43 = arith.muli %mul3A_42, %add3A_41 : i32
      %dma_wait3A = arith.constant 0 : i32
      %dma_wait3A_44 = arith.constant 0 : i32
      %dma_wait3A_45 = tpu.memref_slice %arg2[%dma_wait3A, %dma_wait3A_44] : memref<50176x16xf32, #tpu.memory_space<hbm>> -> memref<128x16xf32, #tpu.memory_space<hbm>>
      %dma_wait3A_46 = arith.constant 0 : i32
      %dma_wait3A_47 = arith.constant 0 : i32
      %dma_wait3A_48 = tpu.memref_slice %arg2[%dma_wait3A_46, %dma_wait3A_47] : memref<50176x16xf32, #tpu.memory_space<hbm>> -> memref<128x16xf32, #tpu.memory_space<hbm>>
      tpu.wait_dma2 semaphore(%arg14 : memref<!tpu.dma_semaphore, #tpu.memory_space<semaphore_mem>>) src(%dma_wait3A_48 : memref<128x16xf32, #tpu.memory_space<hbm>>) dst(%arg8 : memref<128x16xf32, #tpu.memory_space<vmem>>)
      %dma_wait3A_49 = arith.constant 0 : i32
      %dma_wait3A_50 = arith.constant 0 : i32
      %dma_wait3A_51 = tpu.memref_slice %arg2[%dma_wait3A_49, %dma_wait3A_50] : memref<50176x16xf32, #tpu.memory_space<hbm>> -> memref<128x16xf32, #tpu.memory_space<hbm>>
      %dma_wait3A_52 = arith.constant 0 : i32
      %dma_wait3A_53 = arith.constant 0 : i32
      %dma_wait3A_54 = tpu.memref_slice %arg2[%dma_wait3A_52, %dma_wait3A_53] : memref<50176x16xf32, #tpu.memory_space<hbm>> -> memref<128x16xf32, #tpu.memory_space<hbm>>
      tpu.wait_dma2 semaphore(%arg15 : memref<!tpu.dma_semaphore, #tpu.memory_space<semaphore_mem>>) src(%dma_wait3A_54 : memref<128x16xf32, #tpu.memory_space<hbm>>) dst(%arg9 : memref<128x16xf32, #tpu.memory_space<vmem>>)
      %scan3A_55 = arith.constant 0 : i32
      %scan3A_56 = arith.constant 8 : i32
      %scan3A_57 = arith.addi %scan3A_55, %scan3A_56 : i32
      %scan3A_58 = arith.constant 1 : i32
      scf.for %scan3A_92 = %scan3A_55 to %scan3A_57 step %scan3A_58  : i32 {
        %mul3A_93 = arith.constant 1 : i32
        %mul3A_94 = arith.muli %scan3A_92, %mul3A_93 : i32
        %add3A_95 = arith.constant 0 : i32
        %add3A_96 = arith.addi %add3A_95, %mul3A_94 : i32
        %broadcast_in_dim3A_97 = arith.constant 0.000000e+00 : f32
        %broadcast_in_dim3A_98 = vector.broadcast %broadcast_in_dim3A_97 : f32 to vector<16xf32>
        %mul3A_99 = arith.constant 16 : i32
        %mul3A_100 = arith.muli %add3A_96, %mul3A_99 : i32
        %add3A_101 = arith.constant 0 : i32
        %add3A_102 = arith.addi %mul3A_100, %add3A_101 : i32
        %get3A = arith.index_cast %add3A_102 : i32 to index
        %get3A_103 = arith.constant 0 : index
        %get3A_104 = tpu.vector_load %arg8[%get3A, %get3A_103] {strides = array<i32>} : memref<128x16xf32, #tpu.memory_space<vmem>>, vector<1x16xf32>,
        %get3A_105 = vector.shape_cast %get3A_104 : vector<1x16xf32> to vector<16xf32>
        %get3A_106 = arith.index_cast %add3A_102 : i32 to index
        %get3A_107 = arith.constant 0 : index
        %get3A_108 = tpu.vector_load %arg9[%get3A_106, %get3A_107] {strides = array<i32>} : memref<128x16xf32, #tpu.memory_space<vmem>>, vector<1x16xf32>,
        %get3A_109 = vector.shape_cast %get3A_108 : vector<1x16xf32> to vector<16xf32>
        %sub3A = arith.subf %get3A_105, %get3A_109 : vector<16xf32>
        %mul3A_110 = arith.mulf %sub3A, %sub3A : vector<16xf32>
        %broadcast_in_dim3A_111 = vector.shape_cast %broadcast_in_dim3A_1 : vector<16xi32> to vector<16x1xi32>
        %gather3A = vector.shape_cast %broadcast_in_dim3A_111 : vector<16x1xi32> to vector<16xi32>
        %gather3A_112 = tpu.dynamic_gather %mul3A_110[%gather3A] in [0] : vector<16xf32>, vector<16xi32> -> vector<16xf32>
        %broadcast_in_dim3A_113 = vector.shape_cast %broadcast_in_dim3A_3 : vector<16xi32> to vector<16x1xi32>
        %gather3A_114 = vector.shape_cast %broadcast_in_dim3A_113 : vector<16x1xi32> to vector<16xi32>
        %gather3A_115 = tpu.dynamic_gather %mul3A_110[%gather3A_114] in [0] : vector<16xf32>, vector<16xi32> -> vector<16xf32>
        %add3A_116 = arith.addf %gather3A_112, %gather3A_115 : vector<16xf32>
        %broadcast_in_dim3A_117 = vector.shape_cast %broadcast_in_dim3A_5 : vector<16xi32> to vector<16x1xi32>
        %gather3A_118 = vector.shape_cast %broadcast_in_dim3A_117 : vector<16x1xi32> to vector<16xi32>
        %gather3A_119 = tpu.dynamic_gather %mul3A_110[%gather3A_118] in [0] : vector<16xf32>, vector<16xi32> -> vector<16xf32>
        %add3A_120 = arith.addf %add3A_116, %gather3A_119 : vector<16xf32>
        %eq3A = arith.constant 0 : i32
        %eq3A_121 = vector.broadcast %eq3A : i32 to vector<16xi32>
        %eq3A_122 = arith.cmpi eq, %iota3A, %eq3A_121 : vector<16xi32>
        %select_n3A = arith.select %eq3A_122, %add3A_120, %broadcast_in_dim3A_98 : vector<16xi1>, vector<16xf32>
        %mul3A_123 = arith.constant 16 : i32
        %mul3A_124 = arith.muli %add3A_96, %mul3A_123 : i32
        %add3A_125 = arith.constant 1 : i32
        %add3A_126 = arith.addi %mul3A_124, %add3A_125 : i32
        %get3A_127 = arith.index_cast %add3A_126 : i32 to index
        %get3A_128 = arith.constant 0 : index
        %get3A_129 = tpu.vector_load %arg8[%get3A_127, %get3A_128] {strides = array<i32>} : memref<128x16xf32, #tpu.memory_space<vmem>>, vector<1x16xf32>,
        %get3A_130 = vector.shape_cast %get3A_129 : vector<1x16xf32> to vector<16xf32>
        %get3A_131 = arith.index_cast %add3A_126 : i32 to index
        %get3A_132 = arith.constant 0 : index
        %get3A_133 = tpu.vector_load %arg9[%get3A_131, %get3A_132] {strides = array<i32>} : memref<128x16xf32, #tpu.memory_space<vmem>>, vector<1x16xf32>,
        %get3A_134 = vector.shape_cast %get3A_133 : vector<1x16xf32> to vector<16xf32>
        %sub3A_135 = arith.subf %get3A_130, %get3A_134 : vector<16xf32>
        %mul3A_136 = arith.mulf %sub3A_135, %sub3A_135 : vector<16xf32>
        %broadcast_in_dim3A_137 = vector.shape_cast %broadcast_in_dim3A_1 : vector<16xi32> to vector<16x1xi32>
        %gather3A_138 = vector.shape_cast %broadcast_in_dim3A_137 : vector<16x1xi32> to vector<16xi32>
        %gather3A_139 = tpu.dynamic_gather %mul3A_136[%gather3A_138] in [0] : vector<16xf32>, vector<16xi32> -> vector<16xf32>
        %broadcast_in_dim3A_140 = vector.shape_cast %broadcast_in_dim3A_3 : vector<16xi32> to vector<16x1xi32>
        %gather3A_141 = vector.shape_cast %broadcast_in_dim3A_140 : vector<16x1xi32> to vector<16xi32>
        %gather3A_142 = tpu.dynamic_gather %mul3A_136[%gather3A_141] in [0] : vector<16xf32>, vector<16xi32> -> vector<16xf32>
        %add3A_143 = arith.addf %gather3A_139, %gather3A_142 : vector<16xf32>
        %broadcast_in_dim3A_144 = vector.shape_cast %broadcast_in_dim3A_5 : vector<16xi32> to vector<16x1xi32>
        %gather3A_145 = vector.shape_cast %broadcast_in_dim3A_144 : vector<16x1xi32> to vector<16xi32>
        %gather3A_146 = tpu.dynamic_gather %mul3A_136[%gather3A_145] in [0] : vector<16xf32>, vector<16xi32> -> vector<16xf32>
        %add3A_147 = arith.addf %add3A_143, %gather3A_146 : vector<16xf32>
        %eq3A_148 = arith.constant 1 : i32
        %eq3A_149 = vector.broadcast %eq3A_148 : i32 to vector<16xi32>
        %eq3A_150 = arith.cmpi eq, %iota3A, %eq3A_149 : vector<16xi32>
        %select_n3A_151 = arith.select %eq3A_150, %add3A_147, %select_n3A : vector<16xi1>, vector<16xf32>
        %mul3A_152 = arith.constant 16 : i32
        %mul3A_153 = arith.muli %add3A_96, %mul3A_152 : i32
        %add3A_154 = arith.constant 2 : i32
        %add3A_155 = arith.addi %mul3A_153, %add3A_154 : i32
        %get3A_156 = arith.index_cast %add3A_155 : i32 to index
        %get3A_157 = arith.constant 0 : index
        %get3A_158 = tpu.vector_load %arg8[%get3A_156, %get3A_157] {strides = array<i32>} : memref<128x16xf32, #tpu.memory_space<vmem>>, vector<1x16xf32>,
        %get3A_159 = vector.shape_cast %get3A_158 : vector<1x16xf32> to vector<16xf32>
        %get3A_160 = arith.index_cast %add3A_155 : i32 to index
        %get3A_161 = arith.constant 0 : index
        %get3A_162 = tpu.vector_load %arg9[%get3A_160, %get3A_161] {strides = array<i32>} : memref<128x16xf32, #tpu.memory_space<vmem>>, vector<1x16xf32>,
        %get3A_163 = vector.shape_cast %get3A_162 : vector<1x16xf32> to vector<16xf32>
        %sub3A_164 = arith.subf %get3A_159, %get3A_163 : vector<16xf32>
        %mul3A_165 = arith.mulf %sub3A_164, %sub3A_164 : vector<16xf32>
        %broadcast_in_dim3A_166 = vector.shape_cast %broadcast_in_dim3A_1 : vector<16xi32> to vector<16x1xi32>
        %gather3A_167 = vector.shape_cast %broadcast_in_dim3A_166 : vector<16x1xi32> to vector<16xi32>
        %gather3A_168 = tpu.dynamic_gather %mul3A_165[%gather3A_167] in [0] : vector<16xf32>, vector<16xi32> -> vector<16xf32>
        %broadcast_in_dim3A_169 = vector.shape_cast %broadcast_in_dim3A_3 : vector<16xi32> to vector<16x1xi32>
        %gather3A_170 = vector.shape_cast %broadcast_in_dim3A_169 : vector<16x1xi32> to vector<16xi32>
        %gather3A_171 = tpu.dynamic_gather %mul3A_165[%gather3A_170] in [0] : vector<16xf32>, vector<16xi32> -> vector<16xf32>
        %add3A_172 = arith.addf %gather3A_168, %gather3A_171 : vector<16xf32>
        %broadcast_in_dim3A_173 = vector.shape_cast %broadcast_in_dim3A_5 : vector<16xi32> to vector<16x1xi32>
        %gather3A_174 = vector.shape_cast %broadcast_in_dim3A_173 : vector<16x1xi32> to vector<16xi32>
        %gather3A_175 = tpu.dynamic_gather %mul3A_165[%gather3A_174] in [0] : vector<16xf32>, vector<16xi32> -> vector<16xf32>
        %add3A_176 = arith.addf %add3A_172, %gather3A_175 : vector<16xf32>
        %eq3A_177 = arith.constant 2 : i32
        %eq3A_178 = vector.broadcast %eq3A_177 : i32 to vector<16xi32>
        %eq3A_179 = arith.cmpi eq, %iota3A, %eq3A_178 : vector<16xi32>
        %select_n3A_180 = arith.select %eq3A_179, %add3A_176, %select_n3A_151 : vector<16xi1>, vector<16xf32>
        %mul3A_181 = arith.constant 16 : i32
        %mul3A_182 = arith.muli %add3A_96, %mul3A_181 : i32
        %add3A_183 = arith.constant 3 : i32
        %add3A_184 = arith.addi %mul3A_182, %add3A_183 : i32
        %get3A_185 = arith.index_cast %add3A_184 : i32 to index
        %get3A_186 = arith.constant 0 : index
        %get3A_187 = tpu.vector_load %arg8[%get3A_185, %get3A_186] {strides = array<i32>} : memref<128x16xf32, #tpu.memory_space<vmem>>, vector<1x16xf32>,
        %get3A_188 = vector.shape_cast %get3A_187 : vector<1x16xf32> to vector<16xf32>
        %get3A_189 = arith.index_cast %add3A_184 : i32 to index
        %get3A_190 = arith.constant 0 : index
        %get3A_191 = tpu.vector_load %arg9[%get3A_189, %get3A_190] {strides = array<i32>} : memref<128x16xf32, #tpu.memory_space<vmem>>, vector<1x16xf32>,
        %get3A_192 = vector.shape_cast %get3A_191 : vector<1x16xf32> to vector<16xf32>
        %sub3A_193 = arith.subf %get3A_188, %get3A_192 : vector<16xf32>
        %mul3A_194 = arith.mulf %sub3A_193, %sub3A_193 : vector<16xf32>
        %broadcast_in_dim3A_195 = vector.shape_cast %broadcast_in_dim3A_1 : vector<16xi32> to vector<16x1xi32>
        %gather3A_196 = vector.shape_cast %broadcast_in_dim3A_195 : vector<16x1xi32> to vector<16xi32>
        %gather3A_197 = tpu.dynamic_gather %mul3A_194[%gather3A_196] in [0] : vector<16xf32>, vector<16xi32> -> vector<16xf32>
        %broadcast_in_dim3A_198 = vector.shape_cast %broadcast_in_dim3A_3 : vector<16xi32> to vector<16x1xi32>
        %gather3A_199 = vector.shape_cast %broadcast_in_dim3A_198 : vector<16x1xi32> to vector<16xi32>
        %gather3A_200 = tpu.dynamic_gather %mul3A_194[%gather3A_199] in [0] : vector<16xf32>, vector<16xi32> -> vector<16xf32>
        %add3A_201 = arith.addf %gather3A_197, %gather3A_200 : vector<16xf32>
        %broadcast_in_dim3A_202 = vector.shape_cast %broadcast_in_dim3A_5 : vector<16xi32> to vector<16x1xi32>
        %gather3A_203 = vector.shape_cast %broadcast_in_dim3A_202 : vector<16x1xi32> to vector<16xi32>
        %gather3A_204 = tpu.dynamic_gather %mul3A_194[%gather3A_203] in [0] : vector<16xf32>, vector<16xi32> -> vector<16xf32>
        %add3A_205 = arith.addf %add3A_201, %gather3A_204 : vector<16xf32>
        %eq3A_206 = arith.constant 3 : i32
        %eq3A_207 = vector.broadcast %eq3A_206 : i32 to vector<16xi32>
        %eq3A_208 = arith.cmpi eq, %iota3A, %eq3A_207 : vector<16xi32>
        %select_n3A_209 = arith.select %eq3A_208, %add3A_205, %select_n3A_180 : vector<16xi1>, vector<16xf32>
        %mul3A_210 = arith.constant 16 : i32
        %mul3A_211 = arith.muli %add3A_96, %mul3A_210 : i32
        %add3A_212 = arith.constant 4 : i32
        %add3A_213 = arith.addi %mul3A_211, %add3A_212 : i32
        %get3A_214 = arith.index_cast %add3A_213 : i32 to index
        %get3A_215 = arith.constant 0 : index
        %get3A_216 = tpu.vector_load %arg8[%get3A_214, %get3A_215] {strides = array<i32>} : memref<128x16xf32, #tpu.memory_space<vmem>>, vector<1x16xf32>,
        %get3A_217 = vector.shape_cast %get3A_216 : vector<1x16xf32> to vector<16xf32>
        %get3A_218 = arith.index_cast %add3A_213 : i32 to index
        %get3A_219 = arith.constant 0 : index
        %get3A_220 = tpu.vector_load %arg9[%get3A_218, %get3A_219] {strides = array<i32>} : memref<128x16xf32, #tpu.memory_space<vmem>>, vector<1x16xf32>,
        %get3A_221 = vector.shape_cast %get3A_220 : vector<1x16xf32> to vector<16xf32>
        %sub3A_222 = arith.subf %get3A_217, %get3A_221 : vector<16xf32>
        %mul3A_223 = arith.mulf %sub3A_222, %sub3A_222 : vector<16xf32>
        %broadcast_in_dim3A_224 = vector.shape_cast %broadcast_in_dim3A_1 : vector<16xi32> to vector<16x1xi32>
        %gather3A_225 = vector.shape_cast %broadcast_in_dim3A_224 : vector<16x1xi32> to vector<16xi32>
        %gather3A_226 = tpu.dynamic_gather %mul3A_223[%gather3A_225] in [0] : vector<16xf32>, vector<16xi32> -> vector<16xf32>
        %broadcast_in_dim3A_227 = vector.shape_cast %broadcast_in_dim3A_3 : vector<16xi32> to vector<16x1xi32>
        %gather3A_228 = vector.shape_cast %broadcast_in_dim3A_227 : vector<16x1xi32> to vector<16xi32>
        %gather3A_229 = tpu.dynamic_gather %mul3A_223[%gather3A_228] in [0] : vector<16xf32>, vector<16xi32> -> vector<16xf32>
        %add3A_230 = arith.addf %gather3A_226, %gather3A_229 : vector<16xf32>
        %broadcast_in_dim3A_231 = vector.shape_cast %broadcast_in_dim3A_5 : vector<16xi32> to vector<16x1xi32>
        %gather3A_232 = vector.shape_cast %broadcast_in_dim3A_231 : vector<16x1xi32> to vector<16xi32>
        %gather3A_233 = tpu.dynamic_gather %mul3A_223[%gather3A_232] in [0] : vector<16xf32>, vector<16xi32> -> vector<16xf32>
        %add3A_234 = arith.addf %add3A_230, %gather3A_233 : vector<16xf32>
        %eq3A_235 = arith.constant 4 : i32
        %eq3A_236 = vector.broadcast %eq3A_235 : i32 to vector<16xi32>
        %eq3A_237 = arith.cmpi eq, %iota3A, %eq3A_236 : vector<16xi32>
        %select_n3A_238 = arith.select %eq3A_237, %add3A_234, %select_n3A_209 : vector<16xi1>, vector<16xf32>
        %mul3A_239 = arith.constant 16 : i32
        %mul3A_240 = arith.muli %add3A_96, %mul3A_239 : i32
        %add3A_241 = arith.constant 5 : i32
        %add3A_242 = arith.addi %mul3A_240, %add3A_241 : i32
        %get3A_243 = arith.index_cast %add3A_242 : i32 to index
        %get3A_244 = arith.constant 0 : index
        %get3A_245 = tpu.vector_load %arg8[%get3A_243, %get3A_244] {strides = array<i32>} : memref<128x16xf32, #tpu.memory_space<vmem>>, vector<1x16xf32>,
        %get3A_246 = vector.shape_cast %get3A_245 : vector<1x16xf32> to vector<16xf32>
        %get3A_247 = arith.index_cast %add3A_242 : i32 to index
        %get3A_248 = arith.constant 0 : index
        %get3A_249 = tpu.vector_load %arg9[%get3A_247, %get3A_248] {strides = array<i32>} : memref<128x16xf32, #tpu.memory_space<vmem>>, vector<1x16xf32>,
        %get3A_250 = vector.shape_cast %get3A_249 : vector<1x16xf32> to vector<16xf32>
        %sub3A_251 = arith.subf %get3A_246, %get3A_250 : vector<16xf32>
        %mul3A_252 = arith.mulf %sub3A_251, %sub3A_251 : vector<16xf32>
        %broadcast_in_dim3A_253 = vector.shape_cast %broadcast_in_dim3A_1 : vector<16xi32> to vector<16x1xi32>
        %gather3A_254 = vector.shape_cast %broadcast_in_dim3A_253 : vector<16x1xi32> to vector<16xi32>
        %gather3A_255 = tpu.dynamic_gather %mul3A_252[%gather3A_254] in [0] : vector<16xf32>, vector<16xi32> -> vector<16xf32>
        %broadcast_in_dim3A_256 = vector.shape_cast %broadcast_in_dim3A_3 : vector<16xi32> to vector<16x1xi32>
        %gather3A_257 = vector.shape_cast %broadcast_in_dim3A_256 : vector<16x1xi32> to vector<16xi32>
        %gather3A_258 = tpu.dynamic_gather %mul3A_252[%gather3A_257] in [0] : vector<16xf32>, vector<16xi32> -> vector<16xf32>
        %add3A_259 = arith.addf %gather3A_255, %gather3A_258 : vector<16xf32>
        %broadcast_in_dim3A_260 = vector.shape_cast %broadcast_in_dim3A_5 : vector<16xi32> to vector<16x1xi32>
        %gather3A_261 = vector.shape_cast %broadcast_in_dim3A_260 : vector<16x1xi32> to vector<16xi32>
        %gather3A_262 = tpu.dynamic_gather %mul3A_252[%gather3A_261] in [0] : vector<16xf32>, vector<16xi32> -> vector<16xf32>
        %add3A_263 = arith.addf %add3A_259, %gather3A_262 : vector<16xf32>
        %eq3A_264 = arith.constant 5 : i32
        %eq3A_265 = vector.broadcast %eq3A_264 : i32 to vector<16xi32>
        %eq3A_266 = arith.cmpi eq, %iota3A, %eq3A_265 : vector<16xi32>
        %select_n3A_267 = arith.select %eq3A_266, %add3A_263, %select_n3A_238 : vector<16xi1>, vector<16xf32>
        %mul3A_268 = arith.constant 16 : i32
        %mul3A_269 = arith.muli %add3A_96, %mul3A_268 : i32
        %add3A_270 = arith.constant 6 : i32
        %add3A_271 = arith.addi %mul3A_269, %add3A_270 : i32
        %get3A_272 = arith.index_cast %add3A_271 : i32 to index
        %get3A_273 = arith.constant 0 : index
        %get3A_274 = tpu.vector_load %arg8[%get3A_272, %get3A_273] {strides = array<i32>} : memref<128x16xf32, #tpu.memory_space<vmem>>, vector<1x16xf32>,
        %get3A_275 = vector.shape_cast %get3A_274 : vector<1x16xf32> to vector<16xf32>
        %get3A_276 = arith.index_cast %add3A_271 : i32 to index
        %get3A_277 = arith.constant 0 : index
        %get3A_278 = tpu.vector_load %arg9[%get3A_276, %get3A_277] {strides = array<i32>} : memref<128x16xf32, #tpu.memory_space<vmem>>, vector<1x16xf32>,
        %get3A_279 = vector.shape_cast %get3A_278 : vector<1x16xf32> to vector<16xf32>
        %sub3A_280 = arith.subf %get3A_275, %get3A_279 : vector<16xf32>
        %mul3A_281 = arith.mulf %sub3A_280, %sub3A_280 : vector<16xf32>
        %broadcast_in_dim3A_282 = vector.shape_cast %broadcast_in_dim3A_1 : vector<16xi32> to vector<16x1xi32>
        %gather3A_283 = vector.shape_cast %broadcast_in_dim3A_282 : vector<16x1xi32> to vector<16xi32>
        %gather3A_284 = tpu.dynamic_gather %mul3A_281[%gather3A_283] in [0] : vector<16xf32>, vector<16xi32> -> vector<16xf32>
        %broadcast_in_dim3A_285 = vector.shape_cast %broadcast_in_dim3A_3 : vector<16xi32> to vector<16x1xi32>
        %gather3A_286 = vector.shape_cast %broadcast_in_dim3A_285 : vector<16x1xi32> to vector<16xi32>
        %gather3A_287 = tpu.dynamic_gather %mul3A_281[%gather3A_286] in [0] : vector<16xf32>, vector<16xi32> -> vector<16xf32>
        %add3A_288 = arith.addf %gather3A_284, %gather3A_287 : vector<16xf32>
        %broadcast_in_dim3A_289 = vector.shape_cast %broadcast_in_dim3A_5 : vector<16xi32> to vector<16x1xi32>
        %gather3A_290 = vector.shape_cast %broadcast_in_dim3A_289 : vector<16x1xi32> to vector<16xi32>
        %gather3A_291 = tpu.dynamic_gather %mul3A_281[%gather3A_290] in [0] : vector<16xf32>, vector<16xi32> -> vector<16xf32>
        %add3A_292 = arith.addf %add3A_288, %gather3A_291 : vector<16xf32>
        %eq3A_293 = arith.constant 6 : i32
        %eq3A_294 = vector.broadcast %eq3A_293 : i32 to vector<16xi32>
        %eq3A_295 = arith.cmpi eq, %iota3A, %eq3A_294 : vector<16xi32>
        %select_n3A_296 = arith.select %eq3A_295, %add3A_292, %select_n3A_267 : vector<16xi1>, vector<16xf32>
        %mul3A_297 = arith.constant 16 : i32
        %mul3A_298 = arith.muli %add3A_96, %mul3A_297 : i32
        %add3A_299 = arith.constant 7 : i32
        %add3A_300 = arith.addi %mul3A_298, %add3A_299 : i32
        %get3A_301 = arith.index_cast %add3A_300 : i32 to index
        %get3A_302 = arith.constant 0 : index
        %get3A_303 = tpu.vector_load %arg8[%get3A_301, %get3A_302] {strides = array<i32>} : memref<128x16xf32, #tpu.memory_space<vmem>>, vector<1x16xf32>,
        %get3A_304 = vector.shape_cast %get3A_303 : vector<1x16xf32> to vector<16xf32>
        %get3A_305 = arith.index_cast %add3A_300 : i32 to index
        %get3A_306 = arith.constant 0 : index
        %get3A_307 = tpu.vector_load %arg9[%get3A_305, %get3A_306] {strides = array<i32>} : memref<128x16xf32, #tpu.memory_space<vmem>>, vector<1x16xf32>,
        %get3A_308 = vector.shape_cast %get3A_307 : vector<1x16xf32> to vector<16xf32>
        %sub3A_309 = arith.subf %get3A_304, %get3A_308 : vector<16xf32>
        %mul3A_310 = arith.mulf %sub3A_309, %sub3A_309 : vector<16xf32>
        %broadcast_in_dim3A_311 = vector.shape_cast %broadcast_in_dim3A_1 : vector<16xi32> to vector<16x1xi32>
        %gather3A_312 = vector.shape_cast %broadcast_in_dim3A_311 : vector<16x1xi32> to vector<16xi32>
        %gather3A_313 = tpu.dynamic_gather %mul3A_310[%gather3A_312] in [0] : vector<16xf32>, vector<16xi32> -> vector<16xf32>
        %broadcast_in_dim3A_314 = vector.shape_cast %broadcast_in_dim3A_3 : vector<16xi32> to vector<16x1xi32>
        %gather3A_315 = vector.shape_cast %broadcast_in_dim3A_314 : vector<16x1xi32> to vector<16xi32>
        %gather3A_316 = tpu.dynamic_gather %mul3A_310[%gather3A_315] in [0] : vector<16xf32>, vector<16xi32> -> vector<16xf32>
        %add3A_317 = arith.addf %gather3A_313, %gather3A_316 : vector<16xf32>
        %broadcast_in_dim3A_318 = vector.shape_cast %broadcast_in_dim3A_5 : vector<16xi32> to vector<16x1xi32>
        %gather3A_319 = vector.shape_cast %broadcast_in_dim3A_318 : vector<16x1xi32> to vector<16xi32>
        %gather3A_320 = tpu.dynamic_gather %mul3A_310[%gather3A_319] in [0] : vector<16xf32>, vector<16xi32> -> vector<16xf32>
        %add3A_321 = arith.addf %add3A_317, %gather3A_320 : vector<16xf32>
        %eq3A_322 = arith.constant 7 : i32
        %eq3A_323 = vector.broadcast %eq3A_322 : i32 to vector<16xi32>
        %eq3A_324 = arith.cmpi eq, %iota3A, %eq3A_323 : vector<16xi32>
        %select_n3A_325 = arith.select %eq3A_324, %add3A_321, %select_n3A_296 : vector<16xi1>, vector<16xf32>
        %mul3A_326 = arith.constant 16 : i32
        %mul3A_327 = arith.muli %add3A_96, %mul3A_326 : i32
        %add3A_328 = arith.constant 8 : i32
        %add3A_329 = arith.addi %mul3A_327, %add3A_328 : i32
        %get3A_330 = arith.index_cast %add3A_329 : i32 to index
        %get3A_331 = arith.constant 0 : index
        %get3A_332 = tpu.vector_load %arg8[%get3A_330, %get3A_331] {strides = array<i32>} : memref<128x16xf32, #tpu.memory_space<vmem>>, vector<1x16xf32>,
        %get3A_333 = vector.shape_cast %get3A_332 : vector<1x16xf32> to vector<16xf32>
        %get3A_334 = arith.index_cast %add3A_329 : i32 to index
        %get3A_335 = arith.constant 0 : index
        %get3A_336 = tpu.vector_load %arg9[%get3A_334, %get3A_335] {strides = array<i32>} : memref<128x16xf32, #tpu.memory_space<vmem>>, vector<1x16xf32>,
        %get3A_337 = vector.shape_cast %get3A_336 : vector<1x16xf32> to vector<16xf32>
        %sub3A_338 = arith.subf %get3A_333, %get3A_337 : vector<16xf32>
        %mul3A_339 = arith.mulf %sub3A_338, %sub3A_338 : vector<16xf32>
        %broadcast_in_dim3A_340 = vector.shape_cast %broadcast_in_dim3A_1 : vector<16xi32> to vector<16x1xi32>
        %gather3A_341 = vector.shape_cast %broadcast_in_dim3A_340 : vector<16x1xi32> to vector<16xi32>
        %gather3A_342 = tpu.dynamic_gather %mul3A_339[%gather3A_341] in [0] : vector<16xf32>, vector<16xi32> -> vector<16xf32>
        %broadcast_in_dim3A_343 = vector.shape_cast %broadcast_in_dim3A_3 : vector<16xi32> to vector<16x1xi32>
        %gather3A_344 = vector.shape_cast %broadcast_in_dim3A_343 : vector<16x1xi32> to vector<16xi32>
        %gather3A_345 = tpu.dynamic_gather %mul3A_339[%gather3A_344] in [0] : vector<16xf32>, vector<16xi32> -> vector<16xf32>
        %add3A_346 = arith.addf %gather3A_342, %gather3A_345 : vector<16xf32>
        %broadcast_in_dim3A_347 = vector.shape_cast %broadcast_in_dim3A_5 : vector<16xi32> to vector<16x1xi32>
        %gather3A_348 = vector.shape_cast %broadcast_in_dim3A_347 : vector<16x1xi32> to vector<16xi32>
        %gather3A_349 = tpu.dynamic_gather %mul3A_339[%gather3A_348] in [0] : vector<16xf32>, vector<16xi32> -> vector<16xf32>
        %add3A_350 = arith.addf %add3A_346, %gather3A_349 : vector<16xf32>
        %eq3A_351 = arith.constant 8 : i32
        %eq3A_352 = vector.broadcast %eq3A_351 : i32 to vector<16xi32>
        %eq3A_353 = arith.cmpi eq, %iota3A, %eq3A_352 : vector<16xi32>
        %select_n3A_354 = arith.select %eq3A_353, %add3A_350, %select_n3A_325 : vector<16xi1>, vector<16xf32>
        %mul3A_355 = arith.constant 16 : i32
        %mul3A_356 = arith.muli %add3A_96, %mul3A_355 : i32
        %add3A_357 = arith.constant 9 : i32
        %add3A_358 = arith.addi %mul3A_356, %add3A_357 : i32
        %get3A_359 = arith.index_cast %add3A_358 : i32 to index
        %get3A_360 = arith.constant 0 : index
        %get3A_361 = tpu.vector_load %arg8[%get3A_359, %get3A_360] {strides = array<i32>} : memref<128x16xf32, #tpu.memory_space<vmem>>, vector<1x16xf32>,
        %get3A_362 = vector.shape_cast %get3A_361 : vector<1x16xf32> to vector<16xf32>
        %get3A_363 = arith.index_cast %add3A_358 : i32 to index
        %get3A_364 = arith.constant 0 : index
        %get3A_365 = tpu.vector_load %arg9[%get3A_363, %get3A_364] {strides = array<i32>} : memref<128x16xf32, #tpu.memory_space<vmem>>, vector<1x16xf32>,
        %get3A_366 = vector.shape_cast %get3A_365 : vector<1x16xf32> to vector<16xf32>
        %sub3A_367 = arith.subf %get3A_362, %get3A_366 : vector<16xf32>
        %mul3A_368 = arith.mulf %sub3A_367, %sub3A_367 : vector<16xf32>
        %broadcast_in_dim3A_369 = vector.shape_cast %broadcast_in_dim3A_1 : vector<16xi32> to vector<16x1xi32>
        %gather3A_370 = vector.shape_cast %broadcast_in_dim3A_369 : vector<16x1xi32> to vector<16xi32>
        %gather3A_371 = tpu.dynamic_gather %mul3A_368[%gather3A_370] in [0] : vector<16xf32>, vector<16xi32> -> vector<16xf32>
        %broadcast_in_dim3A_372 = vector.shape_cast %broadcast_in_dim3A_3 : vector<16xi32> to vector<16x1xi32>
        %gather3A_373 = vector.shape_cast %broadcast_in_dim3A_372 : vector<16x1xi32> to vector<16xi32>
        %gather3A_374 = tpu.dynamic_gather %mul3A_368[%gather3A_373] in [0] : vector<16xf32>, vector<16xi32> -> vector<16xf32>
        %add3A_375 = arith.addf %gather3A_371, %gather3A_374 : vector<16xf32>
        %broadcast_in_dim3A_376 = vector.shape_cast %broadcast_in_dim3A_5 : vector<16xi32> to vector<16x1xi32>
        %gather3A_377 = vector.shape_cast %broadcast_in_dim3A_376 : vector<16x1xi32> to vector<16xi32>
        %gather3A_378 = tpu.dynamic_gather %mul3A_368[%gather3A_377] in [0] : vector<16xf32>, vector<16xi32> -> vector<16xf32>
        %add3A_379 = arith.addf %add3A_375, %gather3A_378 : vector<16xf32>
        %eq3A_380 = arith.constant 9 : i32
        %eq3A_381 = vector.broadcast %eq3A_380 : i32 to vector<16xi32>
        %eq3A_382 = arith.cmpi eq, %iota3A, %eq3A_381 : vector<16xi32>
        %select_n3A_383 = arith.select %eq3A_382, %add3A_379, %select_n3A_354 : vector<16xi1>, vector<16xf32>
        %mul3A_384 = arith.constant 16 : i32
        %mul3A_385 = arith.muli %add3A_96, %mul3A_384 : i32
        %add3A_386 = arith.constant 10 : i32
        %add3A_387 = arith.addi %mul3A_385, %add3A_386 : i32
        %get3A_388 = arith.index_cast %add3A_387 : i32 to index
        %get3A_389 = arith.constant 0 : index
        %get3A_390 = tpu.vector_load %arg8[%get3A_388, %get3A_389] {strides = array<i32>} : memref<128x16xf32, #tpu.memory_space<vmem>>, vector<1x16xf32>,
        %get3A_391 = vector.shape_cast %get3A_390 : vector<1x16xf32> to vector<16xf32>
        %get3A_392 = arith.index_cast %add3A_387 : i32 to index
        %get3A_393 = arith.constant 0 : index
        %get3A_394 = tpu.vector_load %arg9[%get3A_392, %get3A_393] {strides = array<i32>} : memref<128x16xf32, #tpu.memory_space<vmem>>, vector<1x16xf32>,
        %get3A_395 = vector.shape_cast %get3A_394 : vector<1x16xf32> to vector<16xf32>
        %sub3A_396 = arith.subf %get3A_391, %get3A_395 : vector<16xf32>
        %mul3A_397 = arith.mulf %sub3A_396, %sub3A_396 : vector<16xf32>
        %broadcast_in_dim3A_398 = vector.shape_cast %broadcast_in_dim3A_1 : vector<16xi32> to vector<16x1xi32>
        %gather3A_399 = vector.shape_cast %broadcast_in_dim3A_398 : vector<16x1xi32> to vector<16xi32>
        %gather3A_400 = tpu.dynamic_gather %mul3A_397[%gather3A_399] in [0] : vector<16xf32>, vector<16xi32> -> vector<16xf32>
        %broadcast_in_dim3A_401 = vector.shape_cast %broadcast_in_dim3A_3 : vector<16xi32> to vector<16x1xi32>
        %gather3A_402 = vector.shape_cast %broadcast_in_dim3A_401 : vector<16x1xi32> to vector<16xi32>
        %gather3A_403 = tpu.dynamic_gather %mul3A_397[%gather3A_402] in [0] : vector<16xf32>, vector<16xi32> -> vector<16xf32>
        %add3A_404 = arith.addf %gather3A_400, %gather3A_403 : vector<16xf32>
        %broadcast_in_dim3A_405 = vector.shape_cast %broadcast_in_dim3A_5 : vector<16xi32> to vector<16x1xi32>
        %gather3A_406 = vector.shape_cast %broadcast_in_dim3A_405 : vector<16x1xi32> to vector<16xi32>
        %gather3A_407 = tpu.dynamic_gather %mul3A_397[%gather3A_406] in [0] : vector<16xf32>, vector<16xi32> -> vector<16xf32>
        %add3A_408 = arith.addf %add3A_404, %gather3A_407 : vector<16xf32>
        %eq3A_409 = arith.constant 10 : i32
        %eq3A_410 = vector.broadcast %eq3A_409 : i32 to vector<16xi32>
        %eq3A_411 = arith.cmpi eq, %iota3A, %eq3A_410 : vector<16xi32>
        %select_n3A_412 = arith.select %eq3A_411, %add3A_408, %select_n3A_383 : vector<16xi1>, vector<16xf32>
        %mul3A_413 = arith.constant 16 : i32
        %mul3A_414 = arith.muli %add3A_96, %mul3A_413 : i32
        %add3A_415 = arith.constant 11 : i32
        %add3A_416 = arith.addi %mul3A_414, %add3A_415 : i32
        %get3A_417 = arith.index_cast %add3A_416 : i32 to index
        %get3A_418 = arith.constant 0 : index
        %get3A_419 = tpu.vector_load %arg8[%get3A_417, %get3A_418] {strides = array<i32>} : memref<128x16xf32, #tpu.memory_space<vmem>>, vector<1x16xf32>,
        %get3A_420 = vector.shape_cast %get3A_419 : vector<1x16xf32> to vector<16xf32>
        %get3A_421 = arith.index_cast %add3A_416 : i32 to index
        %get3A_422 = arith.constant 0 : index
        %get3A_423 = tpu.vector_load %arg9[%get3A_421, %get3A_422] {strides = array<i32>} : memref<128x16xf32, #tpu.memory_space<vmem>>, vector<1x16xf32>,
        %get3A_424 = vector.shape_cast %get3A_423 : vector<1x16xf32> to vector<16xf32>
        %sub3A_425 = arith.subf %get3A_420, %get3A_424 : vector<16xf32>
        %mul3A_426 = arith.mulf %sub3A_425, %sub3A_425 : vector<16xf32>
        %broadcast_in_dim3A_427 = vector.shape_cast %broadcast_in_dim3A_1 : vector<16xi32> to vector<16x1xi32>
        %gather3A_428 = vector.shape_cast %broadcast_in_dim3A_427 : vector<16x1xi32> to vector<16xi32>
        %gather3A_429 = tpu.dynamic_gather %mul3A_426[%gather3A_428] in [0] : vector<16xf32>, vector<16xi32> -> vector<16xf32>
        %broadcast_in_dim3A_430 = vector.shape_cast %broadcast_in_dim3A_3 : vector<16xi32> to vector<16x1xi32>
        %gather3A_431 = vector.shape_cast %broadcast_in_dim3A_430 : vector<16x1xi32> to vector<16xi32>
        %gather3A_432 = tpu.dynamic_gather %mul3A_426[%gather3A_431] in [0] : vector<16xf32>, vector<16xi32> -> vector<16xf32>
        %add3A_433 = arith.addf %gather3A_429, %gather3A_432 : vector<16xf32>
        %broadcast_in_dim3A_434 = vector.shape_cast %broadcast_in_dim3A_5 : vector<16xi32> to vector<16x1xi32>
        %gather3A_435 = vector.shape_cast %broadcast_in_dim3A_434 : vector<16x1xi32> to vector<16xi32>
        %gather3A_436 = tpu.dynamic_gather %mul3A_426[%gather3A_435] in [0] : vector<16xf32>, vector<16xi32> -> vector<16xf32>
        %add3A_437 = arith.addf %add3A_433, %gather3A_436 : vector<16xf32>
        %eq3A_438 = arith.constant 11 : i32
        %eq3A_439 = vector.broadcast %eq3A_438 : i32 to vector<16xi32>
        %eq3A_440 = arith.cmpi eq, %iota3A, %eq3A_439 : vector<16xi32>
        %select_n3A_441 = arith.select %eq3A_440, %add3A_437, %select_n3A_412 : vector<16xi1>, vector<16xf32>
        %mul3A_442 = arith.constant 16 : i32
        %mul3A_443 = arith.muli %add3A_96, %mul3A_442 : i32
        %add3A_444 = arith.constant 12 : i32
        %add3A_445 = arith.addi %mul3A_443, %add3A_444 : i32
        %get3A_446 = arith.index_cast %add3A_445 : i32 to index
        %get3A_447 = arith.constant 0 : index
        %get3A_448 = tpu.vector_load %arg8[%get3A_446, %get3A_447] {strides = array<i32>} : memref<128x16xf32, #tpu.memory_space<vmem>>, vector<1x16xf32>,
        %get3A_449 = vector.shape_cast %get3A_448 : vector<1x16xf32> to vector<16xf32>
        %get3A_450 = arith.index_cast %add3A_445 : i32 to index
        %get3A_451 = arith.constant 0 : index
        %get3A_452 = tpu.vector_load %arg9[%get3A_450, %get3A_451] {strides = array<i32>} : memref<128x16xf32, #tpu.memory_space<vmem>>, vector<1x16xf32>,
        %get3A_453 = vector.shape_cast %get3A_452 : vector<1x16xf32> to vector<16xf32>
        %sub3A_454 = arith.subf %get3A_449, %get3A_453 : vector<16xf32>
        %mul3A_455 = arith.mulf %sub3A_454, %sub3A_454 : vector<16xf32>
        %broadcast_in_dim3A_456 = vector.shape_cast %broadcast_in_dim3A_1 : vector<16xi32> to vector<16x1xi32>
        %gather3A_457 = vector.shape_cast %broadcast_in_dim3A_456 : vector<16x1xi32> to vector<16xi32>
        %gather3A_458 = tpu.dynamic_gather %mul3A_455[%gather3A_457] in [0] : vector<16xf32>, vector<16xi32> -> vector<16xf32>
        %broadcast_in_dim3A_459 = vector.shape_cast %broadcast_in_dim3A_3 : vector<16xi32> to vector<16x1xi32>
        %gather3A_460 = vector.shape_cast %broadcast_in_dim3A_459 : vector<16x1xi32> to vector<16xi32>
        %gather3A_461 = tpu.dynamic_gather %mul3A_455[%gather3A_460] in [0] : vector<16xf32>, vector<16xi32> -> vector<16xf32>
        %add3A_462 = arith.addf %gather3A_458, %gather3A_461 : vector<16xf32>
        %broadcast_in_dim3A_463 = vector.shape_cast %broadcast_in_dim3A_5 : vector<16xi32> to vector<16x1xi32>
        %gather3A_464 = vector.shape_cast %broadcast_in_dim3A_463 : vector<16x1xi32> to vector<16xi32>
        %gather3A_465 = tpu.dynamic_gather %mul3A_455[%gather3A_464] in [0] : vector<16xf32>, vector<16xi32> -> vector<16xf32>
        %add3A_466 = arith.addf %add3A_462, %gather3A_465 : vector<16xf32>
        %eq3A_467 = arith.constant 12 : i32
        %eq3A_468 = vector.broadcast %eq3A_467 : i32 to vector<16xi32>
        %eq3A_469 = arith.cmpi eq, %iota3A, %eq3A_468 : vector<16xi32>
        %select_n3A_470 = arith.select %eq3A_469, %add3A_466, %select_n3A_441 : vector<16xi1>, vector<16xf32>
        %mul3A_471 = arith.constant 16 : i32
        %mul3A_472 = arith.muli %add3A_96, %mul3A_471 : i32
        %add3A_473 = arith.constant 13 : i32
        %add3A_474 = arith.addi %mul3A_472, %add3A_473 : i32
        %get3A_475 = arith.index_cast %add3A_474 : i32 to index
        %get3A_476 = arith.constant 0 : index
        %get3A_477 = tpu.vector_load %arg8[%get3A_475, %get3A_476] {strides = array<i32>} : memref<128x16xf32, #tpu.memory_space<vmem>>, vector<1x16xf32>,
        %get3A_478 = vector.shape_cast %get3A_477 : vector<1x16xf32> to vector<16xf32>
        %get3A_479 = arith.index_cast %add3A_474 : i32 to index
        %get3A_480 = arith.constant 0 : index
        %get3A_481 = tpu.vector_load %arg9[%get3A_479, %get3A_480] {strides = array<i32>} : memref<128x16xf32, #tpu.memory_space<vmem>>, vector<1x16xf32>,
        %get3A_482 = vector.shape_cast %get3A_481 : vector<1x16xf32> to vector<16xf32>
        %sub3A_483 = arith.subf %get3A_478, %get3A_482 : vector<16xf32>
        %mul3A_484 = arith.mulf %sub3A_483, %sub3A_483 : vector<16xf32>
        %broadcast_in_dim3A_485 = vector.shape_cast %broadcast_in_dim3A_1 : vector<16xi32> to vector<16x1xi32>
        %gather3A_486 = vector.shape_cast %broadcast_in_dim3A_485 : vector<16x1xi32> to vector<16xi32>
        %gather3A_487 = tpu.dynamic_gather %mul3A_484[%gather3A_486] in [0] : vector<16xf32>, vector<16xi32> -> vector<16xf32>
        %broadcast_in_dim3A_488 = vector.shape_cast %broadcast_in_dim3A_3 : vector<16xi32> to vector<16x1xi32>
        %gather3A_489 = vector.shape_cast %broadcast_in_dim3A_488 : vector<16x1xi32> to vector<16xi32>
        %gather3A_490 = tpu.dynamic_gather %mul3A_484[%gather3A_489] in [0] : vector<16xf32>, vector<16xi32> -> vector<16xf32>
        %add3A_491 = arith.addf %gather3A_487, %gather3A_490 : vector<16xf32>
        %broadcast_in_dim3A_492 = vector.shape_cast %broadcast_in_dim3A_5 : vector<16xi32> to vector<16x1xi32>
        %gather3A_493 = vector.shape_cast %broadcast_in_dim3A_492 : vector<16x1xi32> to vector<16xi32>
        %gather3A_494 = tpu.dynamic_gather %mul3A_484[%gather3A_493] in [0] : vector<16xf32>, vector<16xi32> -> vector<16xf32>
        %add3A_495 = arith.addf %add3A_491, %gather3A_494 : vector<16xf32>
        %eq3A_496 = arith.constant 13 : i32
        %eq3A_497 = vector.broadcast %eq3A_496 : i32 to vector<16xi32>
        %eq3A_498 = arith.cmpi eq, %iota3A, %eq3A_497 : vector<16xi32>
        %select_n3A_499 = arith.select %eq3A_498, %add3A_495, %select_n3A_470 : vector<16xi1>, vector<16xf32>
        %mul3A_500 = arith.constant 16 : i32
        %mul3A_501 = arith.muli %add3A_96, %mul3A_500 : i32
        %add3A_502 = arith.constant 14 : i32
        %add3A_503 = arith.addi %mul3A_501, %add3A_502 : i32
        %get3A_504 = arith.index_cast %add3A_503 : i32 to index
        %get3A_505 = arith.constant 0 : index
        %get3A_506 = tpu.vector_load %arg8[%get3A_504, %get3A_505] {strides = array<i32>} : memref<128x16xf32, #tpu.memory_space<vmem>>, vector<1x16xf32>,
        %get3A_507 = vector.shape_cast %get3A_506 : vector<1x16xf32> to vector<16xf32>
        %get3A_508 = arith.index_cast %add3A_503 : i32 to index
        %get3A_509 = arith.constant 0 : index
        %get3A_510 = tpu.vector_load %arg9[%get3A_508, %get3A_509] {strides = array<i32>} : memref<128x16xf32, #tpu.memory_space<vmem>>, vector<1x16xf32>,
        %get3A_511 = vector.shape_cast %get3A_510 : vector<1x16xf32> to vector<16xf32>
        %sub3A_512 = arith.subf %get3A_507, %get3A_511 : vector<16xf32>
        %mul3A_513 = arith.mulf %sub3A_512, %sub3A_512 : vector<16xf32>
        %broadcast_in_dim3A_514 = vector.shape_cast %broadcast_in_dim3A_1 : vector<16xi32> to vector<16x1xi32>
        %gather3A_515 = vector.shape_cast %broadcast_in_dim3A_514 : vector<16x1xi32> to vector<16xi32>
        %gather3A_516 = tpu.dynamic_gather %mul3A_513[%gather3A_515] in [0] : vector<16xf32>, vector<16xi32> -> vector<16xf32>
        %broadcast_in_dim3A_517 = vector.shape_cast %broadcast_in_dim3A_3 : vector<16xi32> to vector<16x1xi32>
        %gather3A_518 = vector.shape_cast %broadcast_in_dim3A_517 : vector<16x1xi32> to vector<16xi32>
        %gather3A_519 = tpu.dynamic_gather %mul3A_513[%gather3A_518] in [0] : vector<16xf32>, vector<16xi32> -> vector<16xf32>
        %add3A_520 = arith.addf %gather3A_516, %gather3A_519 : vector<16xf32>
        %broadcast_in_dim3A_521 = vector.shape_cast %broadcast_in_dim3A_5 : vector<16xi32> to vector<16x1xi32>
        %gather3A_522 = vector.shape_cast %broadcast_in_dim3A_521 : vector<16x1xi32> to vector<16xi32>
        %gather3A_523 = tpu.dynamic_gather %mul3A_513[%gather3A_522] in [0] : vector<16xf32>, vector<16xi32> -> vector<16xf32>
        %add3A_524 = arith.addf %add3A_520, %gather3A_523 : vector<16xf32>
        %eq3A_525 = arith.constant 14 : i32
        %eq3A_526 = vector.broadcast %eq3A_525 : i32 to vector<16xi32>
        %eq3A_527 = arith.cmpi eq, %iota3A, %eq3A_526 : vector<16xi32>
        %select_n3A_528 = arith.select %eq3A_527, %add3A_524, %select_n3A_499 : vector<16xi1>, vector<16xf32>
        %mul3A_529 = arith.constant 16 : i32
        %mul3A_530 = arith.muli %add3A_96, %mul3A_529 : i32
        %add3A_531 = arith.constant 15 : i32
        %add3A_532 = arith.addi %mul3A_530, %add3A_531 : i32
        %get3A_533 = arith.index_cast %add3A_532 : i32 to index
        %get3A_534 = arith.constant 0 : index
        %get3A_535 = tpu.vector_load %arg8[%get3A_533, %get3A_534] {strides = array<i32>} : memref<128x16xf32, #tpu.memory_space<vmem>>, vector<1x16xf32>,
        %get3A_536 = vector.shape_cast %get3A_535 : vector<1x16xf32> to vector<16xf32>
        %get3A_537 = arith.index_cast %add3A_532 : i32 to index
        %get3A_538 = arith.constant 0 : index
        %get3A_539 = tpu.vector_load %arg9[%get3A_537, %get3A_538] {strides = array<i32>} : memref<128x16xf32, #tpu.memory_space<vmem>>, vector<1x16xf32>,
        %get3A_540 = vector.shape_cast %get3A_539 : vector<1x16xf32> to vector<16xf32>
        %sub3A_541 = arith.subf %get3A_536, %get3A_540 : vector<16xf32>
        %mul3A_542 = arith.mulf %sub3A_541, %sub3A_541 : vector<16xf32>
        %broadcast_in_dim3A_543 = vector.shape_cast %broadcast_in_dim3A_1 : vector<16xi32> to vector<16x1xi32>
        %gather3A_544 = vector.shape_cast %broadcast_in_dim3A_543 : vector<16x1xi32> to vector<16xi32>
        %gather3A_545 = tpu.dynamic_gather %mul3A_542[%gather3A_544] in [0] : vector<16xf32>, vector<16xi32> -> vector<16xf32>
        %broadcast_in_dim3A_546 = vector.shape_cast %broadcast_in_dim3A_3 : vector<16xi32> to vector<16x1xi32>
        %gather3A_547 = vector.shape_cast %broadcast_in_dim3A_546 : vector<16x1xi32> to vector<16xi32>
        %gather3A_548 = tpu.dynamic_gather %mul3A_542[%gather3A_547] in [0] : vector<16xf32>, vector<16xi32> -> vector<16xf32>
        %add3A_549 = arith.addf %gather3A_545, %gather3A_548 : vector<16xf32>
        %broadcast_in_dim3A_550 = vector.shape_cast %broadcast_in_dim3A_5 : vector<16xi32> to vector<16x1xi32>
        %gather3A_551 = vector.shape_cast %broadcast_in_dim3A_550 : vector<16x1xi32> to vector<16xi32>
        %gather3A_552 = tpu.dynamic_gather %mul3A_542[%gather3A_551] in [0] : vector<16xf32>, vector<16xi32> -> vector<16xf32>
        %add3A_553 = arith.addf %add3A_549, %gather3A_552 : vector<16xf32>
        %eq3A_554 = arith.constant 15 : i32
        %eq3A_555 = vector.broadcast %eq3A_554 : i32 to vector<16xi32>
        %eq3A_556 = arith.cmpi eq, %iota3A, %eq3A_555 : vector<16xi32>
        %select_n3A_557 = arith.select %eq3A_556, %add3A_553, %select_n3A_528 : vector<16xi1>, vector<16xf32>
        %mul3A_558 = arith.constant 16 : i32
        %mul3A_559 = arith.muli %add3A_96, %mul3A_558 : i32
        %swap3A = arith.index_cast %mul3A_559 : i32 to index
        %swap3A_560 = tpu.vector_load %arg12[%swap3A] {strides = array<i32>} : memref<128xf32, #tpu.memory_space<vmem>>, vector<16xf32>,
        %swap3A_561 = vector.shape_cast %swap3A_560 : vector<16xf32> to vector<16xf32>
        %swap3A_562 = vector.shape_cast %select_n3A_557 : vector<16xf32> to vector<16xf32>
        tpu.vector_store %arg12[%swap3A], %swap3A_562 {strides = array<i32>} : memref<128xf32, #tpu.memory_space<vmem>>, vector<16xf32>,
      }
      %scan3A_59 = arith.constant 8 : i32
      %lt3A = arith.constant 97 : i32
      %lt3A_60 = arith.cmpi slt, %add3A_41, %lt3A : i32
      %convert_element_type3A = arith.extui %lt3A_60 : i1 to i32
      %cond3A = arith.constant 0 : i32
      %cond3A_61 = arith.cmpi ne, %convert_element_type3A, %cond3A : i32
      scf.if %cond3A_61 {
        %add3A_92 = arith.constant 2 : i32
        %add3A_93 = arith.addi %mul3A_43, %add3A_92 : i32
        %dma_start3A_94 = arith.constant 0 : i32
        %dma_start3A_95 = tpu.memref_slice %arg6[%add3A_93, %dma_start3A_94] : memref<196x128xi32, #tpu.memory_space<vmem>> -> memref<1x128xi32, #tpu.memory_space<vmem>>
        %dma_start3A_96 = tpu.memref_squeeze %dma_start3A_95 : memref<1x128xi32, #tpu.memory_space<vmem>> -> memref<128xi32, #tpu.memory_space<vmem>>
        %dma_start3A_97 = arith.constant 0 : i32
        %dma_start3A_98 = arith.constant 0 : i32
        %dma_start3A_99 = tpu.memref_slice %arg2[%dma_start3A_97, %dma_start3A_98] : memref<50176x16xf32, #tpu.memory_space<hbm>> -> memref<50176x16xf32, #tpu.memory_space<hbm>>
        tpu.enqueue_indirect_dma source(%dma_start3A_99 : memref<50176x16xf32, #tpu.memory_space<hbm>>) target(%arg8 : memref<128x16xf32, #tpu.memory_space<vmem>>) offsets(%dma_start3A_96 : memref<128xi32, #tpu.memory_space<vmem>>) semaphore(%arg14 : memref<!tpu.dma_semaphore, #tpu.memory_space<semaphore_mem>>)
        %dma_start3A_100 = arith.constant 0 : i32
        %dma_start3A_101 = tpu.memref_slice %arg7[%add3A_93, %dma_start3A_100] : memref<196x128xi32, #tpu.memory_space<vmem>> -> memref<1x128xi32, #tpu.memory_space<vmem>>
        %dma_start3A_102 = tpu.memref_squeeze %dma_start3A_101 : memref<1x128xi32, #tpu.memory_space<vmem>> -> memref<128xi32, #tpu.memory_space<vmem>>
        %dma_start3A_103 = arith.constant 0 : i32
        %dma_start3A_104 = arith.constant 0 : i32
        %dma_start3A_105 = tpu.memref_slice %arg2[%dma_start3A_103, %dma_start3A_104] : memref<50176x16xf32, #tpu.memory_space<hbm>> -> memref<50176x16xf32, #tpu.memory_space<hbm>>
        tpu.enqueue_indirect_dma source(%dma_start3A_105 : memref<50176x16xf32, #tpu.memory_space<hbm>>) target(%arg9 : memref<128x16xf32, #tpu.memory_space<vmem>>) offsets(%dma_start3A_102 : memref<128xi32, #tpu.memory_space<vmem>>) semaphore(%arg15 : memref<!tpu.dma_semaphore, #tpu.memory_space<semaphore_mem>>)
      } else {
      }
      %mul3A_62 = arith.constant 196 : i32
      %mul3A_63 = arith.muli %add3A, %mul3A_62 : i32
      %add3A_64 = arith.addi %mul3A_63, %mul3A_43 : i32
      "tpu.region"() ({
        %run_scoped3A = tpu.sem_alloc : memref<!tpu.dma_semaphore, #tpu.memory_space<semaphore_mem>>
        %dma_start3A_92 = arith.constant 0 : i32
        %dma_start3A_93 = tpu.memref_slice %arg5[%add3A_64, %dma_start3A_92] : memref<6272x128xf32, #tpu.memory_space<hbm>> -> memref<1x128xf32, #tpu.memory_space<hbm>>
        %dma_start3A_94 = tpu.memref_squeeze %dma_start3A_93 : memref<1x128xf32, #tpu.memory_space<hbm>> -> memref<128xf32, #tpu.memory_space<hbm>>
        %dma_start3A_95 = arith.constant 0 : i32
        %dma_start3A_96 = tpu.memref_slice %arg5[%add3A_64, %dma_start3A_95] : memref<6272x128xf32, #tpu.memory_space<hbm>> -> memref<1x128xf32, #tpu.memory_space<hbm>>
        %dma_start3A_97 = tpu.memref_squeeze %dma_start3A_96 : memref<1x128xf32, #tpu.memory_space<hbm>> -> memref<128xf32, #tpu.memory_space<hbm>>
        tpu.enqueue_dma source(%arg12 : memref<128xf32, #tpu.memory_space<vmem>>) target(%dma_start3A_97 : memref<128xf32, #tpu.memory_space<hbm>>) target_semaphore(%run_scoped3A : memref<!tpu.dma_semaphore, #tpu.memory_space<semaphore_mem>>)
        %dma_wait3A_98 = arith.constant 0 : i32
        %dma_wait3A_99 = tpu.memref_slice %arg5[%add3A_64, %dma_wait3A_98] : memref<6272x128xf32, #tpu.memory_space<hbm>> -> memref<1x128xf32, #tpu.memory_space<hbm>>
        %dma_wait3A_100 = tpu.memref_squeeze %dma_wait3A_99 : memref<1x128xf32, #tpu.memory_space<hbm>> -> memref<128xf32, #tpu.memory_space<hbm>>
        %dma_wait3A_101 = arith.constant 0 : i32
        %dma_wait3A_102 = tpu.memref_slice %arg5[%add3A_64, %dma_wait3A_101] : memref<6272x128xf32, #tpu.memory_space<hbm>> -> memref<1x128xf32, #tpu.memory_space<hbm>>
        %dma_wait3A_103 = tpu.memref_squeeze %dma_wait3A_102 : memref<1x128xf32, #tpu.memory_space<hbm>> -> memref<128xf32, #tpu.memory_space<hbm>>
        tpu.wait_dma2 semaphore(%run_scoped3A : memref<!tpu.dma_semaphore, #tpu.memory_space<semaphore_mem>>) src(%arg12 : memref<128xf32, #tpu.memory_space<vmem>>) dst(%dma_wait3A_103 : memref<128xf32, #tpu.memory_space<hbm>>)
        tpu.yield
      }) : () -> ()
      %dma_wait3A_65 = arith.constant 0 : i32
      %dma_wait3A_66 = arith.constant 0 : i32
      %dma_wait3A_67 = tpu.memref_slice %arg2[%dma_wait3A_65, %dma_wait3A_66] : memref<50176x16xf32, #tpu.memory_space<hbm>> -> memref<128x16xf32, #tpu.memory_space<hbm>>
      %dma_wait3A_68 = arith.constant 0 : i32
      %dma_wait3A_69 = arith.constant 0 : i32
      %dma_wait3A_70 = tpu.memref_slice %arg2[%dma_wait3A_68, %dma_wait3A_69] : memref<50176x16xf32, #tpu.memory_space<hbm>> -> memref<128x16xf32, #tpu.memory_space<hbm>>
      tpu.wait_dma2 semaphore(%arg16 : memref<!tpu.dma_semaphore, #tpu.memory_space<semaphore_mem>>) src(%dma_wait3A_70 : memref<128x16xf32, #tpu.memory_space<hbm>>) dst(%arg10 : memref<128x16xf32, #tpu.memory_space<vmem>>)
      %dma_wait3A_71 = arith.constant 0 : i32
      %dma_wait3A_72 = arith.constant 0 : i32
      %dma_wait3A_73 = tpu.memref_slice %arg2[%dma_wait3A_71, %dma_wait3A_72] : memref<50176x16xf32, #tpu.memory_space<hbm>> -> memref<128x16xf32, #tpu.memory_space<hbm>>
      %dma_wait3A_74 = arith.constant 0 : i32
      %dma_wait3A_75 = arith.constant 0 : i32
      %dma_wait3A_76 = tpu.memref_slice %arg2[%dma_wait3A_74, %dma_wait3A_75] : memref<50176x16xf32, #tpu.memory_space<hbm>> -> memref<128x16xf32, #tpu.memory_space<hbm>>
      tpu.wait_dma2 semaphore(%arg17 : memref<!tpu.dma_semaphore, #tpu.memory_space<semaphore_mem>>) src(%dma_wait3A_76 : memref<128x16xf32, #tpu.memory_space<hbm>>) dst(%arg11 : memref<128x16xf32, #tpu.memory_space<vmem>>)
      %scan3A_77 = arith.constant 0 : i32
      %scan3A_78 = arith.constant 8 : i32
      %scan3A_79 = arith.addi %scan3A_77, %scan3A_78 : i32
      %scan3A_80 = arith.constant 1 : i32
      scf.for %scan3A_92 = %scan3A_77 to %scan3A_79 step %scan3A_80  : i32 {
        %mul3A_93 = arith.constant 1 : i32
        %mul3A_94 = arith.muli %scan3A_92, %mul3A_93 : i32
        %add3A_95 = arith.constant 0 : i32
        %add3A_96 = arith.addi %add3A_95, %mul3A_94 : i32
        %broadcast_in_dim3A_97 = arith.constant 0.000000e+00 : f32
        %broadcast_in_dim3A_98 = vector.broadcast %broadcast_in_dim3A_97 : f32 to vector<16xf32>
        %mul3A_99 = arith.constant 16 : i32
        %mul3A_100 = arith.muli %add3A_96, %mul3A_99 : i32
        %add3A_101 = arith.constant 0 : i32
        %add3A_102 = arith.addi %mul3A_100, %add3A_101 : i32
        %get3A = arith.index_cast %add3A_102 : i32 to index
        %get3A_103 = arith.constant 0 : index
        %get3A_104 = tpu.vector_load %arg10[%get3A, %get3A_103] {strides = array<i32>} : memref<128x16xf32, #tpu.memory_space<vmem>>, vector<1x16xf32>,
        %get3A_105 = vector.shape_cast %get3A_104 : vector<1x16xf32> to vector<16xf32>
        %get3A_106 = arith.index_cast %add3A_102 : i32 to index
        %get3A_107 = arith.constant 0 : index
        %get3A_108 = tpu.vector_load %arg11[%get3A_106, %get3A_107] {strides = array<i32>} : memref<128x16xf32, #tpu.memory_space<vmem>>, vector<1x16xf32>,
        %get3A_109 = vector.shape_cast %get3A_108 : vector<1x16xf32> to vector<16xf32>
        %sub3A = arith.subf %get3A_105, %get3A_109 : vector<16xf32>
        %mul3A_110 = arith.mulf %sub3A, %sub3A : vector<16xf32>
        %broadcast_in_dim3A_111 = vector.shape_cast %broadcast_in_dim3A_1 : vector<16xi32> to vector<16x1xi32>
        %gather3A = vector.shape_cast %broadcast_in_dim3A_111 : vector<16x1xi32> to vector<16xi32>
        %gather3A_112 = tpu.dynamic_gather %mul3A_110[%gather3A] in [0] : vector<16xf32>, vector<16xi32> -> vector<16xf32>
        %broadcast_in_dim3A_113 = vector.shape_cast %broadcast_in_dim3A_3 : vector<16xi32> to vector<16x1xi32>
        %gather3A_114 = vector.shape_cast %broadcast_in_dim3A_113 : vector<16x1xi32> to vector<16xi32>
        %gather3A_115 = tpu.dynamic_gather %mul3A_110[%gather3A_114] in [0] : vector<16xf32>, vector<16xi32> -> vector<16xf32>
        %add3A_116 = arith.addf %gather3A_112, %gather3A_115 : vector<16xf32>
        %broadcast_in_dim3A_117 = vector.shape_cast %broadcast_in_dim3A_5 : vector<16xi32> to vector<16x1xi32>
        %gather3A_118 = vector.shape_cast %broadcast_in_dim3A_117 : vector<16x1xi32> to vector<16xi32>
        %gather3A_119 = tpu.dynamic_gather %mul3A_110[%gather3A_118] in [0] : vector<16xf32>, vector<16xi32> -> vector<16xf32>
        %add3A_120 = arith.addf %add3A_116, %gather3A_119 : vector<16xf32>
        %eq3A = arith.constant 0 : i32
        %eq3A_121 = vector.broadcast %eq3A : i32 to vector<16xi32>
        %eq3A_122 = arith.cmpi eq, %iota3A, %eq3A_121 : vector<16xi32>
        %select_n3A = arith.select %eq3A_122, %add3A_120, %broadcast_in_dim3A_98 : vector<16xi1>, vector<16xf32>
        %mul3A_123 = arith.constant 16 : i32
        %mul3A_124 = arith.muli %add3A_96, %mul3A_123 : i32
        %add3A_125 = arith.constant 1 : i32
        %add3A_126 = arith.addi %mul3A_124, %add3A_125 : i32
        %get3A_127 = arith.index_cast %add3A_126 : i32 to index
        %get3A_128 = arith.constant 0 : index
        %get3A_129 = tpu.vector_load %arg10[%get3A_127, %get3A_128] {strides = array<i32>} : memref<128x16xf32, #tpu.memory_space<vmem>>, vector<1x16xf32>,
        %get3A_130 = vector.shape_cast %get3A_129 : vector<1x16xf32> to vector<16xf32>
        %get3A_131 = arith.index_cast %add3A_126 : i32 to index
        %get3A_132 = arith.constant 0 : index
        %get3A_133 = tpu.vector_load %arg11[%get3A_131, %get3A_132] {strides = array<i32>} : memref<128x16xf32, #tpu.memory_space<vmem>>, vector<1x16xf32>,
        %get3A_134 = vector.shape_cast %get3A_133 : vector<1x16xf32> to vector<16xf32>
        %sub3A_135 = arith.subf %get3A_130, %get3A_134 : vector<16xf32>
        %mul3A_136 = arith.mulf %sub3A_135, %sub3A_135 : vector<16xf32>
        %broadcast_in_dim3A_137 = vector.shape_cast %broadcast_in_dim3A_1 : vector<16xi32> to vector<16x1xi32>
        %gather3A_138 = vector.shape_cast %broadcast_in_dim3A_137 : vector<16x1xi32> to vector<16xi32>
        %gather3A_139 = tpu.dynamic_gather %mul3A_136[%gather3A_138] in [0] : vector<16xf32>, vector<16xi32> -> vector<16xf32>
        %broadcast_in_dim3A_140 = vector.shape_cast %broadcast_in_dim3A_3 : vector<16xi32> to vector<16x1xi32>
        %gather3A_141 = vector.shape_cast %broadcast_in_dim3A_140 : vector<16x1xi32> to vector<16xi32>
        %gather3A_142 = tpu.dynamic_gather %mul3A_136[%gather3A_141] in [0] : vector<16xf32>, vector<16xi32> -> vector<16xf32>
        %add3A_143 = arith.addf %gather3A_139, %gather3A_142 : vector<16xf32>
        %broadcast_in_dim3A_144 = vector.shape_cast %broadcast_in_dim3A_5 : vector<16xi32> to vector<16x1xi32>
        %gather3A_145 = vector.shape_cast %broadcast_in_dim3A_144 : vector<16x1xi32> to vector<16xi32>
        %gather3A_146 = tpu.dynamic_gather %mul3A_136[%gather3A_145] in [0] : vector<16xf32>, vector<16xi32> -> vector<16xf32>
        %add3A_147 = arith.addf %add3A_143, %gather3A_146 : vector<16xf32>
        %eq3A_148 = arith.constant 1 : i32
        %eq3A_149 = vector.broadcast %eq3A_148 : i32 to vector<16xi32>
        %eq3A_150 = arith.cmpi eq, %iota3A, %eq3A_149 : vector<16xi32>
        %select_n3A_151 = arith.select %eq3A_150, %add3A_147, %select_n3A : vector<16xi1>, vector<16xf32>
        %mul3A_152 = arith.constant 16 : i32
        %mul3A_153 = arith.muli %add3A_96, %mul3A_152 : i32
        %add3A_154 = arith.constant 2 : i32
        %add3A_155 = arith.addi %mul3A_153, %add3A_154 : i32
        %get3A_156 = arith.index_cast %add3A_155 : i32 to index
        %get3A_157 = arith.constant 0 : index
        %get3A_158 = tpu.vector_load %arg10[%get3A_156, %get3A_157] {strides = array<i32>} : memref<128x16xf32, #tpu.memory_space<vmem>>, vector<1x16xf32>,
        %get3A_159 = vector.shape_cast %get3A_158 : vector<1x16xf32> to vector<16xf32>
        %get3A_160 = arith.index_cast %add3A_155 : i32 to index
        %get3A_161 = arith.constant 0 : index
        %get3A_162 = tpu.vector_load %arg11[%get3A_160, %get3A_161] {strides = array<i32>} : memref<128x16xf32, #tpu.memory_space<vmem>>, vector<1x16xf32>,
        %get3A_163 = vector.shape_cast %get3A_162 : vector<1x16xf32> to vector<16xf32>
        %sub3A_164 = arith.subf %get3A_159, %get3A_163 : vector<16xf32>
        %mul3A_165 = arith.mulf %sub3A_164, %sub3A_164 : vector<16xf32>
        %broadcast_in_dim3A_166 = vector.shape_cast %broadcast_in_dim3A_1 : vector<16xi32> to vector<16x1xi32>
        %gather3A_167 = vector.shape_cast %broadcast_in_dim3A_166 : vector<16x1xi32> to vector<16xi32>
        %gather3A_168 = tpu.dynamic_gather %mul3A_165[%gather3A_167] in [0] : vector<16xf32>, vector<16xi32> -> vector<16xf32>
        %broadcast_in_dim3A_169 = vector.shape_cast %broadcast_in_dim3A_3 : vector<16xi32> to vector<16x1xi32>
        %gather3A_170 = vector.shape_cast %broadcast_in_dim3A_169 : vector<16x1xi32> to vector<16xi32>
        %gather3A_171 = tpu.dynamic_gather %mul3A_165[%gather3A_170] in [0] : vector<16xf32>, vector<16xi32> -> vector<16xf32>
        %add3A_172 = arith.addf %gather3A_168, %gather3A_171 : vector<16xf32>
        %broadcast_in_dim3A_173 = vector.shape_cast %broadcast_in_dim3A_5 : vector<16xi32> to vector<16x1xi32>
        %gather3A_174 = vector.shape_cast %broadcast_in_dim3A_173 : vector<16x1xi32> to vector<16xi32>
        %gather3A_175 = tpu.dynamic_gather %mul3A_165[%gather3A_174] in [0] : vector<16xf32>, vector<16xi32> -> vector<16xf32>
        %add3A_176 = arith.addf %add3A_172, %gather3A_175 : vector<16xf32>
        %eq3A_177 = arith.constant 2 : i32
        %eq3A_178 = vector.broadcast %eq3A_177 : i32 to vector<16xi32>
        %eq3A_179 = arith.cmpi eq, %iota3A, %eq3A_178 : vector<16xi32>
        %select_n3A_180 = arith.select %eq3A_179, %add3A_176, %select_n3A_151 : vector<16xi1>, vector<16xf32>
        %mul3A_181 = arith.constant 16 : i32
        %mul3A_182 = arith.muli %add3A_96, %mul3A_181 : i32
        %add3A_183 = arith.constant 3 : i32
        %add3A_184 = arith.addi %mul3A_182, %add3A_183 : i32
        %get3A_185 = arith.index_cast %add3A_184 : i32 to index
        %get3A_186 = arith.constant 0 : index
        %get3A_187 = tpu.vector_load %arg10[%get3A_185, %get3A_186] {strides = array<i32>} : memref<128x16xf32, #tpu.memory_space<vmem>>, vector<1x16xf32>,
        %get3A_188 = vector.shape_cast %get3A_187 : vector<1x16xf32> to vector<16xf32>
        %get3A_189 = arith.index_cast %add3A_184 : i32 to index
        %get3A_190 = arith.constant 0 : index
        %get3A_191 = tpu.vector_load %arg11[%get3A_189, %get3A_190] {strides = array<i32>} : memref<128x16xf32, #tpu.memory_space<vmem>>, vector<1x16xf32>,
        %get3A_192 = vector.shape_cast %get3A_191 : vector<1x16xf32> to vector<16xf32>
        %sub3A_193 = arith.subf %get3A_188, %get3A_192 : vector<16xf32>
        %mul3A_194 = arith.mulf %sub3A_193, %sub3A_193 : vector<16xf32>
        %broadcast_in_dim3A_195 = vector.shape_cast %broadcast_in_dim3A_1 : vector<16xi32> to vector<16x1xi32>
        %gather3A_196 = vector.shape_cast %broadcast_in_dim3A_195 : vector<16x1xi32> to vector<16xi32>
        %gather3A_197 = tpu.dynamic_gather %mul3A_194[%gather3A_196] in [0] : vector<16xf32>, vector<16xi32> -> vector<16xf32>
        %broadcast_in_dim3A_198 = vector.shape_cast %broadcast_in_dim3A_3 : vector<16xi32> to vector<16x1xi32>
        %gather3A_199 = vector.shape_cast %broadcast_in_dim3A_198 : vector<16x1xi32> to vector<16xi32>
        %gather3A_200 = tpu.dynamic_gather %mul3A_194[%gather3A_199] in [0] : vector<16xf32>, vector<16xi32> -> vector<16xf32>
        %add3A_201 = arith.addf %gather3A_197, %gather3A_200 : vector<16xf32>
        %broadcast_in_dim3A_202 = vector.shape_cast %broadcast_in_dim3A_5 : vector<16xi32> to vector<16x1xi32>
        %gather3A_203 = vector.shape_cast %broadcast_in_dim3A_202 : vector<16x1xi32> to vector<16xi32>
        %gather3A_204 = tpu.dynamic_gather %mul3A_194[%gather3A_203] in [0] : vector<16xf32>, vector<16xi32> -> vector<16xf32>
        %add3A_205 = arith.addf %add3A_201, %gather3A_204 : vector<16xf32>
        %eq3A_206 = arith.constant 3 : i32
        %eq3A_207 = vector.broadcast %eq3A_206 : i32 to vector<16xi32>
        %eq3A_208 = arith.cmpi eq, %iota3A, %eq3A_207 : vector<16xi32>
        %select_n3A_209 = arith.select %eq3A_208, %add3A_205, %select_n3A_180 : vector<16xi1>, vector<16xf32>
        %mul3A_210 = arith.constant 16 : i32
        %mul3A_211 = arith.muli %add3A_96, %mul3A_210 : i32
        %add3A_212 = arith.constant 4 : i32
        %add3A_213 = arith.addi %mul3A_211, %add3A_212 : i32
        %get3A_214 = arith.index_cast %add3A_213 : i32 to index
        %get3A_215 = arith.constant 0 : index
        %get3A_216 = tpu.vector_load %arg10[%get3A_214, %get3A_215] {strides = array<i32>} : memref<128x16xf32, #tpu.memory_space<vmem>>, vector<1x16xf32>,
        %get3A_217 = vector.shape_cast %get3A_216 : vector<1x16xf32> to vector<16xf32>
        %get3A_218 = arith.index_cast %add3A_213 : i32 to index
        %get3A_219 = arith.constant 0 : index
        %get3A_220 = tpu.vector_load %arg11[%get3A_218, %get3A_219] {strides = array<i32>} : memref<128x16xf32, #tpu.memory_space<vmem>>, vector<1x16xf32>,
        %get3A_221 = vector.shape_cast %get3A_220 : vector<1x16xf32> to vector<16xf32>
        %sub3A_222 = arith.subf %get3A_217, %get3A_221 : vector<16xf32>
        %mul3A_223 = arith.mulf %sub3A_222, %sub3A_222 : vector<16xf32>
        %broadcast_in_dim3A_224 = vector.shape_cast %broadcast_in_dim3A_1 : vector<16xi32> to vector<16x1xi32>
        %gather3A_225 = vector.shape_cast %broadcast_in_dim3A_224 : vector<16x1xi32> to vector<16xi32>
        %gather3A_226 = tpu.dynamic_gather %mul3A_223[%gather3A_225] in [0] : vector<16xf32>, vector<16xi32> -> vector<16xf32>
        %broadcast_in_dim3A_227 = vector.shape_cast %broadcast_in_dim3A_3 : vector<16xi32> to vector<16x1xi32>
        %gather3A_228 = vector.shape_cast %broadcast_in_dim3A_227 : vector<16x1xi32> to vector<16xi32>
        %gather3A_229 = tpu.dynamic_gather %mul3A_223[%gather3A_228] in [0] : vector<16xf32>, vector<16xi32> -> vector<16xf32>
        %add3A_230 = arith.addf %gather3A_226, %gather3A_229 : vector<16xf32>
        %broadcast_in_dim3A_231 = vector.shape_cast %broadcast_in_dim3A_5 : vector<16xi32> to vector<16x1xi32>
        %gather3A_232 = vector.shape_cast %broadcast_in_dim3A_231 : vector<16x1xi32> to vector<16xi32>
        %gather3A_233 = tpu.dynamic_gather %mul3A_223[%gather3A_232] in [0] : vector<16xf32>, vector<16xi32> -> vector<16xf32>
        %add3A_234 = arith.addf %add3A_230, %gather3A_233 : vector<16xf32>
        %eq3A_235 = arith.constant 4 : i32
        %eq3A_236 = vector.broadcast %eq3A_235 : i32 to vector<16xi32>
        %eq3A_237 = arith.cmpi eq, %iota3A, %eq3A_236 : vector<16xi32>
        %select_n3A_238 = arith.select %eq3A_237, %add3A_234, %select_n3A_209 : vector<16xi1>, vector<16xf32>
        %mul3A_239 = arith.constant 16 : i32
        %mul3A_240 = arith.muli %add3A_96, %mul3A_239 : i32
        %add3A_241 = arith.constant 5 : i32
        %add3A_242 = arith.addi %mul3A_240, %add3A_241 : i32
        %get3A_243 = arith.index_cast %add3A_242 : i32 to index
        %get3A_244 = arith.constant 0 : index
        %get3A_245 = tpu.vector_load %arg10[%get3A_243, %get3A_244] {strides = array<i32>} : memref<128x16xf32, #tpu.memory_space<vmem>>, vector<1x16xf32>,
        %get3A_246 = vector.shape_cast %get3A_245 : vector<1x16xf32> to vector<16xf32>
        %get3A_247 = arith.index_cast %add3A_242 : i32 to index
        %get3A_248 = arith.constant 0 : index
        %get3A_249 = tpu.vector_load %arg11[%get3A_247, %get3A_248] {strides = array<i32>} : memref<128x16xf32, #tpu.memory_space<vmem>>, vector<1x16xf32>,
        %get3A_250 = vector.shape_cast %get3A_249 : vector<1x16xf32> to vector<16xf32>
        %sub3A_251 = arith.subf %get3A_246, %get3A_250 : vector<16xf32>
        %mul3A_252 = arith.mulf %sub3A_251, %sub3A_251 : vector<16xf32>
        %broadcast_in_dim3A_253 = vector.shape_cast %broadcast_in_dim3A_1 : vector<16xi32> to vector<16x1xi32>
        %gather3A_254 = vector.shape_cast %broadcast_in_dim3A_253 : vector<16x1xi32> to vector<16xi32>
        %gather3A_255 = tpu.dynamic_gather %mul3A_252[%gather3A_254] in [0] : vector<16xf32>, vector<16xi32> -> vector<16xf32>
        %broadcast_in_dim3A_256 = vector.shape_cast %broadcast_in_dim3A_3 : vector<16xi32> to vector<16x1xi32>
        %gather3A_257 = vector.shape_cast %broadcast_in_dim3A_256 : vector<16x1xi32> to vector<16xi32>
        %gather3A_258 = tpu.dynamic_gather %mul3A_252[%gather3A_257] in [0] : vector<16xf32>, vector<16xi32> -> vector<16xf32>
        %add3A_259 = arith.addf %gather3A_255, %gather3A_258 : vector<16xf32>
        %broadcast_in_dim3A_260 = vector.shape_cast %broadcast_in_dim3A_5 : vector<16xi32> to vector<16x1xi32>
        %gather3A_261 = vector.shape_cast %broadcast_in_dim3A_260 : vector<16x1xi32> to vector<16xi32>
        %gather3A_262 = tpu.dynamic_gather %mul3A_252[%gather3A_261] in [0] : vector<16xf32>, vector<16xi32> -> vector<16xf32>
        %add3A_263 = arith.addf %add3A_259, %gather3A_262 : vector<16xf32>
        %eq3A_264 = arith.constant 5 : i32
        %eq3A_265 = vector.broadcast %eq3A_264 : i32 to vector<16xi32>
        %eq3A_266 = arith.cmpi eq, %iota3A, %eq3A_265 : vector<16xi32>
        %select_n3A_267 = arith.select %eq3A_266, %add3A_263, %select_n3A_238 : vector<16xi1>, vector<16xf32>
        %mul3A_268 = arith.constant 16 : i32
        %mul3A_269 = arith.muli %add3A_96, %mul3A_268 : i32
        %add3A_270 = arith.constant 6 : i32
        %add3A_271 = arith.addi %mul3A_269, %add3A_270 : i32
        %get3A_272 = arith.index_cast %add3A_271 : i32 to index
        %get3A_273 = arith.constant 0 : index
        %get3A_274 = tpu.vector_load %arg10[%get3A_272, %get3A_273] {strides = array<i32>} : memref<128x16xf32, #tpu.memory_space<vmem>>, vector<1x16xf32>,
        %get3A_275 = vector.shape_cast %get3A_274 : vector<1x16xf32> to vector<16xf32>
        %get3A_276 = arith.index_cast %add3A_271 : i32 to index
        %get3A_277 = arith.constant 0 : index
        %get3A_278 = tpu.vector_load %arg11[%get3A_276, %get3A_277] {strides = array<i32>} : memref<128x16xf32, #tpu.memory_space<vmem>>, vector<1x16xf32>,
        %get3A_279 = vector.shape_cast %get3A_278 : vector<1x16xf32> to vector<16xf32>
        %sub3A_280 = arith.subf %get3A_275, %get3A_279 : vector<16xf32>
        %mul3A_281 = arith.mulf %sub3A_280, %sub3A_280 : vector<16xf32>
        %broadcast_in_dim3A_282 = vector.shape_cast %broadcast_in_dim3A_1 : vector<16xi32> to vector<16x1xi32>
        %gather3A_283 = vector.shape_cast %broadcast_in_dim3A_282 : vector<16x1xi32> to vector<16xi32>
        %gather3A_284 = tpu.dynamic_gather %mul3A_281[%gather3A_283] in [0] : vector<16xf32>, vector<16xi32> -> vector<16xf32>
        %broadcast_in_dim3A_285 = vector.shape_cast %broadcast_in_dim3A_3 : vector<16xi32> to vector<16x1xi32>
        %gather3A_286 = vector.shape_cast %broadcast_in_dim3A_285 : vector<16x1xi32> to vector<16xi32>
        %gather3A_287 = tpu.dynamic_gather %mul3A_281[%gather3A_286] in [0] : vector<16xf32>, vector<16xi32> -> vector<16xf32>
        %add3A_288 = arith.addf %gather3A_284, %gather3A_287 : vector<16xf32>
        %broadcast_in_dim3A_289 = vector.shape_cast %broadcast_in_dim3A_5 : vector<16xi32> to vector<16x1xi32>
        %gather3A_290 = vector.shape_cast %broadcast_in_dim3A_289 : vector<16x1xi32> to vector<16xi32>
        %gather3A_291 = tpu.dynamic_gather %mul3A_281[%gather3A_290] in [0] : vector<16xf32>, vector<16xi32> -> vector<16xf32>
        %add3A_292 = arith.addf %add3A_288, %gather3A_291 : vector<16xf32>
        %eq3A_293 = arith.constant 6 : i32
        %eq3A_294 = vector.broadcast %eq3A_293 : i32 to vector<16xi32>
        %eq3A_295 = arith.cmpi eq, %iota3A, %eq3A_294 : vector<16xi32>
        %select_n3A_296 = arith.select %eq3A_295, %add3A_292, %select_n3A_267 : vector<16xi1>, vector<16xf32>
        %mul3A_297 = arith.constant 16 : i32
        %mul3A_298 = arith.muli %add3A_96, %mul3A_297 : i32
        %add3A_299 = arith.constant 7 : i32
        %add3A_300 = arith.addi %mul3A_298, %add3A_299 : i32
        %get3A_301 = arith.index_cast %add3A_300 : i32 to index
        %get3A_302 = arith.constant 0 : index
        %get3A_303 = tpu.vector_load %arg10[%get3A_301, %get3A_302] {strides = array<i32>} : memref<128x16xf32, #tpu.memory_space<vmem>>, vector<1x16xf32>,
        %get3A_304 = vector.shape_cast %get3A_303 : vector<1x16xf32> to vector<16xf32>
        %get3A_305 = arith.index_cast %add3A_300 : i32 to index
        %get3A_306 = arith.constant 0 : index
        %get3A_307 = tpu.vector_load %arg11[%get3A_305, %get3A_306] {strides = array<i32>} : memref<128x16xf32, #tpu.memory_space<vmem>>, vector<1x16xf32>,
        %get3A_308 = vector.shape_cast %get3A_307 : vector<1x16xf32> to vector<16xf32>
        %sub3A_309 = arith.subf %get3A_304, %get3A_308 : vector<16xf32>
        %mul3A_310 = arith.mulf %sub3A_309, %sub3A_309 : vector<16xf32>
        %broadcast_in_dim3A_311 = vector.shape_cast %broadcast_in_dim3A_1 : vector<16xi32> to vector<16x1xi32>
        %gather3A_312 = vector.shape_cast %broadcast_in_dim3A_311 : vector<16x1xi32> to vector<16xi32>
        %gather3A_313 = tpu.dynamic_gather %mul3A_310[%gather3A_312] in [0] : vector<16xf32>, vector<16xi32> -> vector<16xf32>
        %broadcast_in_dim3A_314 = vector.shape_cast %broadcast_in_dim3A_3 : vector<16xi32> to vector<16x1xi32>
        %gather3A_315 = vector.shape_cast %broadcast_in_dim3A_314 : vector<16x1xi32> to vector<16xi32>
        %gather3A_316 = tpu.dynamic_gather %mul3A_310[%gather3A_315] in [0] : vector<16xf32>, vector<16xi32> -> vector<16xf32>
        %add3A_317 = arith.addf %gather3A_313, %gather3A_316 : vector<16xf32>
        %broadcast_in_dim3A_318 = vector.shape_cast %broadcast_in_dim3A_5 : vector<16xi32> to vector<16x1xi32>
        %gather3A_319 = vector.shape_cast %broadcast_in_dim3A_318 : vector<16x1xi32> to vector<16xi32>
        %gather3A_320 = tpu.dynamic_gather %mul3A_310[%gather3A_319] in [0] : vector<16xf32>, vector<16xi32> -> vector<16xf32>
        %add3A_321 = arith.addf %add3A_317, %gather3A_320 : vector<16xf32>
        %eq3A_322 = arith.constant 7 : i32
        %eq3A_323 = vector.broadcast %eq3A_322 : i32 to vector<16xi32>
        %eq3A_324 = arith.cmpi eq, %iota3A, %eq3A_323 : vector<16xi32>
        %select_n3A_325 = arith.select %eq3A_324, %add3A_321, %select_n3A_296 : vector<16xi1>, vector<16xf32>
        %mul3A_326 = arith.constant 16 : i32
        %mul3A_327 = arith.muli %add3A_96, %mul3A_326 : i32
        %add3A_328 = arith.constant 8 : i32
        %add3A_329 = arith.addi %mul3A_327, %add3A_328 : i32
        %get3A_330 = arith.index_cast %add3A_329 : i32 to index
        %get3A_331 = arith.constant 0 : index
        %get3A_332 = tpu.vector_load %arg10[%get3A_330, %get3A_331] {strides = array<i32>} : memref<128x16xf32, #tpu.memory_space<vmem>>, vector<1x16xf32>,
        %get3A_333 = vector.shape_cast %get3A_332 : vector<1x16xf32> to vector<16xf32>
        %get3A_334 = arith.index_cast %add3A_329 : i32 to index
        %get3A_335 = arith.constant 0 : index
        %get3A_336 = tpu.vector_load %arg11[%get3A_334, %get3A_335] {strides = array<i32>} : memref<128x16xf32, #tpu.memory_space<vmem>>, vector<1x16xf32>,
        %get3A_337 = vector.shape_cast %get3A_336 : vector<1x16xf32> to vector<16xf32>
        %sub3A_338 = arith.subf %get3A_333, %get3A_337 : vector<16xf32>
        %mul3A_339 = arith.mulf %sub3A_338, %sub3A_338 : vector<16xf32>
        %broadcast_in_dim3A_340 = vector.shape_cast %broadcast_in_dim3A_1 : vector<16xi32> to vector<16x1xi32>
        %gather3A_341 = vector.shape_cast %broadcast_in_dim3A_340 : vector<16x1xi32> to vector<16xi32>
        %gather3A_342 = tpu.dynamic_gather %mul3A_339[%gather3A_341] in [0] : vector<16xf32>, vector<16xi32> -> vector<16xf32>
        %broadcast_in_dim3A_343 = vector.shape_cast %broadcast_in_dim3A_3 : vector<16xi32> to vector<16x1xi32>
        %gather3A_344 = vector.shape_cast %broadcast_in_dim3A_343 : vector<16x1xi32> to vector<16xi32>
        %gather3A_345 = tpu.dynamic_gather %mul3A_339[%gather3A_344] in [0] : vector<16xf32>, vector<16xi32> -> vector<16xf32>
        %add3A_346 = arith.addf %gather3A_342, %gather3A_345 : vector<16xf32>
        %broadcast_in_dim3A_347 = vector.shape_cast %broadcast_in_dim3A_5 : vector<16xi32> to vector<16x1xi32>
        %gather3A_348 = vector.shape_cast %broadcast_in_dim3A_347 : vector<16x1xi32> to vector<16xi32>
        %gather3A_349 = tpu.dynamic_gather %mul3A_339[%gather3A_348] in [0] : vector<16xf32>, vector<16xi32> -> vector<16xf32>
        %add3A_350 = arith.addf %add3A_346, %gather3A_349 : vector<16xf32>
        %eq3A_351 = arith.constant 8 : i32
        %eq3A_352 = vector.broadcast %eq3A_351 : i32 to vector<16xi32>
        %eq3A_353 = arith.cmpi eq, %iota3A, %eq3A_352 : vector<16xi32>
        %select_n3A_354 = arith.select %eq3A_353, %add3A_350, %select_n3A_325 : vector<16xi1>, vector<16xf32>
        %mul3A_355 = arith.constant 16 : i32
        %mul3A_356 = arith.muli %add3A_96, %mul3A_355 : i32
        %add3A_357 = arith.constant 9 : i32
        %add3A_358 = arith.addi %mul3A_356, %add3A_357 : i32
        %get3A_359 = arith.index_cast %add3A_358 : i32 to index
        %get3A_360 = arith.constant 0 : index
        %get3A_361 = tpu.vector_load %arg10[%get3A_359, %get3A_360] {strides = array<i32>} : memref<128x16xf32, #tpu.memory_space<vmem>>, vector<1x16xf32>,
        %get3A_362 = vector.shape_cast %get3A_361 : vector<1x16xf32> to vector<16xf32>
        %get3A_363 = arith.index_cast %add3A_358 : i32 to index
        %get3A_364 = arith.constant 0 : index
        %get3A_365 = tpu.vector_load %arg11[%get3A_363, %get3A_364] {strides = array<i32>} : memref<128x16xf32, #tpu.memory_space<vmem>>, vector<1x16xf32>,
        %get3A_366 = vector.shape_cast %get3A_365 : vector<1x16xf32> to vector<16xf32>
        %sub3A_367 = arith.subf %get3A_362, %get3A_366 : vector<16xf32>
        %mul3A_368 = arith.mulf %sub3A_367, %sub3A_367 : vector<16xf32>
        %broadcast_in_dim3A_369 = vector.shape_cast %broadcast_in_dim3A_1 : vector<16xi32> to vector<16x1xi32>
        %gather3A_370 = vector.shape_cast %broadcast_in_dim3A_369 : vector<16x1xi32> to vector<16xi32>
        %gather3A_371 = tpu.dynamic_gather %mul3A_368[%gather3A_370] in [0] : vector<16xf32>, vector<16xi32> -> vector<16xf32>
        %broadcast_in_dim3A_372 = vector.shape_cast %broadcast_in_dim3A_3 : vector<16xi32> to vector<16x1xi32>
        %gather3A_373 = vector.shape_cast %broadcast_in_dim3A_372 : vector<16x1xi32> to vector<16xi32>
        %gather3A_374 = tpu.dynamic_gather %mul3A_368[%gather3A_373] in [0] : vector<16xf32>, vector<16xi32> -> vector<16xf32>
        %add3A_375 = arith.addf %gather3A_371, %gather3A_374 : vector<16xf32>
        %broadcast_in_dim3A_376 = vector.shape_cast %broadcast_in_dim3A_5 : vector<16xi32> to vector<16x1xi32>
        %gather3A_377 = vector.shape_cast %broadcast_in_dim3A_376 : vector<16x1xi32> to vector<16xi32>
        %gather3A_378 = tpu.dynamic_gather %mul3A_368[%gather3A_377] in [0] : vector<16xf32>, vector<16xi32> -> vector<16xf32>
        %add3A_379 = arith.addf %add3A_375, %gather3A_378 : vector<16xf32>
        %eq3A_380 = arith.constant 9 : i32
        %eq3A_381 = vector.broadcast %eq3A_380 : i32 to vector<16xi32>
        %eq3A_382 = arith.cmpi eq, %iota3A, %eq3A_381 : vector<16xi32>
        %select_n3A_383 = arith.select %eq3A_382, %add3A_379, %select_n3A_354 : vector<16xi1>, vector<16xf32>
        %mul3A_384 = arith.constant 16 : i32
        %mul3A_385 = arith.muli %add3A_96, %mul3A_384 : i32
        %add3A_386 = arith.constant 10 : i32
        %add3A_387 = arith.addi %mul3A_385, %add3A_386 : i32
        %get3A_388 = arith.index_cast %add3A_387 : i32 to index
        %get3A_389 = arith.constant 0 : index
        %get3A_390 = tpu.vector_load %arg10[%get3A_388, %get3A_389] {strides = array<i32>} : memref<128x16xf32, #tpu.memory_space<vmem>>, vector<1x16xf32>,
        %get3A_391 = vector.shape_cast %get3A_390 : vector<1x16xf32> to vector<16xf32>
        %get3A_392 = arith.index_cast %add3A_387 : i32 to index
        %get3A_393 = arith.constant 0 : index
        %get3A_394 = tpu.vector_load %arg11[%get3A_392, %get3A_393] {strides = array<i32>} : memref<128x16xf32, #tpu.memory_space<vmem>>, vector<1x16xf32>,
        %get3A_395 = vector.shape_cast %get3A_394 : vector<1x16xf32> to vector<16xf32>
        %sub3A_396 = arith.subf %get3A_391, %get3A_395 : vector<16xf32>
        %mul3A_397 = arith.mulf %sub3A_396, %sub3A_396 : vector<16xf32>
        %broadcast_in_dim3A_398 = vector.shape_cast %broadcast_in_dim3A_1 : vector<16xi32> to vector<16x1xi32>
        %gather3A_399 = vector.shape_cast %broadcast_in_dim3A_398 : vector<16x1xi32> to vector<16xi32>
        %gather3A_400 = tpu.dynamic_gather %mul3A_397[%gather3A_399] in [0] : vector<16xf32>, vector<16xi32> -> vector<16xf32>
        %broadcast_in_dim3A_401 = vector.shape_cast %broadcast_in_dim3A_3 : vector<16xi32> to vector<16x1xi32>
        %gather3A_402 = vector.shape_cast %broadcast_in_dim3A_401 : vector<16x1xi32> to vector<16xi32>
        %gather3A_403 = tpu.dynamic_gather %mul3A_397[%gather3A_402] in [0] : vector<16xf32>, vector<16xi32> -> vector<16xf32>
        %add3A_404 = arith.addf %gather3A_400, %gather3A_403 : vector<16xf32>
        %broadcast_in_dim3A_405 = vector.shape_cast %broadcast_in_dim3A_5 : vector<16xi32> to vector<16x1xi32>
        %gather3A_406 = vector.shape_cast %broadcast_in_dim3A_405 : vector<16x1xi32> to vector<16xi32>
        %gather3A_407 = tpu.dynamic_gather %mul3A_397[%gather3A_406] in [0] : vector<16xf32>, vector<16xi32> -> vector<16xf32>
        %add3A_408 = arith.addf %add3A_404, %gather3A_407 : vector<16xf32>
        %eq3A_409 = arith.constant 10 : i32
        %eq3A_410 = vector.broadcast %eq3A_409 : i32 to vector<16xi32>
        %eq3A_411 = arith.cmpi eq, %iota3A, %eq3A_410 : vector<16xi32>
        %select_n3A_412 = arith.select %eq3A_411, %add3A_408, %select_n3A_383 : vector<16xi1>, vector<16xf32>
        %mul3A_413 = arith.constant 16 : i32
        %mul3A_414 = arith.muli %add3A_96, %mul3A_413 : i32
        %add3A_415 = arith.constant 11 : i32
        %add3A_416 = arith.addi %mul3A_414, %add3A_415 : i32
        %get3A_417 = arith.index_cast %add3A_416 : i32 to index
        %get3A_418 = arith.constant 0 : index
        %get3A_419 = tpu.vector_load %arg10[%get3A_417, %get3A_418] {strides = array<i32>} : memref<128x16xf32, #tpu.memory_space<vmem>>, vector<1x16xf32>,
        %get3A_420 = vector.shape_cast %get3A_419 : vector<1x16xf32> to vector<16xf32>
        %get3A_421 = arith.index_cast %add3A_416 : i32 to index
        %get3A_422 = arith.constant 0 : index
        %get3A_423 = tpu.vector_load %arg11[%get3A_421, %get3A_422] {strides = array<i32>} : memref<128x16xf32, #tpu.memory_space<vmem>>, vector<1x16xf32>,
        %get3A_424 = vector.shape_cast %get3A_423 : vector<1x16xf32> to vector<16xf32>
        %sub3A_425 = arith.subf %get3A_420, %get3A_424 : vector<16xf32>
        %mul3A_426 = arith.mulf %sub3A_425, %sub3A_425 : vector<16xf32>
        %broadcast_in_dim3A_427 = vector.shape_cast %broadcast_in_dim3A_1 : vector<16xi32> to vector<16x1xi32>
        %gather3A_428 = vector.shape_cast %broadcast_in_dim3A_427 : vector<16x1xi32> to vector<16xi32>
        %gather3A_429 = tpu.dynamic_gather %mul3A_426[%gather3A_428] in [0] : vector<16xf32>, vector<16xi32> -> vector<16xf32>
        %broadcast_in_dim3A_430 = vector.shape_cast %broadcast_in_dim3A_3 : vector<16xi32> to vector<16x1xi32>
        %gather3A_431 = vector.shape_cast %broadcast_in_dim3A_430 : vector<16x1xi32> to vector<16xi32>
        %gather3A_432 = tpu.dynamic_gather %mul3A_426[%gather3A_431] in [0] : vector<16xf32>, vector<16xi32> -> vector<16xf32>
        %add3A_433 = arith.addf %gather3A_429, %gather3A_432 : vector<16xf32>
        %broadcast_in_dim3A_434 = vector.shape_cast %broadcast_in_dim3A_5 : vector<16xi32> to vector<16x1xi32>
        %gather3A_435 = vector.shape_cast %broadcast_in_dim3A_434 : vector<16x1xi32> to vector<16xi32>
        %gather3A_436 = tpu.dynamic_gather %mul3A_426[%gather3A_435] in [0] : vector<16xf32>, vector<16xi32> -> vector<16xf32>
        %add3A_437 = arith.addf %add3A_433, %gather3A_436 : vector<16xf32>
        %eq3A_438 = arith.constant 11 : i32
        %eq3A_439 = vector.broadcast %eq3A_438 : i32 to vector<16xi32>
        %eq3A_440 = arith.cmpi eq, %iota3A, %eq3A_439 : vector<16xi32>
        %select_n3A_441 = arith.select %eq3A_440, %add3A_437, %select_n3A_412 : vector<16xi1>, vector<16xf32>
        %mul3A_442 = arith.constant 16 : i32
        %mul3A_443 = arith.muli %add3A_96, %mul3A_442 : i32
        %add3A_444 = arith.constant 12 : i32
        %add3A_445 = arith.addi %mul3A_443, %add3A_444 : i32
        %get3A_446 = arith.index_cast %add3A_445 : i32 to index
        %get3A_447 = arith.constant 0 : index
        %get3A_448 = tpu.vector_load %arg10[%get3A_446, %get3A_447] {strides = array<i32>} : memref<128x16xf32, #tpu.memory_space<vmem>>, vector<1x16xf32>,
        %get3A_449 = vector.shape_cast %get3A_448 : vector<1x16xf32> to vector<16xf32>
        %get3A_450 = arith.index_cast %add3A_445 : i32 to index
        %get3A_451 = arith.constant 0 : index
        %get3A_452 = tpu.vector_load %arg11[%get3A_450, %get3A_451] {strides = array<i32>} : memref<128x16xf32, #tpu.memory_space<vmem>>, vector<1x16xf32>,
        %get3A_453 = vector.shape_cast %get3A_452 : vector<1x16xf32> to vector<16xf32>
        %sub3A_454 = arith.subf %get3A_449, %get3A_453 : vector<16xf32>
        %mul3A_455 = arith.mulf %sub3A_454, %sub3A_454 : vector<16xf32>
        %broadcast_in_dim3A_456 = vector.shape_cast %broadcast_in_dim3A_1 : vector<16xi32> to vector<16x1xi32>
        %gather3A_457 = vector.shape_cast %broadcast_in_dim3A_456 : vector<16x1xi32> to vector<16xi32>
        %gather3A_458 = tpu.dynamic_gather %mul3A_455[%gather3A_457] in [0] : vector<16xf32>, vector<16xi32> -> vector<16xf32>
        %broadcast_in_dim3A_459 = vector.shape_cast %broadcast_in_dim3A_3 : vector<16xi32> to vector<16x1xi32>
        %gather3A_460 = vector.shape_cast %broadcast_in_dim3A_459 : vector<16x1xi32> to vector<16xi32>
        %gather3A_461 = tpu.dynamic_gather %mul3A_455[%gather3A_460] in [0] : vector<16xf32>, vector<16xi32> -> vector<16xf32>
        %add3A_462 = arith.addf %gather3A_458, %gather3A_461 : vector<16xf32>
        %broadcast_in_dim3A_463 = vector.shape_cast %broadcast_in_dim3A_5 : vector<16xi32> to vector<16x1xi32>
        %gather3A_464 = vector.shape_cast %broadcast_in_dim3A_463 : vector<16x1xi32> to vector<16xi32>
        %gather3A_465 = tpu.dynamic_gather %mul3A_455[%gather3A_464] in [0] : vector<16xf32>, vector<16xi32> -> vector<16xf32>
        %add3A_466 = arith.addf %add3A_462, %gather3A_465 : vector<16xf32>
        %eq3A_467 = arith.constant 12 : i32
        %eq3A_468 = vector.broadcast %eq3A_467 : i32 to vector<16xi32>
        %eq3A_469 = arith.cmpi eq, %iota3A, %eq3A_468 : vector<16xi32>
        %select_n3A_470 = arith.select %eq3A_469, %add3A_466, %select_n3A_441 : vector<16xi1>, vector<16xf32>
        %mul3A_471 = arith.constant 16 : i32
        %mul3A_472 = arith.muli %add3A_96, %mul3A_471 : i32
        %add3A_473 = arith.constant 13 : i32
        %add3A_474 = arith.addi %mul3A_472, %add3A_473 : i32
        %get3A_475 = arith.index_cast %add3A_474 : i32 to index
        %get3A_476 = arith.constant 0 : index
        %get3A_477 = tpu.vector_load %arg10[%get3A_475, %get3A_476] {strides = array<i32>} : memref<128x16xf32, #tpu.memory_space<vmem>>, vector<1x16xf32>,
        %get3A_478 = vector.shape_cast %get3A_477 : vector<1x16xf32> to vector<16xf32>
        %get3A_479 = arith.index_cast %add3A_474 : i32 to index
        %get3A_480 = arith.constant 0 : index
        %get3A_481 = tpu.vector_load %arg11[%get3A_479, %get3A_480] {strides = array<i32>} : memref<128x16xf32, #tpu.memory_space<vmem>>, vector<1x16xf32>,
        %get3A_482 = vector.shape_cast %get3A_481 : vector<1x16xf32> to vector<16xf32>
        %sub3A_483 = arith.subf %get3A_478, %get3A_482 : vector<16xf32>
        %mul3A_484 = arith.mulf %sub3A_483, %sub3A_483 : vector<16xf32>
        %broadcast_in_dim3A_485 = vector.shape_cast %broadcast_in_dim3A_1 : vector<16xi32> to vector<16x1xi32>
        %gather3A_486 = vector.shape_cast %broadcast_in_dim3A_485 : vector<16x1xi32> to vector<16xi32>
        %gather3A_487 = tpu.dynamic_gather %mul3A_484[%gather3A_486] in [0] : vector<16xf32>, vector<16xi32> -> vector<16xf32>
        %broadcast_in_dim3A_488 = vector.shape_cast %broadcast_in_dim3A_3 : vector<16xi32> to vector<16x1xi32>
        %gather3A_489 = vector.shape_cast %broadcast_in_dim3A_488 : vector<16x1xi32> to vector<16xi32>
        %gather3A_490 = tpu.dynamic_gather %mul3A_484[%gather3A_489] in [0] : vector<16xf32>, vector<16xi32> -> vector<16xf32>
        %add3A_491 = arith.addf %gather3A_487, %gather3A_490 : vector<16xf32>
        %broadcast_in_dim3A_492 = vector.shape_cast %broadcast_in_dim3A_5 : vector<16xi32> to vector<16x1xi32>
        %gather3A_493 = vector.shape_cast %broadcast_in_dim3A_492 : vector<16x1xi32> to vector<16xi32>
        %gather3A_494 = tpu.dynamic_gather %mul3A_484[%gather3A_493] in [0] : vector<16xf32>, vector<16xi32> -> vector<16xf32>
        %add3A_495 = arith.addf %add3A_491, %gather3A_494 : vector<16xf32>
        %eq3A_496 = arith.constant 13 : i32
        %eq3A_497 = vector.broadcast %eq3A_496 : i32 to vector<16xi32>
        %eq3A_498 = arith.cmpi eq, %iota3A, %eq3A_497 : vector<16xi32>
        %select_n3A_499 = arith.select %eq3A_498, %add3A_495, %select_n3A_470 : vector<16xi1>, vector<16xf32>
        %mul3A_500 = arith.constant 16 : i32
        %mul3A_501 = arith.muli %add3A_96, %mul3A_500 : i32
        %add3A_502 = arith.constant 14 : i32
        %add3A_503 = arith.addi %mul3A_501, %add3A_502 : i32
        %get3A_504 = arith.index_cast %add3A_503 : i32 to index
        %get3A_505 = arith.constant 0 : index
        %get3A_506 = tpu.vector_load %arg10[%get3A_504, %get3A_505] {strides = array<i32>} : memref<128x16xf32, #tpu.memory_space<vmem>>, vector<1x16xf32>,
        %get3A_507 = vector.shape_cast %get3A_506 : vector<1x16xf32> to vector<16xf32>
        %get3A_508 = arith.index_cast %add3A_503 : i32 to index
        %get3A_509 = arith.constant 0 : index
        %get3A_510 = tpu.vector_load %arg11[%get3A_508, %get3A_509] {strides = array<i32>} : memref<128x16xf32, #tpu.memory_space<vmem>>, vector<1x16xf32>,
        %get3A_511 = vector.shape_cast %get3A_510 : vector<1x16xf32> to vector<16xf32>
        %sub3A_512 = arith.subf %get3A_507, %get3A_511 : vector<16xf32>
        %mul3A_513 = arith.mulf %sub3A_512, %sub3A_512 : vector<16xf32>
        %broadcast_in_dim3A_514 = vector.shape_cast %broadcast_in_dim3A_1 : vector<16xi32> to vector<16x1xi32>
        %gather3A_515 = vector.shape_cast %broadcast_in_dim3A_514 : vector<16x1xi32> to vector<16xi32>
        %gather3A_516 = tpu.dynamic_gather %mul3A_513[%gather3A_515] in [0] : vector<16xf32>, vector<16xi32> -> vector<16xf32>
        %broadcast_in_dim3A_517 = vector.shape_cast %broadcast_in_dim3A_3 : vector<16xi32> to vector<16x1xi32>
        %gather3A_518 = vector.shape_cast %broadcast_in_dim3A_517 : vector<16x1xi32> to vector<16xi32>
        %gather3A_519 = tpu.dynamic_gather %mul3A_513[%gather3A_518] in [0] : vector<16xf32>, vector<16xi32> -> vector<16xf32>
        %add3A_520 = arith.addf %gather3A_516, %gather3A_519 : vector<16xf32>
        %broadcast_in_dim3A_521 = vector.shape_cast %broadcast_in_dim3A_5 : vector<16xi32> to vector<16x1xi32>
        %gather3A_522 = vector.shape_cast %broadcast_in_dim3A_521 : vector<16x1xi32> to vector<16xi32>
        %gather3A_523 = tpu.dynamic_gather %mul3A_513[%gather3A_522] in [0] : vector<16xf32>, vector<16xi32> -> vector<16xf32>
        %add3A_524 = arith.addf %add3A_520, %gather3A_523 : vector<16xf32>
        %eq3A_525 = arith.constant 14 : i32
        %eq3A_526 = vector.broadcast %eq3A_525 : i32 to vector<16xi32>
        %eq3A_527 = arith.cmpi eq, %iota3A, %eq3A_526 : vector<16xi32>
        %select_n3A_528 = arith.select %eq3A_527, %add3A_524, %select_n3A_499 : vector<16xi1>, vector<16xf32>
        %mul3A_529 = arith.constant 16 : i32
        %mul3A_530 = arith.muli %add3A_96, %mul3A_529 : i32
        %add3A_531 = arith.constant 15 : i32
        %add3A_532 = arith.addi %mul3A_530, %add3A_531 : i32
        %get3A_533 = arith.index_cast %add3A_532 : i32 to index
        %get3A_534 = arith.constant 0 : index
        %get3A_535 = tpu.vector_load %arg10[%get3A_533, %get3A_534] {strides = array<i32>} : memref<128x16xf32, #tpu.memory_space<vmem>>, vector<1x16xf32>,
        %get3A_536 = vector.shape_cast %get3A_535 : vector<1x16xf32> to vector<16xf32>
        %get3A_537 = arith.index_cast %add3A_532 : i32 to index
        %get3A_538 = arith.constant 0 : index
        %get3A_539 = tpu.vector_load %arg11[%get3A_537, %get3A_538] {strides = array<i32>} : memref<128x16xf32, #tpu.memory_space<vmem>>, vector<1x16xf32>,
        %get3A_540 = vector.shape_cast %get3A_539 : vector<1x16xf32> to vector<16xf32>
        %sub3A_541 = arith.subf %get3A_536, %get3A_540 : vector<16xf32>
        %mul3A_542 = arith.mulf %sub3A_541, %sub3A_541 : vector<16xf32>
        %broadcast_in_dim3A_543 = vector.shape_cast %broadcast_in_dim3A_1 : vector<16xi32> to vector<16x1xi32>
        %gather3A_544 = vector.shape_cast %broadcast_in_dim3A_543 : vector<16x1xi32> to vector<16xi32>
        %gather3A_545 = tpu.dynamic_gather %mul3A_542[%gather3A_544] in [0] : vector<16xf32>, vector<16xi32> -> vector<16xf32>
        %broadcast_in_dim3A_546 = vector.shape_cast %broadcast_in_dim3A_3 : vector<16xi32> to vector<16x1xi32>
        %gather3A_547 = vector.shape_cast %broadcast_in_dim3A_546 : vector<16x1xi32> to vector<16xi32>
        %gather3A_548 = tpu.dynamic_gather %mul3A_542[%gather3A_547] in [0] : vector<16xf32>, vector<16xi32> -> vector<16xf32>
        %add3A_549 = arith.addf %gather3A_545, %gather3A_548 : vector<16xf32>
        %broadcast_in_dim3A_550 = vector.shape_cast %broadcast_in_dim3A_5 : vector<16xi32> to vector<16x1xi32>
        %gather3A_551 = vector.shape_cast %broadcast_in_dim3A_550 : vector<16x1xi32> to vector<16xi32>
        %gather3A_552 = tpu.dynamic_gather %mul3A_542[%gather3A_551] in [0] : vector<16xf32>, vector<16xi32> -> vector<16xf32>
        %add3A_553 = arith.addf %add3A_549, %gather3A_552 : vector<16xf32>
        %eq3A_554 = arith.constant 15 : i32
        %eq3A_555 = vector.broadcast %eq3A_554 : i32 to vector<16xi32>
        %eq3A_556 = arith.cmpi eq, %iota3A, %eq3A_555 : vector<16xi32>
        %select_n3A_557 = arith.select %eq3A_556, %add3A_553, %select_n3A_528 : vector<16xi1>, vector<16xf32>
        %mul3A_558 = arith.constant 16 : i32
        %mul3A_559 = arith.muli %add3A_96, %mul3A_558 : i32
        %swap3A = arith.index_cast %mul3A_559 : i32 to index
        %swap3A_560 = tpu.vector_load %arg13[%swap3A] {strides = array<i32>} : memref<128xf32, #tpu.memory_space<vmem>>, vector<16xf32>,
        %swap3A_561 = vector.shape_cast %swap3A_560 : vector<16xf32> to vector<16xf32>
        %swap3A_562 = vector.shape_cast %select_n3A_557 : vector<16xf32> to vector<16xf32>
        tpu.vector_store %arg13[%swap3A], %swap3A_562 {strides = array<i32>} : memref<128xf32, #tpu.memory_space<vmem>>, vector<16xf32>,
      }
      %scan3A_81 = arith.constant 8 : i32
      %lt3A_82 = arith.constant 97 : i32
      %lt3A_83 = arith.cmpi slt, %add3A_41, %lt3A_82 : i32
      %convert_element_type3A_84 = arith.extui %lt3A_83 : i1 to i32
      %cond3A_85 = arith.constant 0 : i32
      %cond3A_86 = arith.cmpi ne, %convert_element_type3A_84, %cond3A_85 : i32
      scf.if %cond3A_86 {
        %add3A_92 = arith.constant 3 : i32
        %add3A_93 = arith.addi %mul3A_43, %add3A_92 : i32
        %dma_start3A_94 = arith.constant 0 : i32
        %dma_start3A_95 = tpu.memref_slice %arg6[%add3A_93, %dma_start3A_94] : memref<196x128xi32, #tpu.memory_space<vmem>> -> memref<1x128xi32, #tpu.memory_space<vmem>>
        %dma_start3A_96 = tpu.memref_squeeze %dma_start3A_95 : memref<1x128xi32, #tpu.memory_space<vmem>> -> memref<128xi32, #tpu.memory_space<vmem>>
        %dma_start3A_97 = arith.constant 0 : i32
        %dma_start3A_98 = arith.constant 0 : i32
        %dma_start3A_99 = tpu.memref_slice %arg2[%dma_start3A_97, %dma_start3A_98] : memref<50176x16xf32, #tpu.memory_space<hbm>> -> memref<50176x16xf32, #tpu.memory_space<hbm>>
        tpu.enqueue_indirect_dma source(%dma_start3A_99 : memref<50176x16xf32, #tpu.memory_space<hbm>>) target(%arg10 : memref<128x16xf32, #tpu.memory_space<vmem>>) offsets(%dma_start3A_96 : memref<128xi32, #tpu.memory_space<vmem>>) semaphore(%arg16 : memref<!tpu.dma_semaphore, #tpu.memory_space<semaphore_mem>>)
        %dma_start3A_100 = arith.constant 0 : i32
        %dma_start3A_101 = tpu.memref_slice %arg7[%add3A_93, %dma_start3A_100] : memref<196x128xi32, #tpu.memory_space<vmem>> -> memref<1x128xi32, #tpu.memory_space<vmem>>
        %dma_start3A_102 = tpu.memref_squeeze %dma_start3A_101 : memref<1x128xi32, #tpu.memory_space<vmem>> -> memref<128xi32, #tpu.memory_space<vmem>>
        %dma_start3A_103 = arith.constant 0 : i32
        %dma_start3A_104 = arith.constant 0 : i32
        %dma_start3A_105 = tpu.memref_slice %arg2[%dma_start3A_103, %dma_start3A_104] : memref<50176x16xf32, #tpu.memory_space<hbm>> -> memref<50176x16xf32, #tpu.memory_space<hbm>>
        tpu.enqueue_indirect_dma source(%dma_start3A_105 : memref<50176x16xf32, #tpu.memory_space<hbm>>) target(%arg11 : memref<128x16xf32, #tpu.memory_space<vmem>>) offsets(%dma_start3A_102 : memref<128xi32, #tpu.memory_space<vmem>>) semaphore(%arg17 : memref<!tpu.dma_semaphore, #tpu.memory_space<semaphore_mem>>)
      } else {
      }
      %mul3A_87 = arith.constant 196 : i32
      %mul3A_88 = arith.muli %add3A, %mul3A_87 : i32
      %add3A_89 = arith.addi %mul3A_88, %mul3A_43 : i32
      %add3A_90 = arith.constant 1 : i32
      %add3A_91 = arith.addi %add3A_89, %add3A_90 : i32
      "tpu.region"() ({
        %run_scoped3A = tpu.sem_alloc : memref<!tpu.dma_semaphore, #tpu.memory_space<semaphore_mem>>
        %dma_start3A_92 = arith.constant 0 : i32
        %dma_start3A_93 = tpu.memref_slice %arg5[%add3A_91, %dma_start3A_92] : memref<6272x128xf32, #tpu.memory_space<hbm>> -> memref<1x128xf32, #tpu.memory_space<hbm>>
        %dma_start3A_94 = tpu.memref_squeeze %dma_start3A_93 : memref<1x128xf32, #tpu.memory_space<hbm>> -> memref<128xf32, #tpu.memory_space<hbm>>
        %dma_start3A_95 = arith.constant 0 : i32
        %dma_start3A_96 = tpu.memref_slice %arg5[%add3A_91, %dma_start3A_95] : memref<6272x128xf32, #tpu.memory_space<hbm>> -> memref<1x128xf32, #tpu.memory_space<hbm>>
        %dma_start3A_97 = tpu.memref_squeeze %dma_start3A_96 : memref<1x128xf32, #tpu.memory_space<hbm>> -> memref<128xf32, #tpu.memory_space<hbm>>
        tpu.enqueue_dma source(%arg13 : memref<128xf32, #tpu.memory_space<vmem>>) target(%dma_start3A_97 : memref<128xf32, #tpu.memory_space<hbm>>) target_semaphore(%run_scoped3A : memref<!tpu.dma_semaphore, #tpu.memory_space<semaphore_mem>>)
        %dma_wait3A_98 = arith.constant 0 : i32
        %dma_wait3A_99 = tpu.memref_slice %arg5[%add3A_91, %dma_wait3A_98] : memref<6272x128xf32, #tpu.memory_space<hbm>> -> memref<1x128xf32, #tpu.memory_space<hbm>>
        %dma_wait3A_100 = tpu.memref_squeeze %dma_wait3A_99 : memref<1x128xf32, #tpu.memory_space<hbm>> -> memref<128xf32, #tpu.memory_space<hbm>>
        %dma_wait3A_101 = arith.constant 0 : i32
        %dma_wait3A_102 = tpu.memref_slice %arg5[%add3A_91, %dma_wait3A_101] : memref<6272x128xf32, #tpu.memory_space<hbm>> -> memref<1x128xf32, #tpu.memory_space<hbm>>
        %dma_wait3A_103 = tpu.memref_squeeze %dma_wait3A_102 : memref<1x128xf32, #tpu.memory_space<hbm>> -> memref<128xf32, #tpu.memory_space<hbm>>
        tpu.wait_dma2 semaphore(%run_scoped3A : memref<!tpu.dma_semaphore, #tpu.memory_space<semaphore_mem>>) src(%arg13 : memref<128xf32, #tpu.memory_space<vmem>>) dst(%dma_wait3A_103 : memref<128xf32, #tpu.memory_space<hbm>>)
        tpu.yield
      }) : () -> ()
    }
    %scan3A_36 = arith.constant 98 : i32
    return
  }
}

#map = affine_map<(d0, d1) -> (0, 0)>
#map1 = affine_map<(d0, d1) -> (0, 0, 0)>
module attributes {stable_mosaic.version = 14 : i64} {
  func.func @_msg_body(%arg0: i32, %arg1: i32, %arg2: memref<50176x32xf32, #tpu.memory_space<hbm>>, %arg3: memref<6272x128x32xf32, #tpu.memory_space<hbm>>, %arg4: memref<448x14x128xi32, #tpu.memory_space<hbm>>, %arg5: memref<448x14x128xi32, #tpu.memory_space<hbm>>, %arg6: memref<100000x32xf32, #tpu.memory_space<hbm>>, %arg7: memref<50000x32xf32, #tpu.memory_space<vmem_shared>>, %arg8: memref<14x128xi32, #tpu.memory_space<vmem>>, %arg9: memref<14x128xi32, #tpu.memory_space<vmem>>, %arg10: memref<128x32xf32, #tpu.memory_space<vmem>>, %arg11: memref<128x32xf32, #tpu.memory_space<vmem>>, %arg12: memref<128x32xf32, #tpu.memory_space<vmem>>, %arg13: memref<128x32xf32, #tpu.memory_space<vmem>>, %arg14: memref<128x32xf32, #tpu.memory_space<vmem>>, %arg15: memref<128x32xf32, #tpu.memory_space<vmem>>, %arg16: memref<!tpu.dma_semaphore, #tpu.memory_space<semaphore_mem>>, %arg17: memref<!tpu.dma_semaphore, #tpu.memory_space<semaphore_mem>>, %arg18: memref<!tpu.dma_semaphore, #tpu.memory_space<semaphore_mem>>, %arg19: memref<!tpu.dma_semaphore, #tpu.memory_space<semaphore_mem>>, %arg20: memref<!tpu.dma_semaphore, #tpu.memory_space<semaphore_mem>>, %arg21: memref<!tpu.dma_semaphore, #tpu.memory_space<semaphore_mem>>) attributes {dimension_semantics = [#tpu.dimension_semantics<core_parallel>, #tpu.dimension_semantics<subcore_parallel>], iteration_bounds = array<i64: 2, 16>, scalar_prefetch = 0 : i64, scratch_operands = 15 : i64, tpu.core_type = #tpu.core_type<sc_vector_subcore>, window_params = [{transform_indices = #map}, {transform_indices = #map1}, {transform_indices = #map1}, {transform_indices = #map1}, {transform_indices = #map}]} {
    %mul3A = arith.constant 16 : i32
    %mul3A_0 = arith.muli %arg0, %mul3A : i32
    %add3A = arith.addi %mul3A_0, %arg1 : i32
    %broadcast_in_dim3A = arith.constant 0.000000e+00 : f32
    %broadcast_in_dim3A_1 = vector.broadcast %broadcast_in_dim3A : f32 to vector<16xf32>
    %scan3A = arith.constant 0 : i32
    %scan3A_2 = arith.constant 128 : i32
    %scan3A_3 = arith.addi %scan3A, %scan3A_2 : i32
    %scan3A_4 = arith.constant 1 : i32
    scf.for %scan3A_35 = %scan3A to %scan3A_3 step %scan3A_4  : i32 {
      %mul3A_36 = arith.constant 1 : i32
      %mul3A_37 = arith.muli %scan3A_35, %mul3A_36 : i32
      %add3A_38 = arith.constant 0 : i32
      %add3A_39 = arith.addi %add3A_38, %mul3A_37 : i32
      %swap3A = arith.index_cast %add3A_39 : i32 to index
      %swap3A_40 = arith.constant 0 : index
      %swap3A_41 = tpu.vector_load %arg14[%swap3A, %swap3A_40] {strides = array<i32>} : memref<128x32xf32, #tpu.memory_space<vmem>>, vector<1x16xf32>,
      %swap3A_42 = vector.shape_cast %swap3A_41 : vector<1x16xf32> to vector<16xf32>
      %swap3A_43 = vector.shape_cast %broadcast_in_dim3A_1 : vector<16xf32> to vector<1x16xf32>
      tpu.vector_store %arg14[%swap3A, %swap3A_40], %swap3A_43 {strides = array<i32>} : memref<128x32xf32, #tpu.memory_space<vmem>>, vector<1x16xf32>,
      %swap3A_44 = arith.index_cast %add3A_39 : i32 to index
      %swap3A_45 = arith.constant 16 : index
      %swap3A_46 = tpu.vector_load %arg14[%swap3A_44, %swap3A_45] {strides = array<i32>} : memref<128x32xf32, #tpu.memory_space<vmem>>, vector<1x16xf32>,
      %swap3A_47 = vector.shape_cast %swap3A_46 : vector<1x16xf32> to vector<16xf32>
      %swap3A_48 = vector.shape_cast %broadcast_in_dim3A_1 : vector<16xf32> to vector<1x16xf32>
      tpu.vector_store %arg14[%swap3A_44, %swap3A_45], %swap3A_48 {strides = array<i32>} : memref<128x32xf32, #tpu.memory_space<vmem>>, vector<1x16xf32>,
    }
    %scan3A_5 = arith.constant 128 : i32
    %scan3A_6 = arith.constant 0 : i32
    %scan3A_7 = arith.constant 25 : i32
    %scan3A_8 = arith.addi %scan3A_6, %scan3A_7 : i32
    %scan3A_9 = arith.constant 1 : i32
    scf.for %scan3A_35 = %scan3A_6 to %scan3A_8 step %scan3A_9  : i32 {
      %mul3A_36 = arith.constant 1 : i32
      %mul3A_37 = arith.muli %scan3A_35, %mul3A_36 : i32
      %add3A_38 = arith.constant 0 : i32
      %add3A_39 = arith.addi %add3A_38, %mul3A_37 : i32
      %mul3A_40 = arith.constant 3125 : i32
      %mul3A_41 = arith.muli %arg1, %mul3A_40 : i32
      %mul3A_42 = arith.constant 125 : i32
      %mul3A_43 = arith.muli %add3A_39, %mul3A_42 : i32
      %add3A_44 = arith.addi %mul3A_41, %mul3A_43 : i32
      "tpu.region"() ({
        %run_scoped3A = tpu.sem_alloc : memref<!tpu.dma_semaphore, #tpu.memory_space<semaphore_mem>>
        %dma_start3A = arith.constant 0 : i32
        %dma_start3A_45 = arith.constant 0 : i32
        %dma_start3A_46 = tpu.memref_slice %arg14[%dma_start3A, %dma_start3A_45] : memref<128x32xf32, #tpu.memory_space<vmem>> -> memref<125x32xf32, #tpu.memory_space<vmem>>
        %dma_start3A_47 = arith.constant 0 : i32
        %dma_start3A_48 = tpu.memref_slice %arg7[%add3A_44, %dma_start3A_47] : memref<50000x32xf32, #tpu.memory_space<vmem_shared>> -> memref<125x32xf32, #tpu.memory_space<vmem_shared>>
        %dma_start3A_49 = arith.constant 0 : i32
        %dma_start3A_50 = tpu.memref_slice %arg7[%add3A_44, %dma_start3A_49] : memref<50000x32xf32, #tpu.memory_space<vmem_shared>> -> memref<125x32xf32, #tpu.memory_space<vmem_shared>>
        %dma_start3A_51 = arith.constant 0 : i32
        %dma_start3A_52 = arith.constant 0 : i32
        %dma_start3A_53 = tpu.memref_slice %arg14[%dma_start3A_51, %dma_start3A_52] : memref<128x32xf32, #tpu.memory_space<vmem>> -> memref<125x32xf32, #tpu.memory_space<vmem>>
        tpu.enqueue_dma source(%dma_start3A_53 : memref<125x32xf32, #tpu.memory_space<vmem>>) target(%dma_start3A_50 : memref<125x32xf32, #tpu.memory_space<vmem_shared>>) target_semaphore(%run_scoped3A : memref<!tpu.dma_semaphore, #tpu.memory_space<semaphore_mem>>)
        %dma_wait3A_54 = arith.constant 0 : i32
        %dma_wait3A_55 = arith.constant 0 : i32
        %dma_wait3A_56 = tpu.memref_slice %arg14[%dma_wait3A_54, %dma_wait3A_55] : memref<128x32xf32, #tpu.memory_space<vmem>> -> memref<125x32xf32, #tpu.memory_space<vmem>>
        %dma_wait3A_57 = arith.constant 0 : i32
        %dma_wait3A_58 = tpu.memref_slice %arg7[%add3A_44, %dma_wait3A_57] : memref<50000x32xf32, #tpu.memory_space<vmem_shared>> -> memref<125x32xf32, #tpu.memory_space<vmem_shared>>
        %dma_wait3A_59 = arith.constant 0 : i32
        %dma_wait3A_60 = tpu.memref_slice %arg7[%add3A_44, %dma_wait3A_59] : memref<50000x32xf32, #tpu.memory_space<vmem_shared>> -> memref<125x32xf32, #tpu.memory_space<vmem_shared>>
        %dma_wait3A_61 = arith.constant 0 : i32
        %dma_wait3A_62 = arith.constant 0 : i32
        %dma_wait3A_63 = tpu.memref_slice %arg14[%dma_wait3A_61, %dma_wait3A_62] : memref<128x32xf32, #tpu.memory_space<vmem>> -> memref<125x32xf32, #tpu.memory_space<vmem>>
        tpu.wait_dma2 semaphore(%run_scoped3A : memref<!tpu.dma_semaphore, #tpu.memory_space<semaphore_mem>>) src(%dma_wait3A_63 : memref<125x32xf32, #tpu.memory_space<vmem>>) dst(%dma_wait3A_60 : memref<125x32xf32, #tpu.memory_space<vmem_shared>>)
        tpu.yield
      }) : () -> ()
    }
    %scan3A_10 = arith.constant 25 : i32
    %barrier3A = arith.constant 0 : index
    tpu.barrier barrier_id(%barrier3A)
    %scan3A_11 = arith.constant 0 : i32
    %scan3A_12 = arith.constant 14 : i32
    %scan3A_13 = arith.addi %scan3A_11, %scan3A_12 : i32
    %scan3A_14 = arith.constant 1 : i32
    scf.for %scan3A_35 = %scan3A_11 to %scan3A_13 step %scan3A_14  : i32 {
      %mul3A_36 = arith.constant 1 : i32
      %mul3A_37 = arith.muli %scan3A_35, %mul3A_36 : i32
      %add3A_38 = arith.constant 0 : i32
      %add3A_39 = arith.addi %add3A_38, %mul3A_37 : i32
      %mul3A_40 = arith.constant 196 : i32
      %mul3A_41 = arith.muli %add3A, %mul3A_40 : i32
      %mul3A_42 = arith.constant 14 : i32
      %mul3A_43 = arith.muli %add3A_39, %mul3A_42 : i32
      %add3A_44 = arith.addi %mul3A_41, %mul3A_43 : i32
      %gt3A = arith.constant 0 : i32
      %gt3A_45 = arith.cmpi sgt, %add3A_39, %gt3A : i32
      %convert_element_type3A = arith.extui %gt3A_45 : i1 to i32
      %cond3A = arith.constant 0 : i32
      %cond3A_46 = arith.cmpi ne, %convert_element_type3A, %cond3A : i32
      scf.if %cond3A_46 {
        %dma_wait3A_91 = arith.constant 0 : i32
        %dma_wait3A_92 = arith.constant 0 : i32
        %dma_wait3A_93 = tpu.memref_slice %arg2[%dma_wait3A_91, %dma_wait3A_92] : memref<50176x32xf32, #tpu.memory_space<hbm>> -> memref<128x32xf32, #tpu.memory_space<hbm>>
        %dma_wait3A_94 = arith.constant 0 : i32
        %dma_wait3A_95 = arith.constant 0 : i32
        %dma_wait3A_96 = tpu.memref_slice %arg2[%dma_wait3A_94, %dma_wait3A_95] : memref<50176x32xf32, #tpu.memory_space<hbm>> -> memref<128x32xf32, #tpu.memory_space<hbm>>
        tpu.wait_dma2 semaphore(%arg20 : memref<!tpu.dma_semaphore, #tpu.memory_space<semaphore_mem>>) src(%dma_wait3A_96 : memref<128x32xf32, #tpu.memory_space<hbm>>) dst(%arg14 : memref<128x32xf32, #tpu.memory_space<vmem>>)
        %dma_wait3A_97 = arith.constant 0 : i32
        %dma_wait3A_98 = arith.constant 0 : i32
        %dma_wait3A_99 = tpu.memref_slice %arg2[%dma_wait3A_97, %dma_wait3A_98] : memref<50176x32xf32, #tpu.memory_space<hbm>> -> memref<128x32xf32, #tpu.memory_space<hbm>>
        %dma_wait3A_100 = arith.constant 0 : i32
        %dma_wait3A_101 = arith.constant 0 : i32
        %dma_wait3A_102 = tpu.memref_slice %arg2[%dma_wait3A_100, %dma_wait3A_101] : memref<50176x32xf32, #tpu.memory_space<hbm>> -> memref<128x32xf32, #tpu.memory_space<hbm>>
        tpu.wait_dma2 semaphore(%arg21 : memref<!tpu.dma_semaphore, #tpu.memory_space<semaphore_mem>>) src(%dma_wait3A_102 : memref<128x32xf32, #tpu.memory_space<hbm>>) dst(%arg15 : memref<128x32xf32, #tpu.memory_space<vmem>>)
      } else {
      }
      %mul3A_47 = arith.constant 14 : i32
      %mul3A_48 = arith.muli %add3A, %mul3A_47 : i32
      %add3A_49 = arith.addi %mul3A_48, %add3A_39 : i32
      "tpu.region"() ({
        %run_scoped3A = tpu.sem_alloc : memref<!tpu.dma_semaphore, #tpu.memory_space<semaphore_mem>>
        %dma_start3A_91 = arith.constant 0 : i32
        %dma_start3A_92 = arith.constant 0 : i32
        %dma_start3A_93 = tpu.memref_slice %arg4[%add3A_49, %dma_start3A_91, %dma_start3A_92] : memref<448x14x128xi32, #tpu.memory_space<hbm>> -> memref<1x14x128xi32, #tpu.memory_space<hbm>>
        %dma_start3A_94 = tpu.memref_squeeze %dma_start3A_93 : memref<1x14x128xi32, #tpu.memory_space<hbm>> -> memref<14x128xi32, #tpu.memory_space<hbm>>
        %dma_start3A_95 = arith.constant 0 : i32
        %dma_start3A_96 = arith.constant 0 : i32
        %dma_start3A_97 = tpu.memref_slice %arg4[%add3A_49, %dma_start3A_95, %dma_start3A_96] : memref<448x14x128xi32, #tpu.memory_space<hbm>> -> memref<1x14x128xi32, #tpu.memory_space<hbm>>
        %dma_start3A_98 = tpu.memref_squeeze %dma_start3A_97 : memref<1x14x128xi32, #tpu.memory_space<hbm>> -> memref<14x128xi32, #tpu.memory_space<hbm>>
        tpu.enqueue_dma source(%dma_start3A_98 : memref<14x128xi32, #tpu.memory_space<hbm>>) target(%arg8 : memref<14x128xi32, #tpu.memory_space<vmem>>) target_semaphore(%run_scoped3A : memref<!tpu.dma_semaphore, #tpu.memory_space<semaphore_mem>>)
        %dma_wait3A_99 = arith.constant 0 : i32
        %dma_wait3A_100 = arith.constant 0 : i32
        %dma_wait3A_101 = tpu.memref_slice %arg4[%add3A_49, %dma_wait3A_99, %dma_wait3A_100] : memref<448x14x128xi32, #tpu.memory_space<hbm>> -> memref<1x14x128xi32, #tpu.memory_space<hbm>>
        %dma_wait3A_102 = tpu.memref_squeeze %dma_wait3A_101 : memref<1x14x128xi32, #tpu.memory_space<hbm>> -> memref<14x128xi32, #tpu.memory_space<hbm>>
        %dma_wait3A_103 = arith.constant 0 : i32
        %dma_wait3A_104 = arith.constant 0 : i32
        %dma_wait3A_105 = tpu.memref_slice %arg4[%add3A_49, %dma_wait3A_103, %dma_wait3A_104] : memref<448x14x128xi32, #tpu.memory_space<hbm>> -> memref<1x14x128xi32, #tpu.memory_space<hbm>>
        %dma_wait3A_106 = tpu.memref_squeeze %dma_wait3A_105 : memref<1x14x128xi32, #tpu.memory_space<hbm>> -> memref<14x128xi32, #tpu.memory_space<hbm>>
        tpu.wait_dma2 semaphore(%run_scoped3A : memref<!tpu.dma_semaphore, #tpu.memory_space<semaphore_mem>>) src(%dma_wait3A_106 : memref<14x128xi32, #tpu.memory_space<hbm>>) dst(%arg8 : memref<14x128xi32, #tpu.memory_space<vmem>>)
        tpu.yield
      }) : () -> ()
      %mul3A_50 = arith.constant 14 : i32
      %mul3A_51 = arith.muli %add3A, %mul3A_50 : i32
      %add3A_52 = arith.addi %mul3A_51, %add3A_39 : i32
      "tpu.region"() ({
        %run_scoped3A = tpu.sem_alloc : memref<!tpu.dma_semaphore, #tpu.memory_space<semaphore_mem>>
        %dma_start3A_91 = arith.constant 0 : i32
        %dma_start3A_92 = arith.constant 0 : i32
        %dma_start3A_93 = tpu.memref_slice %arg5[%add3A_52, %dma_start3A_91, %dma_start3A_92] : memref<448x14x128xi32, #tpu.memory_space<hbm>> -> memref<1x14x128xi32, #tpu.memory_space<hbm>>
        %dma_start3A_94 = tpu.memref_squeeze %dma_start3A_93 : memref<1x14x128xi32, #tpu.memory_space<hbm>> -> memref<14x128xi32, #tpu.memory_space<hbm>>
        %dma_start3A_95 = arith.constant 0 : i32
        %dma_start3A_96 = arith.constant 0 : i32
        %dma_start3A_97 = tpu.memref_slice %arg5[%add3A_52, %dma_start3A_95, %dma_start3A_96] : memref<448x14x128xi32, #tpu.memory_space<hbm>> -> memref<1x14x128xi32, #tpu.memory_space<hbm>>
        %dma_start3A_98 = tpu.memref_squeeze %dma_start3A_97 : memref<1x14x128xi32, #tpu.memory_space<hbm>> -> memref<14x128xi32, #tpu.memory_space<hbm>>
        tpu.enqueue_dma source(%dma_start3A_98 : memref<14x128xi32, #tpu.memory_space<hbm>>) target(%arg9 : memref<14x128xi32, #tpu.memory_space<vmem>>) target_semaphore(%run_scoped3A : memref<!tpu.dma_semaphore, #tpu.memory_space<semaphore_mem>>)
        %dma_wait3A_99 = arith.constant 0 : i32
        %dma_wait3A_100 = arith.constant 0 : i32
        %dma_wait3A_101 = tpu.memref_slice %arg5[%add3A_52, %dma_wait3A_99, %dma_wait3A_100] : memref<448x14x128xi32, #tpu.memory_space<hbm>> -> memref<1x14x128xi32, #tpu.memory_space<hbm>>
        %dma_wait3A_102 = tpu.memref_squeeze %dma_wait3A_101 : memref<1x14x128xi32, #tpu.memory_space<hbm>> -> memref<14x128xi32, #tpu.memory_space<hbm>>
        %dma_wait3A_103 = arith.constant 0 : i32
        %dma_wait3A_104 = arith.constant 0 : i32
        %dma_wait3A_105 = tpu.memref_slice %arg5[%add3A_52, %dma_wait3A_103, %dma_wait3A_104] : memref<448x14x128xi32, #tpu.memory_space<hbm>> -> memref<1x14x128xi32, #tpu.memory_space<hbm>>
        %dma_wait3A_106 = tpu.memref_squeeze %dma_wait3A_105 : memref<1x14x128xi32, #tpu.memory_space<hbm>> -> memref<14x128xi32, #tpu.memory_space<hbm>>
        tpu.wait_dma2 semaphore(%run_scoped3A : memref<!tpu.dma_semaphore, #tpu.memory_space<semaphore_mem>>) src(%dma_wait3A_106 : memref<14x128xi32, #tpu.memory_space<hbm>>) dst(%arg9 : memref<14x128xi32, #tpu.memory_space<vmem>>)
        tpu.yield
      }) : () -> ()
      %dma_start3A = arith.constant 0 : i32
      %dma_start3A_53 = arith.constant 0 : i32
      %dma_start3A_54 = tpu.memref_slice %arg8[%dma_start3A, %dma_start3A_53] : memref<14x128xi32, #tpu.memory_space<vmem>> -> memref<1x128xi32, #tpu.memory_space<vmem>>
      %dma_start3A_55 = tpu.memref_squeeze %dma_start3A_54 : memref<1x128xi32, #tpu.memory_space<vmem>> -> memref<128xi32, #tpu.memory_space<vmem>>
      %dma_start3A_56 = arith.constant 0 : i32
      %dma_start3A_57 = arith.constant 0 : i32
      %dma_start3A_58 = tpu.memref_slice %arg2[%dma_start3A_56, %dma_start3A_57] : memref<50176x32xf32, #tpu.memory_space<hbm>> -> memref<50176x32xf32, #tpu.memory_space<hbm>>
      tpu.enqueue_indirect_dma source(%dma_start3A_58 : memref<50176x32xf32, #tpu.memory_space<hbm>>) target(%arg10 : memref<128x32xf32, #tpu.memory_space<vmem>>) offsets(%dma_start3A_55 : memref<128xi32, #tpu.memory_space<vmem>>) semaphore(%arg16 : memref<!tpu.dma_semaphore, #tpu.memory_space<semaphore_mem>>)
      %add3A_59 = arith.constant 0 : i32
      %add3A_60 = arith.addi %add3A_44, %add3A_59 : i32
      %dma_start3A_61 = arith.constant 0 : i32
      %dma_start3A_62 = arith.constant 0 : i32
      %dma_start3A_63 = tpu.memref_slice %arg3[%add3A_60, %dma_start3A_61, %dma_start3A_62] : memref<6272x128x32xf32, #tpu.memory_space<hbm>> -> memref<1x128x32xf32, #tpu.memory_space<hbm>>
      %dma_start3A_64 = tpu.memref_squeeze %dma_start3A_63 : memref<1x128x32xf32, #tpu.memory_space<hbm>> -> memref<128x32xf32, #tpu.memory_space<hbm>>
      %dma_start3A_65 = arith.constant 0 : i32
      %dma_start3A_66 = arith.constant 0 : i32
      %dma_start3A_67 = tpu.memref_slice %arg3[%add3A_60, %dma_start3A_65, %dma_start3A_66] : memref<6272x128x32xf32, #tpu.memory_space<hbm>> -> memref<1x128x32xf32, #tpu.memory_space<hbm>>
      %dma_start3A_68 = tpu.memref_squeeze %dma_start3A_67 : memref<1x128x32xf32, #tpu.memory_space<hbm>> -> memref<128x32xf32, #tpu.memory_space<hbm>>
      tpu.enqueue_dma source(%dma_start3A_68 : memref<128x32xf32, #tpu.memory_space<hbm>>) target(%arg12 : memref<128x32xf32, #tpu.memory_space<vmem>>) target_semaphore(%arg18 : memref<!tpu.dma_semaphore, #tpu.memory_space<semaphore_mem>>)
      %dma_start3A_69 = arith.constant 1 : i32
      %dma_start3A_70 = arith.constant 0 : i32
      %dma_start3A_71 = tpu.memref_slice %arg8[%dma_start3A_69, %dma_start3A_70] : memref<14x128xi32, #tpu.memory_space<vmem>> -> memref<1x128xi32, #tpu.memory_space<vmem>>
      %dma_start3A_72 = tpu.memref_squeeze %dma_start3A_71 : memref<1x128xi32, #tpu.memory_space<vmem>> -> memref<128xi32, #tpu.memory_space<vmem>>
      %dma_start3A_73 = arith.constant 0 : i32
      %dma_start3A_74 = arith.constant 0 : i32
      %dma_start3A_75 = tpu.memref_slice %arg2[%dma_start3A_73, %dma_start3A_74] : memref<50176x32xf32, #tpu.memory_space<hbm>> -> memref<50176x32xf32, #tpu.memory_space<hbm>>
      tpu.enqueue_indirect_dma source(%dma_start3A_75 : memref<50176x32xf32, #tpu.memory_space<hbm>>) target(%arg11 : memref<128x32xf32, #tpu.memory_space<vmem>>) offsets(%dma_start3A_72 : memref<128xi32, #tpu.memory_space<vmem>>) semaphore(%arg17 : memref<!tpu.dma_semaphore, #tpu.memory_space<semaphore_mem>>)
      %add3A_76 = arith.constant 1 : i32
      %add3A_77 = arith.addi %add3A_44, %add3A_76 : i32
      %dma_start3A_78 = arith.constant 0 : i32
      %dma_start3A_79 = arith.constant 0 : i32
      %dma_start3A_80 = tpu.memref_slice %arg3[%add3A_77, %dma_start3A_78, %dma_start3A_79] : memref<6272x128x32xf32, #tpu.memory_space<hbm>> -> memref<1x128x32xf32, #tpu.memory_space<hbm>>
      %dma_start3A_81 = tpu.memref_squeeze %dma_start3A_80 : memref<1x128x32xf32, #tpu.memory_space<hbm>> -> memref<128x32xf32, #tpu.memory_space<hbm>>
      %dma_start3A_82 = arith.constant 0 : i32
      %dma_start3A_83 = arith.constant 0 : i32
      %dma_start3A_84 = tpu.memref_slice %arg3[%add3A_77, %dma_start3A_82, %dma_start3A_83] : memref<6272x128x32xf32, #tpu.memory_space<hbm>> -> memref<1x128x32xf32, #tpu.memory_space<hbm>>
      %dma_start3A_85 = tpu.memref_squeeze %dma_start3A_84 : memref<1x128x32xf32, #tpu.memory_space<hbm>> -> memref<128x32xf32, #tpu.memory_space<hbm>>
      tpu.enqueue_dma source(%dma_start3A_85 : memref<128x32xf32, #tpu.memory_space<hbm>>) target(%arg13 : memref<128x32xf32, #tpu.memory_space<vmem>>) target_semaphore(%arg19 : memref<!tpu.dma_semaphore, #tpu.memory_space<semaphore_mem>>)
      %scan3A_86 = arith.constant 0 : i32
      %scan3A_87 = arith.constant 7 : i32
      %scan3A_88 = arith.addi %scan3A_86, %scan3A_87 : i32
      %scan3A_89 = arith.constant 1 : i32
      scf.for %scan3A_91 = %scan3A_86 to %scan3A_88 step %scan3A_89  : i32 {
        %mul3A_92 = arith.constant 1 : i32
        %mul3A_93 = arith.muli %scan3A_91, %mul3A_92 : i32
        %add3A_94 = arith.constant 0 : i32
        %add3A_95 = arith.addi %add3A_94, %mul3A_93 : i32
        %mul3A_96 = arith.constant 2 : i32
        %mul3A_97 = arith.muli %mul3A_96, %add3A_95 : i32
        %dma_wait3A_98 = arith.constant 0 : i32
        %dma_wait3A_99 = arith.constant 0 : i32
        %dma_wait3A_100 = tpu.memref_slice %arg2[%dma_wait3A_98, %dma_wait3A_99] : memref<50176x32xf32, #tpu.memory_space<hbm>> -> memref<128x32xf32, #tpu.memory_space<hbm>>
        %dma_wait3A_101 = arith.constant 0 : i32
        %dma_wait3A_102 = arith.constant 0 : i32
        %dma_wait3A_103 = tpu.memref_slice %arg2[%dma_wait3A_101, %dma_wait3A_102] : memref<50176x32xf32, #tpu.memory_space<hbm>> -> memref<128x32xf32, #tpu.memory_space<hbm>>
        tpu.wait_dma2 semaphore(%arg16 : memref<!tpu.dma_semaphore, #tpu.memory_space<semaphore_mem>>) src(%dma_wait3A_103 : memref<128x32xf32, #tpu.memory_space<hbm>>) dst(%arg10 : memref<128x32xf32, #tpu.memory_space<vmem>>)
        %dma_wait3A_104 = arith.constant 0 : i32
        %dma_wait3A_105 = arith.constant 0 : i32
        %dma_wait3A_106 = arith.constant 0 : i32
        %dma_wait3A_107 = tpu.memref_slice %arg3[%dma_wait3A_104, %dma_wait3A_105, %dma_wait3A_106] : memref<6272x128x32xf32, #tpu.memory_space<hbm>> -> memref<1x128x32xf32, #tpu.memory_space<hbm>>
        %dma_wait3A_108 = tpu.memref_squeeze %dma_wait3A_107 : memref<1x128x32xf32, #tpu.memory_space<hbm>> -> memref<128x32xf32, #tpu.memory_space<hbm>>
        %dma_wait3A_109 = arith.constant 0 : i32
        %dma_wait3A_110 = arith.constant 0 : i32
        %dma_wait3A_111 = tpu.memref_slice %arg3[%dma_wait3A_104, %dma_wait3A_109, %dma_wait3A_110] : memref<6272x128x32xf32, #tpu.memory_space<hbm>> -> memref<1x128x32xf32, #tpu.memory_space<hbm>>
        %dma_wait3A_112 = tpu.memref_squeeze %dma_wait3A_111 : memref<1x128x32xf32, #tpu.memory_space<hbm>> -> memref<128x32xf32, #tpu.memory_space<hbm>>
        tpu.wait_dma2 semaphore(%arg18 : memref<!tpu.dma_semaphore, #tpu.memory_space<semaphore_mem>>) src(%dma_wait3A_112 : memref<128x32xf32, #tpu.memory_space<hbm>>) dst(%arg12 : memref<128x32xf32, #tpu.memory_space<vmem>>)
        %scan3A_113 = arith.constant 0 : i32
        %scan3A_114 = arith.constant 128 : i32
        %scan3A_115 = arith.addi %scan3A_113, %scan3A_114 : i32
        %scan3A_116 = arith.constant 1 : i32
        scf.for %scan3A_171 = %scan3A_113 to %scan3A_115 step %scan3A_116  : i32 {
          %mul3A_172 = arith.constant 1 : i32
          %mul3A_173 = arith.muli %scan3A_171, %mul3A_172 : i32
          %add3A_174 = arith.constant 0 : i32
          %add3A_175 = arith.addi %add3A_174, %mul3A_173 : i32
          %get3A = arith.index_cast %add3A_175 : i32 to index
          %get3A_176 = arith.constant 0 : index
          %get3A_177 = tpu.vector_load %arg10[%get3A, %get3A_176] {strides = array<i32>} : memref<128x32xf32, #tpu.memory_space<vmem>>, vector<1x16xf32>,
          %get3A_178 = vector.shape_cast %get3A_177 : vector<1x16xf32> to vector<16xf32>
          %get3A_179 = arith.index_cast %add3A_175 : i32 to index
          %get3A_180 = arith.constant 0 : index
          %get3A_181 = tpu.vector_load %arg12[%get3A_179, %get3A_180] {strides = array<i32>} : memref<128x32xf32, #tpu.memory_space<vmem>>, vector<1x16xf32>,
          %get3A_182 = vector.shape_cast %get3A_181 : vector<1x16xf32> to vector<16xf32>
          %mul3A_183 = arith.mulf %get3A_178, %get3A_182 : vector<16xf32>
          %swap3A = arith.index_cast %add3A_175 : i32 to index
          %swap3A_184 = arith.constant 0 : index
          %swap3A_185 = tpu.vector_load %arg14[%swap3A, %swap3A_184] {strides = array<i32>} : memref<128x32xf32, #tpu.memory_space<vmem>>, vector<1x16xf32>,
          %swap3A_186 = vector.shape_cast %swap3A_185 : vector<1x16xf32> to vector<16xf32>
          %swap3A_187 = vector.shape_cast %mul3A_183 : vector<16xf32> to vector<1x16xf32>
          tpu.vector_store %arg14[%swap3A, %swap3A_184], %swap3A_187 {strides = array<i32>} : memref<128x32xf32, #tpu.memory_space<vmem>>, vector<1x16xf32>,
          %get3A_188 = arith.index_cast %add3A_175 : i32 to index
          %get3A_189 = arith.constant 16 : index
          %get3A_190 = tpu.vector_load %arg10[%get3A_188, %get3A_189] {strides = array<i32>} : memref<128x32xf32, #tpu.memory_space<vmem>>, vector<1x16xf32>,
          %get3A_191 = vector.shape_cast %get3A_190 : vector<1x16xf32> to vector<16xf32>
          %get3A_192 = arith.index_cast %add3A_175 : i32 to index
          %get3A_193 = arith.constant 16 : index
          %get3A_194 = tpu.vector_load %arg12[%get3A_192, %get3A_193] {strides = array<i32>} : memref<128x32xf32, #tpu.memory_space<vmem>>, vector<1x16xf32>,
          %get3A_195 = vector.shape_cast %get3A_194 : vector<1x16xf32> to vector<16xf32>
          %mul3A_196 = arith.mulf %get3A_191, %get3A_195 : vector<16xf32>
          %swap3A_197 = arith.index_cast %add3A_175 : i32 to index
          %swap3A_198 = arith.constant 16 : index
          %swap3A_199 = tpu.vector_load %arg14[%swap3A_197, %swap3A_198] {strides = array<i32>} : memref<128x32xf32, #tpu.memory_space<vmem>>, vector<1x16xf32>,
          %swap3A_200 = vector.shape_cast %swap3A_199 : vector<1x16xf32> to vector<16xf32>
          %swap3A_201 = vector.shape_cast %mul3A_196 : vector<16xf32> to vector<1x16xf32>
          tpu.vector_store %arg14[%swap3A_197, %swap3A_198], %swap3A_201 {strides = array<i32>} : memref<128x32xf32, #tpu.memory_space<vmem>>, vector<1x16xf32>,
        }
        %scan3A_117 = arith.constant 128 : i32
        %lt3A = arith.constant 6 : i32
        %lt3A_118 = arith.cmpi slt, %add3A_95, %lt3A : i32
        %convert_element_type3A_119 = arith.extui %lt3A_118 : i1 to i32
        %cond3A_120 = arith.constant 0 : i32
        %cond3A_121 = arith.cmpi ne, %convert_element_type3A_119, %cond3A_120 : i32
        scf.if %cond3A_121 {
          %add3A_171 = arith.constant 2 : i32
          %add3A_172 = arith.addi %mul3A_97, %add3A_171 : i32
          %dma_start3A_173 = arith.constant 0 : i32
          %dma_start3A_174 = tpu.memref_slice %arg8[%add3A_172, %dma_start3A_173] : memref<14x128xi32, #tpu.memory_space<vmem>> -> memref<1x128xi32, #tpu.memory_space<vmem>>
          %dma_start3A_175 = tpu.memref_squeeze %dma_start3A_174 : memref<1x128xi32, #tpu.memory_space<vmem>> -> memref<128xi32, #tpu.memory_space<vmem>>
          %dma_start3A_176 = arith.constant 0 : i32
          %dma_start3A_177 = arith.constant 0 : i32
          %dma_start3A_178 = tpu.memref_slice %arg2[%dma_start3A_176, %dma_start3A_177] : memref<50176x32xf32, #tpu.memory_space<hbm>> -> memref<50176x32xf32, #tpu.memory_space<hbm>>
          tpu.enqueue_indirect_dma source(%dma_start3A_178 : memref<50176x32xf32, #tpu.memory_space<hbm>>) target(%arg10 : memref<128x32xf32, #tpu.memory_space<vmem>>) offsets(%dma_start3A_175 : memref<128xi32, #tpu.memory_space<vmem>>) semaphore(%arg16 : memref<!tpu.dma_semaphore, #tpu.memory_space<semaphore_mem>>)
          %add3A_179 = arith.addi %add3A_44, %add3A_172 : i32
          %dma_start3A_180 = arith.constant 0 : i32
          %dma_start3A_181 = arith.constant 0 : i32
          %dma_start3A_182 = tpu.memref_slice %arg3[%add3A_179, %dma_start3A_180, %dma_start3A_181] : memref<6272x128x32xf32, #tpu.memory_space<hbm>> -> memref<1x128x32xf32, #tpu.memory_space<hbm>>
          %dma_start3A_183 = tpu.memref_squeeze %dma_start3A_182 : memref<1x128x32xf32, #tpu.memory_space<hbm>> -> memref<128x32xf32, #tpu.memory_space<hbm>>
          %dma_start3A_184 = arith.constant 0 : i32
          %dma_start3A_185 = arith.constant 0 : i32
          %dma_start3A_186 = tpu.memref_slice %arg3[%add3A_179, %dma_start3A_184, %dma_start3A_185] : memref<6272x128x32xf32, #tpu.memory_space<hbm>> -> memref<1x128x32xf32, #tpu.memory_space<hbm>>
          %dma_start3A_187 = tpu.memref_squeeze %dma_start3A_186 : memref<1x128x32xf32, #tpu.memory_space<hbm>> -> memref<128x32xf32, #tpu.memory_space<hbm>>
          tpu.enqueue_dma source(%dma_start3A_187 : memref<128x32xf32, #tpu.memory_space<hbm>>) target(%arg12 : memref<128x32xf32, #tpu.memory_space<vmem>>) target_semaphore(%arg18 : memref<!tpu.dma_semaphore, #tpu.memory_space<semaphore_mem>>)
        } else {
        }
        %gt3A_122 = arith.constant 0 : i32
        %gt3A_123 = arith.cmpi sgt, %add3A_95, %gt3A_122 : i32
        %convert_element_type3A_124 = arith.extui %gt3A_123 : i1 to i32
        %cond3A_125 = arith.constant 0 : i32
        %cond3A_126 = arith.cmpi ne, %convert_element_type3A_124, %cond3A_125 : i32
        scf.if %cond3A_126 {
          %dma_wait3A_171 = arith.constant 0 : i32
          %dma_wait3A_172 = arith.constant 0 : i32
          %dma_wait3A_173 = tpu.memref_slice %arg2[%dma_wait3A_171, %dma_wait3A_172] : memref<50176x32xf32, #tpu.memory_space<hbm>> -> memref<128x32xf32, #tpu.memory_space<hbm>>
          %dma_wait3A_174 = arith.constant 0 : i32
          %dma_wait3A_175 = arith.constant 0 : i32
          %dma_wait3A_176 = tpu.memref_slice %arg2[%dma_wait3A_174, %dma_wait3A_175] : memref<50176x32xf32, #tpu.memory_space<hbm>> -> memref<128x32xf32, #tpu.memory_space<hbm>>
          tpu.wait_dma2 semaphore(%arg20 : memref<!tpu.dma_semaphore, #tpu.memory_space<semaphore_mem>>) src(%dma_wait3A_176 : memref<128x32xf32, #tpu.memory_space<hbm>>) dst(%arg14 : memref<128x32xf32, #tpu.memory_space<vmem>>)
        } else {
        }
        %dma_start3A_127 = arith.constant 0 : i32
        %dma_start3A_128 = tpu.memref_slice %arg9[%mul3A_97, %dma_start3A_127] : memref<14x128xi32, #tpu.memory_space<vmem>> -> memref<1x128xi32, #tpu.memory_space<vmem>>
        %dma_start3A_129 = tpu.memref_squeeze %dma_start3A_128 : memref<1x128xi32, #tpu.memory_space<vmem>> -> memref<128xi32, #tpu.memory_space<vmem>>
        %dma_start3A_130 = arith.constant 0 : i32
        %dma_start3A_131 = arith.constant 0 : i32
        %dma_start3A_132 = tpu.memref_slice %arg7[%dma_start3A_130, %dma_start3A_131] : memref<50000x32xf32, #tpu.memory_space<vmem_shared>> -> memref<50000x32xf32, #tpu.memory_space<vmem_shared>>
        tpu.enqueue_indirect_dma source(%arg14 : memref<128x32xf32, #tpu.memory_space<vmem>>) target(%dma_start3A_132 : memref<50000x32xf32, #tpu.memory_space<vmem_shared>>) offsets(%dma_start3A_129 : memref<128xi32, #tpu.memory_space<vmem>>) semaphore(%arg20 : memref<!tpu.dma_semaphore, #tpu.memory_space<semaphore_mem>>) {add = true}
        %dma_wait3A_133 = arith.constant 0 : i32
        %dma_wait3A_134 = arith.constant 0 : i32
        %dma_wait3A_135 = tpu.memref_slice %arg2[%dma_wait3A_133, %dma_wait3A_134] : memref<50176x32xf32, #tpu.memory_space<hbm>> -> memref<128x32xf32, #tpu.memory_space<hbm>>
        %dma_wait3A_136 = arith.constant 0 : i32
        %dma_wait3A_137 = arith.constant 0 : i32
        %dma_wait3A_138 = tpu.memref_slice %arg2[%dma_wait3A_136, %dma_wait3A_137] : memref<50176x32xf32, #tpu.memory_space<hbm>> -> memref<128x32xf32, #tpu.memory_space<hbm>>
        tpu.wait_dma2 semaphore(%arg17 : memref<!tpu.dma_semaphore, #tpu.memory_space<semaphore_mem>>) src(%dma_wait3A_138 : memref<128x32xf32, #tpu.memory_space<hbm>>) dst(%arg11 : memref<128x32xf32, #tpu.memory_space<vmem>>)
        %dma_wait3A_139 = arith.constant 0 : i32
        %dma_wait3A_140 = arith.constant 0 : i32
        %dma_wait3A_141 = arith.constant 0 : i32
        %dma_wait3A_142 = tpu.memref_slice %arg3[%dma_wait3A_139, %dma_wait3A_140, %dma_wait3A_141] : memref<6272x128x32xf32, #tpu.memory_space<hbm>> -> memref<1x128x32xf32, #tpu.memory_space<hbm>>
        %dma_wait3A_143 = tpu.memref_squeeze %dma_wait3A_142 : memref<1x128x32xf32, #tpu.memory_space<hbm>> -> memref<128x32xf32, #tpu.memory_space<hbm>>
        %dma_wait3A_144 = arith.constant 0 : i32
        %dma_wait3A_145 = arith.constant 0 : i32
        %dma_wait3A_146 = tpu.memref_slice %arg3[%dma_wait3A_139, %dma_wait3A_144, %dma_wait3A_145] : memref<6272x128x32xf32, #tpu.memory_space<hbm>> -> memref<1x128x32xf32, #tpu.memory_space<hbm>>
        %dma_wait3A_147 = tpu.memref_squeeze %dma_wait3A_146 : memref<1x128x32xf32, #tpu.memory_space<hbm>> -> memref<128x32xf32, #tpu.memory_space<hbm>>
        tpu.wait_dma2 semaphore(%arg19 : memref<!tpu.dma_semaphore, #tpu.memory_space<semaphore_mem>>) src(%dma_wait3A_147 : memref<128x32xf32, #tpu.memory_space<hbm>>) dst(%arg13 : memref<128x32xf32, #tpu.memory_space<vmem>>)
        %scan3A_148 = arith.constant 0 : i32
        %scan3A_149 = arith.constant 128 : i32
        %scan3A_150 = arith.addi %scan3A_148, %scan3A_149 : i32
        %scan3A_151 = arith.constant 1 : i32
        scf.for %scan3A_171 = %scan3A_148 to %scan3A_150 step %scan3A_151  : i32 {
          %mul3A_172 = arith.constant 1 : i32
          %mul3A_173 = arith.muli %scan3A_171, %mul3A_172 : i32
          %add3A_174 = arith.constant 0 : i32
          %add3A_175 = arith.addi %add3A_174, %mul3A_173 : i32
          %get3A = arith.index_cast %add3A_175 : i32 to index
          %get3A_176 = arith.constant 0 : index
          %get3A_177 = tpu.vector_load %arg11[%get3A, %get3A_176] {strides = array<i32>} : memref<128x32xf32, #tpu.memory_space<vmem>>, vector<1x16xf32>,
          %get3A_178 = vector.shape_cast %get3A_177 : vector<1x16xf32> to vector<16xf32>
          %get3A_179 = arith.index_cast %add3A_175 : i32 to index
          %get3A_180 = arith.constant 0 : index
          %get3A_181 = tpu.vector_load %arg13[%get3A_179, %get3A_180] {strides = array<i32>} : memref<128x32xf32, #tpu.memory_space<vmem>>, vector<1x16xf32>,
          %get3A_182 = vector.shape_cast %get3A_181 : vector<1x16xf32> to vector<16xf32>
          %mul3A_183 = arith.mulf %get3A_178, %get3A_182 : vector<16xf32>
          %swap3A = arith.index_cast %add3A_175 : i32 to index
          %swap3A_184 = arith.constant 0 : index
          %swap3A_185 = tpu.vector_load %arg15[%swap3A, %swap3A_184] {strides = array<i32>} : memref<128x32xf32, #tpu.memory_space<vmem>>, vector<1x16xf32>,
          %swap3A_186 = vector.shape_cast %swap3A_185 : vector<1x16xf32> to vector<16xf32>
          %swap3A_187 = vector.shape_cast %mul3A_183 : vector<16xf32> to vector<1x16xf32>
          tpu.vector_store %arg15[%swap3A, %swap3A_184], %swap3A_187 {strides = array<i32>} : memref<128x32xf32, #tpu.memory_space<vmem>>, vector<1x16xf32>,
          %get3A_188 = arith.index_cast %add3A_175 : i32 to index
          %get3A_189 = arith.constant 16 : index
          %get3A_190 = tpu.vector_load %arg11[%get3A_188, %get3A_189] {strides = array<i32>} : memref<128x32xf32, #tpu.memory_space<vmem>>, vector<1x16xf32>,
          %get3A_191 = vector.shape_cast %get3A_190 : vector<1x16xf32> to vector<16xf32>
          %get3A_192 = arith.index_cast %add3A_175 : i32 to index
          %get3A_193 = arith.constant 16 : index
          %get3A_194 = tpu.vector_load %arg13[%get3A_192, %get3A_193] {strides = array<i32>} : memref<128x32xf32, #tpu.memory_space<vmem>>, vector<1x16xf32>,
          %get3A_195 = vector.shape_cast %get3A_194 : vector<1x16xf32> to vector<16xf32>
          %mul3A_196 = arith.mulf %get3A_191, %get3A_195 : vector<16xf32>
          %swap3A_197 = arith.index_cast %add3A_175 : i32 to index
          %swap3A_198 = arith.constant 16 : index
          %swap3A_199 = tpu.vector_load %arg15[%swap3A_197, %swap3A_198] {strides = array<i32>} : memref<128x32xf32, #tpu.memory_space<vmem>>, vector<1x16xf32>,
          %swap3A_200 = vector.shape_cast %swap3A_199 : vector<1x16xf32> to vector<16xf32>
          %swap3A_201 = vector.shape_cast %mul3A_196 : vector<16xf32> to vector<1x16xf32>
          tpu.vector_store %arg15[%swap3A_197, %swap3A_198], %swap3A_201 {strides = array<i32>} : memref<128x32xf32, #tpu.memory_space<vmem>>, vector<1x16xf32>,
        }
        %scan3A_152 = arith.constant 128 : i32
        %lt3A_153 = arith.constant 6 : i32
        %lt3A_154 = arith.cmpi slt, %add3A_95, %lt3A_153 : i32
        %convert_element_type3A_155 = arith.extui %lt3A_154 : i1 to i32
        %cond3A_156 = arith.constant 0 : i32
        %cond3A_157 = arith.cmpi ne, %convert_element_type3A_155, %cond3A_156 : i32
        scf.if %cond3A_157 {
          %add3A_171 = arith.constant 3 : i32
          %add3A_172 = arith.addi %mul3A_97, %add3A_171 : i32
          %dma_start3A_173 = arith.constant 0 : i32
          %dma_start3A_174 = tpu.memref_slice %arg8[%add3A_172, %dma_start3A_173] : memref<14x128xi32, #tpu.memory_space<vmem>> -> memref<1x128xi32, #tpu.memory_space<vmem>>
          %dma_start3A_175 = tpu.memref_squeeze %dma_start3A_174 : memref<1x128xi32, #tpu.memory_space<vmem>> -> memref<128xi32, #tpu.memory_space<vmem>>
          %dma_start3A_176 = arith.constant 0 : i32
          %dma_start3A_177 = arith.constant 0 : i32
          %dma_start3A_178 = tpu.memref_slice %arg2[%dma_start3A_176, %dma_start3A_177] : memref<50176x32xf32, #tpu.memory_space<hbm>> -> memref<50176x32xf32, #tpu.memory_space<hbm>>
          tpu.enqueue_indirect_dma source(%dma_start3A_178 : memref<50176x32xf32, #tpu.memory_space<hbm>>) target(%arg11 : memref<128x32xf32, #tpu.memory_space<vmem>>) offsets(%dma_start3A_175 : memref<128xi32, #tpu.memory_space<vmem>>) semaphore(%arg17 : memref<!tpu.dma_semaphore, #tpu.memory_space<semaphore_mem>>)
          %add3A_179 = arith.addi %add3A_44, %add3A_172 : i32
          %dma_start3A_180 = arith.constant 0 : i32
          %dma_start3A_181 = arith.constant 0 : i32
          %dma_start3A_182 = tpu.memref_slice %arg3[%add3A_179, %dma_start3A_180, %dma_start3A_181] : memref<6272x128x32xf32, #tpu.memory_space<hbm>> -> memref<1x128x32xf32, #tpu.memory_space<hbm>>
          %dma_start3A_183 = tpu.memref_squeeze %dma_start3A_182 : memref<1x128x32xf32, #tpu.memory_space<hbm>> -> memref<128x32xf32, #tpu.memory_space<hbm>>
          %dma_start3A_184 = arith.constant 0 : i32
          %dma_start3A_185 = arith.constant 0 : i32
          %dma_start3A_186 = tpu.memref_slice %arg3[%add3A_179, %dma_start3A_184, %dma_start3A_185] : memref<6272x128x32xf32, #tpu.memory_space<hbm>> -> memref<1x128x32xf32, #tpu.memory_space<hbm>>
          %dma_start3A_187 = tpu.memref_squeeze %dma_start3A_186 : memref<1x128x32xf32, #tpu.memory_space<hbm>> -> memref<128x32xf32, #tpu.memory_space<hbm>>
          tpu.enqueue_dma source(%dma_start3A_187 : memref<128x32xf32, #tpu.memory_space<hbm>>) target(%arg13 : memref<128x32xf32, #tpu.memory_space<vmem>>) target_semaphore(%arg19 : memref<!tpu.dma_semaphore, #tpu.memory_space<semaphore_mem>>)
        } else {
        }
        %gt3A_158 = arith.constant 0 : i32
        %gt3A_159 = arith.cmpi sgt, %add3A_95, %gt3A_158 : i32
        %convert_element_type3A_160 = arith.extui %gt3A_159 : i1 to i32
        %cond3A_161 = arith.constant 0 : i32
        %cond3A_162 = arith.cmpi ne, %convert_element_type3A_160, %cond3A_161 : i32
        scf.if %cond3A_162 {
          %dma_wait3A_171 = arith.constant 0 : i32
          %dma_wait3A_172 = arith.constant 0 : i32
          %dma_wait3A_173 = tpu.memref_slice %arg2[%dma_wait3A_171, %dma_wait3A_172] : memref<50176x32xf32, #tpu.memory_space<hbm>> -> memref<128x32xf32, #tpu.memory_space<hbm>>
          %dma_wait3A_174 = arith.constant 0 : i32
          %dma_wait3A_175 = arith.constant 0 : i32
          %dma_wait3A_176 = tpu.memref_slice %arg2[%dma_wait3A_174, %dma_wait3A_175] : memref<50176x32xf32, #tpu.memory_space<hbm>> -> memref<128x32xf32, #tpu.memory_space<hbm>>
          tpu.wait_dma2 semaphore(%arg21 : memref<!tpu.dma_semaphore, #tpu.memory_space<semaphore_mem>>) src(%dma_wait3A_176 : memref<128x32xf32, #tpu.memory_space<hbm>>) dst(%arg15 : memref<128x32xf32, #tpu.memory_space<vmem>>)
        } else {
        }
        %add3A_163 = arith.constant 1 : i32
        %add3A_164 = arith.addi %mul3A_97, %add3A_163 : i32
        %dma_start3A_165 = arith.constant 0 : i32
        %dma_start3A_166 = tpu.memref_slice %arg9[%add3A_164, %dma_start3A_165] : memref<14x128xi32, #tpu.memory_space<vmem>> -> memref<1x128xi32, #tpu.memory_space<vmem>>
        %dma_start3A_167 = tpu.memref_squeeze %dma_start3A_166 : memref<1x128xi32, #tpu.memory_space<vmem>> -> memref<128xi32, #tpu.memory_space<vmem>>
        %dma_start3A_168 = arith.constant 0 : i32
        %dma_start3A_169 = arith.constant 0 : i32
        %dma_start3A_170 = tpu.memref_slice %arg7[%dma_start3A_168, %dma_start3A_169] : memref<50000x32xf32, #tpu.memory_space<vmem_shared>> -> memref<50000x32xf32, #tpu.memory_space<vmem_shared>>
        tpu.enqueue_indirect_dma source(%arg15 : memref<128x32xf32, #tpu.memory_space<vmem>>) target(%dma_start3A_170 : memref<50000x32xf32, #tpu.memory_space<vmem_shared>>) offsets(%dma_start3A_167 : memref<128xi32, #tpu.memory_space<vmem>>) semaphore(%arg21 : memref<!tpu.dma_semaphore, #tpu.memory_space<semaphore_mem>>) {add = true}
      }
      %scan3A_90 = arith.constant 7 : i32
    }
    %scan3A_15 = arith.constant 14 : i32
    %dma_wait3A = arith.constant 0 : i32
    %dma_wait3A_16 = arith.constant 0 : i32
    %dma_wait3A_17 = tpu.memref_slice %arg2[%dma_wait3A, %dma_wait3A_16] : memref<50176x32xf32, #tpu.memory_space<hbm>> -> memref<128x32xf32, #tpu.memory_space<hbm>>
    %dma_wait3A_18 = arith.constant 0 : i32
    %dma_wait3A_19 = arith.constant 0 : i32
    %dma_wait3A_20 = tpu.memref_slice %arg2[%dma_wait3A_18, %dma_wait3A_19] : memref<50176x32xf32, #tpu.memory_space<hbm>> -> memref<128x32xf32, #tpu.memory_space<hbm>>
    tpu.wait_dma2 semaphore(%arg20 : memref<!tpu.dma_semaphore, #tpu.memory_space<semaphore_mem>>) src(%dma_wait3A_20 : memref<128x32xf32, #tpu.memory_space<hbm>>) dst(%arg14 : memref<128x32xf32, #tpu.memory_space<vmem>>)
    %dma_wait3A_21 = arith.constant 0 : i32
    %dma_wait3A_22 = arith.constant 0 : i32
    %dma_wait3A_23 = tpu.memref_slice %arg2[%dma_wait3A_21, %dma_wait3A_22] : memref<50176x32xf32, #tpu.memory_space<hbm>> -> memref<128x32xf32, #tpu.memory_space<hbm>>
    %dma_wait3A_24 = arith.constant 0 : i32
    %dma_wait3A_25 = arith.constant 0 : i32
    %dma_wait3A_26 = tpu.memref_slice %arg2[%dma_wait3A_24, %dma_wait3A_25] : memref<50176x32xf32, #tpu.memory_space<hbm>> -> memref<128x32xf32, #tpu.memory_space<hbm>>
    tpu.wait_dma2 semaphore(%arg21 : memref<!tpu.dma_semaphore, #tpu.memory_space<semaphore_mem>>) src(%dma_wait3A_26 : memref<128x32xf32, #tpu.memory_space<hbm>>) dst(%arg15 : memref<128x32xf32, #tpu.memory_space<vmem>>)
    %barrier3A_27 = arith.constant 0 : index
    tpu.barrier barrier_id(%barrier3A_27)
    %mul3A_28 = arith.constant 3125 : i32
    %mul3A_29 = arith.muli %arg1, %mul3A_28 : i32
    %mul3A_30 = arith.constant 50000 : i32
    %mul3A_31 = arith.muli %arg0, %mul3A_30 : i32
    %mul3A_32 = arith.constant 3125 : i32
    %mul3A_33 = arith.muli %arg1, %mul3A_32 : i32
    %add3A_34 = arith.addi %mul3A_31, %mul3A_33 : i32
    "tpu.region"() ({
      %run_scoped3A = tpu.sem_alloc : memref<!tpu.dma_semaphore, #tpu.memory_space<semaphore_mem>>
      %dma_start3A = arith.constant 0 : i32
      %dma_start3A_35 = tpu.memref_slice %arg6[%add3A_34, %dma_start3A] : memref<100000x32xf32, #tpu.memory_space<hbm>> -> memref<3125x32xf32, #tpu.memory_space<hbm>>
      %dma_start3A_36 = arith.constant 0 : i32
      %dma_start3A_37 = tpu.memref_slice %arg7[%mul3A_29, %dma_start3A_36] : memref<50000x32xf32, #tpu.memory_space<vmem_shared>> -> memref<3125x32xf32, #tpu.memory_space<vmem_shared>>
      tpu.enqueue_dma source(%dma_start3A_37 : memref<3125x32xf32, #tpu.memory_space<vmem_shared>>) target(%dma_start3A_35 : memref<3125x32xf32, #tpu.memory_space<hbm>>) target_semaphore(%run_scoped3A : memref<!tpu.dma_semaphore, #tpu.memory_space<semaphore_mem>>)
      %dma_wait3A_38 = arith.constant 0 : i32
      %dma_wait3A_39 = tpu.memref_slice %arg6[%add3A_34, %dma_wait3A_38] : memref<100000x32xf32, #tpu.memory_space<hbm>> -> memref<3125x32xf32, #tpu.memory_space<hbm>>
      %dma_wait3A_40 = arith.constant 0 : i32
      %dma_wait3A_41 = tpu.memref_slice %arg7[%mul3A_29, %dma_wait3A_40] : memref<50000x32xf32, #tpu.memory_space<vmem_shared>> -> memref<3125x32xf32, #tpu.memory_space<vmem_shared>>
      tpu.wait_dma2 semaphore(%run_scoped3A : memref<!tpu.dma_semaphore, #tpu.memory_space<semaphore_mem>>) src(%dma_wait3A_41 : memref<3125x32xf32, #tpu.memory_space<vmem_shared>>) dst(%dma_wait3A_39 : memref<3125x32xf32, #tpu.memory_space<hbm>>)
      tpu.yield
    }) : () -> ()
    return
  }
}

#map = affine_map<(d0, d1) -> (0, 0)>
#map1 = affine_map<(d0, d1) -> (0, 0, 0)>
module attributes {stable_mosaic.version = 14 : i64} {
  func.func @_msg_body(%arg0: i32, %arg1: i32, %arg2: memref<50176x32xf32, #tpu.memory_space<hbm>>, %arg3: memref<6272x128x32xf32, #tpu.memory_space<hbm>>, %arg4: memref<448x14x128xi32, #tpu.memory_space<hbm>>, %arg5: memref<448x14x128xi32, #tpu.memory_space<hbm>>, %arg6: memref<100000x32xf32, #tpu.memory_space<hbm>>, %arg7: memref<50000x32xf32, #tpu.memory_space<vmem_shared>>, %arg8: memref<14x128xi32, #tpu.memory_space<vmem>>, %arg9: memref<14x128xi32, #tpu.memory_space<vmem>>, %arg10: memref<128x32xf32, #tpu.memory_space<vmem>>, %arg11: memref<128x32xf32, #tpu.memory_space<vmem>>, %arg12: memref<128x32xf32, #tpu.memory_space<vmem>>, %arg13: memref<128x32xf32, #tpu.memory_space<vmem>>, %arg14: memref<128x32xf32, #tpu.memory_space<vmem>>, %arg15: memref<128x32xf32, #tpu.memory_space<vmem>>, %arg16: memref<!tpu.dma_semaphore, #tpu.memory_space<semaphore_mem>>, %arg17: memref<!tpu.dma_semaphore, #tpu.memory_space<semaphore_mem>>, %arg18: memref<!tpu.dma_semaphore, #tpu.memory_space<semaphore_mem>>, %arg19: memref<!tpu.dma_semaphore, #tpu.memory_space<semaphore_mem>>, %arg20: memref<!tpu.dma_semaphore, #tpu.memory_space<semaphore_mem>>, %arg21: memref<!tpu.dma_semaphore, #tpu.memory_space<semaphore_mem>>) attributes {dimension_semantics = [#tpu.dimension_semantics<core_parallel>, #tpu.dimension_semantics<subcore_parallel>], iteration_bounds = array<i64: 2, 16>, scalar_prefetch = 0 : i64, scratch_operands = 15 : i64, tpu.core_type = #tpu.core_type<sc_vector_subcore>, window_params = [{transform_indices = #map}, {transform_indices = #map1}, {transform_indices = #map1}, {transform_indices = #map1}, {transform_indices = #map}]} {
    %mul3A = arith.constant 16 : i32
    %mul3A_0 = arith.muli %arg0, %mul3A : i32
    %add3A = arith.addi %mul3A_0, %arg1 : i32
    %broadcast_in_dim3A = arith.constant 0.000000e+00 : f32
    %broadcast_in_dim3A_1 = vector.broadcast %broadcast_in_dim3A : f32 to vector<16xf32>
    %scan3A = arith.constant 0 : i32
    %scan3A_2 = arith.constant 128 : i32
    %scan3A_3 = arith.addi %scan3A, %scan3A_2 : i32
    %scan3A_4 = arith.constant 1 : i32
    scf.for %scan3A_35 = %scan3A to %scan3A_3 step %scan3A_4  : i32 {
      %mul3A_36 = arith.constant 1 : i32
      %mul3A_37 = arith.muli %scan3A_35, %mul3A_36 : i32
      %add3A_38 = arith.constant 0 : i32
      %add3A_39 = arith.addi %add3A_38, %mul3A_37 : i32
      %swap3A = arith.index_cast %add3A_39 : i32 to index
      %swap3A_40 = arith.constant 0 : index
      %swap3A_41 = tpu.vector_load %arg14[%swap3A, %swap3A_40] {strides = array<i32>} : memref<128x32xf32, #tpu.memory_space<vmem>>, vector<1x16xf32>,
      %swap3A_42 = vector.shape_cast %swap3A_41 : vector<1x16xf32> to vector<16xf32>
      %swap3A_43 = vector.shape_cast %broadcast_in_dim3A_1 : vector<16xf32> to vector<1x16xf32>
      tpu.vector_store %arg14[%swap3A, %swap3A_40], %swap3A_43 {strides = array<i32>} : memref<128x32xf32, #tpu.memory_space<vmem>>, vector<1x16xf32>,
      %swap3A_44 = arith.index_cast %add3A_39 : i32 to index
      %swap3A_45 = arith.constant 16 : index
      %swap3A_46 = tpu.vector_load %arg14[%swap3A_44, %swap3A_45] {strides = array<i32>} : memref<128x32xf32, #tpu.memory_space<vmem>>, vector<1x16xf32>,
      %swap3A_47 = vector.shape_cast %swap3A_46 : vector<1x16xf32> to vector<16xf32>
      %swap3A_48 = vector.shape_cast %broadcast_in_dim3A_1 : vector<16xf32> to vector<1x16xf32>
      tpu.vector_store %arg14[%swap3A_44, %swap3A_45], %swap3A_48 {strides = array<i32>} : memref<128x32xf32, #tpu.memory_space<vmem>>, vector<1x16xf32>,
    }
    %scan3A_5 = arith.constant 128 : i32
    %scan3A_6 = arith.constant 0 : i32
    %scan3A_7 = arith.constant 25 : i32
    %scan3A_8 = arith.addi %scan3A_6, %scan3A_7 : i32
    %scan3A_9 = arith.constant 1 : i32
    scf.for %scan3A_35 = %scan3A_6 to %scan3A_8 step %scan3A_9  : i32 {
      %mul3A_36 = arith.constant 1 : i32
      %mul3A_37 = arith.muli %scan3A_35, %mul3A_36 : i32
      %add3A_38 = arith.constant 0 : i32
      %add3A_39 = arith.addi %add3A_38, %mul3A_37 : i32
      %mul3A_40 = arith.constant 3125 : i32
      %mul3A_41 = arith.muli %arg1, %mul3A_40 : i32
      %mul3A_42 = arith.constant 125 : i32
      %mul3A_43 = arith.muli %add3A_39, %mul3A_42 : i32
      %add3A_44 = arith.addi %mul3A_41, %mul3A_43 : i32
      "tpu.region"() ({
        %run_scoped3A = tpu.sem_alloc : memref<!tpu.dma_semaphore, #tpu.memory_space<semaphore_mem>>
        %dma_start3A = arith.constant 0 : i32
        %dma_start3A_45 = arith.constant 0 : i32
        %dma_start3A_46 = tpu.memref_slice %arg14[%dma_start3A, %dma_start3A_45] : memref<128x32xf32, #tpu.memory_space<vmem>> -> memref<125x32xf32, #tpu.memory_space<vmem>>
        %dma_start3A_47 = arith.constant 0 : i32
        %dma_start3A_48 = tpu.memref_slice %arg7[%add3A_44, %dma_start3A_47] : memref<50000x32xf32, #tpu.memory_space<vmem_shared>> -> memref<125x32xf32, #tpu.memory_space<vmem_shared>>
        %dma_start3A_49 = arith.constant 0 : i32
        %dma_start3A_50 = tpu.memref_slice %arg7[%add3A_44, %dma_start3A_49] : memref<50000x32xf32, #tpu.memory_space<vmem_shared>> -> memref<125x32xf32, #tpu.memory_space<vmem_shared>>
        %dma_start3A_51 = arith.constant 0 : i32
        %dma_start3A_52 = arith.constant 0 : i32
        %dma_start3A_53 = tpu.memref_slice %arg14[%dma_start3A_51, %dma_start3A_52] : memref<128x32xf32, #tpu.memory_space<vmem>> -> memref<125x32xf32, #tpu.memory_space<vmem>>
        tpu.enqueue_dma source(%dma_start3A_53 : memref<125x32xf32, #tpu.memory_space<vmem>>) target(%dma_start3A_50 : memref<125x32xf32, #tpu.memory_space<vmem_shared>>) target_semaphore(%run_scoped3A : memref<!tpu.dma_semaphore, #tpu.memory_space<semaphore_mem>>)
        %dma_wait3A_54 = arith.constant 0 : i32
        %dma_wait3A_55 = arith.constant 0 : i32
        %dma_wait3A_56 = tpu.memref_slice %arg14[%dma_wait3A_54, %dma_wait3A_55] : memref<128x32xf32, #tpu.memory_space<vmem>> -> memref<125x32xf32, #tpu.memory_space<vmem>>
        %dma_wait3A_57 = arith.constant 0 : i32
        %dma_wait3A_58 = tpu.memref_slice %arg7[%add3A_44, %dma_wait3A_57] : memref<50000x32xf32, #tpu.memory_space<vmem_shared>> -> memref<125x32xf32, #tpu.memory_space<vmem_shared>>
        %dma_wait3A_59 = arith.constant 0 : i32
        %dma_wait3A_60 = tpu.memref_slice %arg7[%add3A_44, %dma_wait3A_59] : memref<50000x32xf32, #tpu.memory_space<vmem_shared>> -> memref<125x32xf32, #tpu.memory_space<vmem_shared>>
        %dma_wait3A_61 = arith.constant 0 : i32
        %dma_wait3A_62 = arith.constant 0 : i32
        %dma_wait3A_63 = tpu.memref_slice %arg14[%dma_wait3A_61, %dma_wait3A_62] : memref<128x32xf32, #tpu.memory_space<vmem>> -> memref<125x32xf32, #tpu.memory_space<vmem>>
        tpu.wait_dma2 semaphore(%run_scoped3A : memref<!tpu.dma_semaphore, #tpu.memory_space<semaphore_mem>>) src(%dma_wait3A_63 : memref<125x32xf32, #tpu.memory_space<vmem>>) dst(%dma_wait3A_60 : memref<125x32xf32, #tpu.memory_space<vmem_shared>>)
        tpu.yield
      }) : () -> ()
    }
    %scan3A_10 = arith.constant 25 : i32
    %barrier3A = arith.constant 0 : index
    tpu.barrier barrier_id(%barrier3A)
    %scan3A_11 = arith.constant 0 : i32
    %scan3A_12 = arith.constant 14 : i32
    %scan3A_13 = arith.addi %scan3A_11, %scan3A_12 : i32
    %scan3A_14 = arith.constant 1 : i32
    scf.for %scan3A_35 = %scan3A_11 to %scan3A_13 step %scan3A_14  : i32 {
      %mul3A_36 = arith.constant 1 : i32
      %mul3A_37 = arith.muli %scan3A_35, %mul3A_36 : i32
      %add3A_38 = arith.constant 0 : i32
      %add3A_39 = arith.addi %add3A_38, %mul3A_37 : i32
      %mul3A_40 = arith.constant 196 : i32
      %mul3A_41 = arith.muli %add3A, %mul3A_40 : i32
      %mul3A_42 = arith.constant 14 : i32
      %mul3A_43 = arith.muli %add3A_39, %mul3A_42 : i32
      %add3A_44 = arith.addi %mul3A_41, %mul3A_43 : i32
      %gt3A = arith.constant 0 : i32
      %gt3A_45 = arith.cmpi sgt, %add3A_39, %gt3A : i32
      %convert_element_type3A = arith.extui %gt3A_45 : i1 to i32
      %cond3A = arith.constant 0 : i32
      %cond3A_46 = arith.cmpi ne, %convert_element_type3A, %cond3A : i32
      scf.if %cond3A_46 {
        %dma_wait3A_91 = arith.constant 0 : i32
        %dma_wait3A_92 = arith.constant 0 : i32
        %dma_wait3A_93 = tpu.memref_slice %arg2[%dma_wait3A_91, %dma_wait3A_92] : memref<50176x32xf32, #tpu.memory_space<hbm>> -> memref<128x32xf32, #tpu.memory_space<hbm>>
        %dma_wait3A_94 = arith.constant 0 : i32
        %dma_wait3A_95 = arith.constant 0 : i32
        %dma_wait3A_96 = tpu.memref_slice %arg2[%dma_wait3A_94, %dma_wait3A_95] : memref<50176x32xf32, #tpu.memory_space<hbm>> -> memref<128x32xf32, #tpu.memory_space<hbm>>
        tpu.wait_dma2 semaphore(%arg20 : memref<!tpu.dma_semaphore, #tpu.memory_space<semaphore_mem>>) src(%dma_wait3A_96 : memref<128x32xf32, #tpu.memory_space<hbm>>) dst(%arg14 : memref<128x32xf32, #tpu.memory_space<vmem>>)
        %dma_wait3A_97 = arith.constant 0 : i32
        %dma_wait3A_98 = arith.constant 0 : i32
        %dma_wait3A_99 = tpu.memref_slice %arg2[%dma_wait3A_97, %dma_wait3A_98] : memref<50176x32xf32, #tpu.memory_space<hbm>> -> memref<128x32xf32, #tpu.memory_space<hbm>>
        %dma_wait3A_100 = arith.constant 0 : i32
        %dma_wait3A_101 = arith.constant 0 : i32
        %dma_wait3A_102 = tpu.memref_slice %arg2[%dma_wait3A_100, %dma_wait3A_101] : memref<50176x32xf32, #tpu.memory_space<hbm>> -> memref<128x32xf32, #tpu.memory_space<hbm>>
        tpu.wait_dma2 semaphore(%arg21 : memref<!tpu.dma_semaphore, #tpu.memory_space<semaphore_mem>>) src(%dma_wait3A_102 : memref<128x32xf32, #tpu.memory_space<hbm>>) dst(%arg15 : memref<128x32xf32, #tpu.memory_space<vmem>>)
      } else {
      }
      %mul3A_47 = arith.constant 14 : i32
      %mul3A_48 = arith.muli %add3A, %mul3A_47 : i32
      %add3A_49 = arith.addi %mul3A_48, %add3A_39 : i32
      "tpu.region"() ({
        %run_scoped3A = tpu.sem_alloc : memref<!tpu.dma_semaphore, #tpu.memory_space<semaphore_mem>>
        %dma_start3A_91 = arith.constant 0 : i32
        %dma_start3A_92 = arith.constant 0 : i32
        %dma_start3A_93 = tpu.memref_slice %arg4[%add3A_49, %dma_start3A_91, %dma_start3A_92] : memref<448x14x128xi32, #tpu.memory_space<hbm>> -> memref<1x14x128xi32, #tpu.memory_space<hbm>>
        %dma_start3A_94 = tpu.memref_squeeze %dma_start3A_93 : memref<1x14x128xi32, #tpu.memory_space<hbm>> -> memref<14x128xi32, #tpu.memory_space<hbm>>
        %dma_start3A_95 = arith.constant 0 : i32
        %dma_start3A_96 = arith.constant 0 : i32
        %dma_start3A_97 = tpu.memref_slice %arg4[%add3A_49, %dma_start3A_95, %dma_start3A_96] : memref<448x14x128xi32, #tpu.memory_space<hbm>> -> memref<1x14x128xi32, #tpu.memory_space<hbm>>
        %dma_start3A_98 = tpu.memref_squeeze %dma_start3A_97 : memref<1x14x128xi32, #tpu.memory_space<hbm>> -> memref<14x128xi32, #tpu.memory_space<hbm>>
        tpu.enqueue_dma source(%dma_start3A_98 : memref<14x128xi32, #tpu.memory_space<hbm>>) target(%arg8 : memref<14x128xi32, #tpu.memory_space<vmem>>) target_semaphore(%run_scoped3A : memref<!tpu.dma_semaphore, #tpu.memory_space<semaphore_mem>>)
        %dma_wait3A_99 = arith.constant 0 : i32
        %dma_wait3A_100 = arith.constant 0 : i32
        %dma_wait3A_101 = tpu.memref_slice %arg4[%add3A_49, %dma_wait3A_99, %dma_wait3A_100] : memref<448x14x128xi32, #tpu.memory_space<hbm>> -> memref<1x14x128xi32, #tpu.memory_space<hbm>>
        %dma_wait3A_102 = tpu.memref_squeeze %dma_wait3A_101 : memref<1x14x128xi32, #tpu.memory_space<hbm>> -> memref<14x128xi32, #tpu.memory_space<hbm>>
        %dma_wait3A_103 = arith.constant 0 : i32
        %dma_wait3A_104 = arith.constant 0 : i32
        %dma_wait3A_105 = tpu.memref_slice %arg4[%add3A_49, %dma_wait3A_103, %dma_wait3A_104] : memref<448x14x128xi32, #tpu.memory_space<hbm>> -> memref<1x14x128xi32, #tpu.memory_space<hbm>>
        %dma_wait3A_106 = tpu.memref_squeeze %dma_wait3A_105 : memref<1x14x128xi32, #tpu.memory_space<hbm>> -> memref<14x128xi32, #tpu.memory_space<hbm>>
        tpu.wait_dma2 semaphore(%run_scoped3A : memref<!tpu.dma_semaphore, #tpu.memory_space<semaphore_mem>>) src(%dma_wait3A_106 : memref<14x128xi32, #tpu.memory_space<hbm>>) dst(%arg8 : memref<14x128xi32, #tpu.memory_space<vmem>>)
        tpu.yield
      }) : () -> ()
      %mul3A_50 = arith.constant 14 : i32
      %mul3A_51 = arith.muli %add3A, %mul3A_50 : i32
      %add3A_52 = arith.addi %mul3A_51, %add3A_39 : i32
      "tpu.region"() ({
        %run_scoped3A = tpu.sem_alloc : memref<!tpu.dma_semaphore, #tpu.memory_space<semaphore_mem>>
        %dma_start3A_91 = arith.constant 0 : i32
        %dma_start3A_92 = arith.constant 0 : i32
        %dma_start3A_93 = tpu.memref_slice %arg5[%add3A_52, %dma_start3A_91, %dma_start3A_92] : memref<448x14x128xi32, #tpu.memory_space<hbm>> -> memref<1x14x128xi32, #tpu.memory_space<hbm>>
        %dma_start3A_94 = tpu.memref_squeeze %dma_start3A_93 : memref<1x14x128xi32, #tpu.memory_space<hbm>> -> memref<14x128xi32, #tpu.memory_space<hbm>>
        %dma_start3A_95 = arith.constant 0 : i32
        %dma_start3A_96 = arith.constant 0 : i32
        %dma_start3A_97 = tpu.memref_slice %arg5[%add3A_52, %dma_start3A_95, %dma_start3A_96] : memref<448x14x128xi32, #tpu.memory_space<hbm>> -> memref<1x14x128xi32, #tpu.memory_space<hbm>>
        %dma_start3A_98 = tpu.memref_squeeze %dma_start3A_97 : memref<1x14x128xi32, #tpu.memory_space<hbm>> -> memref<14x128xi32, #tpu.memory_space<hbm>>
        tpu.enqueue_dma source(%dma_start3A_98 : memref<14x128xi32, #tpu.memory_space<hbm>>) target(%arg9 : memref<14x128xi32, #tpu.memory_space<vmem>>) target_semaphore(%run_scoped3A : memref<!tpu.dma_semaphore, #tpu.memory_space<semaphore_mem>>)
        %dma_wait3A_99 = arith.constant 0 : i32
        %dma_wait3A_100 = arith.constant 0 : i32
        %dma_wait3A_101 = tpu.memref_slice %arg5[%add3A_52, %dma_wait3A_99, %dma_wait3A_100] : memref<448x14x128xi32, #tpu.memory_space<hbm>> -> memref<1x14x128xi32, #tpu.memory_space<hbm>>
        %dma_wait3A_102 = tpu.memref_squeeze %dma_wait3A_101 : memref<1x14x128xi32, #tpu.memory_space<hbm>> -> memref<14x128xi32, #tpu.memory_space<hbm>>
        %dma_wait3A_103 = arith.constant 0 : i32
        %dma_wait3A_104 = arith.constant 0 : i32
        %dma_wait3A_105 = tpu.memref_slice %arg5[%add3A_52, %dma_wait3A_103, %dma_wait3A_104] : memref<448x14x128xi32, #tpu.memory_space<hbm>> -> memref<1x14x128xi32, #tpu.memory_space<hbm>>
        %dma_wait3A_106 = tpu.memref_squeeze %dma_wait3A_105 : memref<1x14x128xi32, #tpu.memory_space<hbm>> -> memref<14x128xi32, #tpu.memory_space<hbm>>
        tpu.wait_dma2 semaphore(%run_scoped3A : memref<!tpu.dma_semaphore, #tpu.memory_space<semaphore_mem>>) src(%dma_wait3A_106 : memref<14x128xi32, #tpu.memory_space<hbm>>) dst(%arg9 : memref<14x128xi32, #tpu.memory_space<vmem>>)
        tpu.yield
      }) : () -> ()
      %dma_start3A = arith.constant 0 : i32
      %dma_start3A_53 = arith.constant 0 : i32
      %dma_start3A_54 = tpu.memref_slice %arg8[%dma_start3A, %dma_start3A_53] : memref<14x128xi32, #tpu.memory_space<vmem>> -> memref<1x128xi32, #tpu.memory_space<vmem>>
      %dma_start3A_55 = tpu.memref_squeeze %dma_start3A_54 : memref<1x128xi32, #tpu.memory_space<vmem>> -> memref<128xi32, #tpu.memory_space<vmem>>
      %dma_start3A_56 = arith.constant 0 : i32
      %dma_start3A_57 = arith.constant 0 : i32
      %dma_start3A_58 = tpu.memref_slice %arg2[%dma_start3A_56, %dma_start3A_57] : memref<50176x32xf32, #tpu.memory_space<hbm>> -> memref<50176x32xf32, #tpu.memory_space<hbm>>
      tpu.enqueue_indirect_dma source(%dma_start3A_58 : memref<50176x32xf32, #tpu.memory_space<hbm>>) target(%arg10 : memref<128x32xf32, #tpu.memory_space<vmem>>) offsets(%dma_start3A_55 : memref<128xi32, #tpu.memory_space<vmem>>) semaphore(%arg16 : memref<!tpu.dma_semaphore, #tpu.memory_space<semaphore_mem>>)
      %add3A_59 = arith.constant 0 : i32
      %add3A_60 = arith.addi %add3A_44, %add3A_59 : i32
      %dma_start3A_61 = arith.constant 0 : i32
      %dma_start3A_62 = arith.constant 0 : i32
      %dma_start3A_63 = tpu.memref_slice %arg3[%add3A_60, %dma_start3A_61, %dma_start3A_62] : memref<6272x128x32xf32, #tpu.memory_space<hbm>> -> memref<1x128x32xf32, #tpu.memory_space<hbm>>
      %dma_start3A_64 = tpu.memref_squeeze %dma_start3A_63 : memref<1x128x32xf32, #tpu.memory_space<hbm>> -> memref<128x32xf32, #tpu.memory_space<hbm>>
      %dma_start3A_65 = arith.constant 0 : i32
      %dma_start3A_66 = arith.constant 0 : i32
      %dma_start3A_67 = tpu.memref_slice %arg3[%add3A_60, %dma_start3A_65, %dma_start3A_66] : memref<6272x128x32xf32, #tpu.memory_space<hbm>> -> memref<1x128x32xf32, #tpu.memory_space<hbm>>
      %dma_start3A_68 = tpu.memref_squeeze %dma_start3A_67 : memref<1x128x32xf32, #tpu.memory_space<hbm>> -> memref<128x32xf32, #tpu.memory_space<hbm>>
      tpu.enqueue_dma source(%dma_start3A_68 : memref<128x32xf32, #tpu.memory_space<hbm>>) target(%arg12 : memref<128x32xf32, #tpu.memory_space<vmem>>) target_semaphore(%arg18 : memref<!tpu.dma_semaphore, #tpu.memory_space<semaphore_mem>>)
      %dma_start3A_69 = arith.constant 1 : i32
      %dma_start3A_70 = arith.constant 0 : i32
      %dma_start3A_71 = tpu.memref_slice %arg8[%dma_start3A_69, %dma_start3A_70] : memref<14x128xi32, #tpu.memory_space<vmem>> -> memref<1x128xi32, #tpu.memory_space<vmem>>
      %dma_start3A_72 = tpu.memref_squeeze %dma_start3A_71 : memref<1x128xi32, #tpu.memory_space<vmem>> -> memref<128xi32, #tpu.memory_space<vmem>>
      %dma_start3A_73 = arith.constant 0 : i32
      %dma_start3A_74 = arith.constant 0 : i32
      %dma_start3A_75 = tpu.memref_slice %arg2[%dma_start3A_73, %dma_start3A_74] : memref<50176x32xf32, #tpu.memory_space<hbm>> -> memref<50176x32xf32, #tpu.memory_space<hbm>>
      tpu.enqueue_indirect_dma source(%dma_start3A_75 : memref<50176x32xf32, #tpu.memory_space<hbm>>) target(%arg11 : memref<128x32xf32, #tpu.memory_space<vmem>>) offsets(%dma_start3A_72 : memref<128xi32, #tpu.memory_space<vmem>>) semaphore(%arg17 : memref<!tpu.dma_semaphore, #tpu.memory_space<semaphore_mem>>)
      %add3A_76 = arith.constant 1 : i32
      %add3A_77 = arith.addi %add3A_44, %add3A_76 : i32
      %dma_start3A_78 = arith.constant 0 : i32
      %dma_start3A_79 = arith.constant 0 : i32
      %dma_start3A_80 = tpu.memref_slice %arg3[%add3A_77, %dma_start3A_78, %dma_start3A_79] : memref<6272x128x32xf32, #tpu.memory_space<hbm>> -> memref<1x128x32xf32, #tpu.memory_space<hbm>>
      %dma_start3A_81 = tpu.memref_squeeze %dma_start3A_80 : memref<1x128x32xf32, #tpu.memory_space<hbm>> -> memref<128x32xf32, #tpu.memory_space<hbm>>
      %dma_start3A_82 = arith.constant 0 : i32
      %dma_start3A_83 = arith.constant 0 : i32
      %dma_start3A_84 = tpu.memref_slice %arg3[%add3A_77, %dma_start3A_82, %dma_start3A_83] : memref<6272x128x32xf32, #tpu.memory_space<hbm>> -> memref<1x128x32xf32, #tpu.memory_space<hbm>>
      %dma_start3A_85 = tpu.memref_squeeze %dma_start3A_84 : memref<1x128x32xf32, #tpu.memory_space<hbm>> -> memref<128x32xf32, #tpu.memory_space<hbm>>
      tpu.enqueue_dma source(%dma_start3A_85 : memref<128x32xf32, #tpu.memory_space<hbm>>) target(%arg13 : memref<128x32xf32, #tpu.memory_space<vmem>>) target_semaphore(%arg19 : memref<!tpu.dma_semaphore, #tpu.memory_space<semaphore_mem>>)
      %scan3A_86 = arith.constant 0 : i32
      %scan3A_87 = arith.constant 7 : i32
      %scan3A_88 = arith.addi %scan3A_86, %scan3A_87 : i32
      %scan3A_89 = arith.constant 1 : i32
      scf.for %scan3A_91 = %scan3A_86 to %scan3A_88 step %scan3A_89  : i32 {
        %mul3A_92 = arith.constant 1 : i32
        %mul3A_93 = arith.muli %scan3A_91, %mul3A_92 : i32
        %add3A_94 = arith.constant 0 : i32
        %add3A_95 = arith.addi %add3A_94, %mul3A_93 : i32
        %mul3A_96 = arith.constant 2 : i32
        %mul3A_97 = arith.muli %mul3A_96, %add3A_95 : i32
        %dma_wait3A_98 = arith.constant 0 : i32
        %dma_wait3A_99 = arith.constant 0 : i32
        %dma_wait3A_100 = tpu.memref_slice %arg2[%dma_wait3A_98, %dma_wait3A_99] : memref<50176x32xf32, #tpu.memory_space<hbm>> -> memref<128x32xf32, #tpu.memory_space<hbm>>
        %dma_wait3A_101 = arith.constant 0 : i32
        %dma_wait3A_102 = arith.constant 0 : i32
        %dma_wait3A_103 = tpu.memref_slice %arg2[%dma_wait3A_101, %dma_wait3A_102] : memref<50176x32xf32, #tpu.memory_space<hbm>> -> memref<128x32xf32, #tpu.memory_space<hbm>>
        tpu.wait_dma2 semaphore(%arg16 : memref<!tpu.dma_semaphore, #tpu.memory_space<semaphore_mem>>) src(%dma_wait3A_103 : memref<128x32xf32, #tpu.memory_space<hbm>>) dst(%arg10 : memref<128x32xf32, #tpu.memory_space<vmem>>)
        %dma_wait3A_104 = arith.constant 0 : i32
        %dma_wait3A_105 = arith.constant 0 : i32
        %dma_wait3A_106 = arith.constant 0 : i32
        %dma_wait3A_107 = tpu.memref_slice %arg3[%dma_wait3A_104, %dma_wait3A_105, %dma_wait3A_106] : memref<6272x128x32xf32, #tpu.memory_space<hbm>> -> memref<1x128x32xf32, #tpu.memory_space<hbm>>
        %dma_wait3A_108 = tpu.memref_squeeze %dma_wait3A_107 : memref<1x128x32xf32, #tpu.memory_space<hbm>> -> memref<128x32xf32, #tpu.memory_space<hbm>>
        %dma_wait3A_109 = arith.constant 0 : i32
        %dma_wait3A_110 = arith.constant 0 : i32
        %dma_wait3A_111 = tpu.memref_slice %arg3[%dma_wait3A_104, %dma_wait3A_109, %dma_wait3A_110] : memref<6272x128x32xf32, #tpu.memory_space<hbm>> -> memref<1x128x32xf32, #tpu.memory_space<hbm>>
        %dma_wait3A_112 = tpu.memref_squeeze %dma_wait3A_111 : memref<1x128x32xf32, #tpu.memory_space<hbm>> -> memref<128x32xf32, #tpu.memory_space<hbm>>
        tpu.wait_dma2 semaphore(%arg18 : memref<!tpu.dma_semaphore, #tpu.memory_space<semaphore_mem>>) src(%dma_wait3A_112 : memref<128x32xf32, #tpu.memory_space<hbm>>) dst(%arg12 : memref<128x32xf32, #tpu.memory_space<vmem>>)
        %scan3A_113 = arith.constant 0 : i32
        %scan3A_114 = arith.constant 128 : i32
        %scan3A_115 = arith.addi %scan3A_113, %scan3A_114 : i32
        %scan3A_116 = arith.constant 1 : i32
        scf.for %scan3A_171 = %scan3A_113 to %scan3A_115 step %scan3A_116  : i32 {
          %mul3A_172 = arith.constant 1 : i32
          %mul3A_173 = arith.muli %scan3A_171, %mul3A_172 : i32
          %add3A_174 = arith.constant 0 : i32
          %add3A_175 = arith.addi %add3A_174, %mul3A_173 : i32
          %get3A = arith.index_cast %add3A_175 : i32 to index
          %get3A_176 = arith.constant 0 : index
          %get3A_177 = tpu.vector_load %arg10[%get3A, %get3A_176] {strides = array<i32>} : memref<128x32xf32, #tpu.memory_space<vmem>>, vector<1x16xf32>,
          %get3A_178 = vector.shape_cast %get3A_177 : vector<1x16xf32> to vector<16xf32>
          %get3A_179 = arith.index_cast %add3A_175 : i32 to index
          %get3A_180 = arith.constant 0 : index
          %get3A_181 = tpu.vector_load %arg12[%get3A_179, %get3A_180] {strides = array<i32>} : memref<128x32xf32, #tpu.memory_space<vmem>>, vector<1x16xf32>,
          %get3A_182 = vector.shape_cast %get3A_181 : vector<1x16xf32> to vector<16xf32>
          %mul3A_183 = arith.mulf %get3A_178, %get3A_182 : vector<16xf32>
          %swap3A = arith.index_cast %add3A_175 : i32 to index
          %swap3A_184 = arith.constant 0 : index
          %swap3A_185 = tpu.vector_load %arg14[%swap3A, %swap3A_184] {strides = array<i32>} : memref<128x32xf32, #tpu.memory_space<vmem>>, vector<1x16xf32>,
          %swap3A_186 = vector.shape_cast %swap3A_185 : vector<1x16xf32> to vector<16xf32>
          %swap3A_187 = vector.shape_cast %mul3A_183 : vector<16xf32> to vector<1x16xf32>
          tpu.vector_store %arg14[%swap3A, %swap3A_184], %swap3A_187 {strides = array<i32>} : memref<128x32xf32, #tpu.memory_space<vmem>>, vector<1x16xf32>,
          %get3A_188 = arith.index_cast %add3A_175 : i32 to index
          %get3A_189 = arith.constant 16 : index
          %get3A_190 = tpu.vector_load %arg10[%get3A_188, %get3A_189] {strides = array<i32>} : memref<128x32xf32, #tpu.memory_space<vmem>>, vector<1x16xf32>,
          %get3A_191 = vector.shape_cast %get3A_190 : vector<1x16xf32> to vector<16xf32>
          %get3A_192 = arith.index_cast %add3A_175 : i32 to index
          %get3A_193 = arith.constant 16 : index
          %get3A_194 = tpu.vector_load %arg12[%get3A_192, %get3A_193] {strides = array<i32>} : memref<128x32xf32, #tpu.memory_space<vmem>>, vector<1x16xf32>,
          %get3A_195 = vector.shape_cast %get3A_194 : vector<1x16xf32> to vector<16xf32>
          %mul3A_196 = arith.mulf %get3A_191, %get3A_195 : vector<16xf32>
          %swap3A_197 = arith.index_cast %add3A_175 : i32 to index
          %swap3A_198 = arith.constant 16 : index
          %swap3A_199 = tpu.vector_load %arg14[%swap3A_197, %swap3A_198] {strides = array<i32>} : memref<128x32xf32, #tpu.memory_space<vmem>>, vector<1x16xf32>,
          %swap3A_200 = vector.shape_cast %swap3A_199 : vector<1x16xf32> to vector<16xf32>
          %swap3A_201 = vector.shape_cast %mul3A_196 : vector<16xf32> to vector<1x16xf32>
          tpu.vector_store %arg14[%swap3A_197, %swap3A_198], %swap3A_201 {strides = array<i32>} : memref<128x32xf32, #tpu.memory_space<vmem>>, vector<1x16xf32>,
        }
        %scan3A_117 = arith.constant 128 : i32
        %lt3A = arith.constant 6 : i32
        %lt3A_118 = arith.cmpi slt, %add3A_95, %lt3A : i32
        %convert_element_type3A_119 = arith.extui %lt3A_118 : i1 to i32
        %cond3A_120 = arith.constant 0 : i32
        %cond3A_121 = arith.cmpi ne, %convert_element_type3A_119, %cond3A_120 : i32
        scf.if %cond3A_121 {
          %add3A_171 = arith.constant 2 : i32
          %add3A_172 = arith.addi %mul3A_97, %add3A_171 : i32
          %dma_start3A_173 = arith.constant 0 : i32
          %dma_start3A_174 = tpu.memref_slice %arg8[%add3A_172, %dma_start3A_173] : memref<14x128xi32, #tpu.memory_space<vmem>> -> memref<1x128xi32, #tpu.memory_space<vmem>>
          %dma_start3A_175 = tpu.memref_squeeze %dma_start3A_174 : memref<1x128xi32, #tpu.memory_space<vmem>> -> memref<128xi32, #tpu.memory_space<vmem>>
          %dma_start3A_176 = arith.constant 0 : i32
          %dma_start3A_177 = arith.constant 0 : i32
          %dma_start3A_178 = tpu.memref_slice %arg2[%dma_start3A_176, %dma_start3A_177] : memref<50176x32xf32, #tpu.memory_space<hbm>> -> memref<50176x32xf32, #tpu.memory_space<hbm>>
          tpu.enqueue_indirect_dma source(%dma_start3A_178 : memref<50176x32xf32, #tpu.memory_space<hbm>>) target(%arg10 : memref<128x32xf32, #tpu.memory_space<vmem>>) offsets(%dma_start3A_175 : memref<128xi32, #tpu.memory_space<vmem>>) semaphore(%arg16 : memref<!tpu.dma_semaphore, #tpu.memory_space<semaphore_mem>>)
          %add3A_179 = arith.addi %add3A_44, %add3A_172 : i32
          %dma_start3A_180 = arith.constant 0 : i32
          %dma_start3A_181 = arith.constant 0 : i32
          %dma_start3A_182 = tpu.memref_slice %arg3[%add3A_179, %dma_start3A_180, %dma_start3A_181] : memref<6272x128x32xf32, #tpu.memory_space<hbm>> -> memref<1x128x32xf32, #tpu.memory_space<hbm>>
          %dma_start3A_183 = tpu.memref_squeeze %dma_start3A_182 : memref<1x128x32xf32, #tpu.memory_space<hbm>> -> memref<128x32xf32, #tpu.memory_space<hbm>>
          %dma_start3A_184 = arith.constant 0 : i32
          %dma_start3A_185 = arith.constant 0 : i32
          %dma_start3A_186 = tpu.memref_slice %arg3[%add3A_179, %dma_start3A_184, %dma_start3A_185] : memref<6272x128x32xf32, #tpu.memory_space<hbm>> -> memref<1x128x32xf32, #tpu.memory_space<hbm>>
          %dma_start3A_187 = tpu.memref_squeeze %dma_start3A_186 : memref<1x128x32xf32, #tpu.memory_space<hbm>> -> memref<128x32xf32, #tpu.memory_space<hbm>>
          tpu.enqueue_dma source(%dma_start3A_187 : memref<128x32xf32, #tpu.memory_space<hbm>>) target(%arg12 : memref<128x32xf32, #tpu.memory_space<vmem>>) target_semaphore(%arg18 : memref<!tpu.dma_semaphore, #tpu.memory_space<semaphore_mem>>)
        } else {
        }
        %gt3A_122 = arith.constant 0 : i32
        %gt3A_123 = arith.cmpi sgt, %add3A_95, %gt3A_122 : i32
        %convert_element_type3A_124 = arith.extui %gt3A_123 : i1 to i32
        %cond3A_125 = arith.constant 0 : i32
        %cond3A_126 = arith.cmpi ne, %convert_element_type3A_124, %cond3A_125 : i32
        scf.if %cond3A_126 {
          %dma_wait3A_171 = arith.constant 0 : i32
          %dma_wait3A_172 = arith.constant 0 : i32
          %dma_wait3A_173 = tpu.memref_slice %arg2[%dma_wait3A_171, %dma_wait3A_172] : memref<50176x32xf32, #tpu.memory_space<hbm>> -> memref<128x32xf32, #tpu.memory_space<hbm>>
          %dma_wait3A_174 = arith.constant 0 : i32
          %dma_wait3A_175 = arith.constant 0 : i32
          %dma_wait3A_176 = tpu.memref_slice %arg2[%dma_wait3A_174, %dma_wait3A_175] : memref<50176x32xf32, #tpu.memory_space<hbm>> -> memref<128x32xf32, #tpu.memory_space<hbm>>
          tpu.wait_dma2 semaphore(%arg20 : memref<!tpu.dma_semaphore, #tpu.memory_space<semaphore_mem>>) src(%dma_wait3A_176 : memref<128x32xf32, #tpu.memory_space<hbm>>) dst(%arg14 : memref<128x32xf32, #tpu.memory_space<vmem>>)
        } else {
        }
        %dma_start3A_127 = arith.constant 0 : i32
        %dma_start3A_128 = tpu.memref_slice %arg9[%mul3A_97, %dma_start3A_127] : memref<14x128xi32, #tpu.memory_space<vmem>> -> memref<1x128xi32, #tpu.memory_space<vmem>>
        %dma_start3A_129 = tpu.memref_squeeze %dma_start3A_128 : memref<1x128xi32, #tpu.memory_space<vmem>> -> memref<128xi32, #tpu.memory_space<vmem>>
        %dma_start3A_130 = arith.constant 0 : i32
        %dma_start3A_131 = arith.constant 0 : i32
        %dma_start3A_132 = tpu.memref_slice %arg7[%dma_start3A_130, %dma_start3A_131] : memref<50000x32xf32, #tpu.memory_space<vmem_shared>> -> memref<50000x32xf32, #tpu.memory_space<vmem_shared>>
        tpu.enqueue_indirect_dma source(%arg14 : memref<128x32xf32, #tpu.memory_space<vmem>>) target(%dma_start3A_132 : memref<50000x32xf32, #tpu.memory_space<vmem_shared>>) offsets(%dma_start3A_129 : memref<128xi32, #tpu.memory_space<vmem>>) semaphore(%arg20 : memref<!tpu.dma_semaphore, #tpu.memory_space<semaphore_mem>>) {add = true}
        %dma_wait3A_133 = arith.constant 0 : i32
        %dma_wait3A_134 = arith.constant 0 : i32
        %dma_wait3A_135 = tpu.memref_slice %arg2[%dma_wait3A_133, %dma_wait3A_134] : memref<50176x32xf32, #tpu.memory_space<hbm>> -> memref<128x32xf32, #tpu.memory_space<hbm>>
        %dma_wait3A_136 = arith.constant 0 : i32
        %dma_wait3A_137 = arith.constant 0 : i32
        %dma_wait3A_138 = tpu.memref_slice %arg2[%dma_wait3A_136, %dma_wait3A_137] : memref<50176x32xf32, #tpu.memory_space<hbm>> -> memref<128x32xf32, #tpu.memory_space<hbm>>
        tpu.wait_dma2 semaphore(%arg17 : memref<!tpu.dma_semaphore, #tpu.memory_space<semaphore_mem>>) src(%dma_wait3A_138 : memref<128x32xf32, #tpu.memory_space<hbm>>) dst(%arg11 : memref<128x32xf32, #tpu.memory_space<vmem>>)
        %dma_wait3A_139 = arith.constant 0 : i32
        %dma_wait3A_140 = arith.constant 0 : i32
        %dma_wait3A_141 = arith.constant 0 : i32
        %dma_wait3A_142 = tpu.memref_slice %arg3[%dma_wait3A_139, %dma_wait3A_140, %dma_wait3A_141] : memref<6272x128x32xf32, #tpu.memory_space<hbm>> -> memref<1x128x32xf32, #tpu.memory_space<hbm>>
        %dma_wait3A_143 = tpu.memref_squeeze %dma_wait3A_142 : memref<1x128x32xf32, #tpu.memory_space<hbm>> -> memref<128x32xf32, #tpu.memory_space<hbm>>
        %dma_wait3A_144 = arith.constant 0 : i32
        %dma_wait3A_145 = arith.constant 0 : i32
        %dma_wait3A_146 = tpu.memref_slice %arg3[%dma_wait3A_139, %dma_wait3A_144, %dma_wait3A_145] : memref<6272x128x32xf32, #tpu.memory_space<hbm>> -> memref<1x128x32xf32, #tpu.memory_space<hbm>>
        %dma_wait3A_147 = tpu.memref_squeeze %dma_wait3A_146 : memref<1x128x32xf32, #tpu.memory_space<hbm>> -> memref<128x32xf32, #tpu.memory_space<hbm>>
        tpu.wait_dma2 semaphore(%arg19 : memref<!tpu.dma_semaphore, #tpu.memory_space<semaphore_mem>>) src(%dma_wait3A_147 : memref<128x32xf32, #tpu.memory_space<hbm>>) dst(%arg13 : memref<128x32xf32, #tpu.memory_space<vmem>>)
        %scan3A_148 = arith.constant 0 : i32
        %scan3A_149 = arith.constant 128 : i32
        %scan3A_150 = arith.addi %scan3A_148, %scan3A_149 : i32
        %scan3A_151 = arith.constant 1 : i32
        scf.for %scan3A_171 = %scan3A_148 to %scan3A_150 step %scan3A_151  : i32 {
          %mul3A_172 = arith.constant 1 : i32
          %mul3A_173 = arith.muli %scan3A_171, %mul3A_172 : i32
          %add3A_174 = arith.constant 0 : i32
          %add3A_175 = arith.addi %add3A_174, %mul3A_173 : i32
          %get3A = arith.index_cast %add3A_175 : i32 to index
          %get3A_176 = arith.constant 0 : index
          %get3A_177 = tpu.vector_load %arg11[%get3A, %get3A_176] {strides = array<i32>} : memref<128x32xf32, #tpu.memory_space<vmem>>, vector<1x16xf32>,
          %get3A_178 = vector.shape_cast %get3A_177 : vector<1x16xf32> to vector<16xf32>
          %get3A_179 = arith.index_cast %add3A_175 : i32 to index
          %get3A_180 = arith.constant 0 : index
          %get3A_181 = tpu.vector_load %arg13[%get3A_179, %get3A_180] {strides = array<i32>} : memref<128x32xf32, #tpu.memory_space<vmem>>, vector<1x16xf32>,
          %get3A_182 = vector.shape_cast %get3A_181 : vector<1x16xf32> to vector<16xf32>
          %mul3A_183 = arith.mulf %get3A_178, %get3A_182 : vector<16xf32>
          %swap3A = arith.index_cast %add3A_175 : i32 to index
          %swap3A_184 = arith.constant 0 : index
          %swap3A_185 = tpu.vector_load %arg15[%swap3A, %swap3A_184] {strides = array<i32>} : memref<128x32xf32, #tpu.memory_space<vmem>>, vector<1x16xf32>,
          %swap3A_186 = vector.shape_cast %swap3A_185 : vector<1x16xf32> to vector<16xf32>
          %swap3A_187 = vector.shape_cast %mul3A_183 : vector<16xf32> to vector<1x16xf32>
          tpu.vector_store %arg15[%swap3A, %swap3A_184], %swap3A_187 {strides = array<i32>} : memref<128x32xf32, #tpu.memory_space<vmem>>, vector<1x16xf32>,
          %get3A_188 = arith.index_cast %add3A_175 : i32 to index
          %get3A_189 = arith.constant 16 : index
          %get3A_190 = tpu.vector_load %arg11[%get3A_188, %get3A_189] {strides = array<i32>} : memref<128x32xf32, #tpu.memory_space<vmem>>, vector<1x16xf32>,
          %get3A_191 = vector.shape_cast %get3A_190 : vector<1x16xf32> to vector<16xf32>
          %get3A_192 = arith.index_cast %add3A_175 : i32 to index
          %get3A_193 = arith.constant 16 : index
          %get3A_194 = tpu.vector_load %arg13[%get3A_192, %get3A_193] {strides = array<i32>} : memref<128x32xf32, #tpu.memory_space<vmem>>, vector<1x16xf32>,
          %get3A_195 = vector.shape_cast %get3A_194 : vector<1x16xf32> to vector<16xf32>
          %mul3A_196 = arith.mulf %get3A_191, %get3A_195 : vector<16xf32>
          %swap3A_197 = arith.index_cast %add3A_175 : i32 to index
          %swap3A_198 = arith.constant 16 : index
          %swap3A_199 = tpu.vector_load %arg15[%swap3A_197, %swap3A_198] {strides = array<i32>} : memref<128x32xf32, #tpu.memory_space<vmem>>, vector<1x16xf32>,
          %swap3A_200 = vector.shape_cast %swap3A_199 : vector<1x16xf32> to vector<16xf32>
          %swap3A_201 = vector.shape_cast %mul3A_196 : vector<16xf32> to vector<1x16xf32>
          tpu.vector_store %arg15[%swap3A_197, %swap3A_198], %swap3A_201 {strides = array<i32>} : memref<128x32xf32, #tpu.memory_space<vmem>>, vector<1x16xf32>,
        }
        %scan3A_152 = arith.constant 128 : i32
        %lt3A_153 = arith.constant 6 : i32
        %lt3A_154 = arith.cmpi slt, %add3A_95, %lt3A_153 : i32
        %convert_element_type3A_155 = arith.extui %lt3A_154 : i1 to i32
        %cond3A_156 = arith.constant 0 : i32
        %cond3A_157 = arith.cmpi ne, %convert_element_type3A_155, %cond3A_156 : i32
        scf.if %cond3A_157 {
          %add3A_171 = arith.constant 3 : i32
          %add3A_172 = arith.addi %mul3A_97, %add3A_171 : i32
          %dma_start3A_173 = arith.constant 0 : i32
          %dma_start3A_174 = tpu.memref_slice %arg8[%add3A_172, %dma_start3A_173] : memref<14x128xi32, #tpu.memory_space<vmem>> -> memref<1x128xi32, #tpu.memory_space<vmem>>
          %dma_start3A_175 = tpu.memref_squeeze %dma_start3A_174 : memref<1x128xi32, #tpu.memory_space<vmem>> -> memref<128xi32, #tpu.memory_space<vmem>>
          %dma_start3A_176 = arith.constant 0 : i32
          %dma_start3A_177 = arith.constant 0 : i32
          %dma_start3A_178 = tpu.memref_slice %arg2[%dma_start3A_176, %dma_start3A_177] : memref<50176x32xf32, #tpu.memory_space<hbm>> -> memref<50176x32xf32, #tpu.memory_space<hbm>>
          tpu.enqueue_indirect_dma source(%dma_start3A_178 : memref<50176x32xf32, #tpu.memory_space<hbm>>) target(%arg11 : memref<128x32xf32, #tpu.memory_space<vmem>>) offsets(%dma_start3A_175 : memref<128xi32, #tpu.memory_space<vmem>>) semaphore(%arg17 : memref<!tpu.dma_semaphore, #tpu.memory_space<semaphore_mem>>)
          %add3A_179 = arith.addi %add3A_44, %add3A_172 : i32
          %dma_start3A_180 = arith.constant 0 : i32
          %dma_start3A_181 = arith.constant 0 : i32
          %dma_start3A_182 = tpu.memref_slice %arg3[%add3A_179, %dma_start3A_180, %dma_start3A_181] : memref<6272x128x32xf32, #tpu.memory_space<hbm>> -> memref<1x128x32xf32, #tpu.memory_space<hbm>>
          %dma_start3A_183 = tpu.memref_squeeze %dma_start3A_182 : memref<1x128x32xf32, #tpu.memory_space<hbm>> -> memref<128x32xf32, #tpu.memory_space<hbm>>
          %dma_start3A_184 = arith.constant 0 : i32
          %dma_start3A_185 = arith.constant 0 : i32
          %dma_start3A_186 = tpu.memref_slice %arg3[%add3A_179, %dma_start3A_184, %dma_start3A_185] : memref<6272x128x32xf32, #tpu.memory_space<hbm>> -> memref<1x128x32xf32, #tpu.memory_space<hbm>>
          %dma_start3A_187 = tpu.memref_squeeze %dma_start3A_186 : memref<1x128x32xf32, #tpu.memory_space<hbm>> -> memref<128x32xf32, #tpu.memory_space<hbm>>
          tpu.enqueue_dma source(%dma_start3A_187 : memref<128x32xf32, #tpu.memory_space<hbm>>) target(%arg13 : memref<128x32xf32, #tpu.memory_space<vmem>>) target_semaphore(%arg19 : memref<!tpu.dma_semaphore, #tpu.memory_space<semaphore_mem>>)
        } else {
        }
        %gt3A_158 = arith.constant 0 : i32
        %gt3A_159 = arith.cmpi sgt, %add3A_95, %gt3A_158 : i32
        %convert_element_type3A_160 = arith.extui %gt3A_159 : i1 to i32
        %cond3A_161 = arith.constant 0 : i32
        %cond3A_162 = arith.cmpi ne, %convert_element_type3A_160, %cond3A_161 : i32
        scf.if %cond3A_162 {
          %dma_wait3A_171 = arith.constant 0 : i32
          %dma_wait3A_172 = arith.constant 0 : i32
          %dma_wait3A_173 = tpu.memref_slice %arg2[%dma_wait3A_171, %dma_wait3A_172] : memref<50176x32xf32, #tpu.memory_space<hbm>> -> memref<128x32xf32, #tpu.memory_space<hbm>>
          %dma_wait3A_174 = arith.constant 0 : i32
          %dma_wait3A_175 = arith.constant 0 : i32
          %dma_wait3A_176 = tpu.memref_slice %arg2[%dma_wait3A_174, %dma_wait3A_175] : memref<50176x32xf32, #tpu.memory_space<hbm>> -> memref<128x32xf32, #tpu.memory_space<hbm>>
          tpu.wait_dma2 semaphore(%arg21 : memref<!tpu.dma_semaphore, #tpu.memory_space<semaphore_mem>>) src(%dma_wait3A_176 : memref<128x32xf32, #tpu.memory_space<hbm>>) dst(%arg15 : memref<128x32xf32, #tpu.memory_space<vmem>>)
        } else {
        }
        %add3A_163 = arith.constant 1 : i32
        %add3A_164 = arith.addi %mul3A_97, %add3A_163 : i32
        %dma_start3A_165 = arith.constant 0 : i32
        %dma_start3A_166 = tpu.memref_slice %arg9[%add3A_164, %dma_start3A_165] : memref<14x128xi32, #tpu.memory_space<vmem>> -> memref<1x128xi32, #tpu.memory_space<vmem>>
        %dma_start3A_167 = tpu.memref_squeeze %dma_start3A_166 : memref<1x128xi32, #tpu.memory_space<vmem>> -> memref<128xi32, #tpu.memory_space<vmem>>
        %dma_start3A_168 = arith.constant 0 : i32
        %dma_start3A_169 = arith.constant 0 : i32
        %dma_start3A_170 = tpu.memref_slice %arg7[%dma_start3A_168, %dma_start3A_169] : memref<50000x32xf32, #tpu.memory_space<vmem_shared>> -> memref<50000x32xf32, #tpu.memory_space<vmem_shared>>
        tpu.enqueue_indirect_dma source(%arg15 : memref<128x32xf32, #tpu.memory_space<vmem>>) target(%dma_start3A_170 : memref<50000x32xf32, #tpu.memory_space<vmem_shared>>) offsets(%dma_start3A_167 : memref<128xi32, #tpu.memory_space<vmem>>) semaphore(%arg21 : memref<!tpu.dma_semaphore, #tpu.memory_space<semaphore_mem>>) {add = true}
      }
      %scan3A_90 = arith.constant 7 : i32
    }
    %scan3A_15 = arith.constant 14 : i32
    %dma_wait3A = arith.constant 0 : i32
    %dma_wait3A_16 = arith.constant 0 : i32
    %dma_wait3A_17 = tpu.memref_slice %arg2[%dma_wait3A, %dma_wait3A_16] : memref<50176x32xf32, #tpu.memory_space<hbm>> -> memref<128x32xf32, #tpu.memory_space<hbm>>
    %dma_wait3A_18 = arith.constant 0 : i32
    %dma_wait3A_19 = arith.constant 0 : i32
    %dma_wait3A_20 = tpu.memref_slice %arg2[%dma_wait3A_18, %dma_wait3A_19] : memref<50176x32xf32, #tpu.memory_space<hbm>> -> memref<128x32xf32, #tpu.memory_space<hbm>>
    tpu.wait_dma2 semaphore(%arg20 : memref<!tpu.dma_semaphore, #tpu.memory_space<semaphore_mem>>) src(%dma_wait3A_20 : memref<128x32xf32, #tpu.memory_space<hbm>>) dst(%arg14 : memref<128x32xf32, #tpu.memory_space<vmem>>)
    %dma_wait3A_21 = arith.constant 0 : i32
    %dma_wait3A_22 = arith.constant 0 : i32
    %dma_wait3A_23 = tpu.memref_slice %arg2[%dma_wait3A_21, %dma_wait3A_22] : memref<50176x32xf32, #tpu.memory_space<hbm>> -> memref<128x32xf32, #tpu.memory_space<hbm>>
    %dma_wait3A_24 = arith.constant 0 : i32
    %dma_wait3A_25 = arith.constant 0 : i32
    %dma_wait3A_26 = tpu.memref_slice %arg2[%dma_wait3A_24, %dma_wait3A_25] : memref<50176x32xf32, #tpu.memory_space<hbm>> -> memref<128x32xf32, #tpu.memory_space<hbm>>
    tpu.wait_dma2 semaphore(%arg21 : memref<!tpu.dma_semaphore, #tpu.memory_space<semaphore_mem>>) src(%dma_wait3A_26 : memref<128x32xf32, #tpu.memory_space<hbm>>) dst(%arg15 : memref<128x32xf32, #tpu.memory_space<vmem>>)
    %barrier3A_27 = arith.constant 0 : index
    tpu.barrier barrier_id(%barrier3A_27)
    %mul3A_28 = arith.constant 3125 : i32
    %mul3A_29 = arith.muli %arg1, %mul3A_28 : i32
    %mul3A_30 = arith.constant 50000 : i32
    %mul3A_31 = arith.muli %arg0, %mul3A_30 : i32
    %mul3A_32 = arith.constant 3125 : i32
    %mul3A_33 = arith.muli %arg1, %mul3A_32 : i32
    %add3A_34 = arith.addi %mul3A_31, %mul3A_33 : i32
    "tpu.region"() ({
      %run_scoped3A = tpu.sem_alloc : memref<!tpu.dma_semaphore, #tpu.memory_space<semaphore_mem>>
      %dma_start3A = arith.constant 0 : i32
      %dma_start3A_35 = tpu.memref_slice %arg6[%add3A_34, %dma_start3A] : memref<100000x32xf32, #tpu.memory_space<hbm>> -> memref<3125x32xf32, #tpu.memory_space<hbm>>
      %dma_start3A_36 = arith.constant 0 : i32
      %dma_start3A_37 = tpu.memref_slice %arg7[%mul3A_29, %dma_start3A_36] : memref<50000x32xf32, #tpu.memory_space<vmem_shared>> -> memref<3125x32xf32, #tpu.memory_space<vmem_shared>>
      tpu.enqueue_dma source(%dma_start3A_37 : memref<3125x32xf32, #tpu.memory_space<vmem_shared>>) target(%dma_start3A_35 : memref<3125x32xf32, #tpu.memory_space<hbm>>) target_semaphore(%run_scoped3A : memref<!tpu.dma_semaphore, #tpu.memory_space<semaphore_mem>>)
      %dma_wait3A_38 = arith.constant 0 : i32
      %dma_wait3A_39 = tpu.memref_slice %arg6[%add3A_34, %dma_wait3A_38] : memref<100000x32xf32, #tpu.memory_space<hbm>> -> memref<3125x32xf32, #tpu.memory_space<hbm>>
      %dma_wait3A_40 = arith.constant 0 : i32
      %dma_wait3A_41 = tpu.memref_slice %arg7[%mul3A_29, %dma_wait3A_40] : memref<50000x32xf32, #tpu.memory_space<vmem_shared>> -> memref<3125x32xf32, #tpu.memory_space<vmem_shared>>
      tpu.wait_dma2 semaphore(%run_scoped3A : memref<!tpu.dma_semaphore, #tpu.memory_space<semaphore_mem>>) src(%dma_wait3A_41 : memref<3125x32xf32, #tpu.memory_space<vmem_shared>>) dst(%dma_wait3A_39 : memref<3125x32xf32, #tpu.memory_space<hbm>>)
      tpu.yield
    }) : () -> ()
    return
  }
}

module attributes {stable_mosaic.version = 14 : i64} {
  func.func @_embed_body(%arg0: i32, %arg1: memref<1024x1xi32, #tpu.memory_space<vmem>>, %arg2: memref<128x32xf32, #tpu.memory_space<vmem>>, %arg3: memref<1024x32xf32, #tpu.memory_space<vmem>>) attributes {dimension_semantics = [#tpu.dimension_semantics<arbitrary>], iteration_bounds = array<i64: 49>, scalar_prefetch = 0 : i64, scratch_operands = 0 : i64, tpu.core_type = #tpu.core_type<tc>, window_params = [{transform_indices = @transform_0, window_bounds = array<i64: 1024, 1>}, {pipeline_mode = #tpu.pipeline_mode<synchronous>, transform_indices = @transform_1, window_bounds = array<i64: 128, 32>}, {transform_indices = @transform_2, window_bounds = array<i64: 1024, 32>}]} {
    %get3A = arith.constant 0 : index
    %get3A_0 = arith.constant 0 : index
    %get3A_1 = vector.load %arg1[%get3A, %get3A_0] : memref<1024x1xi32, #tpu.memory_space<vmem>>, vector<1024x1xi32>
    %iota3A = tpu.iota {dimensions = array<i32: 1>} : vector<1024x128xi32>
    %eq3A = vector.broadcast %get3A_1 : vector<1024x1xi32> to vector<1024x128xi32>
    %eq3A_2 = arith.cmpi eq, %eq3A, %iota3A : vector<1024x128xi32>
    %convert_element_type3A = arith.extui %eq3A_2 : vector<1024x128xi1> to vector<1024x128xi32>
    %convert_element_type3A_3 = arith.sitofp %convert_element_type3A : vector<1024x128xi32> to vector<1024x128xf32>
    %get3A_4 = arith.constant 0 : index
    %get3A_5 = arith.constant 0 : index
    %get3A_6 = vector.load %arg2[%get3A_4, %get3A_5] : memref<128x32xf32, #tpu.memory_space<vmem>>, vector<128x32xf32>
    %dot_general3A = arith.constant dense<0.000000e+00> : vector<1024x32xf32>
    %dot_general3A_7 = tpu.matmul %convert_element_type3A_3, %get3A_6, %dot_general3A {dimension_numbers = #tpu.dot_dimension_numbers<[1], [0], [0], [1], [0, 0, 1, 1], [], []>, transpose_lhs_hint = false} : vector<1024x128xf32>, vector<128x32xf32>, vector<1024x32xf32> -> vector<1024x32xf32>
    %mul3A = arith.constant 1024 : i32
    %mul3A_8 = arith.muli %arg0, %mul3A : i32
    %iota3A_9 = tpu.iota {dimensions = array<i32: 0>} : vector<1024x1xi32>
    %add3A = vector.broadcast %mul3A_8 : i32 to vector<1024x1xi32>
    %add3A_10 = arith.addi %add3A, %iota3A_9 : vector<1024x1xi32>
    %lt3A = arith.constant 50000 : i32
    %lt3A_11 = vector.broadcast %lt3A : i32 to vector<1024x1xi32>
    %lt3A_12 = arith.cmpi slt, %add3A_10, %lt3A_11 : vector<1024x1xi32>
    %jit3A = arith.constant 0.000000e+00 : f32
    %broadcast_in_dim3A = vector.shape_cast %lt3A_12 : vector<1024x1xi1> to vector<1024x1xi1>
    %broadcast_in_dim3A_13 = vector.broadcast %broadcast_in_dim3A : vector<1024x1xi1> to vector<1024x32xi1>
    %broadcast_in_dim3A_14 = vector.broadcast %jit3A : f32 to vector<1024x32xf32>
    %select_n3A = arith.select %broadcast_in_dim3A_13, %dot_general3A_7, %broadcast_in_dim3A_14 : vector<1024x32xi1>, vector<1024x32xf32>
    %swap3A = arith.constant 0 : index
    %swap3A_15 = arith.constant 0 : index
    %swap3A_16 = vector.load %arg3[%swap3A, %swap3A_15] : memref<1024x32xf32, #tpu.memory_space<vmem>>, vector<1024x32xf32>
    tpu.vector_store %arg3[%swap3A, %swap3A_15], %select_n3A {strides = array<i32>} : memref<1024x32xf32, #tpu.memory_space<vmem>>, vector<1024x32xf32>,
    return
  }
  func.func @transform_0(%arg0: i32) -> (i32, i32) {
    %c0_i32 = arith.constant 0 : i32
    %c0_i32_0 = arith.constant 0 : i32
    return %arg0, %c0_i32 : i32, i32
  }
  func.func @transform_1(%arg0: i32) -> (i32, i32) {
    %c0_i32 = arith.constant 0 : i32
    %c0_i32_0 = arith.constant 0 : i32
    %c0_i32_1 = arith.constant 0 : i32
    return %c0_i32, %c0_i32_0 : i32, i32
  }
  func.func @transform_2(%arg0: i32) -> (i32, i32) {
    %c0_i32 = arith.constant 0 : i32
    %c0_i32_0 = arith.constant 0 : i32
    return %arg0, %c0_i32 : i32, i32
  }
}

module attributes {stable_mosaic.version = 14 : i64} {
  func.func @_g_body(%arg0: i32, %arg1: memref<32x128xf32, #tpu.memory_space<vmem>>, %arg2: memref<16x64xf32, #tpu.memory_space<vmem>>, %arg3: memref<32x128x32xf32, #tpu.memory_space<vmem>>, %arg4: memref<32x128x32xf32, #tpu.memory_space<vmem>>, %arg5: memref<16x32x128xf32, #tpu.memory_space<vmem>>) attributes {dimension_semantics = [#tpu.dimension_semantics<arbitrary>], iteration_bounds = array<i64: 196>, scalar_prefetch = 0 : i64, scratch_operands = 1 : i64, tpu.core_type = #tpu.core_type<tc>, window_params = [{transform_indices = @transform_0, window_bounds = array<i64: 32, 128>}, {pipeline_mode = #tpu.pipeline_mode<synchronous>, transform_indices = @transform_1, window_bounds = array<i64: 16, 64>}, {transform_indices = @transform_2, window_bounds = array<i64: 32, 128, 32>}, {transform_indices = @transform_3, window_bounds = array<i64: 32, 128, 32>}]} {
    %get3A = arith.constant 0 : index
    %get3A_0 = arith.constant 0 : index
    %get3A_1 = vector.load %arg1[%get3A, %get3A_0] : memref<32x128xf32, #tpu.memory_space<vmem>>, vector<32x128xf32>
    %add3A = arith.constant 9.99999996E-13 : f32
    %add3A_2 = vector.broadcast %add3A : f32 to vector<32x128xf32>
    %add3A_3 = arith.addf %get3A_1, %add3A_2 : vector<32x128xf32>
    %sqrt3A = math.sqrt %add3A_3 : vector<32x128xf32>
    %neg3A = arith.constant 0.000000e+00 : f32
    %neg3A_4 = vector.broadcast %neg3A : f32 to vector<32x128xf32>
    %neg3A_5 = arith.subf %neg3A_4, %sqrt3A : vector<32x128xf32>
    %exp3A = math.exp %neg3A_5 : vector<32x128xf32>
    %mul3A = arith.constant 2.000000e+00 : f32
    %mul3A_6 = vector.broadcast %mul3A : f32 to vector<32x128xf32>
    %mul3A_7 = arith.mulf %mul3A_6, %exp3A : vector<32x128xf32>
    %sub3A = arith.constant 1.000000e+00 : f32
    %sub3A_8 = vector.broadcast %sub3A : f32 to vector<32x128xf32>
    %sub3A_9 = arith.subf %mul3A_7, %sub3A_8 : vector<32x128xf32>
    %div3A = arith.constant 6.000000e+00 : f32
    %div3A_10 = vector.broadcast %div3A : f32 to vector<32x128xf32>
    %div3A_11 = arith.divf %sqrt3A, %div3A_10 : vector<32x128xf32>
    %integer_pow3A = arith.mulf %div3A_11, %div3A_11 : vector<32x128xf32>
    %lt3A = arith.constant 1.000000e+00 : f32
    %lt3A_12 = vector.broadcast %lt3A : f32 to vector<32x128xf32>
    %lt3A_13 = arith.cmpf olt, %integer_pow3A, %lt3A_12 : vector<32x128xf32>
    %sub3A_14 = arith.constant 1.000000e+00 : f32
    %sub3A_15 = vector.broadcast %sub3A_14 : f32 to vector<32x128xf32>
    %sub3A_16 = arith.subf %sub3A_15, %integer_pow3A : vector<32x128xf32>
    %max3A = arith.constant 9.99999971E-10 : f32
    %max3A_17 = vector.broadcast %max3A : f32 to vector<32x128xf32>
    %max3A_18 = arith.maximumf %sub3A_16, %max3A_17 : vector<32x128xf32>
    %div3A_19 = arith.constant 1.000000e+00 : f32
    %div3A_20 = vector.broadcast %div3A_19 : f32 to vector<32x128xf32>
    %div3A_21 = arith.divf %div3A_20, %max3A_18 : vector<32x128xf32>
    %sub3A_22 = arith.constant 1.000000e+00 : f32
    %sub3A_23 = vector.broadcast %sub3A_22 : f32 to vector<32x128xf32>
    %sub3A_24 = arith.subf %sub3A_23, %div3A_21 : vector<32x128xf32>
    %exp3A_25 = math.exp %sub3A_24 : vector<32x128xf32>
    %jit3A = arith.constant 0.000000e+00 : f32
    %broadcast_in_dim3A = vector.broadcast %jit3A : f32 to vector<32x128xf32>
    %select_n3A = arith.select %lt3A_13, %exp3A_25, %broadcast_in_dim3A : vector<32x128xi1>, vector<32x128xf32>
    %mul3A_26 = arith.constant 32 : i32
    %mul3A_27 = arith.muli %arg0, %mul3A_26 : i32
    %mul3A_28 = arith.constant 128 : i32
    %mul3A_29 = arith.muli %mul3A_27, %mul3A_28 : i32
    %iota3A = tpu.iota {dimensions = array<i32: 0>} : vector<32x128xi32>
    %mul3A_30 = arith.constant 128 : i32
    %mul3A_31 = vector.broadcast %mul3A_30 : i32 to vector<32x128xi32>
    %mul3A_32 = arith.muli %iota3A, %mul3A_31 : vector<32x128xi32>
    %add3A_33 = vector.broadcast %mul3A_29 : i32 to vector<32x128xi32>
    %add3A_34 = arith.addi %add3A_33, %mul3A_32 : vector<32x128xi32>
    %iota3A_35 = tpu.iota {dimensions = array<i32: 1>} : vector<32x128xi32>
    %add3A_36 = arith.addi %add3A_34, %iota3A_35 : vector<32x128xi32>
    %lt3A_37 = arith.constant 800000 : i32
    %lt3A_38 = vector.broadcast %lt3A_37 : i32 to vector<32x128xi32>
    %lt3A_39 = arith.cmpi slt, %add3A_36, %lt3A_38 : vector<32x128xi32>
    %jit3A_40 = arith.constant 0.000000e+00 : f32
    %broadcast_in_dim3A_41 = vector.broadcast %jit3A_40 : f32 to vector<32x128xf32>
    %select_n3A_42 = arith.select %lt3A_39, %select_n3A, %broadcast_in_dim3A_41 : vector<32x128xi1>, vector<32x128xf32>
    %mul3A_43 = arith.mulf %sub3A_9, %select_n3A_42 : vector<32x128xf32>
    %swap3A = arith.constant 0 : index
    %swap3A_44 = arith.constant 0 : index
    %swap3A_45 = arith.constant 0 : index
    %swap3A_46 = vector.load %arg5[%swap3A, %swap3A_44, %swap3A_45] : memref<16x32x128xf32, #tpu.memory_space<vmem>>, vector<1x32x128xf32>
    %swap3A_47 = vector.shape_cast %swap3A_46 : vector<1x32x128xf32> to vector<32x128xf32>
    %swap3A_48 = vector.shape_cast %select_n3A_42 : vector<32x128xf32> to vector<1x32x128xf32>
    tpu.vector_store %arg5[%swap3A, %swap3A_44, %swap3A_45], %swap3A_48 {strides = array<i32>} : memref<16x32x128xf32, #tpu.memory_space<vmem>>, vector<1x32x128xf32>,
    %swap3A_49 = arith.constant 1 : index
    %swap3A_50 = arith.constant 0 : index
    %swap3A_51 = arith.constant 0 : index
    %swap3A_52 = vector.load %arg5[%swap3A_49, %swap3A_50, %swap3A_51] : memref<16x32x128xf32, #tpu.memory_space<vmem>>, vector<1x32x128xf32>
    %swap3A_53 = vector.shape_cast %swap3A_52 : vector<1x32x128xf32> to vector<32x128xf32>
    %swap3A_54 = vector.shape_cast %mul3A_43 : vector<32x128xf32> to vector<1x32x128xf32>
    tpu.vector_store %arg5[%swap3A_49, %swap3A_50, %swap3A_51], %swap3A_54 {strides = array<i32>} : memref<16x32x128xf32, #tpu.memory_space<vmem>>, vector<1x32x128xf32>,
    %mul3A_55 = arith.constant 2.000000e+00 : f32
    %mul3A_56 = vector.broadcast %mul3A_55 : f32 to vector<32x128xf32>
    %mul3A_57 = arith.mulf %mul3A_56, %sub3A_9 : vector<32x128xf32>
    %mul3A_58 = arith.mulf %mul3A_57, %mul3A_43 : vector<32x128xf32>
    %sub3A_59 = arith.subf %mul3A_58, %select_n3A_42 : vector<32x128xf32>
    %swap3A_60 = arith.constant 2 : index
    %swap3A_61 = arith.constant 0 : index
    %swap3A_62 = arith.constant 0 : index
    %swap3A_63 = vector.load %arg5[%swap3A_60, %swap3A_61, %swap3A_62] : memref<16x32x128xf32, #tpu.memory_space<vmem>>, vector<1x32x128xf32>
    %swap3A_64 = vector.shape_cast %swap3A_63 : vector<1x32x128xf32> to vector<32x128xf32>
    %swap3A_65 = vector.shape_cast %sub3A_59 : vector<32x128xf32> to vector<1x32x128xf32>
    tpu.vector_store %arg5[%swap3A_60, %swap3A_61, %swap3A_62], %swap3A_65 {strides = array<i32>} : memref<16x32x128xf32, #tpu.memory_space<vmem>>, vector<1x32x128xf32>,
    %mul3A_66 = arith.constant 2.000000e+00 : f32
    %mul3A_67 = vector.broadcast %mul3A_66 : f32 to vector<32x128xf32>
    %mul3A_68 = arith.mulf %mul3A_67, %sub3A_9 : vector<32x128xf32>
    %mul3A_69 = arith.mulf %mul3A_68, %sub3A_59 : vector<32x128xf32>
    %sub3A_70 = arith.subf %mul3A_69, %mul3A_43 : vector<32x128xf32>
    %swap3A_71 = arith.constant 3 : index
    %swap3A_72 = arith.constant 0 : index
    %swap3A_73 = arith.constant 0 : index
    %swap3A_74 = vector.load %arg5[%swap3A_71, %swap3A_72, %swap3A_73] : memref<16x32x128xf32, #tpu.memory_space<vmem>>, vector<1x32x128xf32>
    %swap3A_75 = vector.shape_cast %swap3A_74 : vector<1x32x128xf32> to vector<32x128xf32>
    %swap3A_76 = vector.shape_cast %sub3A_70 : vector<32x128xf32> to vector<1x32x128xf32>
    tpu.vector_store %arg5[%swap3A_71, %swap3A_72, %swap3A_73], %swap3A_76 {strides = array<i32>} : memref<16x32x128xf32, #tpu.memory_space<vmem>>, vector<1x32x128xf32>,
    %mul3A_77 = arith.constant 2.000000e+00 : f32
    %mul3A_78 = vector.broadcast %mul3A_77 : f32 to vector<32x128xf32>
    %mul3A_79 = arith.mulf %mul3A_78, %sub3A_9 : vector<32x128xf32>
    %mul3A_80 = arith.mulf %mul3A_79, %sub3A_70 : vector<32x128xf32>
    %sub3A_81 = arith.subf %mul3A_80, %sub3A_59 : vector<32x128xf32>
    %swap3A_82 = arith.constant 4 : index
    %swap3A_83 = arith.constant 0 : index
    %swap3A_84 = arith.constant 0 : index
    %swap3A_85 = vector.load %arg5[%swap3A_82, %swap3A_83, %swap3A_84] : memref<16x32x128xf32, #tpu.memory_space<vmem>>, vector<1x32x128xf32>
    %swap3A_86 = vector.shape_cast %swap3A_85 : vector<1x32x128xf32> to vector<32x128xf32>
    %swap3A_87 = vector.shape_cast %sub3A_81 : vector<32x128xf32> to vector<1x32x128xf32>
    tpu.vector_store %arg5[%swap3A_82, %swap3A_83, %swap3A_84], %swap3A_87 {strides = array<i32>} : memref<16x32x128xf32, #tpu.memory_space<vmem>>, vector<1x32x128xf32>,
    %mul3A_88 = arith.constant 2.000000e+00 : f32
    %mul3A_89 = vector.broadcast %mul3A_88 : f32 to vector<32x128xf32>
    %mul3A_90 = arith.mulf %mul3A_89, %sub3A_9 : vector<32x128xf32>
    %mul3A_91 = arith.mulf %mul3A_90, %sub3A_81 : vector<32x128xf32>
    %sub3A_92 = arith.subf %mul3A_91, %sub3A_70 : vector<32x128xf32>
    %swap3A_93 = arith.constant 5 : index
    %swap3A_94 = arith.constant 0 : index
    %swap3A_95 = arith.constant 0 : index
    %swap3A_96 = vector.load %arg5[%swap3A_93, %swap3A_94, %swap3A_95] : memref<16x32x128xf32, #tpu.memory_space<vmem>>, vector<1x32x128xf32>
    %swap3A_97 = vector.shape_cast %swap3A_96 : vector<1x32x128xf32> to vector<32x128xf32>
    %swap3A_98 = vector.shape_cast %sub3A_92 : vector<32x128xf32> to vector<1x32x128xf32>
    tpu.vector_store %arg5[%swap3A_93, %swap3A_94, %swap3A_95], %swap3A_98 {strides = array<i32>} : memref<16x32x128xf32, #tpu.memory_space<vmem>>, vector<1x32x128xf32>,
    %mul3A_99 = arith.constant 2.000000e+00 : f32
    %mul3A_100 = vector.broadcast %mul3A_99 : f32 to vector<32x128xf32>
    %mul3A_101 = arith.mulf %mul3A_100, %sub3A_9 : vector<32x128xf32>
    %mul3A_102 = arith.mulf %mul3A_101, %sub3A_92 : vector<32x128xf32>
    %sub3A_103 = arith.subf %mul3A_102, %sub3A_81 : vector<32x128xf32>
    %swap3A_104 = arith.constant 6 : index
    %swap3A_105 = arith.constant 0 : index
    %swap3A_106 = arith.constant 0 : index
    %swap3A_107 = vector.load %arg5[%swap3A_104, %swap3A_105, %swap3A_106] : memref<16x32x128xf32, #tpu.memory_space<vmem>>, vector<1x32x128xf32>
    %swap3A_108 = vector.shape_cast %swap3A_107 : vector<1x32x128xf32> to vector<32x128xf32>
    %swap3A_109 = vector.shape_cast %sub3A_103 : vector<32x128xf32> to vector<1x32x128xf32>
    tpu.vector_store %arg5[%swap3A_104, %swap3A_105, %swap3A_106], %swap3A_109 {strides = array<i32>} : memref<16x32x128xf32, #tpu.memory_space<vmem>>, vector<1x32x128xf32>,
    %mul3A_110 = arith.constant 2.000000e+00 : f32
    %mul3A_111 = vector.broadcast %mul3A_110 : f32 to vector<32x128xf32>
    %mul3A_112 = arith.mulf %mul3A_111, %sub3A_9 : vector<32x128xf32>
    %mul3A_113 = arith.mulf %mul3A_112, %sub3A_103 : vector<32x128xf32>
    %sub3A_114 = arith.subf %mul3A_113, %sub3A_92 : vector<32x128xf32>
    %swap3A_115 = arith.constant 7 : index
    %swap3A_116 = arith.constant 0 : index
    %swap3A_117 = arith.constant 0 : index
    %swap3A_118 = vector.load %arg5[%swap3A_115, %swap3A_116, %swap3A_117] : memref<16x32x128xf32, #tpu.memory_space<vmem>>, vector<1x32x128xf32>
    %swap3A_119 = vector.shape_cast %swap3A_118 : vector<1x32x128xf32> to vector<32x128xf32>
    %swap3A_120 = vector.shape_cast %sub3A_114 : vector<32x128xf32> to vector<1x32x128xf32>
    tpu.vector_store %arg5[%swap3A_115, %swap3A_116, %swap3A_117], %swap3A_120 {strides = array<i32>} : memref<16x32x128xf32, #tpu.memory_space<vmem>>, vector<1x32x128xf32>,
    %mul3A_121 = arith.constant 2.000000e+00 : f32
    %mul3A_122 = vector.broadcast %mul3A_121 : f32 to vector<32x128xf32>
    %mul3A_123 = arith.mulf %mul3A_122, %sub3A_9 : vector<32x128xf32>
    %mul3A_124 = arith.mulf %mul3A_123, %sub3A_114 : vector<32x128xf32>
    %sub3A_125 = arith.subf %mul3A_124, %sub3A_103 : vector<32x128xf32>
    %swap3A_126 = arith.constant 8 : index
    %swap3A_127 = arith.constant 0 : index
    %swap3A_128 = arith.constant 0 : index
    %swap3A_129 = vector.load %arg5[%swap3A_126, %swap3A_127, %swap3A_128] : memref<16x32x128xf32, #tpu.memory_space<vmem>>, vector<1x32x128xf32>
    %swap3A_130 = vector.shape_cast %swap3A_129 : vector<1x32x128xf32> to vector<32x128xf32>
    %swap3A_131 = vector.shape_cast %sub3A_125 : vector<32x128xf32> to vector<1x32x128xf32>
    tpu.vector_store %arg5[%swap3A_126, %swap3A_127, %swap3A_128], %swap3A_131 {strides = array<i32>} : memref<16x32x128xf32, #tpu.memory_space<vmem>>, vector<1x32x128xf32>,
    %mul3A_132 = arith.constant 2.000000e+00 : f32
    %mul3A_133 = vector.broadcast %mul3A_132 : f32 to vector<32x128xf32>
    %mul3A_134 = arith.mulf %mul3A_133, %sub3A_9 : vector<32x128xf32>
    %mul3A_135 = arith.mulf %mul3A_134, %sub3A_125 : vector<32x128xf32>
    %sub3A_136 = arith.subf %mul3A_135, %sub3A_114 : vector<32x128xf32>
    %swap3A_137 = arith.constant 9 : index
    %swap3A_138 = arith.constant 0 : index
    %swap3A_139 = arith.constant 0 : index
    %swap3A_140 = vector.load %arg5[%swap3A_137, %swap3A_138, %swap3A_139] : memref<16x32x128xf32, #tpu.memory_space<vmem>>, vector<1x32x128xf32>
    %swap3A_141 = vector.shape_cast %swap3A_140 : vector<1x32x128xf32> to vector<32x128xf32>
    %swap3A_142 = vector.shape_cast %sub3A_136 : vector<32x128xf32> to vector<1x32x128xf32>
    tpu.vector_store %arg5[%swap3A_137, %swap3A_138, %swap3A_139], %swap3A_142 {strides = array<i32>} : memref<16x32x128xf32, #tpu.memory_space<vmem>>, vector<1x32x128xf32>,
    %mul3A_143 = arith.constant 2.000000e+00 : f32
    %mul3A_144 = vector.broadcast %mul3A_143 : f32 to vector<32x128xf32>
    %mul3A_145 = arith.mulf %mul3A_144, %sub3A_9 : vector<32x128xf32>
    %mul3A_146 = arith.mulf %mul3A_145, %sub3A_136 : vector<32x128xf32>
    %sub3A_147 = arith.subf %mul3A_146, %sub3A_125 : vector<32x128xf32>
    %swap3A_148 = arith.constant 10 : index
    %swap3A_149 = arith.constant 0 : index
    %swap3A_150 = arith.constant 0 : index
    %swap3A_151 = vector.load %arg5[%swap3A_148, %swap3A_149, %swap3A_150] : memref<16x32x128xf32, #tpu.memory_space<vmem>>, vector<1x32x128xf32>
    %swap3A_152 = vector.shape_cast %swap3A_151 : vector<1x32x128xf32> to vector<32x128xf32>
    %swap3A_153 = vector.shape_cast %sub3A_147 : vector<32x128xf32> to vector<1x32x128xf32>
    tpu.vector_store %arg5[%swap3A_148, %swap3A_149, %swap3A_150], %swap3A_153 {strides = array<i32>} : memref<16x32x128xf32, #tpu.memory_space<vmem>>, vector<1x32x128xf32>,
    %mul3A_154 = arith.constant 2.000000e+00 : f32
    %mul3A_155 = vector.broadcast %mul3A_154 : f32 to vector<32x128xf32>
    %mul3A_156 = arith.mulf %mul3A_155, %sub3A_9 : vector<32x128xf32>
    %mul3A_157 = arith.mulf %mul3A_156, %sub3A_147 : vector<32x128xf32>
    %sub3A_158 = arith.subf %mul3A_157, %sub3A_136 : vector<32x128xf32>
    %swap3A_159 = arith.constant 11 : index
    %swap3A_160 = arith.constant 0 : index
    %swap3A_161 = arith.constant 0 : index
    %swap3A_162 = vector.load %arg5[%swap3A_159, %swap3A_160, %swap3A_161] : memref<16x32x128xf32, #tpu.memory_space<vmem>>, vector<1x32x128xf32>
    %swap3A_163 = vector.shape_cast %swap3A_162 : vector<1x32x128xf32> to vector<32x128xf32>
    %swap3A_164 = vector.shape_cast %sub3A_158 : vector<32x128xf32> to vector<1x32x128xf32>
    tpu.vector_store %arg5[%swap3A_159, %swap3A_160, %swap3A_161], %swap3A_164 {strides = array<i32>} : memref<16x32x128xf32, #tpu.memory_space<vmem>>, vector<1x32x128xf32>,
    %mul3A_165 = arith.constant 2.000000e+00 : f32
    %mul3A_166 = vector.broadcast %mul3A_165 : f32 to vector<32x128xf32>
    %mul3A_167 = arith.mulf %mul3A_166, %sub3A_9 : vector<32x128xf32>
    %mul3A_168 = arith.mulf %mul3A_167, %sub3A_158 : vector<32x128xf32>
    %sub3A_169 = arith.subf %mul3A_168, %sub3A_147 : vector<32x128xf32>
    %swap3A_170 = arith.constant 12 : index
    %swap3A_171 = arith.constant 0 : index
    %swap3A_172 = arith.constant 0 : index
    %swap3A_173 = vector.load %arg5[%swap3A_170, %swap3A_171, %swap3A_172] : memref<16x32x128xf32, #tpu.memory_space<vmem>>, vector<1x32x128xf32>
    %swap3A_174 = vector.shape_cast %swap3A_173 : vector<1x32x128xf32> to vector<32x128xf32>
    %swap3A_175 = vector.shape_cast %sub3A_169 : vector<32x128xf32> to vector<1x32x128xf32>
    tpu.vector_store %arg5[%swap3A_170, %swap3A_171, %swap3A_172], %swap3A_175 {strides = array<i32>} : memref<16x32x128xf32, #tpu.memory_space<vmem>>, vector<1x32x128xf32>,
    %mul3A_176 = arith.constant 2.000000e+00 : f32
    %mul3A_177 = vector.broadcast %mul3A_176 : f32 to vector<32x128xf32>
    %mul3A_178 = arith.mulf %mul3A_177, %sub3A_9 : vector<32x128xf32>
    %mul3A_179 = arith.mulf %mul3A_178, %sub3A_169 : vector<32x128xf32>
    %sub3A_180 = arith.subf %mul3A_179, %sub3A_158 : vector<32x128xf32>
    %swap3A_181 = arith.constant 13 : index
    %swap3A_182 = arith.constant 0 : index
    %swap3A_183 = arith.constant 0 : index
    %swap3A_184 = vector.load %arg5[%swap3A_181, %swap3A_182, %swap3A_183] : memref<16x32x128xf32, #tpu.memory_space<vmem>>, vector<1x32x128xf32>
    %swap3A_185 = vector.shape_cast %swap3A_184 : vector<1x32x128xf32> to vector<32x128xf32>
    %swap3A_186 = vector.shape_cast %sub3A_180 : vector<32x128xf32> to vector<1x32x128xf32>
    tpu.vector_store %arg5[%swap3A_181, %swap3A_182, %swap3A_183], %swap3A_186 {strides = array<i32>} : memref<16x32x128xf32, #tpu.memory_space<vmem>>, vector<1x32x128xf32>,
    %mul3A_187 = arith.constant 2.000000e+00 : f32
    %mul3A_188 = vector.broadcast %mul3A_187 : f32 to vector<32x128xf32>
    %mul3A_189 = arith.mulf %mul3A_188, %sub3A_9 : vector<32x128xf32>
    %mul3A_190 = arith.mulf %mul3A_189, %sub3A_180 : vector<32x128xf32>
    %sub3A_191 = arith.subf %mul3A_190, %sub3A_169 : vector<32x128xf32>
    %swap3A_192 = arith.constant 14 : index
    %swap3A_193 = arith.constant 0 : index
    %swap3A_194 = arith.constant 0 : index
    %swap3A_195 = vector.load %arg5[%swap3A_192, %swap3A_193, %swap3A_194] : memref<16x32x128xf32, #tpu.memory_space<vmem>>, vector<1x32x128xf32>
    %swap3A_196 = vector.shape_cast %swap3A_195 : vector<1x32x128xf32> to vector<32x128xf32>
    %swap3A_197 = vector.shape_cast %sub3A_191 : vector<32x128xf32> to vector<1x32x128xf32>
    tpu.vector_store %arg5[%swap3A_192, %swap3A_193, %swap3A_194], %swap3A_197 {strides = array<i32>} : memref<16x32x128xf32, #tpu.memory_space<vmem>>, vector<1x32x128xf32>,
    %mul3A_198 = arith.constant 2.000000e+00 : f32
    %mul3A_199 = vector.broadcast %mul3A_198 : f32 to vector<32x128xf32>
    %mul3A_200 = arith.mulf %mul3A_199, %sub3A_9 : vector<32x128xf32>
    %mul3A_201 = arith.mulf %mul3A_200, %sub3A_191 : vector<32x128xf32>
    %sub3A_202 = arith.subf %mul3A_201, %sub3A_180 : vector<32x128xf32>
    %swap3A_203 = arith.constant 15 : index
    %swap3A_204 = arith.constant 0 : index
    %swap3A_205 = arith.constant 0 : index
    %swap3A_206 = vector.load %arg5[%swap3A_203, %swap3A_204, %swap3A_205] : memref<16x32x128xf32, #tpu.memory_space<vmem>>, vector<1x32x128xf32>
    %swap3A_207 = vector.shape_cast %swap3A_206 : vector<1x32x128xf32> to vector<32x128xf32>
    %swap3A_208 = vector.shape_cast %sub3A_202 : vector<32x128xf32> to vector<1x32x128xf32>
    tpu.vector_store %arg5[%swap3A_203, %swap3A_204, %swap3A_205], %swap3A_208 {strides = array<i32>} : memref<16x32x128xf32, #tpu.memory_space<vmem>>, vector<1x32x128xf32>,
    %get3A_209 = arith.constant 0 : index
    %get3A_210 = arith.constant 0 : index
    %get3A_211 = arith.constant 0 : index
    %get3A_212 = vector.load %arg5[%get3A_209, %get3A_210, %get3A_211] : memref<16x32x128xf32, #tpu.memory_space<vmem>>, vector<16x32x128xf32>
    %reshape3A = vector.shape_cast %get3A_212 : vector<16x32x128xf32> to vector<16x4096xf32>
    %get3A_213 = arith.constant 0 : index
    %get3A_214 = arith.constant 0 : index
    %get3A_215 = vector.load %arg2[%get3A_213, %get3A_214] : memref<16x64xf32, #tpu.memory_space<vmem>>, vector<16x64xf32>
    %dot_general3A = arith.constant dense<0.000000e+00> : vector<4096x64xf32>
    %dot_general3A_216 = tpu.matmul %reshape3A, %get3A_215, %dot_general3A {dimension_numbers = #tpu.dot_dimension_numbers<[0], [0], [1], [1], [0, 1, 1, 1], [], []>, transpose_lhs_hint = false} : vector<16x4096xf32>, vector<16x64xf32>, vector<4096x64xf32> -> vector<4096x64xf32>
    %slice3A = vector.extract_strided_slice %dot_general3A_216 {offsets = [0, 0], sizes = [4096, 32], strides = [1, 1]} : vector<4096x64xf32> to vector<4096x32xf32>
    %reshape3A_217 = vector.shape_cast %slice3A : vector<4096x32xf32> to vector<32x128x32xf32>
    %swap3A_218 = arith.constant 0 : index
    %swap3A_219 = arith.constant 0 : index
    %swap3A_220 = arith.constant 0 : index
    %swap3A_221 = vector.load %arg3[%swap3A_218, %swap3A_219, %swap3A_220] : memref<32x128x32xf32, #tpu.memory_space<vmem>>, vector<32x128x32xf32>
    tpu.vector_store %arg3[%swap3A_218, %swap3A_219, %swap3A_220], %reshape3A_217 {strides = array<i32>} : memref<32x128x32xf32, #tpu.memory_space<vmem>>, vector<32x128x32xf32>,
    %slice3A_222 = vector.extract_strided_slice %dot_general3A_216 {offsets = [0, 32], sizes = [4096, 32], strides = [1, 1]} : vector<4096x64xf32> to vector<4096x32xf32>
    %reshape3A_223 = vector.shape_cast %slice3A_222 : vector<4096x32xf32> to vector<32x128x32xf32>
    %swap3A_224 = arith.constant 0 : index
    %swap3A_225 = arith.constant 0 : index
    %swap3A_226 = arith.constant 0 : index
    %swap3A_227 = vector.load %arg4[%swap3A_224, %swap3A_225, %swap3A_226] : memref<32x128x32xf32, #tpu.memory_space<vmem>>, vector<32x128x32xf32>
    tpu.vector_store %arg4[%swap3A_224, %swap3A_225, %swap3A_226], %reshape3A_223 {strides = array<i32>} : memref<32x128x32xf32, #tpu.memory_space<vmem>>, vector<32x128x32xf32>,
    return
  }
  func.func @transform_0(%arg0: i32) -> (i32, i32) {
    %c0_i32 = arith.constant 0 : i32
    %c0_i32_0 = arith.constant 0 : i32
    return %arg0, %c0_i32 : i32, i32
  }
  func.func @transform_1(%arg0: i32) -> (i32, i32) {
    %c0_i32 = arith.constant 0 : i32
    %c0_i32_0 = arith.constant 0 : i32
    %c0_i32_1 = arith.constant 0 : i32
    return %c0_i32, %c0_i32_0 : i32, i32
  }
  func.func @transform_2(%arg0: i32) -> (i32, i32, i32) {
    %c0_i32 = arith.constant 0 : i32
    %c0_i32_0 = arith.constant 0 : i32
    %c0_i32_1 = arith.constant 0 : i32
    return %arg0, %c0_i32, %c0_i32_0 : i32, i32, i32
  }
  func.func @transform_3(%arg0: i32) -> (i32, i32, i32) {
    %c0_i32 = arith.constant 0 : i32
    %c0_i32_0 = arith.constant 0 : i32
    %c0_i32_1 = arith.constant 0 : i32
    return %arg0, %c0_i32, %c0_i32_0 : i32, i32, i32
  }
}

module attributes {stable_mosaic.version = 14 : i64} {
  func.func @_upd_body(%arg0: i32, %arg1: memref<1024x32xf32, #tpu.memory_space<vmem>>, %arg2: memref<2x1024x32xf32, #tpu.memory_space<vmem>>, %arg3: memref<96x32xf32, #tpu.memory_space<vmem>>, %arg4: memref<1024x32xf32, #tpu.memory_space<vmem>>) attributes {dimension_semantics = [#tpu.dimension_semantics<arbitrary>], iteration_bounds = array<i64: 49>, scalar_prefetch = 0 : i64, scratch_operands = 0 : i64, tpu.core_type = #tpu.core_type<tc>, window_params = [{transform_indices = @transform_0, window_bounds = array<i64: 1024, 32>}, {transform_indices = @transform_1, window_bounds = array<i64: 2, 1024, 32>}, {pipeline_mode = #tpu.pipeline_mode<synchronous>, transform_indices = @transform_2, window_bounds = array<i64: 96, 32>}, {transform_indices = @transform_3, window_bounds = array<i64: 1024, 32>}]} {
    %get3A = arith.constant 0 : index
    %get3A_0 = arith.constant 0 : index
    %get3A_1 = vector.load %arg1[%get3A, %get3A_0] : memref<1024x32xf32, #tpu.memory_space<vmem>>, vector<1024x32xf32>
    %mul3A = arith.constant 1024 : i32
    %mul3A_2 = arith.muli %arg0, %mul3A : i32
    %iota3A = tpu.iota {dimensions = array<i32: 0>} : vector<1024x1xi32>
    %add3A = vector.broadcast %mul3A_2 : i32 to vector<1024x1xi32>
    %add3A_3 = arith.addi %add3A, %iota3A : vector<1024x1xi32>
    %lt3A = arith.constant 50000 : i32
    %lt3A_4 = vector.broadcast %lt3A : i32 to vector<1024x1xi32>
    %lt3A_5 = arith.cmpi slt, %add3A_3, %lt3A_4 : vector<1024x1xi32>
    %get3A_6 = arith.constant 0 : index
    %get3A_7 = arith.constant 0 : index
    %get3A_8 = arith.constant 0 : index
    %get3A_9 = vector.load %arg2[%get3A_6, %get3A_7, %get3A_8] : memref<2x1024x32xf32, #tpu.memory_space<vmem>>, vector<1x1024x32xf32>
    %get3A_10 = vector.shape_cast %get3A_9 : vector<1x1024x32xf32> to vector<1024x32xf32>
    %get3A_11 = arith.constant 1 : index
    %get3A_12 = arith.constant 0 : index
    %get3A_13 = arith.constant 0 : index
    %get3A_14 = vector.load %arg2[%get3A_11, %get3A_12, %get3A_13] : memref<2x1024x32xf32, #tpu.memory_space<vmem>>, vector<1x1024x32xf32>
    %get3A_15 = vector.shape_cast %get3A_14 : vector<1x1024x32xf32> to vector<1024x32xf32>
    %add3A_16 = arith.addf %get3A_10, %get3A_15 : vector<1024x32xf32>
    %jit3A = arith.constant 0.000000e+00 : f32
    %broadcast_in_dim3A = vector.shape_cast %lt3A_5 : vector<1024x1xi1> to vector<1024x1xi1>
    %broadcast_in_dim3A_17 = vector.broadcast %broadcast_in_dim3A : vector<1024x1xi1> to vector<1024x32xi1>
    %broadcast_in_dim3A_18 = vector.broadcast %jit3A : f32 to vector<1024x32xf32>
    %select_n3A = arith.select %broadcast_in_dim3A_17, %add3A_16, %broadcast_in_dim3A_18 : vector<1024x32xi1>, vector<1024x32xf32>
    %get3A_19 = arith.constant 0 : index
    %get3A_20 = arith.constant 0 : index
    %get3A_21 = vector.load %arg3[%get3A_19, %get3A_20] : memref<96x32xf32, #tpu.memory_space<vmem>>, vector<96x32xf32>
    %slice3A = vector.extract_strided_slice %get3A_21 {offsets = [0, 0], sizes = [32, 32], strides = [1, 1]} : vector<96x32xf32> to vector<32x32xf32>
    %slice3A_22 = vector.extract_strided_slice %get3A_21 {offsets = [32, 0], sizes = [32, 32], strides = [1, 1]} : vector<96x32xf32> to vector<32x32xf32>
    %slice3A_23 = vector.extract_strided_slice %get3A_21 {offsets = [64, 0], sizes = [32, 32], strides = [1, 1]} : vector<96x32xf32> to vector<32x32xf32>
    %dot_general3A = arith.constant dense<0.000000e+00> : vector<1024x32xf32>
    %dot_general3A_24 = tpu.matmul %select_n3A, %slice3A, %dot_general3A {dimension_numbers = #tpu.dot_dimension_numbers<[1], [0], [0], [1], [0, 0, 1, 1], [], []>, transpose_lhs_hint = false} : vector<1024x32xf32>, vector<32x32xf32>, vector<1024x32xf32> -> vector<1024x32xf32>
    %add3A_25 = arith.addf %get3A_1, %dot_general3A_24 : vector<1024x32xf32>
    %dot_general3A_26 = arith.constant dense<0.000000e+00> : vector<1024x32xf32>
    %dot_general3A_27 = tpu.matmul %add3A_25, %slice3A_22, %dot_general3A_26 {dimension_numbers = #tpu.dot_dimension_numbers<[1], [0], [0], [1], [0, 0, 1, 1], [], []>, transpose_lhs_hint = false} : vector<1024x32xf32>, vector<32x32xf32>, vector<1024x32xf32> -> vector<1024x32xf32>
    %max3A = arith.constant 0.000000e+00 : f32
    %max3A_28 = vector.broadcast %max3A : f32 to vector<1024x32xf32>
    %max3A_29 = arith.maximumf %dot_general3A_27, %max3A_28 : vector<1024x32xf32>
    %dot_general3A_30 = arith.constant dense<0.000000e+00> : vector<1024x32xf32>
    %dot_general3A_31 = tpu.matmul %max3A_29, %slice3A_23, %dot_general3A_30 {dimension_numbers = #tpu.dot_dimension_numbers<[1], [0], [0], [1], [0, 0, 1, 1], [], []>, transpose_lhs_hint = false} : vector<1024x32xf32>, vector<32x32xf32>, vector<1024x32xf32> -> vector<1024x32xf32>
    %add3A_32 = arith.addf %add3A_25, %dot_general3A_31 : vector<1024x32xf32>
    %dot_general3A_33 = arith.constant dense<0.000000e+00> : vector<1024x32xf32>
    %dot_general3A_34 = tpu.matmul %add3A_32, %slice3A_22, %dot_general3A_33 {dimension_numbers = #tpu.dot_dimension_numbers<[1], [0], [0], [1], [0, 0, 1, 1], [], []>, transpose_lhs_hint = false} : vector<1024x32xf32>, vector<32x32xf32>, vector<1024x32xf32> -> vector<1024x32xf32>
    %max3A_35 = arith.constant 0.000000e+00 : f32
    %max3A_36 = vector.broadcast %max3A_35 : f32 to vector<1024x32xf32>
    %max3A_37 = arith.maximumf %dot_general3A_34, %max3A_36 : vector<1024x32xf32>
    %dot_general3A_38 = arith.constant dense<0.000000e+00> : vector<1024x32xf32>
    %dot_general3A_39 = tpu.matmul %max3A_37, %slice3A_23, %dot_general3A_38 {dimension_numbers = #tpu.dot_dimension_numbers<[1], [0], [0], [1], [0, 0, 1, 1], [], []>, transpose_lhs_hint = false} : vector<1024x32xf32>, vector<32x32xf32>, vector<1024x32xf32> -> vector<1024x32xf32>
    %add3A_40 = arith.addf %add3A_32, %dot_general3A_39 : vector<1024x32xf32>
    %dot_general3A_41 = arith.constant dense<0.000000e+00> : vector<1024x32xf32>
    %dot_general3A_42 = tpu.matmul %add3A_40, %slice3A_22, %dot_general3A_41 {dimension_numbers = #tpu.dot_dimension_numbers<[1], [0], [0], [1], [0, 0, 1, 1], [], []>, transpose_lhs_hint = false} : vector<1024x32xf32>, vector<32x32xf32>, vector<1024x32xf32> -> vector<1024x32xf32>
    %max3A_43 = arith.constant 0.000000e+00 : f32
    %max3A_44 = vector.broadcast %max3A_43 : f32 to vector<1024x32xf32>
    %max3A_45 = arith.maximumf %dot_general3A_42, %max3A_44 : vector<1024x32xf32>
    %dot_general3A_46 = arith.constant dense<0.000000e+00> : vector<1024x32xf32>
    %dot_general3A_47 = tpu.matmul %max3A_45, %slice3A_23, %dot_general3A_46 {dimension_numbers = #tpu.dot_dimension_numbers<[1], [0], [0], [1], [0, 0, 1, 1], [], []>, transpose_lhs_hint = false} : vector<1024x32xf32>, vector<32x32xf32>, vector<1024x32xf32> -> vector<1024x32xf32>
    %add3A_48 = arith.addf %add3A_40, %dot_general3A_47 : vector<1024x32xf32>
    %swap3A = arith.constant 0 : index
    %swap3A_49 = arith.constant 0 : index
    %swap3A_50 = vector.load %arg4[%swap3A, %swap3A_49] : memref<1024x32xf32, #tpu.memory_space<vmem>>, vector<1024x32xf32>
    tpu.vector_store %arg4[%swap3A, %swap3A_49], %add3A_48 {strides = array<i32>} : memref<1024x32xf32, #tpu.memory_space<vmem>>, vector<1024x32xf32>,
    return
  }
  func.func @transform_0(%arg0: i32) -> (i32, i32) {
    %c0_i32 = arith.constant 0 : i32
    %c0_i32_0 = arith.constant 0 : i32
    return %arg0, %c0_i32 : i32, i32
  }
  func.func @transform_1(%arg0: i32) -> (i32, i32, i32) {
    %c0_i32 = arith.constant 0 : i32
    %c0_i32_0 = arith.constant 0 : i32
    %c0_i32_1 = arith.constant 0 : i32
    return %c0_i32, %arg0, %c0_i32_0 : i32, i32, i32
  }
  func.func @transform_2(%arg0: i32) -> (i32, i32) {
    %c0_i32 = arith.constant 0 : i32
    %c0_i32_0 = arith.constant 0 : i32
    %c0_i32_1 = arith.constant 0 : i32
    return %c0_i32, %c0_i32_0 : i32, i32
  }
  func.func @transform_3(%arg0: i32) -> (i32, i32) {
    %c0_i32 = arith.constant 0 : i32
    %c0_i32_0 = arith.constant 0 : i32
    return %arg0, %c0_i32 : i32, i32
  }
}

module attributes {stable_mosaic.version = 14 : i64} {
  func.func @_readout_body(%arg0: i32, %arg1: memref<1024x32xf32, #tpu.memory_space<vmem>>, %arg2: memref<1024x1xf32, #tpu.memory_space<vmem>>, %arg3: memref<1024x1xi32, #tpu.memory_space<vmem>>, %arg4: memref<32x1xf32, #tpu.memory_space<vmem>>, %arg5: memref<1x800xf32, #tpu.memory_space<vmem>>, %arg6: memref<1x800xf32, #tpu.memory_space<vmem>>) attributes {dimension_semantics = [#tpu.dimension_semantics<arbitrary>], iteration_bounds = array<i64: 49>, scalar_prefetch = 0 : i64, scratch_operands = 0 : i64, tpu.core_type = #tpu.core_type<tc>, window_params = [{transform_indices = @transform_0, window_bounds = array<i64: 1024, 32>}, {transform_indices = @transform_1, window_bounds = array<i64: 1024, 1>}, {transform_indices = @transform_2, window_bounds = array<i64: 1024, 1>}, {pipeline_mode = #tpu.pipeline_mode<synchronous>, transform_indices = @transform_3, window_bounds = array<i64: 32, 1>}, {pipeline_mode = #tpu.pipeline_mode<synchronous>, transform_indices = @transform_4, window_bounds = array<i64: 1, 800>}, {pipeline_mode = #tpu.pipeline_mode<synchronous>, transform_indices = @transform_5, window_bounds = array<i64: 1, 800>}]} {
    %get3A = arith.constant 0 : index
    %get3A_0 = arith.constant 0 : index
    %get3A_1 = vector.load %arg1[%get3A, %get3A_0] : memref<1024x32xf32, #tpu.memory_space<vmem>>, vector<1024x32xf32>
    %get3A_2 = arith.constant 0 : index
    %get3A_3 = arith.constant 0 : index
    %get3A_4 = vector.load %arg4[%get3A_2, %get3A_3] : memref<32x1xf32, #tpu.memory_space<vmem>>, vector<32x1xf32>
    %dot_general3A = arith.constant dense<0.000000e+00> : vector<1024x1xf32>
    %dot_general3A_5 = tpu.matmul %get3A_1, %get3A_4, %dot_general3A {dimension_numbers = #tpu.dot_dimension_numbers<[1], [0], [0], [1], [0, 0, 1, 1], [], []>, transpose_lhs_hint = false} : vector<1024x32xf32>, vector<32x1xf32>, vector<1024x1xf32> -> vector<1024x1xf32>
    %get3A_6 = arith.constant 0 : index
    %get3A_7 = arith.constant 0 : index
    %get3A_8 = vector.load %arg2[%get3A_6, %get3A_7] : memref<1024x1xf32, #tpu.memory_space<vmem>>, vector<1024x1xf32>
    %mul3A = arith.mulf %dot_general3A_5, %get3A_8 : vector<1024x1xf32>
    %get3A_9 = arith.constant 0 : index
    %get3A_10 = arith.constant 0 : index
    %get3A_11 = vector.load %arg3[%get3A_9, %get3A_10] : memref<1024x1xi32, #tpu.memory_space<vmem>>, vector<1024x1xi32>
    %iota3A = tpu.iota {dimensions = array<i32: 1>} : vector<1024x800xi32>
    %eq3A = vector.broadcast %get3A_11 : vector<1024x1xi32> to vector<1024x800xi32>
    %eq3A_12 = arith.cmpi eq, %eq3A, %iota3A : vector<1024x800xi32>
    %convert_element_type3A = arith.extui %eq3A_12 : vector<1024x800xi1> to vector<1024x800xi32>
    %convert_element_type3A_13 = arith.sitofp %convert_element_type3A : vector<1024x800xi32> to vector<1024x800xf32>
    %dot_general3A_14 = arith.constant dense<0.000000e+00> : vector<1x800xf32>
    %dot_general3A_15 = tpu.matmul %mul3A, %convert_element_type3A_13, %dot_general3A_14 {dimension_numbers = #tpu.dot_dimension_numbers<[0], [0], [1], [1], [0, 1, 1, 1], [], []>, transpose_lhs_hint = false} : vector<1024x1xf32>, vector<1024x800xf32>, vector<1x800xf32> -> vector<1x800xf32>
    %eq3A_16 = arith.constant 0 : i32
    %eq3A_17 = arith.cmpi eq, %arg0, %eq3A_16 : i32
    %convert_element_type3A_18 = arith.extui %eq3A_17 : i1 to i32
    %cond3A = arith.constant 0 : i32
    %cond3A_19 = arith.cmpi ne, %convert_element_type3A_18, %cond3A : i32
    scf.if %cond3A_19 {
      %broadcast_in_dim3A = arith.constant 0.000000e+00 : f32
      %broadcast_in_dim3A_30 = vector.broadcast %broadcast_in_dim3A : f32 to vector<1x800xf32>
      %swap3A_31 = arith.constant 0 : index
      %swap3A_32 = arith.constant 0 : index
      %swap3A_33 = vector.load %arg6[%swap3A_31, %swap3A_32] : memref<1x800xf32, #tpu.memory_space<vmem>>, vector<1x800xf32>
      tpu.vector_store %arg6[%swap3A_31, %swap3A_32], %broadcast_in_dim3A_30 {strides = array<i32>} : memref<1x800xf32, #tpu.memory_space<vmem>>, vector<1x800xf32>,
    } else {
    }
    %get3A_20 = arith.constant 0 : index
    %get3A_21 = arith.constant 0 : index
    %get3A_22 = vector.load %arg6[%get3A_20, %get3A_21] : memref<1x800xf32, #tpu.memory_space<vmem>>, vector<1x800xf32>
    %add3A = arith.addf %get3A_22, %dot_general3A_15 : vector<1x800xf32>
    %swap3A = arith.constant 0 : index
    %swap3A_23 = arith.constant 0 : index
    %swap3A_24 = vector.load %arg6[%swap3A, %swap3A_23] : memref<1x800xf32, #tpu.memory_space<vmem>>, vector<1x800xf32>
    tpu.vector_store %arg6[%swap3A, %swap3A_23], %add3A {strides = array<i32>} : memref<1x800xf32, #tpu.memory_space<vmem>>, vector<1x800xf32>,
    %eq3A_25 = arith.constant 48 : i32
    %eq3A_26 = arith.cmpi eq, %arg0, %eq3A_25 : i32
    %convert_element_type3A_27 = arith.extui %eq3A_26 : i1 to i32
    %cond3A_28 = arith.constant 0 : i32
    %cond3A_29 = arith.cmpi ne, %convert_element_type3A_27, %cond3A_28 : i32
    scf.if %cond3A_29 {
      %get3A_30 = arith.constant 0 : index
      %get3A_31 = arith.constant 0 : index
      %get3A_32 = vector.load %arg6[%get3A_30, %get3A_31] : memref<1x800xf32, #tpu.memory_space<vmem>>, vector<1x800xf32>
      %get3A_33 = arith.constant 0 : index
      %get3A_34 = arith.constant 0 : index
      %get3A_35 = vector.load %arg5[%get3A_33, %get3A_34] : memref<1x800xf32, #tpu.memory_space<vmem>>, vector<1x800xf32>
      %mul3A_36 = arith.mulf %get3A_32, %get3A_35 : vector<1x800xf32>
      %swap3A_37 = arith.constant 0 : index
      %swap3A_38 = arith.constant 0 : index
      %swap3A_39 = vector.load %arg6[%swap3A_37, %swap3A_38] : memref<1x800xf32, #tpu.memory_space<vmem>>, vector<1x800xf32>
      tpu.vector_store %arg6[%swap3A_37, %swap3A_38], %mul3A_36 {strides = array<i32>} : memref<1x800xf32, #tpu.memory_space<vmem>>, vector<1x800xf32>,
    } else {
    }
    return
  }
  func.func @transform_0(%arg0: i32) -> (i32, i32) {
    %c0_i32 = arith.constant 0 : i32
    %c0_i32_0 = arith.constant 0 : i32
    return %arg0, %c0_i32 : i32, i32
  }
  func.func @transform_1(%arg0: i32) -> (i32, i32) {
    %c0_i32 = arith.constant 0 : i32
    %c0_i32_0 = arith.constant 0 : i32
    return %arg0, %c0_i32 : i32, i32
  }
  func.func @transform_2(%arg0: i32) -> (i32, i32) {
    %c0_i32 = arith.constant 0 : i32
    %c0_i32_0 = arith.constant 0 : i32
    return %arg0, %c0_i32 : i32, i32
  }
  func.func @transform_3(%arg0: i32) -> (i32, i32) {
    %c0_i32 = arith.constant 0 : i32
    %c0_i32_0 = arith.constant 0 : i32
    %c0_i32_1 = arith.constant 0 : i32
    return %c0_i32, %c0_i32_0 : i32, i32
  }
  func.func @transform_4(%arg0: i32) -> (i32, i32) {
    %c0_i32 = arith.constant 0 : i32
    %c0_i32_0 = arith.constant 0 : i32
    %c0_i32_1 = arith.constant 0 : i32
    return %c0_i32, %c0_i32_0 : i32, i32
  }
  func.func @transform_5(%arg0: i32) -> (i32, i32) {
    %c0_i32 = arith.constant 0 : i32
    %c0_i32_0 = arith.constant 0 : i32
    %c0_i32_1 = arith.constant 0 : i32
    return %c0_i32, %c0_i32_0 : i32, i32
  }
}

</mosaic_0001>

<sc_bundles>
// kernel: kernel.10.cloned.1.call-start
scs
__scs_entry_jumppad:
0x0: {  	(pc) =	sbr.rel $0x88, $3  }
0x1: {  	(tag) =	ssettag $0x0;
	lr =	simm.s32 $0x1  }
0x2: {  	[smem:$0x3F94] =	sst lr;
	_ =	strace $0xD0000000  }
0x3: {  	_ = 	snop  }
0x4: {  	_ = 	snop  }
0x5: {  	_ = 	snop  }
0x6: {  	_ = 	snop  }
0x7: {  	_ = 	snop  }
__scs_overlays_trampoline_lowered:
0x8: {  	[smem:$0x3FA3] =	sst s0  }
0x9: {  	[smem:$0x3FA4] =	sst s1  }
0xa: {  	[smem:$0x3FA5] =	sst s2  }
0xb: {  	[smem:$0x3FA6] =	sst s3  }
0xc: {  	[smem:$0x3FA7] =	sst s4  }
0xd: {  	[smem:$0x3FA8] =	sst s5  }
0xe: {  	[smem:$0x3FA9] =	sst s6  }
0xf: {  	[smem:$0x3FAA] =	sst s7  }
0x10: {  	[smem:$0x3FAB] =	sst s8  }
0x11: {  	[smem:$0x3FAC] =	sst s9;
	s0 =	simm.s32 @!p0 $0x0  }
0x12: {  	s1 =	sld [smem:$0x3F92];
	s0 =	simm.s32 @p0 $0x1  }
0x13: {  	[smem:$0x3FAD] =	sst s0;
	s0 =	simm.s32 @!p1 $0x0  }
0x14: {  	s2 =	sld [smem:$0x3F91];
	s0 =	simm.s32 @p1 $0x1  }
0x15: {  	[smem:$0x3FAE] =	sst s0;
	s0 =	simm.s32 @!p2 $0x0  }
0x16: {  	s3 =	sld [smem:$0x3FDB];
	s0 =	simm.s32 @p2 $0x1  }
0x17: {  	s4 =	simm.s32 $0x1BF5;
	[smem:$0x3FB0] =	sst s0  }
0x18: {  	s0 =	sld [smem:$0x3F93];
	_ =	swait.ge [sflag:s4], $0x0  }
0x19: {  	s7 =	sld [smem:$0x3F94]  }
0x1a: {  	s8 =	sadd.s32 $0xFFFFE003, lr  }
0x1b: {  	s9 =	sadd.s32 $0xFFFFFEF7, lr;
	s5 =	simm.s32 $0xFFFFFFFF;
	p2 =	slt.u32 s8, $0xFFFFF086  }
0x1c: {  	p1 =	slt.u32 s9, $0xF7A;
	s5 =	simm.s32 @!p2 $0x0  }
0x1d: {  	s5 =	simm.s32 @p1 $0x1;
	p0 =	seq.s32 s7, s2  }
0x1e: {  	s7 =	smul.u32 @!p0 $0xF7A, s2;
	p2 =	seq.s32 @!p0 s5, $0x0  }
0x1f: {  	s9 =	smul.u32 $0xF7A, s1;
	s8 =	simm.s32 @!p0 $0x1BF5;
	p2 =	por !p2, p0  }
0x20: {  	[sflag:s8] =	ssyncset.s32 @!p0 $0xFFFFF086;
	s6 =	sadd.s32 @!p0 s3, s7;
	s7 =	simm.s32 @!p0 $0x108  }
0x21: {  	s3 =	sadd.s32 s3, s9;
	s6 =	sadd.s32 @!p0 $0x88, s6;
	s7 =	simm.s32 @p2 $0x1082  }
0x22: {  	[simem:s7], [sflag:s8] =	dma.local @!p0 [hbm:s6], $0xF7A  }
0x23: {  	s9 =	sor.u32 $0xD0000000, s2;
	s6 =	simm.s32 $0x108;
	_ =	swait.ge @!p0 [sflag:s8], $0x0  }
0x24: {  	s3 =	sadd.s32 $0x88, s3;
	s6 =	simm.s32 @!p1 $0x1082;
	[sflag:s4] =	ssyncset.s32 $0xFFFFF086  }
0x25: {  	[simem:s6], [sflag:s4] =	dma.local [hbm:s3], $0xF7A  }
0x26: {  	[smem:$0x3F94] =	sst s1;
	(tag) =	ssettag s2;
	_ =	strace s9  }
0x27: {  	s1 =	sld [smem:$0x3FA4]  }
0x28: {  	s2 =	sld [smem:$0x3FA5]  }
0x29: {  	s4 =	sld [smem:$0x3FA7]  }
0x2a: {  	p0 =	seq.s32 s5, $0x0;
	s5 =	sld [smem:$0x3FA8]  }
0x2b: {  	s6 =	sld [smem:$0x3FA9]  }
0x2c: {  	s7 =	sld [smem:$0x3FAA]  }
0x2d: {  	s3 =	simm.s32 $0x108;
	s8 =	sld [smem:$0x3FAB]  }
0x2e: {  	s3 =	simm.s32 @!p0 $0x1082;
	s9 =	sld [smem:$0x3FAC]  }
0x2f: {  	lr =	sadd.s32 s0, s3;
	s0 =	sld [smem:$0x3FA3]  }
0x30: {  	s3 =	sld [smem:$0x3FA6]  }
0x31: {  	[smem:$0x3FAF] =	sst s10  }
0x32: {  	s10 =	sld [smem:$0x3FAD];
	_ =	sdelay $0x3  }
0x33: {  	p0 =	seq.s32 s10, $0x1;
	s10 =	sld [smem:$0x3FAF];
	_ =	sdelay $0x3  }
0x34: {  	[smem:$0x3FAF] =	sst s10  }
0x35: {  	s10 =	sld [smem:$0x3FAE];
	_ =	sdelay $0x3  }
0x36: {  	p1 =	seq.s32 s10, $0x1;
	s10 =	sld [smem:$0x3FAF];
	_ =	sdelay $0x3  }
0x37: {  	[smem:$0x3FAF] =	sst s10  }
0x38: {  	s10 =	sld [smem:$0x3FB0]  }
0x39: {  	_ = 	snop;
	(pc) =	sbr.ind lr, $3  }
0x3a: {  	_ = 	snop  }
0x3b: {  	_ = 	snop  }
0x3c: {  	p2 =	seq.s32 s10, $0x1;
	s10 =	sld [smem:$0x3FAF]  }
0x3d: {  	_ =	shalt  }
0x3e: {  	_ =	shalt  }
0x3f: {  	_ =	shalt  }
0x40: {  	_ =	shalt  }
0x41: {  	_ =	shalt  }
0x42: {  	_ =	shalt  }
0x43: {  	_ =	shalt  }
0x44: {  	_ =	shalt  }
0x45: {  	_ =	shalt  }
0x46: {  	_ =	shalt  }
0x47: {  	_ =	shalt  }
0x48: {  	_ =	shalt  }
0x49: {  	_ =	shalt  }
0x4a: {  	_ =	shalt  }
0x4b: {  	_ =	shalt  }
0x4c: {  	_ =	shalt  }
0x4d: {  	_ =	shalt  }
0x4e: {  	_ =	shalt  }
0x4f: {  	_ =	shalt  }
0x50: {  	_ =	shalt  }
0x51: {  	_ =	shalt  }
0x52: {  	_ =	shalt  }
0x53: {  	_ =	shalt  }
0x54: {  	_ =	shalt  }
0x55: {  	_ =	shalt  }
0x56: {  	_ =	shalt  }
0x57: {  	_ =	shalt  }
0x58: {  	_ =	shalt  }
0x59: {  	_ =	shalt  }
0x5a: {  	_ =	shalt  }
0x5b: {  	_ =	shalt  }
0x5c: {  	_ =	shalt  }
0x5d: {  	_ =	shalt  }
0x5e: {  	_ =	shalt  }
0x5f: {  	_ =	shalt  }
0x60: {  	_ =	shalt  }
0x61: {  	_ =	shalt  }
0x62: {  	_ =	shalt  }
0x63: {  	_ =	shalt  }
0x64: {  	_ =	shalt  }
0x65: {  	_ =	shalt  }
0x66: {  	_ =	shalt  }
0x67: {  	_ =	shalt  }
0x68: {  	_ =	shalt  }
0x69: {  	_ =	shalt  }
0x6a: {  	_ =	shalt  }
0x6b: {  	_ =	shalt  }
0x6c: {  	_ =	shalt  }
0x6d: {  	_ =	shalt  }
0x6e: {  	_ =	shalt  }
0x6f: {  	_ =	shalt  }
0x70: {  	_ =	shalt  }
0x71: {  	_ =	shalt  }
0x72: {  	_ =	shalt  }
0x73: {  	_ =	shalt  }
0x74: {  	_ =	shalt  }
0x75: {  	_ =	shalt  }
0x76: {  	_ =	shalt  }
0x77: {  	_ =	shalt  }
0x78: {  	_ =	shalt  }
0x79: {  	_ =	shalt  }
0x7a: {  	_ =	shalt  }
0x7b: {  	_ =	shalt  }
0x7c: {  	_ =	shalt  }
0x7d: {  	_ =	shalt  }
0x7e: {  	_ =	shalt  }
0x7f: {  	_ =	shalt  }
0x80: {  	_ =	shalt  }
0x81: {  	_ =	shalt  }
0x82: {  	_ =	shalt  }
0x83: {  	_ =	shalt  }
0x84: {  	_ =	shalt  }
0x85: {  	_ =	shalt  }
0x86: {  	_ =	shalt  }
0x87: {  	_ =	shalt  }
.Lfunc_end0:
.L_simem_size_0:
called_computation_lowered:
.L_overlay_start_0:
0x88: {  	s2 =	sld [smem:$0x3FD9]  }
0x89: {  	s3 =	sld [smem:$0x3FFE];
	_ =	sdelay $0x1  }
0x8a: {  	s1 =	srdreg.scid  }
0x8b: {  	s0 =	sand.u32 $0x1, s1  }
0x8c: {  	s16 =	sshll.u32 s0, $0xA;
	s2 =	sadd.s32 s3, s2  }
0x8d: {  	s2 =	sadd.s32 s2, s16  }
0x8e: {  	[smem:$0x3FBB] =	sst s2  }
0x8f: {  	_ = 	snop  }
0x90: {  	(tm) =	ssettm $0x1  }
0x91: {  	s17 =	sld [smem:$0x3FFB];
	_ =	sdelay $0x3  }
0x92: {  	_ =	strace s17  }
0x93: {  	s2 =	sld [smem:$0x3FFC];
	_ =	sdelay $0x3  }
0x94: {  	_ =	strace s2  }
0x95: {  	s2 =	sld [smem:$0x3FFD];
	_ =	sdelay $0x3  }
0x96: {  	_ =	strace s2  }
0x97: {  	_ =	strace $0x8FFFFFFF  }
0x98: {  	s18 =	sld [smem:$0x3FDB];
	_ =	sdelay $0x1  }
0x99: {  	s19 =	simm.s32 $_scs_section_size  }
0x9a: {  	s4 =	simm.s32 $_size__tile_overlayer_lowered;
	s5 =	simm.s32 $_tile_overlayer_lowered  }
0x9b: {  	s22 =	simm.s32 $0x1BFF;
	s21 =	sshll.u32 s5, $0x1;
	s2 =	sadd.s32 s19, s18  }
0x9c: {  	s6 =	simm.s32 $0x0;
	s20 =	sshll.u32 s4, $0x1;
	s4 =	sadd.s32 s21, s2  }
0x9d: {  	[timem:s6], [sflag:s22] =	dma.local [hbm:s4], s20  }
0x9e: {  	_ =	swait.ge [sflag:s22], s20  }
0x9f: {  	s3 =	ssub.s32 $0x0, s20;
	[sflag:s22] =	ssyncset.done $0x0  }
0xa0: {  	[sflag:s22] =	ssyncadd.s32 s3;
	_ =	sdelay $0x1  }
0xa1: {  	s23 =	simm.s32 $0x1B8B  }
0xa2: {  	_ =	swait.ge [sflag:s23], $0x1  }
0xa3: {  	[sflag:s23] =	ssyncset.done $0x0  }
0xa4: {  	s25 =	simm.s32 $0x1B8E;
	s24 =	sld [smem:$0x3FFE];
	[sflag:s23] =	ssyncadd.s32 $0xFFFFFFFF  }
0xa5: {  	s26 =	simm.s32 $execute0_lowered;
	[smem:$0x3FD2] =	sst s25  }
0xa6: {  	s4 =	sshll.u32 s26, $0x1;
	_ =	strace $0x80000046;
	[dreg:$0x1] =	wrdreg $0xFFFFFFFF  }
0xa7: {  	s28 =	simm.s32 $_size_execute0_lowered;
	s2 =	sadd.s32 s2, s4;
	[dreg:$0x0] =	wrdreg $0x0  }
0xa8: {  	s4 =	sshll.u32 s28, $0x1;
	[dreg:$0x2] =	wrdreg s2  }
0xa9: {  	[dreg:$0x3] =	wrdreg s4  }
0xaa: {  	[dreg:$0x4] =	wrdreg $0xC0  }
0xab: {  	_ =	task [dreg:s6], $0x5FFFF  }
0xac: {  	[dreg:$0x1] =	wrdreg $0xFFFFFFFF  }
0xad: {  	[dreg:$0x0] =	wrdreg $0x60  }
0xae: {  	[dreg:$0x2] =	wrdreg s24  }
0xaf: {  	[dreg:$0x3] =	wrdreg $0x9  }
0xb0: {  	_ =	task.clear_ibuf [dreg:s6], $0x4FFFF;
	_ =	strace $0x90000046  }
0xb1: {  	s29 =	simm.s32 $0x9;
	_ =	strace $0x80000048  }
0xb2: {  	_ =	swait.ge [sflag:s29], $0x1  }
0xb3: {  	[sflag:s29] =	ssyncadd.s32 $0xFFFFFFFF  }
0xb4: {  	_ =	strace $0x90000048  }
0xb5: {  	_ =	sfence  }
0xb6: {  	s30 =	sld [smem:$0x0];
	_ =	sdelay $0x2  }
0xb7: {  	s31 =	sshll.u32 s1, $0xD;
	s1 =	sshrl.u32 s1, $0x2  }
0xb8: {  	s3 =	sand.u32 $0x4000, s31;
	s1 =	sadd.s32 s1, s30  }
0xb9: {  	s0 =	sor.u32 s3, s0;
	s1 =	sshll.u32 s1, $0x11  }
0xba: {  	s0 =	sor.u32 s1, s0  }
0xbb: {  	s0 =	sadd.s32 $0x8F2B, s0  }
0xbc: {  	[sflag:s0] =	ssyncadd.remote.s32 $0x1  }
0xbd: {  	_ =	sfence.sel $0xFFFF  }
0xbe: {  	[dreg:$0x0] =	wrdreg $0xFFFFFFFF;
	(pc) =	sbr.abs _section_cstart, $3  }
0xbf: {  	[dreg:$0x1] =	wrdreg $0xFFFFFFFF  }
0xc0: {  	_ =	task.clear_ibuf [dreg:s6], $0x2FFFF;
	_ =	strace $0x9FFFFFFF  }
0xc1: {  	(tm) =	ssettm $0x7FFFFFFF  }
tec
execute0_lowered:
.L_overlay_start_1:
0x0: {  	(tag) =	ssettag $0x1  }
0x1: {  	s0 =	srdreg.scid;
	s1 =	rddreg [dreg:$0x0]  }
0x2: {  	s4 =	stileid.u32;
	s2 =	simm.s32 $0x0;
	s10 =	simm.s32 $0x5  }
0x3: {  	s11 =	simm.s32 $0x6200;
	s12 =	simm.s32 $0x80;
	s13 =	simm.s32 $0xC400  }
0x4: {  	s14 =	simm.s32 $0xCC00;
	s15 =	simm.s32 $0xD400;
	s16 =	simm.s32 $0x6280  }
0x5: {  	s17 =	simm.s32 $0xDC00;
	s18 =	simm.s32 $0x1;
	s19 =	simm.s32 $0x2  }
0x6: {  	s20 =	simm.s32 $0xE400;
	s21 =	simm.s32 $0x3;
	s0 =	sand.u32 $0x1, s0  }
0x7: {  	v0 =	vimm.s32 $0x0;
	v1 =	vimm.s32 $0x1;
	v2 =	vimm.s32 $0x2;
	s22 =	simm.s32 $0x4;
	s23 =	simm.s32 $0xE480;
	s3 =	sshll.u32 s0, $0x4  }
0x8: {  	vm0 =	vmmov $0x1;
	vm1 =	vmmov $0x3;
	vm2 =	vmmov $0x7;
	s24 =	simm.s32 $0x0;
	[smem:$0x7FF] =	sst s2;
	s3 =	sor.u32 s4, s3  }
0x9: {  	vm3 =	vmmov $0xf;
	vm4 =	vmmov $0x1f;
	vm5 =	vmmov $0x3f;
	s5 =	sadd.s32 $0x4C800, s1;
	s0 =	ssub.s32 $0x2, s0;
	s3 =	smul.u32 $0xC40, s3  }
0xa: {  	vm6 =	vmmov $0x7f;
	vm7 =	vmmov $0xff;
	vm8 =	vmmov $0x1ff;
	s8 =	sadd.s32 $0x4C810, s1;
	_ =	strace $0x80000047;
	s6 =	sshrl.u32 s0, $0x1  }
0xb: {  	vm9 =	vmmov $0x3ff;
	vm10 =	vmmov $0x7ff;
	vm11 =	vmmov $0xfff;
	s4 =	sadd.s32 $0x34000, s1;
	s0 =	ssub.s32 s0, s6;
	s7 =	sadd.s32 s3, s1  }
0xc: {  	vm12 =	vmmov $0x1fff;
	vm13 =	vmmov $0x3fff;
	vm14 =	vmmov $0x7fff;
	s9 =	smax.u32 s0, $0x1;
	s6 =	sadd.s32 $0x1B800, s7;
	s7 =	sadd.s32 $0x3000, s7  }
.LBB2_1:
0xd: {  	[tilespmem:s2], [sflag:$0x5] =	stream.linear.gather [hbm4b:s6+s2], $0x6200, $0x38;
	[tilespmem:$0xE500] =	vst v63  }
0xe: {  	_ =	swait.ge [sflag:s10], $0x6200  }
0xf: {  	[sflag:s10] =	ssyncset.done $0x0  }
0x10: {  	[sflag:s10] =	ssyncadd.s32 $0xFFFF9E00  }
0x11: {  	[tilespmem:s11], [sflag:$0x5] =	stream.linear.gather [hbm4b:s7+s2], $0x6200, $0x38;
	[tilespmem:$0xE500] =	vst v63  }
0x12: {  	_ =	swait.ge [sflag:s10], $0x6200  }
0x13: {  	[sflag:s10] =	ssyncset.done $0x0  }
0x14: {  	[sflag:s10] =	ssyncadd.s32 $0xFFFF9E00  }
0x15: {  	[tilespmem:s13], [sflag:$0x1] =	stream.indirect.gather [hbm4b:s4+s12], $0x10, s2, s12, $0xb8;
	[tilespmem:$0xE500] =	vst v63  }
0x16: {  	_ = 	snop  }
0x17: {  	[tilespmem:s14], [sflag:$0x2] =	stream.indirect.gather [hbm4b:s4+s12], $0x10, s11, s12, $0xb8;
	[tilespmem:$0xE500] =	vst v63  }
0x18: {  	_ = 	snop  }
0x19: {  	[tilespmem:s15], [sflag:$0x3] =	stream.indirect.gather [hbm4b:s4+s12], $0x10, s12, s12, $0xb8;
	[tilespmem:$0xE500] =	vst v63  }
0x1a: {  	s25 =	simm.s32 $0x0  }
0x1b: {  	[tilespmem:s17], [sflag:$0x4] =	stream.indirect.gather [hbm4b:s4+s12], $0x10, s16, s12, $0xb8;
	[tilespmem:$0xE500] =	vst v63  }
.LBB2_2:
0x1c: {  	_ =	swait.ge [sflag:s18], $0x800  }
0x1d: {  	[sflag:s18] =	ssyncset.done $0x0  }
0x1e: {  	[sflag:s18] =	ssyncadd.s32 $0xFFFFF800  }
0x1f: {  	_ =	swait.ge [sflag:s19], $0x800  }
0x20: {  	[sflag:s19] =	ssyncset.done $0x0  }
0x21: {  	s26 =	simm.s32 $0x0;
	[sflag:s19] =	ssyncadd.s32 $0xFFFFF800  }
0x22: {  	v3 =	vld [tilespmem:s26+$0xCC20]  }
0x23: {  	v4 =	vld [tilespmem:s26+$0xCC10]  }
0x24: {  	v5 =	vld [tilespmem:s26+$0xC420]  }
0x25: {  	v6 =	vld [tilespmem:s26+$0xC400]  }
0x26: {  	v7 =	vld [tilespmem:s26+$0xC410]  }
0x27: {  	v8 =	vld [tilespmem:s26+$0xCC00];
	_ =	sdelay $0x2  }
0x28: {  	v9 =	vld [tilespmem:s26+$0xCC30];
	v3 =	vsub.f32 v5, v3  }
0x29: {  	v5 =	vld [tilespmem:s26+$0xC430];
	v4 =	vsub.f32 v7, v4  }
0x2a: {  	v10 =	vld [tilespmem:s26+$0xC450];
	v6 =	vsub.f32 v6, v8;
	v3 =	vmul.f32 v3, v3  }
0x2b: {  	v7 =	vld [tilespmem:s26+$0xCC50];
	v4 =	vmul.f32 v4, v4  }
0x2c: {  	v17 =	vld [tilespmem:s26+$0xCC70];
	v6 =	vmul.f32 v6, v6;
	v11 =	vperm.xlane v3, v0  }
0x2d: {  	v8 =	vld [tilespmem:s26+$0xC440];
	v12 =	vperm.xlane v4, v0;
	v13 =	vperm.xlane v3, v1  }
0x2e: {  	v14 =	vperm.xlane v6, v0;
	v3 =	vperm.xlane v3, v2;
	v5 =	vsub.f32 v5, v9;
	v9 =	vld [tilespmem:s26+$0xCC40]  }
0x2f: {  	v19 =	vld [tilespmem:s26+$0xC480];
	v15 =	vperm.xlane v6, v1;
	v16 =	vperm.xlane v4, v1  }
0x30: {  	v20 =	vld [tilespmem:s26+$0xCC80];
	v4 =	vperm.xlane v4, v2;
	v7 =	vsub.f32 v10, v7;
	v11 =	vadd.f32 v13, v11  }
0x31: {  	v6 =	vperm.xlane v6, v2;
	v13 =	vld [tilespmem:s26+$0xC460];
	v12 =	vadd.f32 v16, v12;
	v5 =	vmul.f32 v5, v5  }
0x32: {  	v14 =	vadd.f32 v15, v14;
	v7 =	vmul.f32 v7, v7;
	v11 =	vadd.f32 v3, v11;
	v3 =	vld [tilespmem:s26+$0xCC60]  }
0x33: {  	v10 =	vperm.xlane v5, v1;
	v15 =	vperm.xlane v5, v0;
	v8 =	vsub.f32 v8, v9;
	v9 =	vld [tilespmem:s26+$0xC470]  }
0x34: {  	v4 =	vadd.f32 v4, v12;
	v6 =	vadd.f32 v6, v14  }
0x35: {  	v16 =	vperm.xlane v5, v2;
	v12 =	vperm.xlane v7, v0;
	v10 =	vadd.f32 v10, v15  }
0x36: {  	v14 =	vsub.f32 v19, v20;
	v18 =	vmul.f32 v8, v8;
	v8 =	vperm.xlane v7, v1  }
0x37: {  	v13 =	vsub.f32 v13, v3;
	v16 =	vadd.f32 v16, v10  }
0x38: {  	v10 =	vld [tilespmem:s26+$0xC490];
	v3 =	vadd.f32 v8, v12;
	v12 =	vsub.f32 v9, v17  }
0x39: {  	v6 =	vsel vm0, v6, v4;
	v7 =	vperm.xlane v7, v2;
	v5 =	vperm.xlane v18, v0;
	v9 =	vld [tilespmem:s26+$0xCC90]  }
0x3a: {  	v6 =	vsel vm1, v6, v11;
	v11 =	vld [tilespmem:s26+$0xC4A0];
	v8 =	vmul.f32 v13, v13;
	v12 =	vmul.f32 v12, v12  }
0x3b: {  	v4 =	vperm.xlane v18, v2;
	v15 =	vperm.xlane v18, v1;
	v3 =	vadd.f32 v7, v3;
	v7 =	vld [tilespmem:s26+$0xCCA0]  }
0x3c: {  	s29 =	simm.s32 $0xE400;
	s30 =	simm.s32 $0x400;
	s28 =	simm.s32 $0xE400;
	v6 =	vsel vm2, v6, v16;
	v13 =	vperm.xlane v8, v0;
	v16 =	vperm.xlane v12, v1  }
.LBB2_3:
0x3d: {  	p0 =	sne.s32 s30, $0x1C00  }
0x3e: {  	v17 =	vperm.xlane v8, v1;
	v18 =	vperm.xlane v12, v0;
	v9 =	vsub.f32 v10, v9;
	v10 =	vld [tilespmem:s26+$0xCCB0];
	s29 =	sadd.s32 $0x10, s29;
	s0 =	smov.u32 s30;
	s30 =	sadd.s32 $0x400, s30  }
0x3f: {  	v5 =	vadd.f32 v15, v5;
	v12 =	vperm.xlane v12, v2;
	v14 =	vmul.f32 v14, v14;
	v15 =	vld [tilespmem:s26+$0xC4B0]  }
0x40: {  	v8 =	vperm.xlane v8, v2;
	v16 =	vadd.f32 v16, v18;
	v7 =	vsub.f32 v11, v7;
	v11 =	vld [tilespmem:s26+$0xCCC0]  }
0x41: {  	v4 =	vadd.f32 v4, v5;
	v5 =	vadd.f32 v17, v13;
	v13 =	vperm.xlane v14, v0;
	v17 =	vld [tilespmem:s26+$0xC4C0]  }
0x42: {  	v12 =	vadd.f32 v12, v16;
	v16 =	vperm.xlane v14, v1;
	v7 =	vmul.f32 v7, v7;
	v18 =	vld [tilespmem:s26+$0xC4D0]  }
0x43: {  	v9 =	vmul.f32 v9, v9;
	v4 =	vsel vm3, v6, v4;
	v6 =	vperm.xlane v14, v2;
	v14 =	vld [tilespmem:s26+$0xCCD0]  }
0x44: {  	v5 =	vadd.f32 v8, v5;
	v8 =	vperm.xlane v7, v1;
	v10 =	vsub.f32 v15, v10  }
0x45: {  	v3 =	vsel vm4, v4, v3;
	v4 =	vadd.f32 v16, v13;
	v13 =	vperm.xlane v7, v0  }
0x46: {  	v3 =	vsel vm5, v3, v5;
	v5 =	vperm.xlane v9, v0;
	v10 =	vmul.f32 v10, v10;
	v15 =	vld [tilespmem:s26+$0xCCE0]  }
0x47: {  	v3 =	vsel vm6, v3, v12;
	v12 =	vperm.xlane v9, v1;
	v8 =	vadd.f32 v8, v13;
	v13 =	vld [tilespmem:s26+$0xC4E0]  }
0x48: {  	v16 =	vperm.xlane v10, v0;
	v19 =	vperm.xlane v10, v1;
	v14 =	vsub.f32 v18, v14;
	v18 =	vld [tilespmem:s26+$0xCCF0]  }
0x49: {  	v9 =	vperm.xlane v9, v2;
	v11 =	vsub.f32 v17, v11;
	v5 =	vadd.f32 v12, v5;
	v12 =	vld [tilespmem:s26+$0xC4F0]  }
0x4a: {  	v4 =	vadd.f32 v6, v4;
	v6 =	vperm.xlane v7, v2;
	v7 =	vadd.f32 v19, v16  }
0x4b: {  	v5 =	vadd.f32 v9, v5;
	v9 =	vperm.xlane v10, v2;
	v10 =	vmul.f32 v11, v11  }
0x4c: {  	v6 =	vadd.f32 v6, v8;
	v8 =	vmul.f32 v14, v14;
	v11 =	vsub.f32 v13, v15  }
0x4d: {  	v3 =	vsel vm7, v3, v4;
	v4 =	vadd.f32 v9, v7;
	v7 =	vperm.xlane v10, v1  }
0x4e: {  	v3 =	vsel vm8, v3, v5;
	v5 =	vperm.xlane v8, v1;
	v9 =	vsub.f32 v12, v18  }
0x4f: {  	v3 =	vsel vm9, v3, v6;
	v6 =	vperm.xlane v10, v0;
	v11 =	vmul.f32 v11, v11  }
0x50: {  	v3 =	vsel vm10, v3, v4;
	v4 =	vperm.xlane v10, v2;
	v9 =	vmul.f32 v9, v9  }
0x51: {  	v6 =	vadd.f32 v7, v6;
	v7 =	vperm.xlane v8, v0;
	v10 =	vperm.xlane v11, v0  }
0x52: {  	v8 =	vperm.xlane v8, v2;
	v12 =	vperm.xlane v9, v0  }
0x53: {  	v4 =	vadd.f32 v4, v6;
	v5 =	vadd.f32 v5, v7;
	v6 =	vperm.xlane v9, v1  }
0x54: {  	v7 =	vperm.xlane v11, v1;
	v9 =	vperm.xlane v9, v2  }
0x55: {  	v5 =	vadd.f32 v8, v5;
	v8 =	vperm.xlane v11, v2;
	v6 =	vadd.f32 v6, v12  }
0x56: {  	v7 =	vadd.f32 v7, v10  }
0x57: {  	v6 =	vadd.f32 v9, v6  }
0x58: {  	v3 =	vsel vm11, v3, v4;
	v4 =	vadd.f32 v8, v7  }
0x59: {  	v3 =	vsel vm12, v3, v5  }
0x5a: {  	s26 =	sshra.s32 s0, $0x2;
	v3 =	vsel vm13, v3, v4  }
0x5b: {  	v3 =	vsel vm14, v3, v6  }
0x5c: {  	[tilespmem:s28+$0x0] =	vst v3;
	s28 =	smov.u32 s29  }
0x5d: {  	v3 =	vld [tilespmem:s26+$0xCC20]  }
0x5e: {  	v4 =	vld [tilespmem:s26+$0xCC10]  }
0x5f: {  	v5 =	vld [tilespmem:s26+$0xC420]  }
0x60: {  	v6 =	vld [tilespmem:s26+$0xC400]  }
0x61: {  	v7 =	vld [tilespmem:s26+$0xC410]  }
0x62: {  	v8 =	vld [tilespmem:s26+$0xCC00]  }
0x63: {  	v9 =	vld [tilespmem:s26+$0xCC30]  }
0x64: {  	v3 =	vsub.f32 v5, v3;
	v5 =	vld [tilespmem:s26+$0xC430];
	_ =	sdelay $0x1  }
0x65: {  	v4 =	vsub.f32 v7, v4;
	v3 =	vmul.f32 v3, v3;
	v7 =	vld [tilespmem:s26+$0xCC50]  }
0x66: {  	v6 =	vsub.f32 v6, v8;
	v8 =	vld [tilespmem:s26+$0xC440]  }
0x67: {  	v4 =	vmul.f32 v4, v4;
	v10 =	vld [tilespmem:s26+$0xC450]  }
0x68: {  	v11 =	vperm.xlane v3, v0;
	v6 =	vmul.f32 v6, v6;
	v5 =	vsub.f32 v5, v9;
	v9 =	vld [tilespmem:s26+$0xCC40]  }
0x69: {  	v13 =	vperm.xlane v3, v1;
	v12 =	vperm.xlane v4, v0  }
0x6a: {  	v3 =	vperm.xlane v3, v2;
	v14 =	vperm.xlane v6, v0  }
0x6b: {  	v11 =	vadd.f32 v13, v11;
	v15 =	vperm.xlane v6, v1;
	v5 =	vmul.f32 v5, v5;
	v13 =	vld [tilespmem:s26+$0xC460]  }
0x6c: {  	v16 =	vperm.xlane v4, v1;
	v4 =	vperm.xlane v4, v2;
	v7 =	vsub.f32 v10, v7;
	v10 =	vld [tilespmem:s26+$0xCC70]  }
0x6d: {  	v6 =	vperm.xlane v6, v2;
	v17 =	vadd.f32 v3, v11;
	v3 =	vperm.xlane v5, v1;
	v11 =	vld [tilespmem:s26+$0xCC60]  }
0x6e: {  	v12 =	vadd.f32 v16, v12;
	v8 =	vsub.f32 v8, v9;
	v7 =	vmul.f32 v7, v7;
	v16 =	vld [tilespmem:s26+$0xC470]  }
0x6f: {  	v9 =	vadd.f32 v15, v14;
	v14 =	vperm.xlane v5, v0;
	v15 =	vperm.xlane v5, v2  }
0x70: {  	v4 =	vadd.f32 v4, v12;
	v18 =	vmul.f32 v8, v8;
	v8 =	vperm.xlane v7, v1;
	v19 =	vld [tilespmem:s26+$0xC480]  }
0x71: {  	v3 =	vadd.f32 v3, v14;
	v12 =	vperm.xlane v7, v0;
	v14 =	vperm.xlane v7, v2;
	v20 =	vld [tilespmem:s26+$0xCC80]  }
0x72: {  	v6 =	vadd.f32 v6, v9;
	v5 =	vperm.xlane v18, v0;
	v11 =	vsub.f32 v13, v11;
	v9 =	vld [tilespmem:s26+$0xCC90]  }
.Ltmp0:
0x73: {  	v8 =	vadd.f32 v8, v12;
	v12 =	vsub.f32 v16, v10;
	v10 =	vld [tilespmem:s26+$0xC490];
	(pc) =	sbr.rel @p0 .LBB2_3-.Ltmp0, $4  }
0x74: {  	v6 =	vsel vm0, v6, v4;
	v4 =	vperm.xlane v18, v2;
	v13 =	vadd.f32 v15, v3;
	v7 =	vld [tilespmem:s26+$0xCCA0]  }
0x75: {  	v3 =	vadd.f32 v14, v8;
	v8 =	vmul.f32 v11, v11;
	v12 =	vmul.f32 v12, v12;
	v11 =	vld [tilespmem:s26+$0xC4A0]  }
0x76: {  	v6 =	vsel vm1, v6, v17;
	v15 =	vperm.xlane v18, v1;
	v14 =	vsub.f32 v19, v20  }
0x77: {  	v6 =	vsel vm2, v6, v13;
	v13 =	vperm.xlane v8, v0;
	v16 =	vperm.xlane v12, v1  }
0x78: {  	v17 =	vperm.xlane v8, v1;
	v18 =	vperm.xlane v12, v0;
	v19 =	vld [tilespmem:s26+$0xCCB0];
	v9 =	vsub.f32 v10, v9  }
0x79: {  	v5 =	vadd.f32 v15, v5;
	v10 =	vperm.xlane v12, v2;
	v12 =	vld [tilespmem:s26+$0xC4B0];
	v14 =	vmul.f32 v14, v14  }
0x7a: {  	v8 =	vperm.xlane v8, v2;
	v15 =	vadd.f32 v16, v18;
	v7 =	vsub.f32 v11, v7  }
0x7b: {  	v4 =	vadd.f32 v4, v5;
	v5 =	vadd.f32 v17, v13;
	v11 =	vperm.xlane v14, v0  }
0x7c: {  	v13 =	vperm.xlane v14, v1;
	v9 =	vmul.f32 v9, v9;
	v10 =	vadd.f32 v10, v15;
	v15 =	vld [tilespmem:s26+$0xC4D0]  }
0x7d: {  	v7 =	vmul.f32 v7, v7;
	v4 =	vsel vm3, v6, v4;
	v6 =	vperm.xlane v14, v2;
	v14 =	vld [tilespmem:s26+$0xCCD0]  }
0x7e: {  	v16 =	vld [tilespmem:s26+$0xCCC0];
	v5 =	vadd.f32 v8, v5;
	v8 =	vsub.f32 v12, v19;
	v3 =	vsel vm4, v4, v3  }
0x7f: {  	v12 =	vld [tilespmem:s26+$0xC4C0];
	v4 =	vadd.f32 v13, v11;
	v13 =	vperm.xlane v9, v0;
	v17 =	vperm.xlane v7, v1  }
0x80: {  	v18 =	vld [tilespmem:s26+$0xC4E0];
	v11 =	vperm.xlane v7, v0;
	v3 =	vsel vm5, v3, v5;
	v5 =	vmul.f32 v8, v8  }
0x81: {  	v8 =	vld [tilespmem:s26+$0xCCE0];
	v3 =	vsel vm6, v3, v10;
	v10 =	vperm.xlane v9, v1;
	v4 =	vadd.f32 v6, v4  }
0x82: {  	v6 =	vperm.xlane v7, v2;
	v11 =	vadd.f32 v17, v11;
	v14 =	vsub.f32 v15, v14;
	v15 =	vld [tilespmem:s26+$0xCCF0]  }
0x83: {  	v17 =	vperm.xlane v5, v0;
	v19 =	vperm.xlane v5, v1;
	v10 =	vadd.f32 v10, v13;
	v13 =	vld [tilespmem:s26+$0xC4F0]  }
0x84: {  	v9 =	vperm.xlane v9, v2;
	v5 =	vperm.xlane v5, v2;
	v12 =	vsub.f32 v12, v16  }
0x85: {  	v6 =	vadd.f32 v6, v11;
	v7 =	vadd.f32 v19, v17;
	v11 =	vmul.f32 v14, v14  }
0x86: {  	v3 =	vsel vm7, v3, v4;
	v9 =	vadd.f32 v9, v10;
	v10 =	vmul.f32 v12, v12  }
0x87: {  	v8 =	vsub.f32 v18, v8;
	v4 =	vadd.f32 v5, v7;
	v7 =	vperm.xlane v11, v1  }
0x88: {  	v3 =	vsel vm8, v3, v9;
	v5 =	vperm.xlane v10, v1;
	v12 =	vsub.f32 v13, v15  }
0x89: {  	v9 =	vperm.xlane v10, v0;
	v8 =	vmul.f32 v8, v8;
	v3 =	vsel vm9, v3, v6  }
0x8a: {  	v6 =	vperm.xlane v10, v2;
	v3 =	vsel vm10, v3, v4;
	v4 =	vperm.xlane v11, v0  }
0x8b: {  	v10 =	vmul.f32 v12, v12;
	v12 =	vperm.xlane v8, v0  }
0x8c: {  	v5 =	vadd.f32 v5, v9;
	v9 =	vperm.xlane v11, v2;
	v11 =	vperm.xlane v8, v1  }
0x8d: {  	v4 =	vadd.f32 v7, v4;
	v13 =	vperm.xlane v10, v0;
	v7 =	vperm.xlane v10, v1  }
0x8e: {  	v5 =	vadd.f32 v6, v5;
	v6 =	vperm.xlane v8, v2;
	v8 =	vadd.f32 v11, v12  }
0x8f: {  	v10 =	vperm.xlane v10, v2;
	v4 =	vadd.f32 v9, v4;
	v7 =	vadd.f32 v7, v13  }
0x90: {  	v3 =	vsel vm11, v3, v5;
	v5 =	vadd.f32 v6, v8  }
0x91: {  	v3 =	vsel vm12, v3, v4;
	v6 =	vadd.f32 v10, v7  }
0x92: {  	p0 =	seq.s32 s25, $0x61;
	v3 =	vsel vm13, v3, v5  }
0x93: {  	s26 =	sshll.u32 @!p0 s25, $0x8;
	v3 =	vsel vm14, v3, v6  }
0x94: {  	s1 =	simm.s32 @!p0 $0x80;
	s0 =	sadd.s32 @!p0 $0x100, s26;
	[tilespmem:s28+$0x0] =	vst v3;
	s28 =	simm.s32 @!p0 $0xC400  }
0x95: {  	[tilespmem:s28], [sflag:$0x1] =	stream.indirect.gather @!p0 [hbm4b:s4+s1], $0x10, s0, s1, $0xb8;
	[tilespmem:$0xE500] =	vst v63  }
0x96: {  	s0 =	sadd.s32 @!p0 $0x6300, s26;
	s28 =	simm.s32 @!p0 $0xCC00  }
0x97: {  	[tilespmem:s28], [sflag:$0x2] =	stream.indirect.gather @!p0 [hbm4b:s4+s1], $0x10, s0, s1, $0xb8;
	[tilespmem:$0xE500] =	vst v63  }
0x98: {  	s1 =	sshll.u32 s25, $0x5  }
0x99: {  	s28 =	sadd.s32 s3, s1  }
0x9a: {  	s1 =	simm.s32 $0x0;
	s0 =	sadd.s32 s5, s28  }
0x9b: {  	[hbm4b:s0+s1] =	stream.linear.scatter [tilespmem:s20], [sflag:$0x5], $0x80, $0x38;
	[tilespmem:$0xE500] =	vst v63  }
0x9c: {  	_ =	swait.ge [sflag:s10], $0x80  }
0x9d: {  	[sflag:s10] =	ssyncset.done $0x0  }
0x9e: {  	[sflag:s10] =	ssyncadd.s32 $0xFFFFFF80  }
0x9f: {  	_ =	swait.ge [sflag:s21], $0x800  }
0xa0: {  	[sflag:s21] =	ssyncset.done $0x0  }
0xa1: {  	[sflag:s21] =	ssyncadd.s32 $0xFFFFF800  }
0xa2: {  	_ =	swait.ge [sflag:s22], $0x800  }
0xa3: {  	[sflag:s22] =	ssyncset.done $0x0  }
0xa4: {  	s30 =	simm.s32 $0x0;
	[sflag:s22] =	ssyncadd.s32 $0xFFFFF800  }
0xa5: {  	v3 =	vld [tilespmem:s30+$0xDC20]  }
0xa6: {  	v4 =	vld [tilespmem:s30+$0xDC10]  }
0xa7: {  	v5 =	vld [tilespmem:s30+$0xD420]  }
0xa8: {  	v6 =	vld [tilespmem:s30+$0xD400]  }
0xa9: {  	v7 =	vld [tilespmem:s30+$0xD410]  }
0xaa: {  	v8 =	vld [tilespmem:s30+$0xDC00];
	_ =	sdelay $0x2  }
0xab: {  	v9 =	vld [tilespmem:s30+$0xDC30];
	v3 =	vsub.f32 v5, v3  }
0xac: {  	v5 =	vld [tilespmem:s30+$0xD430];
	v4 =	vsub.f32 v7, v4  }
0xad: {  	v10 =	vld [tilespmem:s30+$0xD450];
	v6 =	vsub.f32 v6, v8;
	v3 =	vmul.f32 v3, v3  }
0xae: {  	v7 =	vld [tilespmem:s30+$0xDC50];
	v4 =	vmul.f32 v4, v4  }
0xaf: {  	v17 =	vld [tilespmem:s30+$0xDC70];
	v6 =	vmul.f32 v6, v6;
	v11 =	vperm.xlane v3, v0  }
0xb0: {  	v8 =	vld [tilespmem:s30+$0xD440];
	v12 =	vperm.xlane v4, v0;
	v13 =	vperm.xlane v3, v1  }
0xb1: {  	v14 =	vperm.xlane v6, v0;
	v3 =	vperm.xlane v3, v2;
	v5 =	vsub.f32 v5, v9;
	v9 =	vld [tilespmem:s30+$0xDC40]  }
0xb2: {  	v19 =	vld [tilespmem:s30+$0xD480];
	v15 =	vperm.xlane v6, v1;
	v16 =	vperm.xlane v4, v1  }
0xb3: {  	v20 =	vld [tilespmem:s30+$0xDC80];
	v4 =	vperm.xlane v4, v2;
	v7 =	vsub.f32 v10, v7;
	v11 =	vadd.f32 v13, v11  }
0xb4: {  	v6 =	vperm.xlane v6, v2;
	v13 =	vld [tilespmem:s30+$0xD460];
	v12 =	vadd.f32 v16, v12;
	v5 =	vmul.f32 v5, v5  }
0xb5: {  	v14 =	vadd.f32 v15, v14;
	v7 =	vmul.f32 v7, v7;
	v11 =	vadd.f32 v3, v11;
	v3 =	vld [tilespmem:s30+$0xDC60]  }
0xb6: {  	v10 =	vperm.xlane v5, v1;
	v15 =	vperm.xlane v5, v0;
	v8 =	vsub.f32 v8, v9;
	v9 =	vld [tilespmem:s30+$0xD470]  }
0xb7: {  	v4 =	vadd.f32 v4, v12;
	v6 =	vadd.f32 v6, v14  }
0xb8: {  	v16 =	vperm.xlane v5, v2;
	v12 =	vperm.xlane v7, v0;
	v10 =	vadd.f32 v10, v15  }
0xb9: {  	v14 =	vsub.f32 v19, v20;
	v18 =	vmul.f32 v8, v8;
	v8 =	vperm.xlane v7, v1  }
0xba: {  	v13 =	vsub.f32 v13, v3;
	v16 =	vadd.f32 v16, v10  }
0xbb: {  	v10 =	vld [tilespmem:s30+$0xD490];
	v3 =	vadd.f32 v8, v12;
	v12 =	vsub.f32 v9, v17  }
0xbc: {  	v6 =	vsel vm0, v6, v4;
	v7 =	vperm.xlane v7, v2;
	v5 =	vperm.xlane v18, v0;
	v9 =	vld [tilespmem:s30+$0xDC90]  }
0xbd: {  	v6 =	vsel vm1, v6, v11;
	v11 =	vld [tilespmem:s30+$0xD4A0];
	v8 =	vmul.f32 v13, v13;
	v12 =	vmul.f32 v12, v12  }
0xbe: {  	v4 =	vperm.xlane v18, v2;
	v15 =	vperm.xlane v18, v1;
	v3 =	vadd.f32 v7, v3;
	v7 =	vld [tilespmem:s30+$0xDCA0]  }
0xbf: {  	s31 =	simm.s32 $0xE480;
	s29 =	simm.s32 $0xE480;
	s0 =	simm.s32 $0x400;
	v6 =	vsel vm2, v6, v16;
	v13 =	vperm.xlane v8, v0;
	v16 =	vperm.xlane v12, v1  }
.LBB2_5:
0xc0: {  	p1 =	sne.s32 s0, $0x1C00  }
0xc1: {  	v17 =	vperm.xlane v8, v1;
	v18 =	vperm.xlane v12, v0;
	v9 =	vsub.f32 v10, v9;
	v10 =	vld [tilespmem:s30+$0xDCB0];
	s31 =	sadd.s32 $0x10, s31;
	s1 =	smov.u32 s0;
	s0 =	sadd.s32 $0x400, s0  }
0xc2: {  	v5 =	vadd.f32 v15, v5;
	v12 =	vperm.xlane v12, v2;
	v14 =	vmul.f32 v14, v14;
	v15 =	vld [tilespmem:s30+$0xD4B0]  }
0xc3: {  	v8 =	vperm.xlane v8, v2;
	v16 =	vadd.f32 v16, v18;
	v7 =	vsub.f32 v11, v7;
	v11 =	vld [tilespmem:s30+$0xDCC0]  }
0xc4: {  	v4 =	vadd.f32 v4, v5;
	v5 =	vadd.f32 v17, v13;
	v13 =	vperm.xlane v14, v0;
	v17 =	vld [tilespmem:s30+$0xD4C0]  }
0xc5: {  	v12 =	vadd.f32 v12, v16;
	v16 =	vperm.xlane v14, v1;
	v7 =	vmul.f32 v7, v7;
	v18 =	vld [tilespmem:s30+$0xD4D0]  }
0xc6: {  	v9 =	vmul.f32 v9, v9;
	v4 =	vsel vm3, v6, v4;
	v6 =	vperm.xlane v14, v2;
	v14 =	vld [tilespmem:s30+$0xDCD0]  }
0xc7: {  	v5 =	vadd.f32 v8, v5;
	v8 =	vperm.xlane v7, v1;
	v10 =	vsub.f32 v15, v10  }
0xc8: {  	v3 =	vsel vm4, v4, v3;
	v4 =	vadd.f32 v16, v13;
	v13 =	vperm.xlane v7, v0  }
0xc9: {  	v3 =	vsel vm5, v3, v5;
	v5 =	vperm.xlane v9, v0;
	v10 =	vmul.f32 v10, v10;
	v15 =	vld [tilespmem:s30+$0xDCE0]  }
0xca: {  	v3 =	vsel vm6, v3, v12;
	v12 =	vperm.xlane v9, v1;
	v8 =	vadd.f32 v8, v13;
	v13 =	vld [tilespmem:s30+$0xD4E0]  }
0xcb: {  	v16 =	vperm.xlane v10, v0;
	v19 =	vperm.xlane v10, v1;
	v14 =	vsub.f32 v18, v14;
	v18 =	vld [tilespmem:s30+$0xDCF0]  }
0xcc: {  	v9 =	vperm.xlane v9, v2;
	v11 =	vsub.f32 v17, v11;
	v5 =	vadd.f32 v12, v5;
	v12 =	vld [tilespmem:s30+$0xD4F0]  }
0xcd: {  	v4 =	vadd.f32 v6, v4;
	v6 =	vperm.xlane v7, v2;
	v7 =	vadd.f32 v19, v16  }
0xce: {  	v5 =	vadd.f32 v9, v5;
	v9 =	vperm.xlane v10, v2;
	v10 =	vmul.f32 v11, v11  }
0xcf: {  	v6 =	vadd.f32 v6, v8;
	v8 =	vmul.f32 v14, v14;
	v11 =	vsub.f32 v13, v15  }
0xd0: {  	v3 =	vsel vm7, v3, v4;
	v4 =	vadd.f32 v9, v7;
	v7 =	vperm.xlane v10, v1  }
0xd1: {  	v3 =	vsel vm8, v3, v5;
	v5 =	vperm.xlane v8, v1;
	v9 =	vsub.f32 v12, v18  }
0xd2: {  	v3 =	vsel vm9, v3, v6;
	v6 =	vperm.xlane v10, v0;
	v11 =	vmul.f32 v11, v11  }
0xd3: {  	v3 =	vsel vm10, v3, v4;
	v4 =	vperm.xlane v10, v2;
	v9 =	vmul.f32 v9, v9  }
0xd4: {  	v6 =	vadd.f32 v7, v6;
	v7 =	vperm.xlane v8, v0;
	v10 =	vperm.xlane v11, v0  }
0xd5: {  	v8 =	vperm.xlane v8, v2;
	v12 =	vperm.xlane v9, v0  }
0xd6: {  	v4 =	vadd.f32 v4, v6;
	v5 =	vadd.f32 v5, v7;
	v6 =	vperm.xlane v9, v1  }
0xd7: {  	v7 =	vperm.xlane v11, v1;
	v9 =	vperm.xlane v9, v2  }
0xd8: {  	v5 =	vadd.f32 v8, v5;
	v8 =	vperm.xlane v11, v2;
	v6 =	vadd.f32 v6, v12  }
0xd9: {  	v7 =	vadd.f32 v7, v10  }
0xda: {  	v6 =	vadd.f32 v9, v6  }
0xdb: {  	v3 =	vsel vm11, v3, v4;
	v4 =	vadd.f32 v8, v7  }
0xdc: {  	v3 =	vsel vm12, v3, v5  }
0xdd: {  	s30 =	sshra.s32 s1, $0x2;
	v3 =	vsel vm13, v3, v4  }
0xde: {  	v3 =	vsel vm14, v3, v6  }
0xdf: {  	[tilespmem:s29+$0x0] =	vst v3;
	s29 =	smov.u32 s31  }
0xe0: {  	v3 =	vld [tilespmem:s30+$0xDC20]  }
0xe1: {  	v4 =	vld [tilespmem:s30+$0xDC10]  }
0xe2: {  	v5 =	vld [tilespmem:s30+$0xD420]  }
0xe3: {  	v6 =	vld [tilespmem:s30+$0xD400]  }
0xe4: {  	v7 =	vld [tilespmem:s30+$0xD410]  }
0xe5: {  	v8 =	vld [tilespmem:s30+$0xDC00]  }
0xe6: {  	v9 =	vld [tilespmem:s30+$0xDC30]  }
0xe7: {  	v3 =	vsub.f32 v5, v3;
	v5 =	vld [tilespmem:s30+$0xD430];
	_ =	sdelay $0x1  }
0xe8: {  	v4 =	vsub.f32 v7, v4;
	v3 =	vmul.f32 v3, v3;
	v7 =	vld [tilespmem:s30+$0xDC50]  }
0xe9: {  	v6 =	vsub.f32 v6, v8;
	v8 =	vld [tilespmem:s30+$0xD440]  }
0xea: {  	v4 =	vmul.f32 v4, v4;
	v10 =	vld [tilespmem:s30+$0xD450]  }
0xeb: {  	v11 =	vperm.xlane v3, v0;
	v6 =	vmul.f32 v6, v6;
	v5 =	vsub.f32 v5, v9;
	v9 =	vld [tilespmem:s30+$0xDC40]  }
0xec: {  	v13 =	vperm.xlane v3, v1;
	v12 =	vperm.xlane v4, v0  }
0xed: {  	v3 =	vperm.xlane v3, v2;
	v14 =	vperm.xlane v6, v0  }
0xee: {  	v11 =	vadd.f32 v13, v11;
	v15 =	vperm.xlane v6, v1;
	v5 =	vmul.f32 v5, v5;
	v13 =	vld [tilespmem:s30+$0xD460]  }
0xef: {  	v16 =	vperm.xlane v4, v1;
	v4 =	vperm.xlane v4, v2;
	v7 =	vsub.f32 v10, v7;
	v10 =	vld [tilespmem:s30+$0xDC70]  }
0xf0: {  	v6 =	vperm.xlane v6, v2;
	v17 =	vadd.f32 v3, v11;
	v3 =	vperm.xlane v5, v1;
	v11 =	vld [tilespmem:s30+$0xDC60]  }
0xf1: {  	v12 =	vadd.f32 v16, v12;
	v8 =	vsub.f32 v8, v9;
	v7 =	vmul.f32 v7, v7;
	v16 =	vld [tilespmem:s30+$0xD470]  }
0xf2: {  	v9 =	vadd.f32 v15, v14;
	v14 =	vperm.xlane v5, v0;
	v15 =	vperm.xlane v5, v2  }
0xf3: {  	v4 =	vadd.f32 v4, v12;
	v18 =	vmul.f32 v8, v8;
	v8 =	vperm.xlane v7, v1;
	v19 =	vld [tilespmem:s30+$0xD480]  }
0xf4: {  	v3 =	vadd.f32 v3, v14;
	v12 =	vperm.xlane v7, v0;
	v14 =	vperm.xlane v7, v2;
	v20 =	vld [tilespmem:s30+$0xDC80]  }
0xf5: {  	v6 =	vadd.f32 v6, v9;
	v5 =	vperm.xlane v18, v0;
	v11 =	vsub.f32 v13, v11;
	v9 =	vld [tilespmem:s30+$0xDC90]  }
.Ltmp1:
0xf6: {  	v8 =	vadd.f32 v8, v12;
	v12 =	vsub.f32 v16, v10;
	v10 =	vld [tilespmem:s30+$0xD490];
	(pc) =	sbr.rel @p1 .LBB2_5-.Ltmp1, $4  }
0xf7: {  	v6 =	vsel vm0, v6, v4;
	v4 =	vperm.xlane v18, v2;
	v13 =	vadd.f32 v15, v3;
	v7 =	vld [tilespmem:s30+$0xDCA0]  }
0xf8: {  	v3 =	vadd.f32 v14, v8;
	v8 =	vmul.f32 v11, v11;
	v12 =	vmul.f32 v12, v12;
	v11 =	vld [tilespmem:s30+$0xD4A0]  }
0xf9: {  	v6 =	vsel vm1, v6, v17;
	v15 =	vperm.xlane v18, v1;
	v14 =	vsub.f32 v19, v20  }
0xfa: {  	v6 =	vsel vm2, v6, v13;
	v13 =	vperm.xlane v8, v0;
	v16 =	vperm.xlane v12, v1  }
0xfb: {  	v19 =	vld [tilespmem:s30+$0xDCB0]  }
0xfc: {  	v63 =	vld [tilespmem:s30+$0xD4B0]  }
0xfd: {  	v25 =	vld [tilespmem:s30+$0xD4D0]  }
0xfe: {  	v27 =	vld [tilespmem:s30+$0xDCD0]  }
0xff: {  	v17 =	vperm.xlane v8, v1;
	v18 =	vperm.xlane v12, v0;
	v28 =	vld [tilespmem:s30+$0xDCC0]  }
0x100: {  	v9 =	vsub.f32 v10, v9;
	v5 =	vadd.f32 v15, v5;
	v14 =	vmul.f32 v14, v14;
	v30 =	vld [tilespmem:s30+$0xD4C0]  }
0x101: {  	v62 =	vperm.xlane v12, v2;
	v21 =	vperm.xlane v8, v2;
	v35 =	vld [tilespmem:s30+$0xDCE0];
	v20 =	vadd.f32 v16, v18  }
0x102: {  	v38 =	vld [tilespmem:s30+$0xD4E0];
	v7 =	vsub.f32 v11, v7;
	v4 =	vadd.f32 v4, v5;
	v23 =	vperm.xlane v14, v0  }
0x103: {  	v40 =	vld [tilespmem:s30+$0xDCF0];
	v22 =	vadd.f32 v17, v13;
	v24 =	vperm.xlane v14, v1;
	v9 =	vmul.f32 v9, v9  }
0x104: {  	v42 =	vld [tilespmem:s30+$0xD4F0];
	v26 =	vperm.xlane v14, v2;
	v10 =	vadd.f32 v62, v20;
	v7 =	vmul.f32 v7, v7  }
0x105: {  	v4 =	vsel vm3, v6, v4;
	v5 =	vadd.f32 v21, v22;
	v36 =	vperm.xlane v9, v0  }
0x106: {  	v32 =	vadd.f32 v24, v23;
	v37 =	vperm.xlane v9, v1;
	v9 =	vperm.xlane v9, v2  }
0x107: {  	v29 =	vsub.f32 v63, v19;
	v3 =	vsel vm4, v4, v3;
	v14 =	vsub.f32 v25, v27  }
0x108: {  	v12 =	vsub.f32 v30, v28;
	v8 =	vsub.f32 v38, v35;
	v31 =	vperm.xlane v7, v1  }
0x109: {  	v50 =	vsub.f32 v42, v40;
	v33 =	vperm.xlane v7, v0;
	v43 =	vperm.xlane v7, v2  }
0x10a: {  	v3 =	vsel vm5, v3, v5;
	v34 =	vmul.f32 v29, v29;
	v45 =	vmul.f32 v12, v12  }
0x10b: {  	v4 =	vadd.f32 v26, v32;
	v46 =	vmul.f32 v14, v14;
	v8 =	vmul.f32 v8, v8  }
0x10c: {  	v3 =	vsel vm6, v3, v10;
	v53 =	vmul.f32 v50, v50;
	v39 =	vperm.xlane v34, v0  }
0x10d: {  	v10 =	vadd.f32 v37, v36;
	v41 =	vperm.xlane v34, v1;
	v5 =	vperm.xlane v34, v2  }
0x10e: {  	v11 =	vadd.f32 v31, v33;
	v48 =	vperm.xlane v45, v1;
	v49 =	vperm.xlane v46, v1  }
0x10f: {  	v3 =	vsel vm7, v3, v4;
	v51 =	vperm.xlane v45, v0;
	v52 =	vperm.xlane v45, v2  }
0x110: {  	v9 =	vadd.f32 v9, v10;
	v54 =	vperm.xlane v46, v0;
	v55 =	vperm.xlane v8, v0  }
0x111: {  	v56 =	vperm.xlane v46, v2;
	v57 =	vperm.xlane v8, v1;
	v44 =	vadd.f32 v41, v39  }
0x112: {  	v58 =	vperm.xlane v53, v0;
	v59 =	vperm.xlane v53, v1;
	v6 =	vadd.f32 v43, v11  }
0x113: {  	v60 =	vperm.xlane v8, v2;
	v47 =	vadd.f32 v5, v44;
	v5 =	vadd.f32 v48, v51  }
0x114: {  	v10 =	vperm.xlane v53, v2;
	v3 =	vsel vm8, v3, v9;
	v4 =	vadd.f32 v49, v54  }
0x115: {  	v61 =	vadd.f32 v57, v55;
	v3 =	vsel vm9, v3, v6;
	v5 =	vadd.f32 v52, v5  }
0x116: {  	v7 =	vadd.f32 v59, v58;
	v4 =	vadd.f32 v56, v4;
	v3 =	vsel vm10, v3, v47  }
0x117: {  	v62 =	vadd.f32 v60, v61;
	v3 =	vsel vm11, v3, v5  }
0x118: {  	v63 =	vadd.f32 v10, v7;
	v3 =	vsel vm12, v3, v4  }
0x119: {  	v3 =	vsel vm13, v3, v62  }
0x11a: {  	v3 =	vsel vm14, v3, v63  }
0x11b: {  	s0 =	sadd.s32 @!p0 $0x180, s26;
	s1 =	simm.s32 @!p0 $0x80;
	[tilespmem:s29+$0x0] =	vst v3;
	s29 =	simm.s32 @!p0 $0xD400  }
0x11c: {  	[tilespmem:s29], [sflag:$0x3] =	stream.indirect.gather @!p0 [hbm4b:s4+s1], $0x10, s0, s1, $0xb8;
	[tilespmem:$0xE500] =	vst v63  }
0x11d: {  	s25 =	sadd.s32 $0x1, s25;
	s0 =	sadd.s32 @!p0 $0x6380, s26;
	s26 =	simm.s32 @!p0 $0xDC00  }
0x11e: {  	[tilespmem:s26], [sflag:$0x4] =	stream.indirect.gather @!p0 [hbm4b:s4+s1], $0x10, s0, s1, $0xb8;
	[tilespmem:$0xE500] =	vst v63  }
0x11f: {  	p0 =	sne.s32 s25, $0x62  }
.Ltmp2:
0x120: {  	s31 =	sadd.s32 s28, s8;
	(pc) =	sbr.rel @p0 .LBB2_2-.Ltmp2, $4  }
0x121: {  	[hbm4b:s31+s2] =	stream.linear.scatter [tilespmem:s23], [sflag:$0x5], $0x80, $0x38;
	[tilespmem:$0xE500] =	vst v63  }
0x122: {  	_ =	swait.ge [sflag:s10], $0x80  }
0x123: {  	[sflag:s10] =	ssyncset.done $0x0  }
0x124: {  	[sflag:s10] =	ssyncadd.s32 $0xFFFFFF80  }
0x125: {  	s24 =	sadd.s32 $0x1, s24  }
0x126: {  	p0 =	sne.s32 s24, s9  }
.Ltmp3:
0x127: {  	_ = 	snop;
	(pc) =	sbr.rel @p0 .LBB2_1-.Ltmp3, $1  }
0x128: {  	_ =	sdelay $0x3  }
0x129: {  	_ =	sfence.sel $0x180000  }
0x12a: {  	[bflag:$0x0] =	sbarrier.arrive $0xFFFF  }
0x12b: {  	_ =	strace $0x90000047  }
0x12c: {  	s0 =	stileid.u32;
	[bflag:$0x2] =	sbarrier.arrive $0xFFFF  }
0x12d: {  	p0 =	sne.s32 s0, $0x0;
	s0 =	rddreg [dreg:$0x1]  }
0x12e: {  	s0 =	sadd.s32 @!p0 $0x100000, s0  }
0x12f: {  	[sflag:s0] =	ssyncadd.tile.s32 @!p0 $0x1;
	_ =	shalt  }
.Lfunc_end2:
_tile_overlayer_lowered:
.L_overlay_start_2:
0x130: {  	(tag) =	ssettag $0x2  }
0x131: {  	s0 =	rddreg [dreg:$0x0];
	s2 =	stileid.u32  }
0x132: {  	s1 =	rddreg [dreg:$0x1];
	p0 =	sne.s32 s2, $0x0  }
0x133: {  	s3 =	rddreg [dreg:$0x2];
	[bflag:$0x3] =	sbarrier.arrive $0xFFFF;
	s2 =	simm.s32 @!p0 $0x1C05  }
0x134: {  	[timem:s3], [sflag:s2] =	dma.local @!p0 [hbm:s0], s1  }
0x135: {  	s0 =	simm.s32 @!p0 $0x5  }
0x136: {  	_ =	swait.ge @!p0 [sflag:s0], s1  }
0x137: {  	s1 =	ssub.s32 @!p0 $0x0, s1;
	[sflag:s0] =	ssyncset.done @!p0 $0x0  }
0x138: {  	[sflag:s0] =	ssyncadd.s32 @!p0 s1  }
0x139: {  	[bflag:$0x3] =	sbarrier.arrive $0xFFFF  }
0x13a: {  	_ =	shalt  }

// kernel: kernel.13.cloned.1.call-start
scs
__scs_entry_jumppad:
0x0: {  	(pc) =	sbr.rel $0x88, $3  }
0x1: {  	(tag) =	ssettag $0x0;
	lr =	simm.s32 $0x1  }
0x2: {  	[smem:$0x3F94] =	sst lr;
	_ =	strace $0xD0000000  }
0x3: {  	_ = 	snop  }
0x4: {  	_ = 	snop  }
0x5: {  	_ = 	snop  }
0x6: {  	_ = 	snop  }
0x7: {  	_ = 	snop  }
__scs_overlays_trampoline_lowered:
0x8: {  	[smem:$0x3FA3] =	sst s0  }
0x9: {  	[smem:$0x3FA4] =	sst s1  }
0xa: {  	[smem:$0x3FA5] =	sst s2  }
0xb: {  	[smem:$0x3FA6] =	sst s3  }
0xc: {  	[smem:$0x3FA7] =	sst s4  }
0xd: {  	[smem:$0x3FA8] =	sst s5  }
0xe: {  	[smem:$0x3FA9] =	sst s6  }
0xf: {  	[smem:$0x3FAA] =	sst s7  }
0x10: {  	[smem:$0x3FAB] =	sst s8  }
0x11: {  	[smem:$0x3FAC] =	sst s9;
	s0 =	simm.s32 @!p0 $0x0  }
0x12: {  	s1 =	sld [smem:$0x3F92];
	s0 =	simm.s32 @p0 $0x1  }
0x13: {  	[smem:$0x3FAD] =	sst s0;
	s0 =	simm.s32 @!p1 $0x0  }
0x14: {  	s2 =	sld [smem:$0x3F91];
	s0 =	simm.s32 @p1 $0x1  }
0x15: {  	[smem:$0x3FAE] =	sst s0;
	s0 =	simm.s32 @!p2 $0x0  }
0x16: {  	s3 =	sld [smem:$0x3FDB];
	s0 =	simm.s32 @p2 $0x1  }
0x17: {  	s4 =	simm.s32 $0x1BF5;
	[smem:$0x3FB0] =	sst s0  }
0x18: {  	s0 =	sld [smem:$0x3F93];
	_ =	swait.ge [sflag:s4], $0x0  }
0x19: {  	s7 =	sld [smem:$0x3F94]  }
0x1a: {  	s8 =	sadd.s32 $0xFFFFE003, lr  }
0x1b: {  	s9 =	sadd.s32 $0xFFFFFEF7, lr;
	s5 =	simm.s32 $0xFFFFFFFF;
	p2 =	slt.u32 s8, $0xFFFFF086  }
0x1c: {  	p1 =	slt.u32 s9, $0xF7A;
	s5 =	simm.s32 @!p2 $0x0  }
0x1d: {  	s5 =	simm.s32 @p1 $0x1;
	p0 =	seq.s32 s7, s2  }
0x1e: {  	s7 =	smul.u32 @!p0 $0xF7A, s2;
	p2 =	seq.s32 @!p0 s5, $0x0  }
0x1f: {  	s9 =	smul.u32 $0xF7A, s1;
	s8 =	simm.s32 @!p0 $0x1BF5;
	p2 =	por !p2, p0  }
0x20: {  	[sflag:s8] =	ssyncset.s32 @!p0 $0xFFFFF086;
	s6 =	sadd.s32 @!p0 s3, s7;
	s7 =	simm.s32 @!p0 $0x108  }
0x21: {  	s3 =	sadd.s32 s3, s9;
	s6 =	sadd.s32 @!p0 $0x88, s6;
	s7 =	simm.s32 @p2 $0x1082  }
0x22: {  	[simem:s7], [sflag:s8] =	dma.local @!p0 [hbm:s6], $0xF7A  }
0x23: {  	s9 =	sor.u32 $0xD0000000, s2;
	s6 =	simm.s32 $0x108;
	_ =	swait.ge @!p0 [sflag:s8], $0x0  }
0x24: {  	s3 =	sadd.s32 $0x88, s3;
	s6 =	simm.s32 @!p1 $0x1082;
	[sflag:s4] =	ssyncset.s32 $0xFFFFF086  }
0x25: {  	[simem:s6], [sflag:s4] =	dma.local [hbm:s3], $0xF7A  }
0x26: {  	[smem:$0x3F94] =	sst s1;
	(tag) =	ssettag s2;
	_ =	strace s9  }
0x27: {  	s1 =	sld [smem:$0x3FA4]  }
0x28: {  	s2 =	sld [smem:$0x3FA5]  }
0x29: {  	s4 =	sld [smem:$0x3FA7]  }
0x2a: {  	p0 =	seq.s32 s5, $0x0;
	s5 =	sld [smem:$0x3FA8]  }
0x2b: {  	s6 =	sld [smem:$0x3FA9]  }
0x2c: {  	s7 =	sld [smem:$0x3FAA]  }
0x2d: {  	s3 =	simm.s32 $0x108;
	s8 =	sld [smem:$0x3FAB]  }
0x2e: {  	s3 =	simm.s32 @!p0 $0x1082;
	s9 =	sld [smem:$0x3FAC]  }
0x2f: {  	lr =	sadd.s32 s0, s3;
	s0 =	sld [smem:$0x3FA3]  }
0x30: {  	s3 =	sld [smem:$0x3FA6]  }
0x31: {  	[smem:$0x3FAF] =	sst s10  }
0x32: {  	s10 =	sld [smem:$0x3FAD];
	_ =	sdelay $0x3  }
0x33: {  	p0 =	seq.s32 s10, $0x1;
	s10 =	sld [smem:$0x3FAF];
	_ =	sdelay $0x3  }
0x34: {  	[smem:$0x3FAF] =	sst s10  }
0x35: {  	s10 =	sld [smem:$0x3FAE];
	_ =	sdelay $0x3  }
0x36: {  	p1 =	seq.s32 s10, $0x1;
	s10 =	sld [smem:$0x3FAF];
	_ =	sdelay $0x3  }
0x37: {  	[smem:$0x3FAF] =	sst s10  }
0x38: {  	s10 =	sld [smem:$0x3FB0]  }
0x39: {  	_ = 	snop;
	(pc) =	sbr.ind lr, $3  }
0x3a: {  	_ = 	snop  }
0x3b: {  	_ = 	snop  }
0x3c: {  	p2 =	seq.s32 s10, $0x1;
	s10 =	sld [smem:$0x3FAF]  }
0x3d: {  	_ =	shalt  }
0x3e: {  	_ =	shalt  }
0x3f: {  	_ =	shalt  }
0x40: {  	_ =	shalt  }
0x41: {  	_ =	shalt  }
0x42: {  	_ =	shalt  }
0x43: {  	_ =	shalt  }
0x44: {  	_ =	shalt  }
0x45: {  	_ =	shalt  }
0x46: {  	_ =	shalt  }
0x47: {  	_ =	shalt  }
0x48: {  	_ =	shalt  }
0x49: {  	_ =	shalt  }
0x4a: {  	_ =	shalt  }
0x4b: {  	_ =	shalt  }
0x4c: {  	_ =	shalt  }
0x4d: {  	_ =	shalt  }
0x4e: {  	_ =	shalt  }
0x4f: {  	_ =	shalt  }
0x50: {  	_ =	shalt  }
0x51: {  	_ =	shalt  }
0x52: {  	_ =	shalt  }
0x53: {  	_ =	shalt  }
0x54: {  	_ =	shalt  }
0x55: {  	_ =	shalt  }
0x56: {  	_ =	shalt  }
0x57: {  	_ =	shalt  }
0x58: {  	_ =	shalt  }
0x59: {  	_ =	shalt  }
0x5a: {  	_ =	shalt  }
0x5b: {  	_ =	shalt  }
0x5c: {  	_ =	shalt  }
0x5d: {  	_ =	shalt  }
0x5e: {  	_ =	shalt  }
0x5f: {  	_ =	shalt  }
0x60: {  	_ =	shalt  }
0x61: {  	_ =	shalt  }
0x62: {  	_ =	shalt  }
0x63: {  	_ =	shalt  }
0x64: {  	_ =	shalt  }
0x65: {  	_ =	shalt  }
0x66: {  	_ =	shalt  }
0x67: {  	_ =	shalt  }
0x68: {  	_ =	shalt  }
0x69: {  	_ =	shalt  }
0x6a: {  	_ =	shalt  }
0x6b: {  	_ =	shalt  }
0x6c: {  	_ =	shalt  }
0x6d: {  	_ =	shalt  }
0x6e: {  	_ =	shalt  }
0x6f: {  	_ =	shalt  }
0x70: {  	_ =	shalt  }
0x71: {  	_ =	shalt  }
0x72: {  	_ =	shalt  }
0x73: {  	_ =	shalt  }
0x74: {  	_ =	shalt  }
0x75: {  	_ =	shalt  }
0x76: {  	_ =	shalt  }
0x77: {  	_ =	shalt  }
0x78: {  	_ =	shalt  }
0x79: {  	_ =	shalt  }
0x7a: {  	_ =	shalt  }
0x7b: {  	_ =	shalt  }
0x7c: {  	_ =	shalt  }
0x7d: {  	_ =	shalt  }
0x7e: {  	_ =	shalt  }
0x7f: {  	_ =	shalt  }
0x80: {  	_ =	shalt  }
0x81: {  	_ =	shalt  }
0x82: {  	_ =	shalt  }
0x83: {  	_ =	shalt  }
0x84: {  	_ =	shalt  }
0x85: {  	_ =	shalt  }
0x86: {  	_ =	shalt  }
0x87: {  	_ =	shalt  }
.Lfunc_end0:
.L_simem_size_0:
called_computation.1_lowered:
.L_overlay_start_0:
0x88: {  	s2 =	sld [smem:$0x3FD9]  }
0x89: {  	s3 =	sld [smem:$0x3FFE];
	_ =	sdelay $0x1  }
0x8a: {  	s1 =	srdreg.scid  }
0x8b: {  	s0 =	sand.u32 $0x1, s1  }
0x8c: {  	s16 =	sshll.u32 s0, $0xA;
	s2 =	sadd.s32 s3, s2  }
0x8d: {  	s2 =	sadd.s32 s2, s16  }
0x8e: {  	[smem:$0x3FBB] =	sst s2  }
0x8f: {  	_ = 	snop  }
0x90: {  	(tm) =	ssettm $0x1  }
0x91: {  	s17 =	sld [smem:$0x3FFB];
	_ =	sdelay $0x3  }
0x92: {  	_ =	strace s17  }
0x93: {  	s2 =	sld [smem:$0x3FFC];
	_ =	sdelay $0x3  }
0x94: {  	_ =	strace s2  }
0x95: {  	s2 =	sld [smem:$0x3FFD];
	_ =	sdelay $0x3  }
0x96: {  	_ =	strace s2  }
0x97: {  	_ =	strace $0x8FFFFFFF  }
0x98: {  	s18 =	sld [smem:$0x3FDB];
	_ =	sdelay $0x1  }
0x99: {  	s19 =	simm.s32 $_scs_section_size  }
0x9a: {  	s4 =	simm.s32 $_size__tile_overlayer_lowered;
	s5 =	simm.s32 $_tile_overlayer_lowered  }
0x9b: {  	s22 =	simm.s32 $0x1BFF;
	s21 =	sshll.u32 s5, $0x1;
	s2 =	sadd.s32 s19, s18  }
0x9c: {  	s6 =	simm.s32 $0x0;
	s20 =	sshll.u32 s4, $0x1;
	s4 =	sadd.s32 s21, s2  }
0x9d: {  	[timem:s6], [sflag:s22] =	dma.local [hbm:s4], s20  }
0x9e: {  	_ =	swait.ge [sflag:s22], s20  }
0x9f: {  	s3 =	ssub.s32 $0x0, s20;
	[sflag:s22] =	ssyncset.done $0x0  }
0xa0: {  	[sflag:s22] =	ssyncadd.s32 s3;
	_ =	sdelay $0x1  }
0xa1: {  	s23 =	simm.s32 $0x1B8B  }
0xa2: {  	_ =	swait.ge [sflag:s23], $0x1  }
0xa3: {  	[sflag:s23] =	ssyncset.done $0x0  }
0xa4: {  	s25 =	simm.s32 $0x1B8E;
	s24 =	sld [smem:$0x3FFE];
	[sflag:s23] =	ssyncadd.s32 $0xFFFFFFFF  }
0xa5: {  	s26 =	simm.s32 $execute0_lowered;
	[smem:$0x3FD2] =	sst s25  }
0xa6: {  	s4 =	sshll.u32 s26, $0x1;
	_ =	strace $0x80000049;
	[dreg:$0x1] =	wrdreg $0xFFFFFFFF  }
0xa7: {  	s28 =	simm.s32 $_size_execute0_lowered;
	s2 =	sadd.s32 s2, s4;
	[dreg:$0x0] =	wrdreg $0x0  }
0xa8: {  	s4 =	sshll.u32 s28, $0x1;
	[dreg:$0x2] =	wrdreg s2  }
0xa9: {  	[dreg:$0x3] =	wrdreg s4  }
0xaa: {  	[dreg:$0x4] =	wrdreg $0xC0  }
0xab: {  	_ =	task [dreg:s6], $0x5FFFF  }
0xac: {  	[dreg:$0x1] =	wrdreg $0xFFFFFFFF  }
0xad: {  	[dreg:$0x0] =	wrdreg $0x60  }
0xae: {  	[dreg:$0x2] =	wrdreg s24  }
0xaf: {  	[dreg:$0x3] =	wrdreg $0x0  }
0xb0: {  	[dreg:$0x4] =	wrdreg $0x9  }
0xb1: {  	_ =	task.clear_ibuf [dreg:s6], $0x5FFFF;
	_ =	strace $0x90000049  }
0xb2: {  	s29 =	simm.s32 $0x9;
	_ =	strace $0x8000004B  }
0xb3: {  	_ =	swait.ge [sflag:s29], $0x1  }
0xb4: {  	[sflag:s29] =	ssyncadd.s32 $0xFFFFFFFF  }
0xb5: {  	_ =	strace $0x9000004B  }
0xb6: {  	_ =	sfence  }
0xb7: {  	s30 =	sld [smem:$0x0];
	_ =	sdelay $0x2  }
0xb8: {  	s31 =	sshll.u32 s1, $0xD;
	s1 =	sshrl.u32 s1, $0x2  }
0xb9: {  	s3 =	sand.u32 $0x4000, s31;
	s1 =	sadd.s32 s1, s30  }
0xba: {  	s0 =	sor.u32 s3, s0;
	s1 =	sshll.u32 s1, $0x11  }
0xbb: {  	s0 =	sor.u32 s1, s0  }
0xbc: {  	s0 =	sadd.s32 $0x8F2B, s0  }
0xbd: {  	[sflag:s0] =	ssyncadd.remote.s32 $0x1  }
0xbe: {  	_ =	sfence.sel $0xFFFF  }
0xbf: {  	[dreg:$0x0] =	wrdreg $0xFFFFFFFF;
	(pc) =	sbr.abs _section_cstart, $3  }
0xc0: {  	[dreg:$0x1] =	wrdreg $0xFFFFFFFF  }
0xc1: {  	_ =	task.clear_ibuf [dreg:s6], $0x2FFFF;
	_ =	strace $0x9FFFFFFF  }
0xc2: {  	(tm) =	ssettm $0x7FFFFFFF  }
0xc3: {  	_ =	shalt  }
tec
execute0_lowered:
.L_overlay_start_1:
0x0: {  	(tag) =	ssettag $0x1  }
0x1: {  	s0 =	rddreg [dreg:$0x0]  }
0x2: {  	s1 =	rddreg [dreg:$0x1]  }
0x3: {  	s13 =	simm.s32 $0x0;
	s2 =	srdreg.scid;
	s10 =	stileid.u32  }
0x4: {  	s14 =	simm.s32 $0x1D4A0;
	s15 =	simm.s32 $0x7;
	s16 =	simm.s32 $0x186A0  }
0x5: {  	s18 =	simm.s32 $0x80;
	s21 =	simm.s32 $0x18720;
	s22 =	simm.s32 $0x1A4A0  }
0x6: {  	s23 =	simm.s32 $0x1C4A0;
	s28 =	simm.s32 $0x4;
	s29 =	simm.s32 $0x1E4A0  }
0x7: {  	s30 =	simm.s32 $0x5;
	[smem:$0x7FF] =	sst s13;
	s2 =	sand.u32 $0x1, s2  }
0x8: {  	s8 =	smul.u32 $0x30D4, s10;
	s4 =	sadd.s32 $0x65000, s0;
	s5 =	sadd.s32 $0x1A6D000, s0  }
0x9: {  	s6 =	sadd.s32 $0x1B800, s0;
	s7 =	sadd.s32 $0x3000, s0;
	s3 =	smul.u32 $0x30D40, s2  }
0xa: {  	_ =	strace $0x8000004A;
	s24 =	sshll.u32 s2, $0x4;
	s2 =	ssub.s32 $0x2, s2  }
0xb: {  	s9 =	sor.u32 s10, s24;
	s10 =	smul.u32 $0x61A80, s10;
	s11 =	sshrl.u32 s2, $0x1  }
0xc: {  	s24 =	simm.s32 $0x1;
	s3 =	sadd.s32 s8, s3;
	s8 =	smul.u32 $0xC4, s9  }
0xd: {  	s2 =	ssub.s32 s2, s11;
	s9 =	smul.u32 $0xE, s9;
	s3 =	sadd.s32 s3, s0  }
0xe: {  	s25 =	sshrl.u32 s10, $0x2;
	s10 =	sadd.s32 $0x1A6D200, s0;
	s31 =	smax.u32 s2, $0x1  }
0xf: {  	s26 =	sadd.s32 $0x96000, s3;
	s12 =	sadd.s32 s25, s1;
	[dreg:$0x5] =	wrdreg s31  }
0x10: {  	v0 =	vimm.f32 $0.0e+00;
	s25 =	simm.s32 $0x3;
	[dreg:$0x4] =	wrdreg s26;
	s26 =	simm.s32 $0x2  }
.LBB2_1:
0x11: {  	s0 =	simm.s32 $0x0  }
.LBB2_2:
0x12: {  	p0 =	sne.s32 s0, $0x3F80  }
.Ltmp0:
0x13: {  	_ = 	snop;
	(pc) =	sbr.rel @p0 .LBB2_2-.Ltmp0, $4  }
0x14: {  	_ = 	snop  }
0x15: {  	s2 =	sshra.s32 s0, $0x2  }
0x16: {  	[tilespmem:s2+$0x1D4A0] =	vst v0  }
0x17: {  	s0 =	sadd.s32 $0x80, s0;
	[tilespmem:s2+$0x1D4B0] =	vst v0  }
0x18: {  	[dreg:$0x3] =	wrdreg s13;
	s0 =	sadd.s32 $0x0, s12  }
0x19: {  	[spmem:s0] =	stream.linear.scatter [tilespmem:s14], [sflag:$0x7], $0xFA0, $0x38;
	[tilespmem:$0x1F4A0] =	vst v63  }
0x1a: {  	s0 =	simm.s32 $0x3E80;
	_ =	swait.ge [sflag:s15], $0xFA0  }
.LBB2_4:
0x1b: {  	s2 =	sshra.s32 s0, $0x2;
	[sflag:s15] =	ssyncset.done $0x0;
	p0 =	sne.s32 s0, $0x5DC00  }
.Ltmp1:
0x1c: {  	s2 =	sadd.s32 s2, s12;
	[sflag:s15] =	ssyncadd.s32 $0xFFFFF060;
	(pc) =	sbr.rel @p0 .LBB2_4-.Ltmp1, $3  }
0x1d: {  	[spmem:s2] =	stream.linear.scatter [tilespmem:s14], [sflag:$0x7], $0xFA0, $0x38;
	[tilespmem:$0x1F4A0] =	vst v63  }
0x1e: {  	s0 =	sadd.s32 $0x3E80, s0;
	_ =	sdelay $0x1  }
0x1f: {  	_ =	swait.ge [sflag:s15], $0xFA0  }
0x20: {  	[sflag:s15] =	ssyncset.done $0x0  }
0x21: {  	[sflag:s15] =	ssyncadd.s32 $0xFFFFF060  }
0x22: {  	s0 =	simm.s32 $0x0;
	s2 =	simm.s32 $0x0;
	[bflag:$0x0] =	sbarrier.arrive $0xFFFF  }
.LBB2_6:
0x23: {  	p0 =	seq.s32 s2, $0x0  }
0x24: {  	s3 =	simm.s32 @!p0 $0x5  }
0x25: {  	_ =	swait.ge @!p0 [sflag:s3], $0x1000  }
0x26: {  	[sflag:s3] =	ssyncset.done @!p0 $0x0  }
0x27: {  	s11 =	sadd.s32 s9, s2;
	[sflag:s3] =	ssyncadd.s32 @!p0 $0xFFFFF000;
	s3 =	simm.s32 @!p0 $0x6  }
0x28: {  	s11 =	smul.u32 $0xE0, s11;
	_ =	swait.ge @!p0 [sflag:s3], $0x1000  }
0x29: {  	[sflag:s3] =	ssyncset.done @!p0 $0x0  }
0x2a: {  	s31 =	sadd.s32 s6, s11;
	[sflag:s3] =	ssyncadd.s32 @!p0 $0xFFFFF000  }
0x2b: {  	[tilespmem:s16], [sflag:$0x7] =	stream.linear.gather [hbm4b:s31+s0], $0x700, $0x38;
	[tilespmem:$0x1F4A0] =	vst v63  }
0x2c: {  	_ =	swait.ge [sflag:s15], $0x700  }
0x2d: {  	s17 =	simm.s32 $0x18DA0;
	[sflag:s15] =	ssyncset.done $0x0  }
0x2e: {  	s19 =	smul.u32 $0xE, s2;
	s13 =	sadd.s32 s7, s11;
	[sflag:s15] =	ssyncadd.s32 $0xFFFFF900  }
0x2f: {  	[tilespmem:s17], [sflag:$0x7] =	stream.linear.gather [hbm4b:s13+s0], $0x700, $0x38;
	[tilespmem:$0x1F4A0] =	vst v63  }
0x30: {  	_ =	swait.ge [sflag:s15], $0x700  }
0x31: {  	s11 =	sadd.s32 s8, s19;
	[sflag:s15] =	ssyncset.done $0x0  }
0x32: {  	s20 =	simm.s32 $0x194A0;
	s31 =	sshll.u32 s11, $0x9;
	[sflag:s15] =	ssyncadd.s32 $0xFFFFF900  }
0x33: {  	[tilespmem:s20], [sflag:$0x1] =	stream.indirect.gather [hbm4b:s4+s18], $0x20, s16, s18, $0xb8;
	[tilespmem:$0x1F4A0] =	vst v63  }
0x34: {  	s13 =	sadd.s32 s5, s31;
	s17 =	simm.s32 $0x1B4A0  }
0x35: {  	[tilespmem:s17], [sflag:$0x3] =	stream.linear.gather [hbm4b:s13+s0], $0x1000, $0x38;
	[tilespmem:$0x1F4A0] =	vst v63  }
0x36: {  	_ = 	snop  }
0x37: {  	[tilespmem:s22], [sflag:$0x2] =	stream.indirect.gather [hbm4b:s4+s18], $0x20, s21, s18, $0xb8;
	[tilespmem:$0x1F4A0] =	vst v63  }
0x38: {  	s3 =	sadd.s32 s31, s10;
	s13 =	simm.s32 $0x0  }
0x39: {  	[tilespmem:s23], [sflag:$0x4] =	stream.linear.gather [hbm4b:s3+s0], $0x1000, $0x38;
	[tilespmem:$0x1F4A0] =	vst v63  }
.LBB2_7:
0x3a: {  	_ =	swait.ge [sflag:s24], $0x1000  }
0x3b: {  	[sflag:s24] =	ssyncset.done $0x0  }
0x3c: {  	[sflag:s24] =	ssyncadd.s32 $0xFFFFF000  }
0x3d: {  	_ =	swait.ge [sflag:s25], $0x1000  }
0x3e: {  	[sflag:s25] =	ssyncset.done $0x0  }
0x3f: {  	s3 =	simm.s32 $0x0;
	[sflag:s25] =	ssyncadd.s32 $0xFFFFF000  }
0x40: {  	v1 =	vld [tilespmem:s3+$0x194B0]  }
0x41: {  	v3 =	vld [tilespmem:s3+$0x1B4B0]  }
0x42: {  	v2 =	vld [tilespmem:s3+$0x194A0]  }
0x43: {  	v4 =	vld [tilespmem:s3+$0x1B4A0]  }
0x44: {  	s17 =	simm.s32 $0x80  }
.LBB2_8:
0x45: {  	s19 =	sshra.s32 s17, $0x2;
	p0 =	sne.s32 s17, $0x3F80  }
.Ltmp2:
0x46: {  	s17 =	sadd.s32 $0x80, s17;
	v5 =	vmul.f32 v3, v1;
	v1 =	vld [tilespmem:s19+$0x194B0];
	(pc) =	sbr.rel @p0 .LBB2_8-.Ltmp2, $4  }
0x47: {  	v3 =	vld [tilespmem:s19+$0x1B4B0]  }
0x48: {  	v6 =	vmul.f32 v4, v2;
	v2 =	vld [tilespmem:s19+$0x194A0];
	[tilespmem:s3+$0x1D4B0] =	vst v5  }
0x49: {  	v4 =	vld [tilespmem:s19+$0x1B4A0]  }
0x4a: {  	[tilespmem:s3+$0x1D4A0] =	vst v6;
	s3 =	smov.u32 s19  }
0x4b: {  	_ = 	snop  }
0x4c: {  	s31 =	sshll.u32 s13, $0x1;
	p0 =	seq.s32 s13, $0x6  }
0x4d: {  	v1 =	vmul.f32 v3, v1;
	s17 =	sadd.s32 @!p0 $0x2, s31  }
0x4e: {  	s19 =	sshll.u32 @!p0 s17, $0x7;
	v2 =	vmul.f32 v4, v2  }
0x4f: {  	s20 =	simm.s32 @!p0 $0x194A0;
	p1 =	seq.s32 @!p0 s13, $0x0;
	[tilespmem:s3+$0x1D4B0] =	vst v1;
	s19 =	sand.u32 @!p0 $0x3FFFFF80, s19  }
0x50: {  	p1 =	por p0, !p1;
	[tilespmem:s3+$0x1D4A0] =	vst v2;
	s3 =	sadd.s32 @!p0 $0x186A0, s19;
	s19 =	simm.s32 @!p0 $0x80  }
0x51: {  	[tilespmem:s20], [sflag:$0x1] =	stream.indirect.gather @!p0 [hbm4b:s4+s19], $0x20, s3, s19, $0xb8;
	[tilespmem:$0x1F4A0] =	vst v63  }
.Ltmp3:
0x52: {  	s3 =	sadd.s32 @!p0 s11, s17;
	(pc) =	sbr.rel @!p1 .LBB2_10-.Ltmp3, $4  }
0x53: {  	s3 =	sshll.u32 @!p0 s3, $0x9  }
0x54: {  	s3 =	sand.u32 @!p0 $0x1FFFFC00, s3  }
0x55: {  	s17 =	simm.s32 @!p0 $0x0;
	s19 =	simm.s32 @!p0 $0x1B4A0;
	s3 =	sadd.s32 @!p0 s5, s3  }
0x56: {  	[tilespmem:s19], [sflag:$0x3] =	stream.linear.gather @!p0 [hbm4b:s3+s17], $0x1000, $0x38;
	[tilespmem:$0x1F4A0] =	vst v63  }
.Ltmp4:
0x57: {  	(pc) =	sbr.rel .LBB2_12-.Ltmp4, $4  }
0x58: {  	_ = 	snop  }
0x59: {  	_ =	swait.ge [sflag:s30], $0x1000  }
0x5a: {  	[sflag:s30] =	ssyncset.done $0x0  }
0x5b: {  	p1 =	por $0x0, $0x0;
	[sflag:s30] =	ssyncadd.s32 $0xFFFFF000  }
.LBB2_10:
0x5c: {  	p1 =	por @!p0 $0x1, $0x1  }
.LBB2_12:
0x5d: {  	s3 =	sshll.u32 s13, $0x8  }
0x5e: {  	s3 =	sand.u32 $0x3FFFFF00, s3  }
0x5f: {  	s17 =	sadd.s32 $0x18DA0, s3  }
0x60: {  	[spmem:s1] =	stream.indirect.scatter.add.f32 [tilespmem:s14], [sflag:$0x5], $0x20, s17, s18, $0xb8;
	[tilespmem:$0x1F4A0] =	vst v63  }
0x61: {  	_ =	swait.ge [sflag:s26], $0x1000  }
0x62: {  	[sflag:s26] =	ssyncset.done $0x0  }
0x63: {  	[sflag:s26] =	ssyncadd.s32 $0xFFFFF000  }
0x64: {  	_ =	swait.ge [sflag:s28], $0x1000  }
0x65: {  	[sflag:s28] =	ssyncset.done $0x0  }
0x66: {  	s17 =	simm.s32 $0x0;
	[sflag:s28] =	ssyncadd.s32 $0xFFFFF000  }
0x67: {  	v1 =	vld [tilespmem:s17+$0x1A4B0]  }
0x68: {  	v3 =	vld [tilespmem:s17+$0x1C4B0]  }
0x69: {  	v2 =	vld [tilespmem:s17+$0x1A4A0]  }
0x6a: {  	v4 =	vld [tilespmem:s17+$0x1C4A0]  }
0x6b: {  	s19 =	simm.s32 $0x80  }
.LBB2_13:
0x6c: {  	s20 =	sshra.s32 s19, $0x2;
	p2 =	sne.s32 s19, $0x3F80  }
.Ltmp5:
0x6d: {  	s19 =	sadd.s32 $0x80, s19;
	v5 =	vmul.f32 v3, v1;
	v1 =	vld [tilespmem:s20+$0x1A4B0];
	(pc) =	sbr.rel @p2 .LBB2_13-.Ltmp5, $4  }
0x6e: {  	v3 =	vld [tilespmem:s20+$0x1C4B0]  }
0x6f: {  	v6 =	vmul.f32 v4, v2;
	v2 =	vld [tilespmem:s20+$0x1A4A0];
	[tilespmem:s17+$0x1E4B0] =	vst v5  }
0x70: {  	v4 =	vld [tilespmem:s20+$0x1C4A0]  }
0x71: {  	[tilespmem:s17+$0x1E4A0] =	vst v6;
	s17 =	smov.u32 s20  }
0x72: {  	_ =	sdelay $0x1  }
0x73: {  	s19 =	sadd.s32 @!p0 $0x3, s31;
	v1 =	vmul.f32 v3, v1  }
0x74: {  	s20 =	sshll.u32 @!p0 s19, $0x7;
	v2 =	vmul.f32 v4, v2  }
0x75: {  	s20 =	sand.u32 @!p0 $0x3FFFFF80, s20;
	[tilespmem:s17+$0x1E4B0] =	vst v1  }
0x76: {  	s31 =	simm.s32 @!p0 $0x1A4A0;
	[tilespmem:s17+$0x1E4A0] =	vst v2;
	s17 =	sadd.s32 @!p0 $0x186A0, s20;
	s20 =	simm.s32 @!p0 $0x80  }
0x77: {  	[tilespmem:s31], [sflag:$0x2] =	stream.indirect.gather @!p0 [hbm4b:s4+s20], $0x20, s17, s20, $0xb8;
	[tilespmem:$0x1F4A0] =	vst v63  }
0x78: {  	s17 =	sadd.s32 @!p0 s11, s19  }
0x79: {  	s17 =	sshll.u32 @!p0 s17, $0x9  }
0x7a: {  	s13 =	sadd.s32 $0x1, s13;
	s17 =	sand.u32 @!p0 $0x1FFFFE00, s17  }
0x7b: {  	s19 =	simm.s32 @!p0 $0x0;
	s20 =	simm.s32 @!p0 $0x1C4A0;
	s17 =	sadd.s32 @!p0 s5, s17  }
0x7c: {  	[tilespmem:s20], [sflag:$0x4] =	stream.linear.gather @!p0 [hbm4b:s17+s19], $0x1000, $0x38;
	[tilespmem:$0x1F4A0] =	vst v63  }
0x7d: {  	p0 =	sne.s32 s13, $0x7  }
.Ltmp6:
0x7e: {  	s17 =	simm.s32 @!p1 $0x6;
	(pc) =	sbr.rel @p0 .LBB2_7-.Ltmp6, $4  }
0x7f: {  	_ =	swait.ge @!p1 [sflag:s17], $0x1000  }
0x80: {  	[sflag:s17] =	ssyncset.done @!p1 $0x0  }
0x81: {  	s3 =	sadd.s32 $0x18E20, s3;
	[sflag:s17] =	ssyncadd.s32 @!p1 $0xFFFFF000  }
0x82: {  	[spmem:s1] =	stream.indirect.scatter.add.f32 [tilespmem:s29], [sflag:$0x6], $0x20, s3, s18, $0xb8;
	[tilespmem:$0x1F4A0] =	vst v63  }
0x83: {  	s2 =	sadd.s32 $0x1, s2  }
0x84: {  	p0 =	sne.s32 s2, $0xE  }
.Ltmp7:
0x85: {  	_ = 	snop;
	(pc) =	sbr.rel @p0 .LBB2_6-.Ltmp7, $1  }
0x86: {  	_ =	sdelay $0x3  }
0x87: {  	_ =	swait.ge [sflag:s30], $0x1000  }
0x88: {  	[sflag:s30] =	ssyncset.done $0x0  }
0x89: {  	s0 =	simm.s32 $0x6;
	[sflag:s30] =	ssyncadd.s32 $0xFFFFF000  }
0x8a: {  	_ =	swait.ge [sflag:s0], $0x1000  }
0x8b: {  	[sflag:s0] =	ssyncset.done $0x0  }
0x8c: {  	s20 =	stileid.u32;
	[sflag:s0] =	ssyncadd.s32 $0xFFFFF000  }
0x8d: {  	s0 =	sshll.u32 s20, $0x6;
	[bflag:$0x0] =	sbarrier.arrive $0xFFFF  }
0x8e: {  	s2 =	sshrl.u32 s12, $0x3;
	s0 =	sor.u32 $0x1C07, s0;
	s3 =	rddreg [dreg:$0x4]  }
0x8f: {  	[hbm:s3], [sflag:s0] =	dma.local [spmem:s2], $0x30D4  }
0x90: {  	_ =	swait.ge [sflag:s15], $0x30D4  }
0x91: {  	s13 =	rddreg [dreg:$0x3]  }
0x92: {  	s31 =	rddreg [dreg:$0x5];
	s13 =	sadd.s32 $0x1, s13  }
0x93: {  	p0 =	sne.s32 s13, s31  }
.Ltmp8:
0x94: {  	_ = 	snop;
	(pc) =	sbr.rel @p0 .LBB2_1-.Ltmp8, $3  }
0x95: {  	_ =	sdelay $0x1  }
0x96: {  	[sflag:s15] =	ssyncset.done $0x0  }
0x97: {  	[sflag:s15] =	ssyncadd.s32 $0xFFFFCF2C  }
0x98: {  	_ =	sfence.sel $0x180000  }
0x99: {  	[bflag:$0x0] =	sbarrier.arrive $0xFFFF  }
0x9a: {  	_ =	strace $0x9000004A  }
0x9b: {  	s0 =	stileid.u32;
	[bflag:$0x2] =	sbarrier.arrive $0xFFFF  }
0x9c: {  	p0 =	sne.s32 s0, $0x0;
	s0 =	rddreg [dreg:$0x2]  }
0x9d: {  	s0 =	sadd.s32 @!p0 $0x100000, s0  }
0x9e: {  	[sflag:s0] =	ssyncadd.tile.s32 @!p0 $0x1;
	_ =	shalt  }
.Lfunc_end2:
_tile_overlayer_lowered:
.L_overlay_start_2:
0x9f: {  	(tag) =	ssettag $0x2  }
0xa0: {  	s0 =	rddreg [dreg:$0x0];
	s2 =	stileid.u32  }
0xa1: {  	s1 =	rddreg [dreg:$0x1];
	p0 =	sne.s32 s2, $0x0  }
0xa2: {  	s3 =	rddreg [dreg:$0x2];
	[bflag:$0x3] =	sbarrier.arrive $0xFFFF;
	s2 =	simm.s32 @!p0 $0x1C07  }
0xa3: {  	[timem:s3], [sflag:s2] =	dma.local @!p0 [hbm:s0], s1  }
0xa4: {  	s0 =	simm.s32 @!p0 $0x7  }
0xa5: {  	_ =	swait.ge @!p0 [sflag:s0], s1  }
0xa6: {  	s1 =	ssub.s32 @!p0 $0x0, s1;
	[sflag:s0] =	ssyncset.done @!p0 $0x0  }
0xa7: {  	[sflag:s0] =	ssyncadd.s32 @!p0 s1  }
0xa8: {  	[bflag:$0x3] =	sbarrier.arrive $0xFFFF  }
0xa9: {  	_ =	shalt  }

// kernel: kernel.16.cloned.1.call-start
scs
__scs_entry_jumppad:
0x0: {  	(pc) =	sbr.rel $0x88, $3  }
0x1: {  	(tag) =	ssettag $0x0;
	lr =	simm.s32 $0x1  }
0x2: {  	[smem:$0x3F94] =	sst lr;
	_ =	strace $0xD0000000  }
0x3: {  	_ = 	snop  }
0x4: {  	_ = 	snop  }
0x5: {  	_ = 	snop  }
0x6: {  	_ = 	snop  }
0x7: {  	_ = 	snop  }
__scs_overlays_trampoline_lowered:
0x8: {  	[smem:$0x3FA3] =	sst s0  }
0x9: {  	[smem:$0x3FA4] =	sst s1  }
0xa: {  	[smem:$0x3FA5] =	sst s2  }
0xb: {  	[smem:$0x3FA6] =	sst s3  }
0xc: {  	[smem:$0x3FA7] =	sst s4  }
0xd: {  	[smem:$0x3FA8] =	sst s5  }
0xe: {  	[smem:$0x3FA9] =	sst s6  }
0xf: {  	[smem:$0x3FAA] =	sst s7  }
0x10: {  	[smem:$0x3FAB] =	sst s8  }
0x11: {  	[smem:$0x3FAC] =	sst s9;
	s0 =	simm.s32 @!p0 $0x0  }
0x12: {  	s1 =	sld [smem:$0x3F92];
	s0 =	simm.s32 @p0 $0x1  }
0x13: {  	[smem:$0x3FAD] =	sst s0;
	s0 =	simm.s32 @!p1 $0x0  }
0x14: {  	s2 =	sld [smem:$0x3F91];
	s0 =	simm.s32 @p1 $0x1  }
0x15: {  	[smem:$0x3FAE] =	sst s0;
	s0 =	simm.s32 @!p2 $0x0  }
0x16: {  	s3 =	sld [smem:$0x3FDB];
	s0 =	simm.s32 @p2 $0x1  }
0x17: {  	s4 =	simm.s32 $0x1BF5;
	[smem:$0x3FB0] =	sst s0  }
0x18: {  	s0 =	sld [smem:$0x3F93];
	_ =	swait.ge [sflag:s4], $0x0  }
0x19: {  	s7 =	sld [smem:$0x3F94]  }
0x1a: {  	s8 =	sadd.s32 $0xFFFFE003, lr  }
0x1b: {  	s9 =	sadd.s32 $0xFFFFFEF7, lr;
	s5 =	simm.s32 $0xFFFFFFFF;
	p2 =	slt.u32 s8, $0xFFFFF086  }
0x1c: {  	p1 =	slt.u32 s9, $0xF7A;
	s5 =	simm.s32 @!p2 $0x0  }
0x1d: {  	s5 =	simm.s32 @p1 $0x1;
	p0 =	seq.s32 s7, s2  }
0x1e: {  	s7 =	smul.u32 @!p0 $0xF7A, s2;
	p2 =	seq.s32 @!p0 s5, $0x0  }
0x1f: {  	s9 =	smul.u32 $0xF7A, s1;
	s8 =	simm.s32 @!p0 $0x1BF5;
	p2 =	por !p2, p0  }
0x20: {  	[sflag:s8] =	ssyncset.s32 @!p0 $0xFFFFF086;
	s6 =	sadd.s32 @!p0 s3, s7;
	s7 =	simm.s32 @!p0 $0x108  }
0x21: {  	s3 =	sadd.s32 s3, s9;
	s6 =	sadd.s32 @!p0 $0x88, s6;
	s7 =	simm.s32 @p2 $0x1082  }
0x22: {  	[simem:s7], [sflag:s8] =	dma.local @!p0 [hbm:s6], $0xF7A  }
0x23: {  	s9 =	sor.u32 $0xD0000000, s2;
	s6 =	simm.s32 $0x108;
	_ =	swait.ge @!p0 [sflag:s8], $0x0  }
0x24: {  	s3 =	sadd.s32 $0x88, s3;
	s6 =	simm.s32 @!p1 $0x1082;
	[sflag:s4] =	ssyncset.s32 $0xFFFFF086  }
0x25: {  	[simem:s6], [sflag:s4] =	dma.local [hbm:s3], $0xF7A  }
0x26: {  	[smem:$0x3F94] =	sst s1;
	(tag) =	ssettag s2;
	_ =	strace s9  }
0x27: {  	s1 =	sld [smem:$0x3FA4]  }
0x28: {  	s2 =	sld [smem:$0x3FA5]  }
0x29: {  	s4 =	sld [smem:$0x3FA7]  }
0x2a: {  	p0 =	seq.s32 s5, $0x0;
	s5 =	sld [smem:$0x3FA8]  }
0x2b: {  	s6 =	sld [smem:$0x3FA9]  }
0x2c: {  	s7 =	sld [smem:$0x3FAA]  }
0x2d: {  	s3 =	simm.s32 $0x108;
	s8 =	sld [smem:$0x3FAB]  }
0x2e: {  	s3 =	simm.s32 @!p0 $0x1082;
	s9 =	sld [smem:$0x3FAC]  }
0x2f: {  	lr =	sadd.s32 s0, s3;
	s0 =	sld [smem:$0x3FA3]  }
0x30: {  	s3 =	sld [smem:$0x3FA6]  }
0x31: {  	[smem:$0x3FAF] =	sst s10  }
0x32: {  	s10 =	sld [smem:$0x3FAD];
	_ =	sdelay $0x3  }
0x33: {  	p0 =	seq.s32 s10, $0x1;
	s10 =	sld [smem:$0x3FAF];
	_ =	sdelay $0x3  }
0x34: {  	[smem:$0x3FAF] =	sst s10  }
0x35: {  	s10 =	sld [smem:$0x3FAE];
	_ =	sdelay $0x3  }
0x36: {  	p1 =	seq.s32 s10, $0x1;
	s10 =	sld [smem:$0x3FAF];
	_ =	sdelay $0x3  }
0x37: {  	[smem:$0x3FAF] =	sst s10  }
0x38: {  	s10 =	sld [smem:$0x3FB0]  }
0x39: {  	_ = 	snop;
	(pc) =	sbr.ind lr, $3  }
0x3a: {  	_ = 	snop  }
0x3b: {  	_ = 	snop  }
0x3c: {  	p2 =	seq.s32 s10, $0x1;
	s10 =	sld [smem:$0x3FAF]  }
0x3d: {  	_ =	shalt  }
0x3e: {  	_ =	shalt  }
0x3f: {  	_ =	shalt  }
0x40: {  	_ =	shalt  }
0x41: {  	_ =	shalt  }
0x42: {  	_ =	shalt  }
0x43: {  	_ =	shalt  }
0x44: {  	_ =	shalt  }
0x45: {  	_ =	shalt  }
0x46: {  	_ =	shalt  }
0x47: {  	_ =	shalt  }
0x48: {  	_ =	shalt  }
0x49: {  	_ =	shalt  }
0x4a: {  	_ =	shalt  }
0x4b: {  	_ =	shalt  }
0x4c: {  	_ =	shalt  }
0x4d: {  	_ =	shalt  }
0x4e: {  	_ =	shalt  }
0x4f: {  	_ =	shalt  }
0x50: {  	_ =	shalt  }
0x51: {  	_ =	shalt  }
0x52: {  	_ =	shalt  }
0x53: {  	_ =	shalt  }
0x54: {  	_ =	shalt  }
0x55: {  	_ =	shalt  }
0x56: {  	_ =	shalt  }
0x57: {  	_ =	shalt  }
0x58: {  	_ =	shalt  }
0x59: {  	_ =	shalt  }
0x5a: {  	_ =	shalt  }
0x5b: {  	_ =	shalt  }
0x5c: {  	_ =	shalt  }
0x5d: {  	_ =	shalt  }
0x5e: {  	_ =	shalt  }
0x5f: {  	_ =	shalt  }
0x60: {  	_ =	shalt  }
0x61: {  	_ =	shalt  }
0x62: {  	_ =	shalt  }
0x63: {  	_ =	shalt  }
0x64: {  	_ =	shalt  }
0x65: {  	_ =	shalt  }
0x66: {  	_ =	shalt  }
0x67: {  	_ =	shalt  }
0x68: {  	_ =	shalt  }
0x69: {  	_ =	shalt  }
0x6a: {  	_ =	shalt  }
0x6b: {  	_ =	shalt  }
0x6c: {  	_ =	shalt  }
0x6d: {  	_ =	shalt  }
0x6e: {  	_ =	shalt  }
0x6f: {  	_ =	shalt  }
0x70: {  	_ =	shalt  }
0x71: {  	_ =	shalt  }
0x72: {  	_ =	shalt  }
0x73: {  	_ =	shalt  }
0x74: {  	_ =	shalt  }
0x75: {  	_ =	shalt  }
0x76: {  	_ =	shalt  }
0x77: {  	_ =	shalt  }
0x78: {  	_ =	shalt  }
0x79: {  	_ =	shalt  }
0x7a: {  	_ =	shalt  }
0x7b: {  	_ =	shalt  }
0x7c: {  	_ =	shalt  }
0x7d: {  	_ =	shalt  }
0x7e: {  	_ =	shalt  }
0x7f: {  	_ =	shalt  }
0x80: {  	_ =	shalt  }
0x81: {  	_ =	shalt  }
0x82: {  	_ =	shalt  }
0x83: {  	_ =	shalt  }
0x84: {  	_ =	shalt  }
0x85: {  	_ =	shalt  }
0x86: {  	_ =	shalt  }
0x87: {  	_ =	shalt  }
.Lfunc_end0:
.L_simem_size_0:
called_computation.2_lowered:
.L_overlay_start_0:
0x88: {  	s2 =	sld [smem:$0x3FD9]  }
0x89: {  	s3 =	sld [smem:$0x3FFE];
	_ =	sdelay $0x1  }
0x8a: {  	s1 =	srdreg.scid  }
0x8b: {  	s0 =	sand.u32 $0x1, s1  }
0x8c: {  	s16 =	sshll.u32 s0, $0xA;
	s2 =	sadd.s32 s3, s2  }
0x8d: {  	s2 =	sadd.s32 s2, s16  }
0x8e: {  	[smem:$0x3FBB] =	sst s2  }
0x8f: {  	_ = 	snop  }
0x90: {  	(tm) =	ssettm $0x1  }
0x91: {  	s17 =	sld [smem:$0x3FFB];
	_ =	sdelay $0x3  }
0x92: {  	_ =	strace s17  }
0x93: {  	s2 =	sld [smem:$0x3FFC];
	_ =	sdelay $0x3  }
0x94: {  	_ =	strace s2  }
0x95: {  	s2 =	sld [smem:$0x3FFD];
	_ =	sdelay $0x3  }
0x96: {  	_ =	strace s2  }
0x97: {  	_ =	strace $0x8FFFFFFF  }
0x98: {  	s18 =	sld [smem:$0x3FDB];
	_ =	sdelay $0x1  }
0x99: {  	s19 =	simm.s32 $_scs_section_size  }
0x9a: {  	s4 =	simm.s32 $_size__tile_overlayer_lowered;
	s5 =	simm.s32 $_tile_overlayer_lowered  }
0x9b: {  	s22 =	simm.s32 $0x1BFF;
	s21 =	sshll.u32 s5, $0x1;
	s2 =	sadd.s32 s19, s18  }
0x9c: {  	s6 =	simm.s32 $0x0;
	s20 =	sshll.u32 s4, $0x1;
	s4 =	sadd.s32 s21, s2  }
0x9d: {  	[timem:s6], [sflag:s22] =	dma.local [hbm:s4], s20  }
0x9e: {  	_ =	swait.ge [sflag:s22], s20  }
0x9f: {  	s3 =	ssub.s32 $0x0, s20;
	[sflag:s22] =	ssyncset.done $0x0  }
0xa0: {  	[sflag:s22] =	ssyncadd.s32 s3;
	_ =	sdelay $0x1  }
0xa1: {  	s23 =	simm.s32 $0x1B8B  }
0xa2: {  	_ =	swait.ge [sflag:s23], $0x1  }
0xa3: {  	[sflag:s23] =	ssyncset.done $0x0  }
0xa4: {  	s25 =	simm.s32 $0x1B8E;
	s24 =	sld [smem:$0x3FFE];
	[sflag:s23] =	ssyncadd.s32 $0xFFFFFFFF  }
0xa5: {  	s26 =	simm.s32 $execute0_lowered;
	[smem:$0x3FD2] =	sst s25  }
0xa6: {  	s4 =	sshll.u32 s26, $0x1;
	_ =	strace $0x8000004C;
	[dreg:$0x1] =	wrdreg $0xFFFFFFFF  }
0xa7: {  	s28 =	simm.s32 $_size_execute0_lowered;
	s2 =	sadd.s32 s2, s4;
	[dreg:$0x0] =	wrdreg $0x0  }
0xa8: {  	s4 =	sshll.u32 s28, $0x1;
	[dreg:$0x2] =	wrdreg s2  }
0xa9: {  	[dreg:$0x3] =	wrdreg s4  }
0xaa: {  	[dreg:$0x4] =	wrdreg $0xC0  }
0xab: {  	_ =	task [dreg:s6], $0x5FFFF  }
0xac: {  	[dreg:$0x1] =	wrdreg $0xFFFFFFFF  }
0xad: {  	[dreg:$0x0] =	wrdreg $0x60  }
0xae: {  	[dreg:$0x2] =	wrdreg s24  }
0xaf: {  	[dreg:$0x3] =	wrdreg $0x0  }
0xb0: {  	[dreg:$0x4] =	wrdreg $0x9  }
0xb1: {  	_ =	task.clear_ibuf [dreg:s6], $0x5FFFF;
	_ =	strace $0x9000004C  }
0xb2: {  	s29 =	simm.s32 $0x9;
	_ =	strace $0x8000004E  }
0xb3: {  	_ =	swait.ge [sflag:s29], $0x1  }
0xb4: {  	[sflag:s29] =	ssyncadd.s32 $0xFFFFFFFF  }
0xb5: {  	_ =	strace $0x9000004E  }
0xb6: {  	_ =	sfence  }
0xb7: {  	s30 =	sld [smem:$0x0];
	_ =	sdelay $0x2  }
0xb8: {  	s31 =	sshll.u32 s1, $0xD;
	s1 =	sshrl.u32 s1, $0x2  }
0xb9: {  	s3 =	sand.u32 $0x4000, s31;
	s1 =	sadd.s32 s1, s30  }
0xba: {  	s0 =	sor.u32 s3, s0;
	s1 =	sshll.u32 s1, $0x11  }
0xbb: {  	s0 =	sor.u32 s1, s0  }
0xbc: {  	s0 =	sadd.s32 $0x8F2B, s0  }
0xbd: {  	[sflag:s0] =	ssyncadd.remote.s32 $0x1  }
0xbe: {  	_ =	sfence.sel $0xFFFF  }
0xbf: {  	[dreg:$0x0] =	wrdreg $0xFFFFFFFF;
	(pc) =	sbr.abs _section_cstart, $3  }
0xc0: {  	[dreg:$0x1] =	wrdreg $0xFFFFFFFF  }
0xc1: {  	_ =	task.clear_ibuf [dreg:s6], $0x2FFFF;
	_ =	strace $0x9FFFFFFF  }
0xc2: {  	(tm) =	ssettm $0x7FFFFFFF  }
0xc3: {  	_ =	shalt  }
tec
execute0_lowered:
.L_overlay_start_1:
0x0: {  	(tag) =	ssettag $0x1  }
0x1: {  	s0 =	rddreg [dreg:$0x0]  }
0x2: {  	s1 =	rddreg [dreg:$0x1]  }
0x3: {  	s13 =	simm.s32 $0x0;
	s2 =	srdreg.scid;
	s10 =	stileid.u32  }
0x4: {  	s14 =	simm.s32 $0x1D4A0;
	s15 =	simm.s32 $0x7;
	s16 =	simm.s32 $0x186A0  }
0x5: {  	s18 =	simm.s32 $0x80;
	s21 =	simm.s32 $0x18720;
	s22 =	simm.s32 $0x1A4A0  }
0x6: {  	s23 =	simm.s32 $0x1C4A0;
	s28 =	simm.s32 $0x4;
	s29 =	simm.s32 $0x1E4A0  }
0x7: {  	s30 =	simm.s32 $0x5;
	[smem:$0x7FF] =	sst s13;
	s2 =	sand.u32 $0x1, s2  }
0x8: {  	s8 =	smul.u32 $0x30D4, s10;
	s4 =	sadd.s32 $0xF8600, s0;
	s5 =	sadd.s32 $0x1ED000, s0  }
0x9: {  	s6 =	sadd.s32 $0x1B800, s0;
	s7 =	sadd.s32 $0x3000, s0;
	s3 =	smul.u32 $0x30D40, s2  }
0xa: {  	_ =	strace $0x8000004D;
	s24 =	sshll.u32 s2, $0x4;
	s2 =	ssub.s32 $0x2, s2  }
0xb: {  	s9 =	sor.u32 s10, s24;
	s10 =	smul.u32 $0x61A80, s10;
	s11 =	sshrl.u32 s2, $0x1  }
0xc: {  	s24 =	simm.s32 $0x1;
	s3 =	sadd.s32 s8, s3;
	s8 =	smul.u32 $0xC4, s9  }
0xd: {  	s2 =	ssub.s32 s2, s11;
	s9 =	smul.u32 $0xE, s9;
	s3 =	sadd.s32 s3, s0  }
0xe: {  	s25 =	sshrl.u32 s10, $0x2;
	s10 =	sadd.s32 $0x1ED200, s0;
	s31 =	smax.u32 s2, $0x1  }
0xf: {  	s26 =	sadd.s32 $0x129600, s3;
	s12 =	sadd.s32 s25, s1;
	[dreg:$0x5] =	wrdreg s31  }
0x10: {  	v0 =	vimm.f32 $0.0e+00;
	s25 =	simm.s32 $0x3;
	[dreg:$0x4] =	wrdreg s26;
	s26 =	simm.s32 $0x2  }
.LBB2_1:
0x11: {  	s0 =	simm.s32 $0x0  }
.LBB2_2:
0x12: {  	p0 =	sne.s32 s0, $0x3F80  }
.Ltmp0:
0x13: {  	_ = 	snop;
	(pc) =	sbr.rel @p0 .LBB2_2-.Ltmp0, $4  }
0x14: {  	_ = 	snop  }
0x15: {  	s2 =	sshra.s32 s0, $0x2  }
0x16: {  	[tilespmem:s2+$0x1D4A0] =	vst v0  }
0x17: {  	s0 =	sadd.s32 $0x80, s0;
	[tilespmem:s2+$0x1D4B0] =	vst v0  }
0x18: {  	[dreg:$0x3] =	wrdreg s13;
	s0 =	sadd.s32 $0x0, s12  }
0x19: {  	[spmem:s0] =	stream.linear.scatter [tilespmem:s14], [sflag:$0x7], $0xFA0, $0x38;
	[tilespmem:$0x1F4A0] =	vst v63  }
0x1a: {  	s0 =	simm.s32 $0x3E80;
	_ =	swait.ge [sflag:s15], $0xFA0  }
.LBB2_4:
0x1b: {  	s2 =	sshra.s32 s0, $0x2;
	[sflag:s15] =	ssyncset.done $0x0;
	p0 =	sne.s32 s0, $0x5DC00  }
.Ltmp1:
0x1c: {  	s2 =	sadd.s32 s2, s12;
	[sflag:s15] =	ssyncadd.s32 $0xFFFFF060;
	(pc) =	sbr.rel @p0 .LBB2_4-.Ltmp1, $3  }
0x1d: {  	[spmem:s2] =	stream.linear.scatter [tilespmem:s14], [sflag:$0x7], $0xFA0, $0x38;
	[tilespmem:$0x1F4A0] =	vst v63  }
0x1e: {  	s0 =	sadd.s32 $0x3E80, s0;
	_ =	sdelay $0x1  }
0x1f: {  	_ =	swait.ge [sflag:s15], $0xFA0  }
0x20: {  	[sflag:s15] =	ssyncset.done $0x0  }
0x21: {  	[sflag:s15] =	ssyncadd.s32 $0xFFFFF060  }
0x22: {  	s0 =	simm.s32 $0x0;
	s2 =	simm.s32 $0x0;
	[bflag:$0x0] =	sbarrier.arrive $0xFFFF  }
.LBB2_6:
0x23: {  	p0 =	seq.s32 s2, $0x0  }
0x24: {  	s3 =	simm.s32 @!p0 $0x5  }
0x25: {  	_ =	swait.ge @!p0 [sflag:s3], $0x1000  }
0x26: {  	[sflag:s3] =	ssyncset.done @!p0 $0x0  }
0x27: {  	s11 =	sadd.s32 s9, s2;
	[sflag:s3] =	ssyncadd.s32 @!p0 $0xFFFFF000;
	s3 =	simm.s32 @!p0 $0x6  }
0x28: {  	s11 =	smul.u32 $0xE0, s11;
	_ =	swait.ge @!p0 [sflag:s3], $0x1000  }
0x29: {  	[sflag:s3] =	ssyncset.done @!p0 $0x0  }
0x2a: {  	s31 =	sadd.s32 s6, s11;
	[sflag:s3] =	ssyncadd.s32 @!p0 $0xFFFFF000  }
0x2b: {  	[tilespmem:s16], [sflag:$0x7] =	stream.linear.gather [hbm4b:s31+s0], $0x700, $0x38;
	[tilespmem:$0x1F4A0] =	vst v63  }
0x2c: {  	_ =	swait.ge [sflag:s15], $0x700  }
0x2d: {  	s17 =	simm.s32 $0x18DA0;
	[sflag:s15] =	ssyncset.done $0x0  }
0x2e: {  	s19 =	smul.u32 $0xE, s2;
	s13 =	sadd.s32 s7, s11;
	[sflag:s15] =	ssyncadd.s32 $0xFFFFF900  }
0x2f: {  	[tilespmem:s17], [sflag:$0x7] =	stream.linear.gather [hbm4b:s13+s0], $0x700, $0x38;
	[tilespmem:$0x1F4A0] =	vst v63  }
0x30: {  	_ =	swait.ge [sflag:s15], $0x700  }
0x31: {  	s11 =	sadd.s32 s8, s19;
	[sflag:s15] =	ssyncset.done $0x0  }
0x32: {  	s20 =	simm.s32 $0x194A0;
	s31 =	sshll.u32 s11, $0x9;
	[sflag:s15] =	ssyncadd.s32 $0xFFFFF900  }
0x33: {  	[tilespmem:s20], [sflag:$0x1] =	stream.indirect.gather [hbm4b:s4+s18], $0x20, s16, s18, $0xb8;
	[tilespmem:$0x1F4A0] =	vst v63  }
0x34: {  	s13 =	sadd.s32 s5, s31;
	s17 =	simm.s32 $0x1B4A0  }
0x35: {  	[tilespmem:s17], [sflag:$0x3] =	stream.linear.gather [hbm4b:s13+s0], $0x1000, $0x38;
	[tilespmem:$0x1F4A0] =	vst v63  }
0x36: {  	_ = 	snop  }
0x37: {  	[tilespmem:s22], [sflag:$0x2] =	stream.indirect.gather [hbm4b:s4+s18], $0x20, s21, s18, $0xb8;
	[tilespmem:$0x1F4A0] =	vst v63  }
0x38: {  	s3 =	sadd.s32 s31, s10;
	s13 =	simm.s32 $0x0  }
0x39: {  	[tilespmem:s23], [sflag:$0x4] =	stream.linear.gather [hbm4b:s3+s0], $0x1000, $0x38;
	[tilespmem:$0x1F4A0] =	vst v63  }
.LBB2_7:
0x3a: {  	_ =	swait.ge [sflag:s24], $0x1000  }
0x3b: {  	[sflag:s24] =	ssyncset.done $0x0  }
0x3c: {  	[sflag:s24] =	ssyncadd.s32 $0xFFFFF000  }
0x3d: {  	_ =	swait.ge [sflag:s25], $0x1000  }
0x3e: {  	[sflag:s25] =	ssyncset.done $0x0  }
0x3f: {  	s3 =	simm.s32 $0x0;
	[sflag:s25] =	ssyncadd.s32 $0xFFFFF000  }
0x40: {  	v1 =	vld [tilespmem:s3+$0x194B0]  }
0x41: {  	v3 =	vld [tilespmem:s3+$0x1B4B0]  }
0x42: {  	v2 =	vld [tilespmem:s3+$0x194A0]  }
0x43: {  	v4 =	vld [tilespmem:s3+$0x1B4A0]  }
0x44: {  	s17 =	simm.s32 $0x80  }
.LBB2_8:
0x45: {  	s19 =	sshra.s32 s17, $0x2;
	p0 =	sne.s32 s17, $0x3F80  }
.Ltmp2:
0x46: {  	s17 =	sadd.s32 $0x80, s17;
	v5 =	vmul.f32 v3, v1;
	v1 =	vld [tilespmem:s19+$0x194B0];
	(pc) =	sbr.rel @p0 .LBB2_8-.Ltmp2, $4  }
0x47: {  	v3 =	vld [tilespmem:s19+$0x1B4B0]  }
0x48: {  	v6 =	vmul.f32 v4, v2;
	v2 =	vld [tilespmem:s19+$0x194A0];
	[tilespmem:s3+$0x1D4B0] =	vst v5  }
0x49: {  	v4 =	vld [tilespmem:s19+$0x1B4A0]  }
0x4a: {  	[tilespmem:s3+$0x1D4A0] =	vst v6;
	s3 =	smov.u32 s19  }
0x4b: {  	_ = 	snop  }
0x4c: {  	s31 =	sshll.u32 s13, $0x1;
	p0 =	seq.s32 s13, $0x6  }
0x4d: {  	v1 =	vmul.f32 v3, v1;
	s17 =	sadd.s32 @!p0 $0x2, s31  }
0x4e: {  	s19 =	sshll.u32 @!p0 s17, $0x7;
	v2 =	vmul.f32 v4, v2  }
0x4f: {  	s20 =	simm.s32 @!p0 $0x194A0;
	p1 =	seq.s32 @!p0 s13, $0x0;
	[tilespmem:s3+$0x1D4B0] =	vst v1;
	s19 =	sand.u32 @!p0 $0x3FFFFF80, s19  }
0x50: {  	p1 =	por p0, !p1;
	[tilespmem:s3+$0x1D4A0] =	vst v2;
	s3 =	sadd.s32 @!p0 $0x186A0, s19;
	s19 =	simm.s32 @!p0 $0x80  }
0x51: {  	[tilespmem:s20], [sflag:$0x1] =	stream.indirect.gather @!p0 [hbm4b:s4+s19], $0x20, s3, s19, $0xb8;
	[tilespmem:$0x1F4A0] =	vst v63  }
.Ltmp3:
0x52: {  	s3 =	sadd.s32 @!p0 s11, s17;
	(pc) =	sbr.rel @!p1 .LBB2_10-.Ltmp3, $4  }
0x53: {  	s3 =	sshll.u32 @!p0 s3, $0x9  }
0x54: {  	s3 =	sand.u32 @!p0 $0x1FFFFC00, s3  }
0x55: {  	s17 =	simm.s32 @!p0 $0x0;
	s19 =	simm.s32 @!p0 $0x1B4A0;
	s3 =	sadd.s32 @!p0 s5, s3  }
0x56: {  	[tilespmem:s19], [sflag:$0x3] =	stream.linear.gather @!p0 [hbm4b:s3+s17], $0x1000, $0x38;
	[tilespmem:$0x1F4A0] =	vst v63  }
.Ltmp4:
0x57: {  	(pc) =	sbr.rel .LBB2_12-.Ltmp4, $4  }
0x58: {  	_ = 	snop  }
0x59: {  	_ =	swait.ge [sflag:s30], $0x1000  }
0x5a: {  	[sflag:s30] =	ssyncset.done $0x0  }
0x5b: {  	p1 =	por $0x0, $0x0;
	[sflag:s30] =	ssyncadd.s32 $0xFFFFF000  }
.LBB2_10:
0x5c: {  	p1 =	por @!p0 $0x1, $0x1  }
.LBB2_12:
0x5d: {  	s3 =	sshll.u32 s13, $0x8  }
0x5e: {  	s3 =	sand.u32 $0x3FFFFF00, s3  }
0x5f: {  	s17 =	sadd.s32 $0x18DA0, s3  }
0x60: {  	[spmem:s1] =	stream.indirect.scatter.add.f32 [tilespmem:s14], [sflag:$0x5], $0x20, s17, s18, $0xb8;
	[tilespmem:$0x1F4A0] =	vst v63  }
0x61: {  	_ =	swait.ge [sflag:s26], $0x1000  }
0x62: {  	[sflag:s26] =	ssyncset.done $0x0  }
0x63: {  	[sflag:s26] =	ssyncadd.s32 $0xFFFFF000  }
0x64: {  	_ =	swait.ge [sflag:s28], $0x1000  }
0x65: {  	[sflag:s28] =	ssyncset.done $0x0  }
0x66: {  	s17 =	simm.s32 $0x0;
	[sflag:s28] =	ssyncadd.s32 $0xFFFFF000  }
0x67: {  	v1 =	vld [tilespmem:s17+$0x1A4B0]  }
0x68: {  	v3 =	vld [tilespmem:s17+$0x1C4B0]  }
0x69: {  	v2 =	vld [tilespmem:s17+$0x1A4A0]  }
0x6a: {  	v4 =	vld [tilespmem:s17+$0x1C4A0]  }
0x6b: {  	s19 =	simm.s32 $0x80  }
.LBB2_13:
0x6c: {  	s20 =	sshra.s32 s19, $0x2;
	p2 =	sne.s32 s19, $0x3F80  }
.Ltmp5:
0x6d: {  	s19 =	sadd.s32 $0x80, s19;
	v5 =	vmul.f32 v3, v1;
	v1 =	vld [tilespmem:s20+$0x1A4B0];
	(pc) =	sbr.rel @p2 .LBB2_13-.Ltmp5, $4  }
0x6e: {  	v3 =	vld [tilespmem:s20+$0x1C4B0]  }
0x6f: {  	v6 =	vmul.f32 v4, v2;
	v2 =	vld [tilespmem:s20+$0x1A4A0];
	[tilespmem:s17+$0x1E4B0] =	vst v5  }
0x70: {  	v4 =	vld [tilespmem:s20+$0x1C4A0]  }
0x71: {  	[tilespmem:s17+$0x1E4A0] =	vst v6;
	s17 =	smov.u32 s20  }
0x72: {  	_ =	sdelay $0x1  }
0x73: {  	s19 =	sadd.s32 @!p0 $0x3, s31;
	v1 =	vmul.f32 v3, v1  }
0x74: {  	s20 =	sshll.u32 @!p0 s19, $0x7;
	v2 =	vmul.f32 v4, v2  }
0x75: {  	s20 =	sand.u32 @!p0 $0x3FFFFF80, s20;
	[tilespmem:s17+$0x1E4B0] =	vst v1  }
0x76: {  	s31 =	simm.s32 @!p0 $0x1A4A0;
	[tilespmem:s17+$0x1E4A0] =	vst v2;
	s17 =	sadd.s32 @!p0 $0x186A0, s20;
	s20 =	simm.s32 @!p0 $0x80  }
0x77: {  	[tilespmem:s31], [sflag:$0x2] =	stream.indirect.gather @!p0 [hbm4b:s4+s20], $0x20, s17, s20, $0xb8;
	[tilespmem:$0x1F4A0] =	vst v63  }
0x78: {  	s17 =	sadd.s32 @!p0 s11, s19  }
0x79: {  	s17 =	sshll.u32 @!p0 s17, $0x9  }
0x7a: {  	s13 =	sadd.s32 $0x1, s13;
	s17 =	sand.u32 @!p0 $0x1FFFFE00, s17  }
0x7b: {  	s19 =	simm.s32 @!p0 $0x0;
	s20 =	simm.s32 @!p0 $0x1C4A0;
	s17 =	sadd.s32 @!p0 s5, s17  }
0x7c: {  	[tilespmem:s20], [sflag:$0x4] =	stream.linear.gather @!p0 [hbm4b:s17+s19], $0x1000, $0x38;
	[tilespmem:$0x1F4A0] =	vst v63  }
0x7d: {  	p0 =	sne.s32 s13, $0x7  }
.Ltmp6:
0x7e: {  	s17 =	simm.s32 @!p1 $0x6;
	(pc) =	sbr.rel @p0 .LBB2_7-.Ltmp6, $4  }
0x7f: {  	_ =	swait.ge @!p1 [sflag:s17], $0x1000  }
0x80: {  	[sflag:s17] =	ssyncset.done @!p1 $0x0  }
0x81: {  	s3 =	sadd.s32 $0x18E20, s3;
	[sflag:s17] =	ssyncadd.s32 @!p1 $0xFFFFF000  }
0x82: {  	[spmem:s1] =	stream.indirect.scatter.add.f32 [tilespmem:s29], [sflag:$0x6], $0x20, s3, s18, $0xb8;
	[tilespmem:$0x1F4A0] =	vst v63  }
0x83: {  	s2 =	sadd.s32 $0x1, s2  }
0x84: {  	p0 =	sne.s32 s2, $0xE  }
.Ltmp7:
0x85: {  	_ = 	snop;
	(pc) =	sbr.rel @p0 .LBB2_6-.Ltmp7, $1  }
0x86: {  	_ =	sdelay $0x3  }
0x87: {  	_ =	swait.ge [sflag:s30], $0x1000  }
0x88: {  	[sflag:s30] =	ssyncset.done $0x0  }
0x89: {  	s0 =	simm.s32 $0x6;
	[sflag:s30] =	ssyncadd.s32 $0xFFFFF000  }
0x8a: {  	_ =	swait.ge [sflag:s0], $0x1000  }
0x8b: {  	[sflag:s0] =	ssyncset.done $0x0  }
0x8c: {  	s20 =	stileid.u32;
	[sflag:s0] =	ssyncadd.s32 $0xFFFFF000  }
0x8d: {  	s0 =	sshll.u32 s20, $0x6;
	[bflag:$0x0] =	sbarrier.arrive $0xFFFF  }
0x8e: {  	s2 =	sshrl.u32 s12, $0x3;
	s0 =	sor.u32 $0x1C07, s0;
	s3 =	rddreg [dreg:$0x4]  }
0x8f: {  	[hbm:s3], [sflag:s0] =	dma.local [spmem:s2], $0x30D4  }
0x90: {  	_ =	swait.ge [sflag:s15], $0x30D4  }
0x91: {  	s13 =	rddreg [dreg:$0x3]  }
0x92: {  	s31 =	rddreg [dreg:$0x5];
	s13 =	sadd.s32 $0x1, s13  }
0x93: {  	p0 =	sne.s32 s13, s31  }
.Ltmp8:
0x94: {  	_ = 	snop;
	(pc) =	sbr.rel @p0 .LBB2_1-.Ltmp8, $3  }
0x95: {  	_ =	sdelay $0x1  }
0x96: {  	[sflag:s15] =	ssyncset.done $0x0  }
0x97: {  	[sflag:s15] =	ssyncadd.s32 $0xFFFFCF2C  }
0x98: {  	_ =	sfence.sel $0x180000  }
0x99: {  	[bflag:$0x0] =	sbarrier.arrive $0xFFFF  }
0x9a: {  	_ =	strace $0x9000004D  }
0x9b: {  	s0 =	stileid.u32;
	[bflag:$0x2] =	sbarrier.arrive $0xFFFF  }
0x9c: {  	p0 =	sne.s32 s0, $0x0;
	s0 =	rddreg [dreg:$0x2]  }
0x9d: {  	s0 =	sadd.s32 @!p0 $0x100000, s0  }
0x9e: {  	[sflag:s0] =	ssyncadd.tile.s32 @!p0 $0x1;
	_ =	shalt  }
.Lfunc_end2:
_tile_overlayer_lowered:
.L_overlay_start_2:
0x9f: {  	(tag) =	ssettag $0x2  }
0xa0: {  	s0 =	rddreg [dreg:$0x0];
	s2 =	stileid.u32  }
0xa1: {  	s1 =	rddreg [dreg:$0x1];
	p0 =	sne.s32 s2, $0x0  }
0xa2: {  	s3 =	rddreg [dreg:$0x2];
	[bflag:$0x3] =	sbarrier.arrive $0xFFFF;
	s2 =	simm.s32 @!p0 $0x1C07  }
0xa3: {  	[timem:s3], [sflag:s2] =	dma.local @!p0 [hbm:s0], s1  }
0xa4: {  	s0 =	simm.s32 @!p0 $0x7  }
0xa5: {  	_ =	swait.ge @!p0 [sflag:s0], s1  }
0xa6: {  	s1 =	ssub.s32 @!p0 $0x0, s1;
	[sflag:s0] =	ssyncset.done @!p0 $0x0  }
0xa7: {  	[sflag:s0] =	ssyncadd.s32 @!p0 s1  }
0xa8: {  	[bflag:$0x3] =	sbarrier.arrive $0xFFFF  }
0xa9: {  	_ =	shalt  }

</sc_bundles>
